<compile_context>
chip_gen: v7x
topology: tpu7x:2x2x1
jax: 0.10.2.dev20260603
libtpu: 0.0.44.dev20260713+nightly
codegen_flags: <defaults>
</compile_context>

<pallas_src>
import functools

import jax
import jax.numpy as jnp
from jax import lax
from jax.experimental import pallas as pl
from jax.experimental.pallas import tpu as pltpu, tpu_sc as plsc

B, Q, C, D, T = 4, 900, 91, 256, 25
P = 2 * B
TPAD = 32
_HIGH = jax.lax.Precision.HIGHEST


def _cost_T(logits, bT, lab_col, tbox):
    m = jnp.max(logits, axis=1, keepdims=True)
    e = jnp.exp(logits - m)
    prob = e / jnp.sum(e, axis=1, keepdims=True)
    cls_iota = jax.lax.broadcasted_iota(jnp.int32, (T, C), 1)
    onehot = (lab_col == cls_iota).astype(jnp.float32)
    g = jax.lax.dot_general(onehot, prob, (((1,), (1,)), ((), ())),
                            precision=_HIGH)
    cost = -2.0 * g
    for k in range(4):
        cost = cost + 5.0 * jnp.abs(tbox[:, k:k + 1] - bT[k:k + 1, :])
    return cost


def _match_body(lg_p, bT_p, lg_s, bT_s, lab, tb, out_ref):
    costs = []
    for lg, bT in ((lg_p, bT_p), (lg_s, bT_s)):
        for b in range(B):
            costs.append(_cost_T(lg[b], bT[b], lab[b], tb[b]))
    cost3 = jnp.stack(costs, axis=1)

    iota_q = jax.lax.broadcasted_iota(jnp.int32, (P, Q), 1)
    tcol = jax.lax.broadcasted_iota(jnp.int32, (P, T), 1)
    avail = jnp.ones((P, Q), jnp.float32)
    I = jnp.zeros((P, T), jnp.int32)
    for t in range(T):
        col = jnp.where(avail > 0.0, cost3[t], jnp.inf)
        mval = jnp.min(col, axis=1, keepdims=True)
        idx = jnp.min(jnp.where(col == mval, iota_q, jnp.int32(2 ** 30)),
                      axis=1, keepdims=True)
        avail = jnp.where(iota_q == idx, 0.0, avail)
        I = jnp.where(tcol == t, idx, I)

    base = (jax.lax.broadcasted_iota(jnp.int32, (P, T), 0) % B) * Q
    out_ref[:, 0:T] = I + base
    out_ref[:, T:TPAD] = jnp.zeros((P, TPAD - T), jnp.int32)


def _newton_rsqrt(x):
    xi = plsc.bitcast(x, jnp.int32)
    y = plsc.bitcast(jnp.int32(0x5F3759DF) - (xi >> 1), jnp.float32)
    for _ in range(4):
        y = y * (1.5 - 0.5 * x * y * y)
    return y


_SEG = 8


def _sc_loss_body(idx_hbm, qp_hbm, qs_hbm, out_hbm,
                  idx1_v, idx2_v, f1_v, f2_v, red_v, red16_v,
                  csum_sh, sem):
    c = lax.axis_index("c")
    s = lax.axis_index("s")
    lane = lax.iota(jnp.int32, 16)

    @pl.when(c == 0)
    def _pair_and_reduce():
        b = s // 4
        tlo = (s % 4) * _SEG
        pltpu.sync_copy(idx_hbm.at[b, pl.ds(tlo, _SEG)], idx1_v)
        pltpu.sync_copy(idx_hbm.at[b + B, pl.ds(tlo, _SEG)], idx2_v)
        cp1 = pltpu.async_copy(qp_hbm.at[idx1_v], f1_v, sem)
        cp2 = pltpu.async_copy(qs_hbm.at[idx2_v], f2_v, sem)
        cp1.wait()
        cp2.wait()
        adv = jnp.zeros((16,), jnp.float32)
        a1v = jnp.ones((16,), jnp.float32)
        a2v = jnp.ones((16,), jnp.float32)
        for tl in range(_SEG):
            ad = jnp.zeros((16,), jnp.float32)
            a1 = jnp.zeros((16,), jnp.float32)
            a2 = jnp.zeros((16,), jnp.float32)
            for dc in range(D // 16):
                f1 = f1_v[tl, pl.ds(dc * 16, 16)]
                f2 = f2_v[tl, pl.ds(dc * 16, 16)]
                ad = ad + f1 * f2
                a1 = a1 + f1 * f1
                a2 = a2 + f2 * f2
            sel = lane == tl
            adv = jnp.where(sel, jnp.sum(ad), adv)
            a1v = jnp.where(sel, jnp.sum(a1), a1v)
            a2v = jnp.where(sel, jnp.sum(a2), a2v)
        cosv = adv * _newton_rsqrt(a1v * a2v)
        valid = (tlo + lane) < T
        csc = jnp.sum(jnp.where(valid & (lane < _SEG), cosv, 0.0))
        red_v[...] = jnp.where(lane == 0, csc, 0.0)
        pltpu.sync_copy(red_v, csum_sh.at[s])

    plsc.subcore_barrier()

    @pl.when((c == 0) & (s == 0))
    def _finalize():
        pltpu.sync_copy(csum_sh, red16_v)
        tot = jnp.zeros((16,), jnp.float32)
        for w in range(16):
            tot = tot + red16_v[w]
        total = jnp.sum(tot)
        red_v[...] = jnp.where(lane == 0, -total * (1.0 / (B * T)), 0.0)
        pltpu.sync_copy(red_v, out_hbm)


def _make_sc_loss():
    return functools.partial(
        pl.kernel,
        out_type=jax.ShapeDtypeStruct((16,), jnp.float32),
        mesh=plsc.VectorSubcoreMesh(core_axis_name="c", subcore_axis_name="s",
                                    num_cores=1),
        compiler_params=pltpu.CompilerParams(use_tc_tiling_on_sc=False,
                                             needs_layout_passes=False),
        scratch_types=[
            pltpu.VMEM((_SEG,), jnp.int32),
            pltpu.VMEM((_SEG,), jnp.int32),
            pltpu.VMEM((_SEG, D), jnp.float32),
            pltpu.VMEM((_SEG, D), jnp.float32),
            pltpu.VMEM((16,), jnp.float32),
            pltpu.VMEM((16, 16), jnp.float32),
            pltpu.VMEM_SHARED((16, 16), jnp.float32),
            pltpu.SemaphoreType.DMA,
        ],
    )(_sc_loss_body)


@jax.jit
def kernel(pred_logits, pred_boxes, pred_queries, siamese_logits,
           siamese_boxes, siamese_query, tgt_labels, tgt_boxes):
    bT_p = pred_boxes.transpose(0, 2, 1)
    bT_s = siamese_boxes.transpose(0, 2, 1)
    lab = tgt_labels.astype(jnp.int32).reshape(B, T, 1)
    idx = pl.pallas_call(
        _match_body,
        out_shape=jax.ShapeDtypeStruct((P, TPAD), jnp.int32),
    )(pred_logits, bT_p, siamese_logits, bT_s, lab, tgt_boxes)
    loss16 = _make_sc_loss()(idx, pred_queries.reshape(B * Q, D),
                             siamese_query.reshape(B * Q, D))
    return loss16[0].reshape(())

# --- scband reference (transcript-rebuilt; emitter-appended) ---
"""Pipeline reference for scband-consis-criterion-84155589198447 (READ-ONLY COPY).

The authoritative reference and input builder live on the scoring server;
editing this copy changes nothing except your own understanding.
"""

import jax, jax.numpy as jnp
import numpy as np

B, Q, C, D, T = 4, 900, 91, 256, 25


def setup_inputs(seed: int = 0) -> dict:
    key = jax.random.key(seed)
    ks = jax.random.split(key, 8)
    return {
        "pred_logits": jax.random.normal(ks[0], (B, Q, C), dtype=jnp.float32),
        "pred_boxes": jax.random.uniform(ks[1], (B, Q, 4), dtype=jnp.float32),
        "pred_queries": jax.random.normal(ks[2], (B, Q, D), dtype=jnp.float32),
        "siamese_logits": jax.random.normal(ks[3], (B, Q, C), dtype=jnp.float32),
        "siamese_boxes": jax.random.uniform(ks[4], (B, Q, 4), dtype=jnp.float32),
        "siamese_query": jax.random.normal(ks[5], (B, Q, D), dtype=jnp.float32),
        "tgt_labels": jax.random.randint(ks[6], (B, T), 0, C, dtype=jnp.int64),
        "tgt_boxes": jax.random.uniform(ks[7], (B, T, 4), dtype=jnp.float32),
    }


def _match(logits, boxes, labels, tboxes):
    # Matcher: class-prob + L1 bbox cost, greedy unique assignment (stand-in for Hungarian)
    prob = jax.nn.softmax(logits, axis=-1)            # [Q, C]
    cost_class = -prob[:, labels]                      # [Q, T] gather
    cost_bbox = jnp.abs(boxes[:, None, :] - tboxes[None, :, :]).sum(-1)  # [Q, T]
    cost = 2.0 * cost_class + 5.0 * cost_bbox
    nq, nt = cost.shape
    assigned = jnp.zeros((nq,), dtype=bool)
    srcs = []
    for t in range(nt):
        col = jnp.where(assigned, jnp.inf, cost[:, t])
        q = jnp.argmin(col)
        srcs.append(q)
        assigned = assigned.at[q].set(True)
    src = jnp.stack(srcs)
    tgt = jnp.arange(nt)
    # sort matches by target index (as in forward()); tgt is already sorted
    order = jnp.argsort(tgt)
    return src[order], tgt[order]


def reference(pred_logits, pred_boxes, pred_queries, siamese_logits, siamese_boxes, siamese_query, tgt_labels, tgt_boxes):
    src_feats, tgt_feats = [], []
    for b in range(pred_logits.shape[0]):
        s, _ = _match(pred_logits[b], pred_boxes[b], tgt_labels[b], tgt_boxes[b])
        src_feats.append(jnp.take(pred_queries[b], s, axis=0))
        s2, _ = _match(siamese_logits[b], siamese_boxes[b], tgt_labels[b], tgt_boxes[b])
        tgt_feats.append(jnp.take(siamese_query[b], s2, axis=0))
    src_features = jnp.concatenate(src_feats, axis=0)            # [B*T, D]
    target_features = jax.lax.stop_gradient(jnp.concatenate(tgt_feats, axis=0))  # .detach()
    eps = 1e-8
    n1 = jnp.maximum(jnp.linalg.norm(src_features, axis=1), eps)
    n2 = jnp.maximum(jnp.linalg.norm(target_features, axis=1), eps)
    cos = (src_features * target_features).sum(axis=1) / (n1 * n2)
    loss_sim = -cos.mean()
    return loss_sim

if __name__ == "__main__":
    import jax
    _d = setup_inputs()
    print(jax.jit(kernel)(*tuple(_d.values())))

</pallas_src>

<mosaic_0001>
#map = affine_map<(d0, d1) -> (0, 0)>
#map1 = affine_map<(d0, d1) -> (0)>
module attributes {stable_mosaic.version = 14 : i64} {
  func.func @_sc_loss_body(%arg0: i32, %arg1: i32, %arg2: memref<8x32xi32, #tpu.memory_space<hbm>>, %arg3: memref<3600x256xf32, #tpu.memory_space<hbm>>, %arg4: memref<3600x256xf32, #tpu.memory_space<hbm>>, %arg5: memref<16xf32, #tpu.memory_space<hbm>>, %arg6: memref<8xi32, #tpu.memory_space<vmem>>, %arg7: memref<8xi32, #tpu.memory_space<vmem>>, %arg8: memref<8x256xf32, #tpu.memory_space<vmem>>, %arg9: memref<8x256xf32, #tpu.memory_space<vmem>>, %arg10: memref<16xf32, #tpu.memory_space<vmem>>, %arg11: memref<16x16xf32, #tpu.memory_space<vmem>>, %arg12: memref<16x16xf32, #tpu.memory_space<vmem_shared>>, %arg13: memref<!tpu.dma_semaphore, #tpu.memory_space<semaphore_mem>>) attributes {dimension_semantics = [#tpu.dimension_semantics<core_parallel>, #tpu.dimension_semantics<subcore_parallel>], iteration_bounds = array<i64: 1, 16>, scalar_prefetch = 0 : i64, scratch_operands = 8 : i64, tpu.core_type = #tpu.core_type<sc_vector_subcore>, window_params = [{transform_indices = #map}, {transform_indices = #map}, {transform_indices = #map}, {transform_indices = #map1}]} {
    %iota3A = tpu.iota {dimensions = array<i32: 0>} : vector<16xi32>
    %eq3A = arith.constant 0 : i32
    %eq3A_0 = arith.cmpi eq, %arg0, %eq3A : i32
    %convert_element_type3A = arith.extui %eq3A_0 : i1 to i32
    %cond3A = arith.constant 0 : i32
    %cond3A_1 = arith.cmpi ne, %convert_element_type3A, %cond3A : i32
    scf.if %cond3A_1 {
      %jit3A = arith.constant 4 : i32
      %div3A = arith.divsi %arg1, %jit3A : i32
      %sign3A = arith.constant 0 : i32
      %sign3A_9 = arith.cmpi sgt, %arg1, %sign3A : i32
      %sign3A_10 = arith.extui %sign3A_9 : i1 to i32
      %sign3A_11 = arith.constant 0 : i32
      %sign3A_12 = arith.cmpi slt, %arg1, %sign3A_11 : i32
      %sign3A_13 = arith.extui %sign3A_12 : i1 to i32
      %sign3A_14 = arith.subi %sign3A_10, %sign3A_13 : i32
      %sign3A_15 = arith.constant 0 : i32
      %sign3A_16 = arith.cmpi sgt, %jit3A, %sign3A_15 : i32
      %sign3A_17 = arith.extui %sign3A_16 : i1 to i32
      %sign3A_18 = arith.constant 0 : i32
      %sign3A_19 = arith.cmpi slt, %jit3A, %sign3A_18 : i32
      %sign3A_20 = arith.extui %sign3A_19 : i1 to i32
      %sign3A_21 = arith.subi %sign3A_17, %sign3A_20 : i32
      %ne3A = arith.cmpi ne, %sign3A_14, %sign3A_21 : i32
      %rem3A = arith.remsi %arg1, %jit3A : i32
      %ne3A_22 = arith.constant 0 : i32
      %ne3A_23 = arith.cmpi ne, %rem3A, %ne3A_22 : i32
      %and3A_24 = arith.andi %ne3A, %ne3A_23 : i1
      %sub3A = arith.constant 1 : i32
      %sub3A_25 = arith.subi %div3A, %sub3A : i32
      %select_n3A = arith.select %and3A_24, %sub3A_25, %div3A : i32
      %jit3A_26 = arith.constant 4 : i32
      %eq3A_27 = arith.constant 0 : i32
      %eq3A_28 = arith.cmpi eq, %jit3A_26, %eq3A_27 : i32
      %jit3A_29 = arith.constant 1 : i32
      %select_n3A_30 = arith.select %eq3A_28, %jit3A_29, %jit3A_26 : i32
      %rem3A_31 = arith.remsi %arg1, %select_n3A_30 : i32
      %ne3A_32 = arith.constant 0 : i32
      %ne3A_33 = arith.cmpi ne, %rem3A_31, %ne3A_32 : i32
      %lt3A = arith.constant 0 : i32
      %lt3A_34 = arith.cmpi slt, %rem3A_31, %lt3A : i32
      %lt3A_35 = arith.constant 0 : i32
      %lt3A_36 = arith.cmpi slt, %select_n3A_30, %lt3A_35 : i32
      %ne3A_37 = arith.xori %lt3A_34, %lt3A_36 : i1
      %and3A_38 = arith.andi %ne3A_37, %ne3A_33 : i1
      %add3A = arith.addi %rem3A_31, %select_n3A_30 : i32
      %select_n3A_39 = arith.select %and3A_38, %add3A, %rem3A_31 : i32
      %mul3A = arith.constant 8 : i32
      %mul3A_40 = arith.muli %select_n3A_39, %mul3A : i32
      "tpu.region"() ({
        %run_scoped3A = tpu.sem_alloc : memref<!tpu.dma_semaphore, #tpu.memory_space<semaphore_mem>>
        %dma_start3A_2132 = tpu.memref_slice %arg2[%select_n3A, %mul3A_40] : memref<8x32xi32, #tpu.memory_space<hbm>> -> memref<1x8xi32, #tpu.memory_space<hbm>>
        %dma_start3A_2133 = tpu.memref_squeeze %dma_start3A_2132 : memref<1x8xi32, #tpu.memory_space<hbm>> -> memref<8xi32, #tpu.memory_space<hbm>>
        %dma_start3A_2134 = tpu.memref_slice %arg2[%select_n3A, %mul3A_40] : memref<8x32xi32, #tpu.memory_space<hbm>> -> memref<1x8xi32, #tpu.memory_space<hbm>>
        %dma_start3A_2135 = tpu.memref_squeeze %dma_start3A_2134 : memref<1x8xi32, #tpu.memory_space<hbm>> -> memref<8xi32, #tpu.memory_space<hbm>>
        tpu.enqueue_dma source(%dma_start3A_2135 : memref<8xi32, #tpu.memory_space<hbm>>) target(%arg6 : memref<8xi32, #tpu.memory_space<vmem>>) target_semaphore(%run_scoped3A : memref<!tpu.dma_semaphore, #tpu.memory_space<semaphore_mem>>)
        %dma_wait3A_2136 = tpu.memref_slice %arg2[%select_n3A, %mul3A_40] : memref<8x32xi32, #tpu.memory_space<hbm>> -> memref<1x8xi32, #tpu.memory_space<hbm>>
        %dma_wait3A_2137 = tpu.memref_squeeze %dma_wait3A_2136 : memref<1x8xi32, #tpu.memory_space<hbm>> -> memref<8xi32, #tpu.memory_space<hbm>>
        %dma_wait3A_2138 = tpu.memref_slice %arg2[%select_n3A, %mul3A_40] : memref<8x32xi32, #tpu.memory_space<hbm>> -> memref<1x8xi32, #tpu.memory_space<hbm>>
        %dma_wait3A_2139 = tpu.memref_squeeze %dma_wait3A_2138 : memref<1x8xi32, #tpu.memory_space<hbm>> -> memref<8xi32, #tpu.memory_space<hbm>>
        tpu.wait_dma2 semaphore(%run_scoped3A : memref<!tpu.dma_semaphore, #tpu.memory_space<semaphore_mem>>) src(%dma_wait3A_2139 : memref<8xi32, #tpu.memory_space<hbm>>) dst(%arg6 : memref<8xi32, #tpu.memory_space<vmem>>)
        tpu.yield
      }) : () -> ()
      %add3A_41 = arith.constant 4 : i32
      %add3A_42 = arith.addi %select_n3A, %add3A_41 : i32
      "tpu.region"() ({
        %run_scoped3A = tpu.sem_alloc : memref<!tpu.dma_semaphore, #tpu.memory_space<semaphore_mem>>
        %dma_start3A_2132 = tpu.memref_slice %arg2[%add3A_42, %mul3A_40] : memref<8x32xi32, #tpu.memory_space<hbm>> -> memref<1x8xi32, #tpu.memory_space<hbm>>
        %dma_start3A_2133 = tpu.memref_squeeze %dma_start3A_2132 : memref<1x8xi32, #tpu.memory_space<hbm>> -> memref<8xi32, #tpu.memory_space<hbm>>
        %dma_start3A_2134 = tpu.memref_slice %arg2[%add3A_42, %mul3A_40] : memref<8x32xi32, #tpu.memory_space<hbm>> -> memref<1x8xi32, #tpu.memory_space<hbm>>
        %dma_start3A_2135 = tpu.memref_squeeze %dma_start3A_2134 : memref<1x8xi32, #tpu.memory_space<hbm>> -> memref<8xi32, #tpu.memory_space<hbm>>
        tpu.enqueue_dma source(%dma_start3A_2135 : memref<8xi32, #tpu.memory_space<hbm>>) target(%arg7 : memref<8xi32, #tpu.memory_space<vmem>>) target_semaphore(%run_scoped3A : memref<!tpu.dma_semaphore, #tpu.memory_space<semaphore_mem>>)
        %dma_wait3A_2136 = tpu.memref_slice %arg2[%add3A_42, %mul3A_40] : memref<8x32xi32, #tpu.memory_space<hbm>> -> memref<1x8xi32, #tpu.memory_space<hbm>>
        %dma_wait3A_2137 = tpu.memref_squeeze %dma_wait3A_2136 : memref<1x8xi32, #tpu.memory_space<hbm>> -> memref<8xi32, #tpu.memory_space<hbm>>
        %dma_wait3A_2138 = tpu.memref_slice %arg2[%add3A_42, %mul3A_40] : memref<8x32xi32, #tpu.memory_space<hbm>> -> memref<1x8xi32, #tpu.memory_space<hbm>>
        %dma_wait3A_2139 = tpu.memref_squeeze %dma_wait3A_2138 : memref<1x8xi32, #tpu.memory_space<hbm>> -> memref<8xi32, #tpu.memory_space<hbm>>
        tpu.wait_dma2 semaphore(%run_scoped3A : memref<!tpu.dma_semaphore, #tpu.memory_space<semaphore_mem>>) src(%dma_wait3A_2139 : memref<8xi32, #tpu.memory_space<hbm>>) dst(%arg7 : memref<8xi32, #tpu.memory_space<vmem>>)
        tpu.yield
      }) : () -> ()
      %dma_start3A = arith.constant 0 : i32
      %dma_start3A_43 = arith.constant 0 : i32
      %dma_start3A_44 = tpu.memref_slice %arg3[%dma_start3A, %dma_start3A_43] : memref<3600x256xf32, #tpu.memory_space<hbm>> -> memref<3600x256xf32, #tpu.memory_space<hbm>>
      tpu.enqueue_indirect_dma source(%dma_start3A_44 : memref<3600x256xf32, #tpu.memory_space<hbm>>) target(%arg8 : memref<8x256xf32, #tpu.memory_space<vmem>>) offsets(%arg6 : memref<8xi32, #tpu.memory_space<vmem>>) semaphore(%arg13 : memref<!tpu.dma_semaphore, #tpu.memory_space<semaphore_mem>>)
      %dma_start3A_45 = arith.constant 0 : i32
      %dma_start3A_46 = arith.constant 0 : i32
      %dma_start3A_47 = tpu.memref_slice %arg4[%dma_start3A_45, %dma_start3A_46] : memref<3600x256xf32, #tpu.memory_space<hbm>> -> memref<3600x256xf32, #tpu.memory_space<hbm>>
      tpu.enqueue_indirect_dma source(%dma_start3A_47 : memref<3600x256xf32, #tpu.memory_space<hbm>>) target(%arg9 : memref<8x256xf32, #tpu.memory_space<vmem>>) offsets(%arg7 : memref<8xi32, #tpu.memory_space<vmem>>) semaphore(%arg13 : memref<!tpu.dma_semaphore, #tpu.memory_space<semaphore_mem>>)
      %dma_wait3A = arith.constant 0 : i32
      %dma_wait3A_48 = arith.constant 0 : i32
      %dma_wait3A_49 = tpu.memref_slice %arg3[%dma_wait3A, %dma_wait3A_48] : memref<3600x256xf32, #tpu.memory_space<hbm>> -> memref<3600x256xf32, #tpu.memory_space<hbm>>
      tpu.wait_indirect_dma semaphore(%arg13 : memref<!tpu.dma_semaphore, #tpu.memory_space<semaphore_mem>>) src(%dma_wait3A_49 : memref<3600x256xf32, #tpu.memory_space<hbm>>) dst(%arg8 : memref<8x256xf32, #tpu.memory_space<vmem>>)
      %dma_wait3A_50 = arith.constant 0 : i32
      %dma_wait3A_51 = arith.constant 0 : i32
      %dma_wait3A_52 = tpu.memref_slice %arg4[%dma_wait3A_50, %dma_wait3A_51] : memref<3600x256xf32, #tpu.memory_space<hbm>> -> memref<3600x256xf32, #tpu.memory_space<hbm>>
      tpu.wait_indirect_dma semaphore(%arg13 : memref<!tpu.dma_semaphore, #tpu.memory_space<semaphore_mem>>) src(%dma_wait3A_52 : memref<3600x256xf32, #tpu.memory_space<hbm>>) dst(%arg9 : memref<8x256xf32, #tpu.memory_space<vmem>>)
      %broadcast_in_dim3A = arith.constant 0.000000e+00 : f32
      %broadcast_in_dim3A_53 = vector.broadcast %broadcast_in_dim3A : f32 to vector<16xf32>
      %broadcast_in_dim3A_54 = arith.constant 1.000000e+00 : f32
      %broadcast_in_dim3A_55 = vector.broadcast %broadcast_in_dim3A_54 : f32 to vector<16xf32>
      %broadcast_in_dim3A_56 = arith.constant 1.000000e+00 : f32
      %broadcast_in_dim3A_57 = vector.broadcast %broadcast_in_dim3A_56 : f32 to vector<16xf32>
      %broadcast_in_dim3A_58 = arith.constant 0.000000e+00 : f32
      %broadcast_in_dim3A_59 = vector.broadcast %broadcast_in_dim3A_58 : f32 to vector<16xf32>
      %broadcast_in_dim3A_60 = arith.constant 0.000000e+00 : f32
      %broadcast_in_dim3A_61 = vector.broadcast %broadcast_in_dim3A_60 : f32 to vector<16xf32>
      %broadcast_in_dim3A_62 = arith.constant 0.000000e+00 : f32
      %broadcast_in_dim3A_63 = vector.broadcast %broadcast_in_dim3A_62 : f32 to vector<16xf32>
      %get3A = arith.constant 0 : i32
      %get3A_64 = arith.index_cast %get3A : i32 to index
      %get3A_65 = arith.constant 0 : index
      %get3A_66 = tpu.vector_load %arg8[%get3A_64, %get3A_65] {strides = array<i32>} : memref<8x256xf32, #tpu.memory_space<vmem>>, vector<16xf32>,
      %get3A_67 = arith.constant 0 : i32
      %get3A_68 = arith.index_cast %get3A_67 : i32 to index
      %get3A_69 = arith.constant 0 : index
      %get3A_70 = tpu.vector_load %arg9[%get3A_68, %get3A_69] {strides = array<i32>} : memref<8x256xf32, #tpu.memory_space<vmem>>, vector<16xf32>,
      %mul3A_71 = arith.mulf %get3A_66, %get3A_70 : vector<16xf32>
      %add3A_72 = arith.addf %broadcast_in_dim3A_59, %mul3A_71 : vector<16xf32>
      %mul3A_73 = arith.mulf %get3A_66, %get3A_66 : vector<16xf32>
      %add3A_74 = arith.addf %broadcast_in_dim3A_61, %mul3A_73 : vector<16xf32>
      %mul3A_75 = arith.mulf %get3A_70, %get3A_70 : vector<16xf32>
      %add3A_76 = arith.addf %broadcast_in_dim3A_63, %mul3A_75 : vector<16xf32>
      %get3A_77 = arith.constant 0 : i32
      %get3A_78 = arith.index_cast %get3A_77 : i32 to index
      %get3A_79 = arith.constant 16 : index
      %get3A_80 = tpu.vector_load %arg8[%get3A_78, %get3A_79] {strides = array<i32>} : memref<8x256xf32, #tpu.memory_space<vmem>>, vector<16xf32>,
      %get3A_81 = arith.constant 0 : i32
      %get3A_82 = arith.index_cast %get3A_81 : i32 to index
      %get3A_83 = arith.constant 16 : index
      %get3A_84 = tpu.vector_load %arg9[%get3A_82, %get3A_83] {strides = array<i32>} : memref<8x256xf32, #tpu.memory_space<vmem>>, vector<16xf32>,
      %mul3A_85 = arith.mulf %get3A_80, %get3A_84 : vector<16xf32>
      %add3A_86 = arith.addf %add3A_72, %mul3A_85 : vector<16xf32>
      %mul3A_87 = arith.mulf %get3A_80, %get3A_80 : vector<16xf32>
      %add3A_88 = arith.addf %add3A_74, %mul3A_87 : vector<16xf32>
      %mul3A_89 = arith.mulf %get3A_84, %get3A_84 : vector<16xf32>
      %add3A_90 = arith.addf %add3A_76, %mul3A_89 : vector<16xf32>
      %get3A_91 = arith.constant 0 : i32
      %get3A_92 = arith.index_cast %get3A_91 : i32 to index
      %get3A_93 = arith.constant 32 : index
      %get3A_94 = tpu.vector_load %arg8[%get3A_92, %get3A_93] {strides = array<i32>} : memref<8x256xf32, #tpu.memory_space<vmem>>, vector<16xf32>,
      %get3A_95 = arith.constant 0 : i32
      %get3A_96 = arith.index_cast %get3A_95 : i32 to index
      %get3A_97 = arith.constant 32 : index
      %get3A_98 = tpu.vector_load %arg9[%get3A_96, %get3A_97] {strides = array<i32>} : memref<8x256xf32, #tpu.memory_space<vmem>>, vector<16xf32>,
      %mul3A_99 = arith.mulf %get3A_94, %get3A_98 : vector<16xf32>
      %add3A_100 = arith.addf %add3A_86, %mul3A_99 : vector<16xf32>
      %mul3A_101 = arith.mulf %get3A_94, %get3A_94 : vector<16xf32>
      %add3A_102 = arith.addf %add3A_88, %mul3A_101 : vector<16xf32>
      %mul3A_103 = arith.mulf %get3A_98, %get3A_98 : vector<16xf32>
      %add3A_104 = arith.addf %add3A_90, %mul3A_103 : vector<16xf32>
      %get3A_105 = arith.constant 0 : i32
      %get3A_106 = arith.index_cast %get3A_105 : i32 to index
      %get3A_107 = arith.constant 48 : index
      %get3A_108 = tpu.vector_load %arg8[%get3A_106, %get3A_107] {strides = array<i32>} : memref<8x256xf32, #tpu.memory_space<vmem>>, vector<16xf32>,
      %get3A_109 = arith.constant 0 : i32
      %get3A_110 = arith.index_cast %get3A_109 : i32 to index
      %get3A_111 = arith.constant 48 : index
      %get3A_112 = tpu.vector_load %arg9[%get3A_110, %get3A_111] {strides = array<i32>} : memref<8x256xf32, #tpu.memory_space<vmem>>, vector<16xf32>,
      %mul3A_113 = arith.mulf %get3A_108, %get3A_112 : vector<16xf32>
      %add3A_114 = arith.addf %add3A_100, %mul3A_113 : vector<16xf32>
      %mul3A_115 = arith.mulf %get3A_108, %get3A_108 : vector<16xf32>
      %add3A_116 = arith.addf %add3A_102, %mul3A_115 : vector<16xf32>
      %mul3A_117 = arith.mulf %get3A_112, %get3A_112 : vector<16xf32>
      %add3A_118 = arith.addf %add3A_104, %mul3A_117 : vector<16xf32>
      %get3A_119 = arith.constant 0 : i32
      %get3A_120 = arith.index_cast %get3A_119 : i32 to index
      %get3A_121 = arith.constant 64 : index
      %get3A_122 = tpu.vector_load %arg8[%get3A_120, %get3A_121] {strides = array<i32>} : memref<8x256xf32, #tpu.memory_space<vmem>>, vector<16xf32>,
      %get3A_123 = arith.constant 0 : i32
      %get3A_124 = arith.index_cast %get3A_123 : i32 to index
      %get3A_125 = arith.constant 64 : index
      %get3A_126 = tpu.vector_load %arg9[%get3A_124, %get3A_125] {strides = array<i32>} : memref<8x256xf32, #tpu.memory_space<vmem>>, vector<16xf32>,
      %mul3A_127 = arith.mulf %get3A_122, %get3A_126 : vector<16xf32>
      %add3A_128 = arith.addf %add3A_114, %mul3A_127 : vector<16xf32>
      %mul3A_129 = arith.mulf %get3A_122, %get3A_122 : vector<16xf32>
      %add3A_130 = arith.addf %add3A_116, %mul3A_129 : vector<16xf32>
      %mul3A_131 = arith.mulf %get3A_126, %get3A_126 : vector<16xf32>
      %add3A_132 = arith.addf %add3A_118, %mul3A_131 : vector<16xf32>
      %get3A_133 = arith.constant 0 : i32
      %get3A_134 = arith.index_cast %get3A_133 : i32 to index
      %get3A_135 = arith.constant 80 : index
      %get3A_136 = tpu.vector_load %arg8[%get3A_134, %get3A_135] {strides = array<i32>} : memref<8x256xf32, #tpu.memory_space<vmem>>, vector<16xf32>,
      %get3A_137 = arith.constant 0 : i32
      %get3A_138 = arith.index_cast %get3A_137 : i32 to index
      %get3A_139 = arith.constant 80 : index
      %get3A_140 = tpu.vector_load %arg9[%get3A_138, %get3A_139] {strides = array<i32>} : memref<8x256xf32, #tpu.memory_space<vmem>>, vector<16xf32>,
      %mul3A_141 = arith.mulf %get3A_136, %get3A_140 : vector<16xf32>
      %add3A_142 = arith.addf %add3A_128, %mul3A_141 : vector<16xf32>
      %mul3A_143 = arith.mulf %get3A_136, %get3A_136 : vector<16xf32>
      %add3A_144 = arith.addf %add3A_130, %mul3A_143 : vector<16xf32>
      %mul3A_145 = arith.mulf %get3A_140, %get3A_140 : vector<16xf32>
      %add3A_146 = arith.addf %add3A_132, %mul3A_145 : vector<16xf32>
      %get3A_147 = arith.constant 0 : i32
      %get3A_148 = arith.index_cast %get3A_147 : i32 to index
      %get3A_149 = arith.constant 96 : index
      %get3A_150 = tpu.vector_load %arg8[%get3A_148, %get3A_149] {strides = array<i32>} : memref<8x256xf32, #tpu.memory_space<vmem>>, vector<16xf32>,
      %get3A_151 = arith.constant 0 : i32
      %get3A_152 = arith.index_cast %get3A_151 : i32 to index
      %get3A_153 = arith.constant 96 : index
      %get3A_154 = tpu.vector_load %arg9[%get3A_152, %get3A_153] {strides = array<i32>} : memref<8x256xf32, #tpu.memory_space<vmem>>, vector<16xf32>,
      %mul3A_155 = arith.mulf %get3A_150, %get3A_154 : vector<16xf32>
      %add3A_156 = arith.addf %add3A_142, %mul3A_155 : vector<16xf32>
      %mul3A_157 = arith.mulf %get3A_150, %get3A_150 : vector<16xf32>
      %add3A_158 = arith.addf %add3A_144, %mul3A_157 : vector<16xf32>
      %mul3A_159 = arith.mulf %get3A_154, %get3A_154 : vector<16xf32>
      %add3A_160 = arith.addf %add3A_146, %mul3A_159 : vector<16xf32>
      %get3A_161 = arith.constant 0 : i32
      %get3A_162 = arith.index_cast %get3A_161 : i32 to index
      %get3A_163 = arith.constant 112 : index
      %get3A_164 = tpu.vector_load %arg8[%get3A_162, %get3A_163] {strides = array<i32>} : memref<8x256xf32, #tpu.memory_space<vmem>>, vector<16xf32>,
      %get3A_165 = arith.constant 0 : i32
      %get3A_166 = arith.index_cast %get3A_165 : i32 to index
      %get3A_167 = arith.constant 112 : index
      %get3A_168 = tpu.vector_load %arg9[%get3A_166, %get3A_167] {strides = array<i32>} : memref<8x256xf32, #tpu.memory_space<vmem>>, vector<16xf32>,
      %mul3A_169 = arith.mulf %get3A_164, %get3A_168 : vector<16xf32>
      %add3A_170 = arith.addf %add3A_156, %mul3A_169 : vector<16xf32>
      %mul3A_171 = arith.mulf %get3A_164, %get3A_164 : vector<16xf32>
      %add3A_172 = arith.addf %add3A_158, %mul3A_171 : vector<16xf32>
      %mul3A_173 = arith.mulf %get3A_168, %get3A_168 : vector<16xf32>
      %add3A_174 = arith.addf %add3A_160, %mul3A_173 : vector<16xf32>
      %get3A_175 = arith.constant 0 : i32
      %get3A_176 = arith.index_cast %get3A_175 : i32 to index
      %get3A_177 = arith.constant 128 : index
      %get3A_178 = tpu.vector_load %arg8[%get3A_176, %get3A_177] {strides = array<i32>} : memref<8x256xf32, #tpu.memory_space<vmem>>, vector<16xf32>,
      %get3A_179 = arith.constant 0 : i32
      %get3A_180 = arith.index_cast %get3A_179 : i32 to index
      %get3A_181 = arith.constant 128 : index
      %get3A_182 = tpu.vector_load %arg9[%get3A_180, %get3A_181] {strides = array<i32>} : memref<8x256xf32, #tpu.memory_space<vmem>>, vector<16xf32>,
      %mul3A_183 = arith.mulf %get3A_178, %get3A_182 : vector<16xf32>
      %add3A_184 = arith.addf %add3A_170, %mul3A_183 : vector<16xf32>
      %mul3A_185 = arith.mulf %get3A_178, %get3A_178 : vector<16xf32>
      %add3A_186 = arith.addf %add3A_172, %mul3A_185 : vector<16xf32>
      %mul3A_187 = arith.mulf %get3A_182, %get3A_182 : vector<16xf32>
      %add3A_188 = arith.addf %add3A_174, %mul3A_187 : vector<16xf32>
      %get3A_189 = arith.constant 0 : i32
      %get3A_190 = arith.index_cast %get3A_189 : i32 to index
      %get3A_191 = arith.constant 144 : index
      %get3A_192 = tpu.vector_load %arg8[%get3A_190, %get3A_191] {strides = array<i32>} : memref<8x256xf32, #tpu.memory_space<vmem>>, vector<16xf32>,
      %get3A_193 = arith.constant 0 : i32
      %get3A_194 = arith.index_cast %get3A_193 : i32 to index
      %get3A_195 = arith.constant 144 : index
      %get3A_196 = tpu.vector_load %arg9[%get3A_194, %get3A_195] {strides = array<i32>} : memref<8x256xf32, #tpu.memory_space<vmem>>, vector<16xf32>,
      %mul3A_197 = arith.mulf %get3A_192, %get3A_196 : vector<16xf32>
      %add3A_198 = arith.addf %add3A_184, %mul3A_197 : vector<16xf32>
      %mul3A_199 = arith.mulf %get3A_192, %get3A_192 : vector<16xf32>
      %add3A_200 = arith.addf %add3A_186, %mul3A_199 : vector<16xf32>
      %mul3A_201 = arith.mulf %get3A_196, %get3A_196 : vector<16xf32>
      %add3A_202 = arith.addf %add3A_188, %mul3A_201 : vector<16xf32>
      %get3A_203 = arith.constant 0 : i32
      %get3A_204 = arith.index_cast %get3A_203 : i32 to index
      %get3A_205 = arith.constant 160 : index
      %get3A_206 = tpu.vector_load %arg8[%get3A_204, %get3A_205] {strides = array<i32>} : memref<8x256xf32, #tpu.memory_space<vmem>>, vector<16xf32>,
      %get3A_207 = arith.constant 0 : i32
      %get3A_208 = arith.index_cast %get3A_207 : i32 to index
      %get3A_209 = arith.constant 160 : index
      %get3A_210 = tpu.vector_load %arg9[%get3A_208, %get3A_209] {strides = array<i32>} : memref<8x256xf32, #tpu.memory_space<vmem>>, vector<16xf32>,
      %mul3A_211 = arith.mulf %get3A_206, %get3A_210 : vector<16xf32>
      %add3A_212 = arith.addf %add3A_198, %mul3A_211 : vector<16xf32>
      %mul3A_213 = arith.mulf %get3A_206, %get3A_206 : vector<16xf32>
      %add3A_214 = arith.addf %add3A_200, %mul3A_213 : vector<16xf32>
      %mul3A_215 = arith.mulf %get3A_210, %get3A_210 : vector<16xf32>
      %add3A_216 = arith.addf %add3A_202, %mul3A_215 : vector<16xf32>
      %get3A_217 = arith.constant 0 : i32
      %get3A_218 = arith.index_cast %get3A_217 : i32 to index
      %get3A_219 = arith.constant 176 : index
      %get3A_220 = tpu.vector_load %arg8[%get3A_218, %get3A_219] {strides = array<i32>} : memref<8x256xf32, #tpu.memory_space<vmem>>, vector<16xf32>,
      %get3A_221 = arith.constant 0 : i32
      %get3A_222 = arith.index_cast %get3A_221 : i32 to index
      %get3A_223 = arith.constant 176 : index
      %get3A_224 = tpu.vector_load %arg9[%get3A_222, %get3A_223] {strides = array<i32>} : memref<8x256xf32, #tpu.memory_space<vmem>>, vector<16xf32>,
      %mul3A_225 = arith.mulf %get3A_220, %get3A_224 : vector<16xf32>
      %add3A_226 = arith.addf %add3A_212, %mul3A_225 : vector<16xf32>
      %mul3A_227 = arith.mulf %get3A_220, %get3A_220 : vector<16xf32>
      %add3A_228 = arith.addf %add3A_214, %mul3A_227 : vector<16xf32>
      %mul3A_229 = arith.mulf %get3A_224, %get3A_224 : vector<16xf32>
      %add3A_230 = arith.addf %add3A_216, %mul3A_229 : vector<16xf32>
      %get3A_231 = arith.constant 0 : i32
      %get3A_232 = arith.index_cast %get3A_231 : i32 to index
      %get3A_233 = arith.constant 192 : index
      %get3A_234 = tpu.vector_load %arg8[%get3A_232, %get3A_233] {strides = array<i32>} : memref<8x256xf32, #tpu.memory_space<vmem>>, vector<16xf32>,
      %get3A_235 = arith.constant 0 : i32
      %get3A_236 = arith.index_cast %get3A_235 : i32 to index
      %get3A_237 = arith.constant 192 : index
      %get3A_238 = tpu.vector_load %arg9[%get3A_236, %get3A_237] {strides = array<i32>} : memref<8x256xf32, #tpu.memory_space<vmem>>, vector<16xf32>,
      %mul3A_239 = arith.mulf %get3A_234, %get3A_238 : vector<16xf32>
      %add3A_240 = arith.addf %add3A_226, %mul3A_239 : vector<16xf32>
      %mul3A_241 = arith.mulf %get3A_234, %get3A_234 : vector<16xf32>
      %add3A_242 = arith.addf %add3A_228, %mul3A_241 : vector<16xf32>
      %mul3A_243 = arith.mulf %get3A_238, %get3A_238 : vector<16xf32>
      %add3A_244 = arith.addf %add3A_230, %mul3A_243 : vector<16xf32>
      %get3A_245 = arith.constant 0 : i32
      %get3A_246 = arith.index_cast %get3A_245 : i32 to index
      %get3A_247 = arith.constant 208 : index
      %get3A_248 = tpu.vector_load %arg8[%get3A_246, %get3A_247] {strides = array<i32>} : memref<8x256xf32, #tpu.memory_space<vmem>>, vector<16xf32>,
      %get3A_249 = arith.constant 0 : i32
      %get3A_250 = arith.index_cast %get3A_249 : i32 to index
      %get3A_251 = arith.constant 208 : index
      %get3A_252 = tpu.vector_load %arg9[%get3A_250, %get3A_251] {strides = array<i32>} : memref<8x256xf32, #tpu.memory_space<vmem>>, vector<16xf32>,
      %mul3A_253 = arith.mulf %get3A_248, %get3A_252 : vector<16xf32>
      %add3A_254 = arith.addf %add3A_240, %mul3A_253 : vector<16xf32>
      %mul3A_255 = arith.mulf %get3A_248, %get3A_248 : vector<16xf32>
      %add3A_256 = arith.addf %add3A_242, %mul3A_255 : vector<16xf32>
      %mul3A_257 = arith.mulf %get3A_252, %get3A_252 : vector<16xf32>
      %add3A_258 = arith.addf %add3A_244, %mul3A_257 : vector<16xf32>
      %get3A_259 = arith.constant 0 : i32
      %get3A_260 = arith.index_cast %get3A_259 : i32 to index
      %get3A_261 = arith.constant 224 : index
      %get3A_262 = tpu.vector_load %arg8[%get3A_260, %get3A_261] {strides = array<i32>} : memref<8x256xf32, #tpu.memory_space<vmem>>, vector<16xf32>,
      %get3A_263 = arith.constant 0 : i32
      %get3A_264 = arith.index_cast %get3A_263 : i32 to index
      %get3A_265 = arith.constant 224 : index
      %get3A_266 = tpu.vector_load %arg9[%get3A_264, %get3A_265] {strides = array<i32>} : memref<8x256xf32, #tpu.memory_space<vmem>>, vector<16xf32>,
      %mul3A_267 = arith.mulf %get3A_262, %get3A_266 : vector<16xf32>
      %add3A_268 = arith.addf %add3A_254, %mul3A_267 : vector<16xf32>
      %mul3A_269 = arith.mulf %get3A_262, %get3A_262 : vector<16xf32>
      %add3A_270 = arith.addf %add3A_256, %mul3A_269 : vector<16xf32>
      %mul3A_271 = arith.mulf %get3A_266, %get3A_266 : vector<16xf32>
      %add3A_272 = arith.addf %add3A_258, %mul3A_271 : vector<16xf32>
      %get3A_273 = arith.constant 0 : i32
      %get3A_274 = arith.index_cast %get3A_273 : i32 to index
      %get3A_275 = arith.constant 240 : index
      %get3A_276 = tpu.vector_load %arg8[%get3A_274, %get3A_275] {strides = array<i32>} : memref<8x256xf32, #tpu.memory_space<vmem>>, vector<16xf32>,
      %get3A_277 = arith.constant 0 : i32
      %get3A_278 = arith.index_cast %get3A_277 : i32 to index
      %get3A_279 = arith.constant 240 : index
      %get3A_280 = tpu.vector_load %arg9[%get3A_278, %get3A_279] {strides = array<i32>} : memref<8x256xf32, #tpu.memory_space<vmem>>, vector<16xf32>,
      %mul3A_281 = arith.mulf %get3A_276, %get3A_280 : vector<16xf32>
      %add3A_282 = arith.addf %add3A_268, %mul3A_281 : vector<16xf32>
      %mul3A_283 = arith.mulf %get3A_276, %get3A_276 : vector<16xf32>
      %add3A_284 = arith.addf %add3A_270, %mul3A_283 : vector<16xf32>
      %mul3A_285 = arith.mulf %get3A_280, %get3A_280 : vector<16xf32>
      %add3A_286 = arith.addf %add3A_272, %mul3A_285 : vector<16xf32>
      %eq3A_287 = arith.constant 0 : i32
      %eq3A_288 = vector.broadcast %eq3A_287 : i32 to vector<16xi32>
      %eq3A_289 = arith.cmpi eq, %iota3A, %eq3A_288 : vector<16xi32>
      %reduce_sum3A = arith.constant true
      %reduce_sum3A_290 = vector.broadcast %reduce_sum3A : i1 to vector<16xi1>
      %reduce_sum3A_291 = tpu.scan <sum>, %add3A_282 masked %reduce_sum3A_290 : vector<16xf32>, vector<16xi1> -> vector<16xf32>
      %reduce_sum3A_292 = vector.extract %reduce_sum3A_291[15] : f32 from vector<16xf32>
      %broadcast_in_dim3A_293 = vector.broadcast %reduce_sum3A_292 : f32 to vector<16xf32>
      %select_n3A_294 = arith.select %eq3A_289, %broadcast_in_dim3A_293, %broadcast_in_dim3A_53 : vector<16xi1>, vector<16xf32>
      %reduce_sum3A_295 = arith.constant true
      %reduce_sum3A_296 = vector.broadcast %reduce_sum3A_295 : i1 to vector<16xi1>
      %reduce_sum3A_297 = tpu.scan <sum>, %add3A_284 masked %reduce_sum3A_296 : vector<16xf32>, vector<16xi1> -> vector<16xf32>
      %reduce_sum3A_298 = vector.extract %reduce_sum3A_297[15] : f32 from vector<16xf32>
      %broadcast_in_dim3A_299 = vector.broadcast %reduce_sum3A_298 : f32 to vector<16xf32>
      %select_n3A_300 = arith.select %eq3A_289, %broadcast_in_dim3A_299, %broadcast_in_dim3A_55 : vector<16xi1>, vector<16xf32>
      %reduce_sum3A_301 = arith.constant true
      %reduce_sum3A_302 = vector.broadcast %reduce_sum3A_301 : i1 to vector<16xi1>
      %reduce_sum3A_303 = tpu.scan <sum>, %add3A_286 masked %reduce_sum3A_302 : vector<16xf32>, vector<16xi1> -> vector<16xf32>
      %reduce_sum3A_304 = vector.extract %reduce_sum3A_303[15] : f32 from vector<16xf32>
      %broadcast_in_dim3A_305 = vector.broadcast %reduce_sum3A_304 : f32 to vector<16xf32>
      %select_n3A_306 = arith.select %eq3A_289, %broadcast_in_dim3A_305, %broadcast_in_dim3A_57 : vector<16xi1>, vector<16xf32>
      %broadcast_in_dim3A_307 = arith.constant 0.000000e+00 : f32
      %broadcast_in_dim3A_308 = vector.broadcast %broadcast_in_dim3A_307 : f32 to vector<16xf32>
      %broadcast_in_dim3A_309 = arith.constant 0.000000e+00 : f32
      %broadcast_in_dim3A_310 = vector.broadcast %broadcast_in_dim3A_309 : f32 to vector<16xf32>
      %broadcast_in_dim3A_311 = arith.constant 0.000000e+00 : f32
      %broadcast_in_dim3A_312 = vector.broadcast %broadcast_in_dim3A_311 : f32 to vector<16xf32>
      %get3A_313 = arith.constant 1 : i32
      %get3A_314 = arith.index_cast %get3A_313 : i32 to index
      %get3A_315 = arith.constant 0 : index
      %get3A_316 = tpu.vector_load %arg8[%get3A_314, %get3A_315] {strides = array<i32>} : memref<8x256xf32, #tpu.memory_space<vmem>>, vector<16xf32>,
      %get3A_317 = arith.constant 1 : i32
      %get3A_318 = arith.index_cast %get3A_317 : i32 to index
      %get3A_319 = arith.constant 0 : index
      %get3A_320 = tpu.vector_load %arg9[%get3A_318, %get3A_319] {strides = array<i32>} : memref<8x256xf32, #tpu.memory_space<vmem>>, vector<16xf32>,
      %mul3A_321 = arith.mulf %get3A_316, %get3A_320 : vector<16xf32>
      %add3A_322 = arith.addf %broadcast_in_dim3A_308, %mul3A_321 : vector<16xf32>
      %mul3A_323 = arith.mulf %get3A_316, %get3A_316 : vector<16xf32>
      %add3A_324 = arith.addf %broadcast_in_dim3A_310, %mul3A_323 : vector<16xf32>
      %mul3A_325 = arith.mulf %get3A_320, %get3A_320 : vector<16xf32>
      %add3A_326 = arith.addf %broadcast_in_dim3A_312, %mul3A_325 : vector<16xf32>
      %get3A_327 = arith.constant 1 : i32
      %get3A_328 = arith.index_cast %get3A_327 : i32 to index
      %get3A_329 = arith.constant 16 : index
      %get3A_330 = tpu.vector_load %arg8[%get3A_328, %get3A_329] {strides = array<i32>} : memref<8x256xf32, #tpu.memory_space<vmem>>, vector<16xf32>,
      %get3A_331 = arith.constant 1 : i32
      %get3A_332 = arith.index_cast %get3A_331 : i32 to index
      %get3A_333 = arith.constant 16 : index
      %get3A_334 = tpu.vector_load %arg9[%get3A_332, %get3A_333] {strides = array<i32>} : memref<8x256xf32, #tpu.memory_space<vmem>>, vector<16xf32>,
      %mul3A_335 = arith.mulf %get3A_330, %get3A_334 : vector<16xf32>
      %add3A_336 = arith.addf %add3A_322, %mul3A_335 : vector<16xf32>
      %mul3A_337 = arith.mulf %get3A_330, %get3A_330 : vector<16xf32>
      %add3A_338 = arith.addf %add3A_324, %mul3A_337 : vector<16xf32>
      %mul3A_339 = arith.mulf %get3A_334, %get3A_334 : vector<16xf32>
      %add3A_340 = arith.addf %add3A_326, %mul3A_339 : vector<16xf32>
      %get3A_341 = arith.constant 1 : i32
      %get3A_342 = arith.index_cast %get3A_341 : i32 to index
      %get3A_343 = arith.constant 32 : index
      %get3A_344 = tpu.vector_load %arg8[%get3A_342, %get3A_343] {strides = array<i32>} : memref<8x256xf32, #tpu.memory_space<vmem>>, vector<16xf32>,
      %get3A_345 = arith.constant 1 : i32
      %get3A_346 = arith.index_cast %get3A_345 : i32 to index
      %get3A_347 = arith.constant 32 : index
      %get3A_348 = tpu.vector_load %arg9[%get3A_346, %get3A_347] {strides = array<i32>} : memref<8x256xf32, #tpu.memory_space<vmem>>, vector<16xf32>,
      %mul3A_349 = arith.mulf %get3A_344, %get3A_348 : vector<16xf32>
      %add3A_350 = arith.addf %add3A_336, %mul3A_349 : vector<16xf32>
      %mul3A_351 = arith.mulf %get3A_344, %get3A_344 : vector<16xf32>
      %add3A_352 = arith.addf %add3A_338, %mul3A_351 : vector<16xf32>
      %mul3A_353 = arith.mulf %get3A_348, %get3A_348 : vector<16xf32>
      %add3A_354 = arith.addf %add3A_340, %mul3A_353 : vector<16xf32>
      %get3A_355 = arith.constant 1 : i32
      %get3A_356 = arith.index_cast %get3A_355 : i32 to index
      %get3A_357 = arith.constant 48 : index
      %get3A_358 = tpu.vector_load %arg8[%get3A_356, %get3A_357] {strides = array<i32>} : memref<8x256xf32, #tpu.memory_space<vmem>>, vector<16xf32>,
      %get3A_359 = arith.constant 1 : i32
      %get3A_360 = arith.index_cast %get3A_359 : i32 to index
      %get3A_361 = arith.constant 48 : index
      %get3A_362 = tpu.vector_load %arg9[%get3A_360, %get3A_361] {strides = array<i32>} : memref<8x256xf32, #tpu.memory_space<vmem>>, vector<16xf32>,
      %mul3A_363 = arith.mulf %get3A_358, %get3A_362 : vector<16xf32>
      %add3A_364 = arith.addf %add3A_350, %mul3A_363 : vector<16xf32>
      %mul3A_365 = arith.mulf %get3A_358, %get3A_358 : vector<16xf32>
      %add3A_366 = arith.addf %add3A_352, %mul3A_365 : vector<16xf32>
      %mul3A_367 = arith.mulf %get3A_362, %get3A_362 : vector<16xf32>
      %add3A_368 = arith.addf %add3A_354, %mul3A_367 : vector<16xf32>
      %get3A_369 = arith.constant 1 : i32
      %get3A_370 = arith.index_cast %get3A_369 : i32 to index
      %get3A_371 = arith.constant 64 : index
      %get3A_372 = tpu.vector_load %arg8[%get3A_370, %get3A_371] {strides = array<i32>} : memref<8x256xf32, #tpu.memory_space<vmem>>, vector<16xf32>,
      %get3A_373 = arith.constant 1 : i32
      %get3A_374 = arith.index_cast %get3A_373 : i32 to index
      %get3A_375 = arith.constant 64 : index
      %get3A_376 = tpu.vector_load %arg9[%get3A_374, %get3A_375] {strides = array<i32>} : memref<8x256xf32, #tpu.memory_space<vmem>>, vector<16xf32>,
      %mul3A_377 = arith.mulf %get3A_372, %get3A_376 : vector<16xf32>
      %add3A_378 = arith.addf %add3A_364, %mul3A_377 : vector<16xf32>
      %mul3A_379 = arith.mulf %get3A_372, %get3A_372 : vector<16xf32>
      %add3A_380 = arith.addf %add3A_366, %mul3A_379 : vector<16xf32>
      %mul3A_381 = arith.mulf %get3A_376, %get3A_376 : vector<16xf32>
      %add3A_382 = arith.addf %add3A_368, %mul3A_381 : vector<16xf32>
      %get3A_383 = arith.constant 1 : i32
      %get3A_384 = arith.index_cast %get3A_383 : i32 to index
      %get3A_385 = arith.constant 80 : index
      %get3A_386 = tpu.vector_load %arg8[%get3A_384, %get3A_385] {strides = array<i32>} : memref<8x256xf32, #tpu.memory_space<vmem>>, vector<16xf32>,
      %get3A_387 = arith.constant 1 : i32
      %get3A_388 = arith.index_cast %get3A_387 : i32 to index
      %get3A_389 = arith.constant 80 : index
      %get3A_390 = tpu.vector_load %arg9[%get3A_388, %get3A_389] {strides = array<i32>} : memref<8x256xf32, #tpu.memory_space<vmem>>, vector<16xf32>,
      %mul3A_391 = arith.mulf %get3A_386, %get3A_390 : vector<16xf32>
      %add3A_392 = arith.addf %add3A_378, %mul3A_391 : vector<16xf32>
      %mul3A_393 = arith.mulf %get3A_386, %get3A_386 : vector<16xf32>
      %add3A_394 = arith.addf %add3A_380, %mul3A_393 : vector<16xf32>
      %mul3A_395 = arith.mulf %get3A_390, %get3A_390 : vector<16xf32>
      %add3A_396 = arith.addf %add3A_382, %mul3A_395 : vector<16xf32>
      %get3A_397 = arith.constant 1 : i32
      %get3A_398 = arith.index_cast %get3A_397 : i32 to index
      %get3A_399 = arith.constant 96 : index
      %get3A_400 = tpu.vector_load %arg8[%get3A_398, %get3A_399] {strides = array<i32>} : memref<8x256xf32, #tpu.memory_space<vmem>>, vector<16xf32>,
      %get3A_401 = arith.constant 1 : i32
      %get3A_402 = arith.index_cast %get3A_401 : i32 to index
      %get3A_403 = arith.constant 96 : index
      %get3A_404 = tpu.vector_load %arg9[%get3A_402, %get3A_403] {strides = array<i32>} : memref<8x256xf32, #tpu.memory_space<vmem>>, vector<16xf32>,
      %mul3A_405 = arith.mulf %get3A_400, %get3A_404 : vector<16xf32>
      %add3A_406 = arith.addf %add3A_392, %mul3A_405 : vector<16xf32>
      %mul3A_407 = arith.mulf %get3A_400, %get3A_400 : vector<16xf32>
      %add3A_408 = arith.addf %add3A_394, %mul3A_407 : vector<16xf32>
      %mul3A_409 = arith.mulf %get3A_404, %get3A_404 : vector<16xf32>
      %add3A_410 = arith.addf %add3A_396, %mul3A_409 : vector<16xf32>
      %get3A_411 = arith.constant 1 : i32
      %get3A_412 = arith.index_cast %get3A_411 : i32 to index
      %get3A_413 = arith.constant 112 : index
      %get3A_414 = tpu.vector_load %arg8[%get3A_412, %get3A_413] {strides = array<i32>} : memref<8x256xf32, #tpu.memory_space<vmem>>, vector<16xf32>,
      %get3A_415 = arith.constant 1 : i32
      %get3A_416 = arith.index_cast %get3A_415 : i32 to index
      %get3A_417 = arith.constant 112 : index
      %get3A_418 = tpu.vector_load %arg9[%get3A_416, %get3A_417] {strides = array<i32>} : memref<8x256xf32, #tpu.memory_space<vmem>>, vector<16xf32>,
      %mul3A_419 = arith.mulf %get3A_414, %get3A_418 : vector<16xf32>
      %add3A_420 = arith.addf %add3A_406, %mul3A_419 : vector<16xf32>
      %mul3A_421 = arith.mulf %get3A_414, %get3A_414 : vector<16xf32>
      %add3A_422 = arith.addf %add3A_408, %mul3A_421 : vector<16xf32>
      %mul3A_423 = arith.mulf %get3A_418, %get3A_418 : vector<16xf32>
      %add3A_424 = arith.addf %add3A_410, %mul3A_423 : vector<16xf32>
      %get3A_425 = arith.constant 1 : i32
      %get3A_426 = arith.index_cast %get3A_425 : i32 to index
      %get3A_427 = arith.constant 128 : index
      %get3A_428 = tpu.vector_load %arg8[%get3A_426, %get3A_427] {strides = array<i32>} : memref<8x256xf32, #tpu.memory_space<vmem>>, vector<16xf32>,
      %get3A_429 = arith.constant 1 : i32
      %get3A_430 = arith.index_cast %get3A_429 : i32 to index
      %get3A_431 = arith.constant 128 : index
      %get3A_432 = tpu.vector_load %arg9[%get3A_430, %get3A_431] {strides = array<i32>} : memref<8x256xf32, #tpu.memory_space<vmem>>, vector<16xf32>,
      %mul3A_433 = arith.mulf %get3A_428, %get3A_432 : vector<16xf32>
      %add3A_434 = arith.addf %add3A_420, %mul3A_433 : vector<16xf32>
      %mul3A_435 = arith.mulf %get3A_428, %get3A_428 : vector<16xf32>
      %add3A_436 = arith.addf %add3A_422, %mul3A_435 : vector<16xf32>
      %mul3A_437 = arith.mulf %get3A_432, %get3A_432 : vector<16xf32>
      %add3A_438 = arith.addf %add3A_424, %mul3A_437 : vector<16xf32>
      %get3A_439 = arith.constant 1 : i32
      %get3A_440 = arith.index_cast %get3A_439 : i32 to index
      %get3A_441 = arith.constant 144 : index
      %get3A_442 = tpu.vector_load %arg8[%get3A_440, %get3A_441] {strides = array<i32>} : memref<8x256xf32, #tpu.memory_space<vmem>>, vector<16xf32>,
      %get3A_443 = arith.constant 1 : i32
      %get3A_444 = arith.index_cast %get3A_443 : i32 to index
      %get3A_445 = arith.constant 144 : index
      %get3A_446 = tpu.vector_load %arg9[%get3A_444, %get3A_445] {strides = array<i32>} : memref<8x256xf32, #tpu.memory_space<vmem>>, vector<16xf32>,
      %mul3A_447 = arith.mulf %get3A_442, %get3A_446 : vector<16xf32>
      %add3A_448 = arith.addf %add3A_434, %mul3A_447 : vector<16xf32>
      %mul3A_449 = arith.mulf %get3A_442, %get3A_442 : vector<16xf32>
      %add3A_450 = arith.addf %add3A_436, %mul3A_449 : vector<16xf32>
      %mul3A_451 = arith.mulf %get3A_446, %get3A_446 : vector<16xf32>
      %add3A_452 = arith.addf %add3A_438, %mul3A_451 : vector<16xf32>
      %get3A_453 = arith.constant 1 : i32
      %get3A_454 = arith.index_cast %get3A_453 : i32 to index
      %get3A_455 = arith.constant 160 : index
      %get3A_456 = tpu.vector_load %arg8[%get3A_454, %get3A_455] {strides = array<i32>} : memref<8x256xf32, #tpu.memory_space<vmem>>, vector<16xf32>,
      %get3A_457 = arith.constant 1 : i32
      %get3A_458 = arith.index_cast %get3A_457 : i32 to index
      %get3A_459 = arith.constant 160 : index
      %get3A_460 = tpu.vector_load %arg9[%get3A_458, %get3A_459] {strides = array<i32>} : memref<8x256xf32, #tpu.memory_space<vmem>>, vector<16xf32>,
      %mul3A_461 = arith.mulf %get3A_456, %get3A_460 : vector<16xf32>
      %add3A_462 = arith.addf %add3A_448, %mul3A_461 : vector<16xf32>
      %mul3A_463 = arith.mulf %get3A_456, %get3A_456 : vector<16xf32>
      %add3A_464 = arith.addf %add3A_450, %mul3A_463 : vector<16xf32>
      %mul3A_465 = arith.mulf %get3A_460, %get3A_460 : vector<16xf32>
      %add3A_466 = arith.addf %add3A_452, %mul3A_465 : vector<16xf32>
      %get3A_467 = arith.constant 1 : i32
      %get3A_468 = arith.index_cast %get3A_467 : i32 to index
      %get3A_469 = arith.constant 176 : index
      %get3A_470 = tpu.vector_load %arg8[%get3A_468, %get3A_469] {strides = array<i32>} : memref<8x256xf32, #tpu.memory_space<vmem>>, vector<16xf32>,
      %get3A_471 = arith.constant 1 : i32
      %get3A_472 = arith.index_cast %get3A_471 : i32 to index
      %get3A_473 = arith.constant 176 : index
      %get3A_474 = tpu.vector_load %arg9[%get3A_472, %get3A_473] {strides = array<i32>} : memref<8x256xf32, #tpu.memory_space<vmem>>, vector<16xf32>,
      %mul3A_475 = arith.mulf %get3A_470, %get3A_474 : vector<16xf32>
      %add3A_476 = arith.addf %add3A_462, %mul3A_475 : vector<16xf32>
      %mul3A_477 = arith.mulf %get3A_470, %get3A_470 : vector<16xf32>
      %add3A_478 = arith.addf %add3A_464, %mul3A_477 : vector<16xf32>
      %mul3A_479 = arith.mulf %get3A_474, %get3A_474 : vector<16xf32>
      %add3A_480 = arith.addf %add3A_466, %mul3A_479 : vector<16xf32>
      %get3A_481 = arith.constant 1 : i32
      %get3A_482 = arith.index_cast %get3A_481 : i32 to index
      %get3A_483 = arith.constant 192 : index
      %get3A_484 = tpu.vector_load %arg8[%get3A_482, %get3A_483] {strides = array<i32>} : memref<8x256xf32, #tpu.memory_space<vmem>>, vector<16xf32>,
      %get3A_485 = arith.constant 1 : i32
      %get3A_486 = arith.index_cast %get3A_485 : i32 to index
      %get3A_487 = arith.constant 192 : index
      %get3A_488 = tpu.vector_load %arg9[%get3A_486, %get3A_487] {strides = array<i32>} : memref<8x256xf32, #tpu.memory_space<vmem>>, vector<16xf32>,
      %mul3A_489 = arith.mulf %get3A_484, %get3A_488 : vector<16xf32>
      %add3A_490 = arith.addf %add3A_476, %mul3A_489 : vector<16xf32>
      %mul3A_491 = arith.mulf %get3A_484, %get3A_484 : vector<16xf32>
      %add3A_492 = arith.addf %add3A_478, %mul3A_491 : vector<16xf32>
      %mul3A_493 = arith.mulf %get3A_488, %get3A_488 : vector<16xf32>
      %add3A_494 = arith.addf %add3A_480, %mul3A_493 : vector<16xf32>
      %get3A_495 = arith.constant 1 : i32
      %get3A_496 = arith.index_cast %get3A_495 : i32 to index
      %get3A_497 = arith.constant 208 : index
      %get3A_498 = tpu.vector_load %arg8[%get3A_496, %get3A_497] {strides = array<i32>} : memref<8x256xf32, #tpu.memory_space<vmem>>, vector<16xf32>,
      %get3A_499 = arith.constant 1 : i32
      %get3A_500 = arith.index_cast %get3A_499 : i32 to index
      %get3A_501 = arith.constant 208 : index
      %get3A_502 = tpu.vector_load %arg9[%get3A_500, %get3A_501] {strides = array<i32>} : memref<8x256xf32, #tpu.memory_space<vmem>>, vector<16xf32>,
      %mul3A_503 = arith.mulf %get3A_498, %get3A_502 : vector<16xf32>
      %add3A_504 = arith.addf %add3A_490, %mul3A_503 : vector<16xf32>
      %mul3A_505 = arith.mulf %get3A_498, %get3A_498 : vector<16xf32>
      %add3A_506 = arith.addf %add3A_492, %mul3A_505 : vector<16xf32>
      %mul3A_507 = arith.mulf %get3A_502, %get3A_502 : vector<16xf32>
      %add3A_508 = arith.addf %add3A_494, %mul3A_507 : vector<16xf32>
      %get3A_509 = arith.constant 1 : i32
      %get3A_510 = arith.index_cast %get3A_509 : i32 to index
      %get3A_511 = arith.constant 224 : index
      %get3A_512 = tpu.vector_load %arg8[%get3A_510, %get3A_511] {strides = array<i32>} : memref<8x256xf32, #tpu.memory_space<vmem>>, vector<16xf32>,
      %get3A_513 = arith.constant 1 : i32
      %get3A_514 = arith.index_cast %get3A_513 : i32 to index
      %get3A_515 = arith.constant 224 : index
      %get3A_516 = tpu.vector_load %arg9[%get3A_514, %get3A_515] {strides = array<i32>} : memref<8x256xf32, #tpu.memory_space<vmem>>, vector<16xf32>,
      %mul3A_517 = arith.mulf %get3A_512, %get3A_516 : vector<16xf32>
      %add3A_518 = arith.addf %add3A_504, %mul3A_517 : vector<16xf32>
      %mul3A_519 = arith.mulf %get3A_512, %get3A_512 : vector<16xf32>
      %add3A_520 = arith.addf %add3A_506, %mul3A_519 : vector<16xf32>
      %mul3A_521 = arith.mulf %get3A_516, %get3A_516 : vector<16xf32>
      %add3A_522 = arith.addf %add3A_508, %mul3A_521 : vector<16xf32>
      %get3A_523 = arith.constant 1 : i32
      %get3A_524 = arith.index_cast %get3A_523 : i32 to index
      %get3A_525 = arith.constant 240 : index
      %get3A_526 = tpu.vector_load %arg8[%get3A_524, %get3A_525] {strides = array<i32>} : memref<8x256xf32, #tpu.memory_space<vmem>>, vector<16xf32>,
      %get3A_527 = arith.constant 1 : i32
      %get3A_528 = arith.index_cast %get3A_527 : i32 to index
      %get3A_529 = arith.constant 240 : index
      %get3A_530 = tpu.vector_load %arg9[%get3A_528, %get3A_529] {strides = array<i32>} : memref<8x256xf32, #tpu.memory_space<vmem>>, vector<16xf32>,
      %mul3A_531 = arith.mulf %get3A_526, %get3A_530 : vector<16xf32>
      %add3A_532 = arith.addf %add3A_518, %mul3A_531 : vector<16xf32>
      %mul3A_533 = arith.mulf %get3A_526, %get3A_526 : vector<16xf32>
      %add3A_534 = arith.addf %add3A_520, %mul3A_533 : vector<16xf32>
      %mul3A_535 = arith.mulf %get3A_530, %get3A_530 : vector<16xf32>
      %add3A_536 = arith.addf %add3A_522, %mul3A_535 : vector<16xf32>
      %eq3A_537 = arith.constant 1 : i32
      %eq3A_538 = vector.broadcast %eq3A_537 : i32 to vector<16xi32>
      %eq3A_539 = arith.cmpi eq, %iota3A, %eq3A_538 : vector<16xi32>
      %reduce_sum3A_540 = arith.constant true
      %reduce_sum3A_541 = vector.broadcast %reduce_sum3A_540 : i1 to vector<16xi1>
      %reduce_sum3A_542 = tpu.scan <sum>, %add3A_532 masked %reduce_sum3A_541 : vector<16xf32>, vector<16xi1> -> vector<16xf32>
      %reduce_sum3A_543 = vector.extract %reduce_sum3A_542[15] : f32 from vector<16xf32>
      %broadcast_in_dim3A_544 = vector.broadcast %reduce_sum3A_543 : f32 to vector<16xf32>
      %select_n3A_545 = arith.select %eq3A_539, %broadcast_in_dim3A_544, %select_n3A_294 : vector<16xi1>, vector<16xf32>
      %reduce_sum3A_546 = arith.constant true
      %reduce_sum3A_547 = vector.broadcast %reduce_sum3A_546 : i1 to vector<16xi1>
      %reduce_sum3A_548 = tpu.scan <sum>, %add3A_534 masked %reduce_sum3A_547 : vector<16xf32>, vector<16xi1> -> vector<16xf32>
      %reduce_sum3A_549 = vector.extract %reduce_sum3A_548[15] : f32 from vector<16xf32>
      %broadcast_in_dim3A_550 = vector.broadcast %reduce_sum3A_549 : f32 to vector<16xf32>
      %select_n3A_551 = arith.select %eq3A_539, %broadcast_in_dim3A_550, %select_n3A_300 : vector<16xi1>, vector<16xf32>
      %reduce_sum3A_552 = arith.constant true
      %reduce_sum3A_553 = vector.broadcast %reduce_sum3A_552 : i1 to vector<16xi1>
      %reduce_sum3A_554 = tpu.scan <sum>, %add3A_536 masked %reduce_sum3A_553 : vector<16xf32>, vector<16xi1> -> vector<16xf32>
      %reduce_sum3A_555 = vector.extract %reduce_sum3A_554[15] : f32 from vector<16xf32>
      %broadcast_in_dim3A_556 = vector.broadcast %reduce_sum3A_555 : f32 to vector<16xf32>
      %select_n3A_557 = arith.select %eq3A_539, %broadcast_in_dim3A_556, %select_n3A_306 : vector<16xi1>, vector<16xf32>
      %broadcast_in_dim3A_558 = arith.constant 0.000000e+00 : f32
      %broadcast_in_dim3A_559 = vector.broadcast %broadcast_in_dim3A_558 : f32 to vector<16xf32>
      %broadcast_in_dim3A_560 = arith.constant 0.000000e+00 : f32
      %broadcast_in_dim3A_561 = vector.broadcast %broadcast_in_dim3A_560 : f32 to vector<16xf32>
      %broadcast_in_dim3A_562 = arith.constant 0.000000e+00 : f32
      %broadcast_in_dim3A_563 = vector.broadcast %broadcast_in_dim3A_562 : f32 to vector<16xf32>
      %get3A_564 = arith.constant 2 : i32
      %get3A_565 = arith.index_cast %get3A_564 : i32 to index
      %get3A_566 = arith.constant 0 : index
      %get3A_567 = tpu.vector_load %arg8[%get3A_565, %get3A_566] {strides = array<i32>} : memref<8x256xf32, #tpu.memory_space<vmem>>, vector<16xf32>,
      %get3A_568 = arith.constant 2 : i32
      %get3A_569 = arith.index_cast %get3A_568 : i32 to index
      %get3A_570 = arith.constant 0 : index
      %get3A_571 = tpu.vector_load %arg9[%get3A_569, %get3A_570] {strides = array<i32>} : memref<8x256xf32, #tpu.memory_space<vmem>>, vector<16xf32>,
      %mul3A_572 = arith.mulf %get3A_567, %get3A_571 : vector<16xf32>
      %add3A_573 = arith.addf %broadcast_in_dim3A_559, %mul3A_572 : vector<16xf32>
      %mul3A_574 = arith.mulf %get3A_567, %get3A_567 : vector<16xf32>
      %add3A_575 = arith.addf %broadcast_in_dim3A_561, %mul3A_574 : vector<16xf32>
      %mul3A_576 = arith.mulf %get3A_571, %get3A_571 : vector<16xf32>
      %add3A_577 = arith.addf %broadcast_in_dim3A_563, %mul3A_576 : vector<16xf32>
      %get3A_578 = arith.constant 2 : i32
      %get3A_579 = arith.index_cast %get3A_578 : i32 to index
      %get3A_580 = arith.constant 16 : index
      %get3A_581 = tpu.vector_load %arg8[%get3A_579, %get3A_580] {strides = array<i32>} : memref<8x256xf32, #tpu.memory_space<vmem>>, vector<16xf32>,
      %get3A_582 = arith.constant 2 : i32
      %get3A_583 = arith.index_cast %get3A_582 : i32 to index
      %get3A_584 = arith.constant 16 : index
      %get3A_585 = tpu.vector_load %arg9[%get3A_583, %get3A_584] {strides = array<i32>} : memref<8x256xf32, #tpu.memory_space<vmem>>, vector<16xf32>,
      %mul3A_586 = arith.mulf %get3A_581, %get3A_585 : vector<16xf32>
      %add3A_587 = arith.addf %add3A_573, %mul3A_586 : vector<16xf32>
      %mul3A_588 = arith.mulf %get3A_581, %get3A_581 : vector<16xf32>
      %add3A_589 = arith.addf %add3A_575, %mul3A_588 : vector<16xf32>
      %mul3A_590 = arith.mulf %get3A_585, %get3A_585 : vector<16xf32>
      %add3A_591 = arith.addf %add3A_577, %mul3A_590 : vector<16xf32>
      %get3A_592 = arith.constant 2 : i32
      %get3A_593 = arith.index_cast %get3A_592 : i32 to index
      %get3A_594 = arith.constant 32 : index
      %get3A_595 = tpu.vector_load %arg8[%get3A_593, %get3A_594] {strides = array<i32>} : memref<8x256xf32, #tpu.memory_space<vmem>>, vector<16xf32>,
      %get3A_596 = arith.constant 2 : i32
      %get3A_597 = arith.index_cast %get3A_596 : i32 to index
      %get3A_598 = arith.constant 32 : index
      %get3A_599 = tpu.vector_load %arg9[%get3A_597, %get3A_598] {strides = array<i32>} : memref<8x256xf32, #tpu.memory_space<vmem>>, vector<16xf32>,
      %mul3A_600 = arith.mulf %get3A_595, %get3A_599 : vector<16xf32>
      %add3A_601 = arith.addf %add3A_587, %mul3A_600 : vector<16xf32>
      %mul3A_602 = arith.mulf %get3A_595, %get3A_595 : vector<16xf32>
      %add3A_603 = arith.addf %add3A_589, %mul3A_602 : vector<16xf32>
      %mul3A_604 = arith.mulf %get3A_599, %get3A_599 : vector<16xf32>
      %add3A_605 = arith.addf %add3A_591, %mul3A_604 : vector<16xf32>
      %get3A_606 = arith.constant 2 : i32
      %get3A_607 = arith.index_cast %get3A_606 : i32 to index
      %get3A_608 = arith.constant 48 : index
      %get3A_609 = tpu.vector_load %arg8[%get3A_607, %get3A_608] {strides = array<i32>} : memref<8x256xf32, #tpu.memory_space<vmem>>, vector<16xf32>,
      %get3A_610 = arith.constant 2 : i32
      %get3A_611 = arith.index_cast %get3A_610 : i32 to index
      %get3A_612 = arith.constant 48 : index
      %get3A_613 = tpu.vector_load %arg9[%get3A_611, %get3A_612] {strides = array<i32>} : memref<8x256xf32, #tpu.memory_space<vmem>>, vector<16xf32>,
      %mul3A_614 = arith.mulf %get3A_609, %get3A_613 : vector<16xf32>
      %add3A_615 = arith.addf %add3A_601, %mul3A_614 : vector<16xf32>
      %mul3A_616 = arith.mulf %get3A_609, %get3A_609 : vector<16xf32>
      %add3A_617 = arith.addf %add3A_603, %mul3A_616 : vector<16xf32>
      %mul3A_618 = arith.mulf %get3A_613, %get3A_613 : vector<16xf32>
      %add3A_619 = arith.addf %add3A_605, %mul3A_618 : vector<16xf32>
      %get3A_620 = arith.constant 2 : i32
      %get3A_621 = arith.index_cast %get3A_620 : i32 to index
      %get3A_622 = arith.constant 64 : index
      %get3A_623 = tpu.vector_load %arg8[%get3A_621, %get3A_622] {strides = array<i32>} : memref<8x256xf32, #tpu.memory_space<vmem>>, vector<16xf32>,
      %get3A_624 = arith.constant 2 : i32
      %get3A_625 = arith.index_cast %get3A_624 : i32 to index
      %get3A_626 = arith.constant 64 : index
      %get3A_627 = tpu.vector_load %arg9[%get3A_625, %get3A_626] {strides = array<i32>} : memref<8x256xf32, #tpu.memory_space<vmem>>, vector<16xf32>,
      %mul3A_628 = arith.mulf %get3A_623, %get3A_627 : vector<16xf32>
      %add3A_629 = arith.addf %add3A_615, %mul3A_628 : vector<16xf32>
      %mul3A_630 = arith.mulf %get3A_623, %get3A_623 : vector<16xf32>
      %add3A_631 = arith.addf %add3A_617, %mul3A_630 : vector<16xf32>
      %mul3A_632 = arith.mulf %get3A_627, %get3A_627 : vector<16xf32>
      %add3A_633 = arith.addf %add3A_619, %mul3A_632 : vector<16xf32>
      %get3A_634 = arith.constant 2 : i32
      %get3A_635 = arith.index_cast %get3A_634 : i32 to index
      %get3A_636 = arith.constant 80 : index
      %get3A_637 = tpu.vector_load %arg8[%get3A_635, %get3A_636] {strides = array<i32>} : memref<8x256xf32, #tpu.memory_space<vmem>>, vector<16xf32>,
      %get3A_638 = arith.constant 2 : i32
      %get3A_639 = arith.index_cast %get3A_638 : i32 to index
      %get3A_640 = arith.constant 80 : index
      %get3A_641 = tpu.vector_load %arg9[%get3A_639, %get3A_640] {strides = array<i32>} : memref<8x256xf32, #tpu.memory_space<vmem>>, vector<16xf32>,
      %mul3A_642 = arith.mulf %get3A_637, %get3A_641 : vector<16xf32>
      %add3A_643 = arith.addf %add3A_629, %mul3A_642 : vector<16xf32>
      %mul3A_644 = arith.mulf %get3A_637, %get3A_637 : vector<16xf32>
      %add3A_645 = arith.addf %add3A_631, %mul3A_644 : vector<16xf32>
      %mul3A_646 = arith.mulf %get3A_641, %get3A_641 : vector<16xf32>
      %add3A_647 = arith.addf %add3A_633, %mul3A_646 : vector<16xf32>
      %get3A_648 = arith.constant 2 : i32
      %get3A_649 = arith.index_cast %get3A_648 : i32 to index
      %get3A_650 = arith.constant 96 : index
      %get3A_651 = tpu.vector_load %arg8[%get3A_649, %get3A_650] {strides = array<i32>} : memref<8x256xf32, #tpu.memory_space<vmem>>, vector<16xf32>,
      %get3A_652 = arith.constant 2 : i32
      %get3A_653 = arith.index_cast %get3A_652 : i32 to index
      %get3A_654 = arith.constant 96 : index
      %get3A_655 = tpu.vector_load %arg9[%get3A_653, %get3A_654] {strides = array<i32>} : memref<8x256xf32, #tpu.memory_space<vmem>>, vector<16xf32>,
      %mul3A_656 = arith.mulf %get3A_651, %get3A_655 : vector<16xf32>
      %add3A_657 = arith.addf %add3A_643, %mul3A_656 : vector<16xf32>
      %mul3A_658 = arith.mulf %get3A_651, %get3A_651 : vector<16xf32>
      %add3A_659 = arith.addf %add3A_645, %mul3A_658 : vector<16xf32>
      %mul3A_660 = arith.mulf %get3A_655, %get3A_655 : vector<16xf32>
      %add3A_661 = arith.addf %add3A_647, %mul3A_660 : vector<16xf32>
      %get3A_662 = arith.constant 2 : i32
      %get3A_663 = arith.index_cast %get3A_662 : i32 to index
      %get3A_664 = arith.constant 112 : index
      %get3A_665 = tpu.vector_load %arg8[%get3A_663, %get3A_664] {strides = array<i32>} : memref<8x256xf32, #tpu.memory_space<vmem>>, vector<16xf32>,
      %get3A_666 = arith.constant 2 : i32
      %get3A_667 = arith.index_cast %get3A_666 : i32 to index
      %get3A_668 = arith.constant 112 : index
      %get3A_669 = tpu.vector_load %arg9[%get3A_667, %get3A_668] {strides = array<i32>} : memref<8x256xf32, #tpu.memory_space<vmem>>, vector<16xf32>,
      %mul3A_670 = arith.mulf %get3A_665, %get3A_669 : vector<16xf32>
      %add3A_671 = arith.addf %add3A_657, %mul3A_670 : vector<16xf32>
      %mul3A_672 = arith.mulf %get3A_665, %get3A_665 : vector<16xf32>
      %add3A_673 = arith.addf %add3A_659, %mul3A_672 : vector<16xf32>
      %mul3A_674 = arith.mulf %get3A_669, %get3A_669 : vector<16xf32>
      %add3A_675 = arith.addf %add3A_661, %mul3A_674 : vector<16xf32>
      %get3A_676 = arith.constant 2 : i32
      %get3A_677 = arith.index_cast %get3A_676 : i32 to index
      %get3A_678 = arith.constant 128 : index
      %get3A_679 = tpu.vector_load %arg8[%get3A_677, %get3A_678] {strides = array<i32>} : memref<8x256xf32, #tpu.memory_space<vmem>>, vector<16xf32>,
      %get3A_680 = arith.constant 2 : i32
      %get3A_681 = arith.index_cast %get3A_680 : i32 to index
      %get3A_682 = arith.constant 128 : index
      %get3A_683 = tpu.vector_load %arg9[%get3A_681, %get3A_682] {strides = array<i32>} : memref<8x256xf32, #tpu.memory_space<vmem>>, vector<16xf32>,
      %mul3A_684 = arith.mulf %get3A_679, %get3A_683 : vector<16xf32>
      %add3A_685 = arith.addf %add3A_671, %mul3A_684 : vector<16xf32>
      %mul3A_686 = arith.mulf %get3A_679, %get3A_679 : vector<16xf32>
      %add3A_687 = arith.addf %add3A_673, %mul3A_686 : vector<16xf32>
      %mul3A_688 = arith.mulf %get3A_683, %get3A_683 : vector<16xf32>
      %add3A_689 = arith.addf %add3A_675, %mul3A_688 : vector<16xf32>
      %get3A_690 = arith.constant 2 : i32
      %get3A_691 = arith.index_cast %get3A_690 : i32 to index
      %get3A_692 = arith.constant 144 : index
      %get3A_693 = tpu.vector_load %arg8[%get3A_691, %get3A_692] {strides = array<i32>} : memref<8x256xf32, #tpu.memory_space<vmem>>, vector<16xf32>,
      %get3A_694 = arith.constant 2 : i32
      %get3A_695 = arith.index_cast %get3A_694 : i32 to index
      %get3A_696 = arith.constant 144 : index
      %get3A_697 = tpu.vector_load %arg9[%get3A_695, %get3A_696] {strides = array<i32>} : memref<8x256xf32, #tpu.memory_space<vmem>>, vector<16xf32>,
      %mul3A_698 = arith.mulf %get3A_693, %get3A_697 : vector<16xf32>
      %add3A_699 = arith.addf %add3A_685, %mul3A_698 : vector<16xf32>
      %mul3A_700 = arith.mulf %get3A_693, %get3A_693 : vector<16xf32>
      %add3A_701 = arith.addf %add3A_687, %mul3A_700 : vector<16xf32>
      %mul3A_702 = arith.mulf %get3A_697, %get3A_697 : vector<16xf32>
      %add3A_703 = arith.addf %add3A_689, %mul3A_702 : vector<16xf32>
      %get3A_704 = arith.constant 2 : i32
      %get3A_705 = arith.index_cast %get3A_704 : i32 to index
      %get3A_706 = arith.constant 160 : index
      %get3A_707 = tpu.vector_load %arg8[%get3A_705, %get3A_706] {strides = array<i32>} : memref<8x256xf32, #tpu.memory_space<vmem>>, vector<16xf32>,
      %get3A_708 = arith.constant 2 : i32
      %get3A_709 = arith.index_cast %get3A_708 : i32 to index
      %get3A_710 = arith.constant 160 : index
      %get3A_711 = tpu.vector_load %arg9[%get3A_709, %get3A_710] {strides = array<i32>} : memref<8x256xf32, #tpu.memory_space<vmem>>, vector<16xf32>,
      %mul3A_712 = arith.mulf %get3A_707, %get3A_711 : vector<16xf32>
      %add3A_713 = arith.addf %add3A_699, %mul3A_712 : vector<16xf32>
      %mul3A_714 = arith.mulf %get3A_707, %get3A_707 : vector<16xf32>
      %add3A_715 = arith.addf %add3A_701, %mul3A_714 : vector<16xf32>
      %mul3A_716 = arith.mulf %get3A_711, %get3A_711 : vector<16xf32>
      %add3A_717 = arith.addf %add3A_703, %mul3A_716 : vector<16xf32>
      %get3A_718 = arith.constant 2 : i32
      %get3A_719 = arith.index_cast %get3A_718 : i32 to index
      %get3A_720 = arith.constant 176 : index
      %get3A_721 = tpu.vector_load %arg8[%get3A_719, %get3A_720] {strides = array<i32>} : memref<8x256xf32, #tpu.memory_space<vmem>>, vector<16xf32>,
      %get3A_722 = arith.constant 2 : i32
      %get3A_723 = arith.index_cast %get3A_722 : i32 to index
      %get3A_724 = arith.constant 176 : index
      %get3A_725 = tpu.vector_load %arg9[%get3A_723, %get3A_724] {strides = array<i32>} : memref<8x256xf32, #tpu.memory_space<vmem>>, vector<16xf32>,
      %mul3A_726 = arith.mulf %get3A_721, %get3A_725 : vector<16xf32>
      %add3A_727 = arith.addf %add3A_713, %mul3A_726 : vector<16xf32>
      %mul3A_728 = arith.mulf %get3A_721, %get3A_721 : vector<16xf32>
      %add3A_729 = arith.addf %add3A_715, %mul3A_728 : vector<16xf32>
      %mul3A_730 = arith.mulf %get3A_725, %get3A_725 : vector<16xf32>
      %add3A_731 = arith.addf %add3A_717, %mul3A_730 : vector<16xf32>
      %get3A_732 = arith.constant 2 : i32
      %get3A_733 = arith.index_cast %get3A_732 : i32 to index
      %get3A_734 = arith.constant 192 : index
      %get3A_735 = tpu.vector_load %arg8[%get3A_733, %get3A_734] {strides = array<i32>} : memref<8x256xf32, #tpu.memory_space<vmem>>, vector<16xf32>,
      %get3A_736 = arith.constant 2 : i32
      %get3A_737 = arith.index_cast %get3A_736 : i32 to index
      %get3A_738 = arith.constant 192 : index
      %get3A_739 = tpu.vector_load %arg9[%get3A_737, %get3A_738] {strides = array<i32>} : memref<8x256xf32, #tpu.memory_space<vmem>>, vector<16xf32>,
      %mul3A_740 = arith.mulf %get3A_735, %get3A_739 : vector<16xf32>
      %add3A_741 = arith.addf %add3A_727, %mul3A_740 : vector<16xf32>
      %mul3A_742 = arith.mulf %get3A_735, %get3A_735 : vector<16xf32>
      %add3A_743 = arith.addf %add3A_729, %mul3A_742 : vector<16xf32>
      %mul3A_744 = arith.mulf %get3A_739, %get3A_739 : vector<16xf32>
      %add3A_745 = arith.addf %add3A_731, %mul3A_744 : vector<16xf32>
      %get3A_746 = arith.constant 2 : i32
      %get3A_747 = arith.index_cast %get3A_746 : i32 to index
      %get3A_748 = arith.constant 208 : index
      %get3A_749 = tpu.vector_load %arg8[%get3A_747, %get3A_748] {strides = array<i32>} : memref<8x256xf32, #tpu.memory_space<vmem>>, vector<16xf32>,
      %get3A_750 = arith.constant 2 : i32
      %get3A_751 = arith.index_cast %get3A_750 : i32 to index
      %get3A_752 = arith.constant 208 : index
      %get3A_753 = tpu.vector_load %arg9[%get3A_751, %get3A_752] {strides = array<i32>} : memref<8x256xf32, #tpu.memory_space<vmem>>, vector<16xf32>,
      %mul3A_754 = arith.mulf %get3A_749, %get3A_753 : vector<16xf32>
      %add3A_755 = arith.addf %add3A_741, %mul3A_754 : vector<16xf32>
      %mul3A_756 = arith.mulf %get3A_749, %get3A_749 : vector<16xf32>
      %add3A_757 = arith.addf %add3A_743, %mul3A_756 : vector<16xf32>
      %mul3A_758 = arith.mulf %get3A_753, %get3A_753 : vector<16xf32>
      %add3A_759 = arith.addf %add3A_745, %mul3A_758 : vector<16xf32>
      %get3A_760 = arith.constant 2 : i32
      %get3A_761 = arith.index_cast %get3A_760 : i32 to index
      %get3A_762 = arith.constant 224 : index
      %get3A_763 = tpu.vector_load %arg8[%get3A_761, %get3A_762] {strides = array<i32>} : memref<8x256xf32, #tpu.memory_space<vmem>>, vector<16xf32>,
      %get3A_764 = arith.constant 2 : i32
      %get3A_765 = arith.index_cast %get3A_764 : i32 to index
      %get3A_766 = arith.constant 224 : index
      %get3A_767 = tpu.vector_load %arg9[%get3A_765, %get3A_766] {strides = array<i32>} : memref<8x256xf32, #tpu.memory_space<vmem>>, vector<16xf32>,
      %mul3A_768 = arith.mulf %get3A_763, %get3A_767 : vector<16xf32>
      %add3A_769 = arith.addf %add3A_755, %mul3A_768 : vector<16xf32>
      %mul3A_770 = arith.mulf %get3A_763, %get3A_763 : vector<16xf32>
      %add3A_771 = arith.addf %add3A_757, %mul3A_770 : vector<16xf32>
      %mul3A_772 = arith.mulf %get3A_767, %get3A_767 : vector<16xf32>
      %add3A_773 = arith.addf %add3A_759, %mul3A_772 : vector<16xf32>
      %get3A_774 = arith.constant 2 : i32
      %get3A_775 = arith.index_cast %get3A_774 : i32 to index
      %get3A_776 = arith.constant 240 : index
      %get3A_777 = tpu.vector_load %arg8[%get3A_775, %get3A_776] {strides = array<i32>} : memref<8x256xf32, #tpu.memory_space<vmem>>, vector<16xf32>,
      %get3A_778 = arith.constant 2 : i32
      %get3A_779 = arith.index_cast %get3A_778 : i32 to index
      %get3A_780 = arith.constant 240 : index
      %get3A_781 = tpu.vector_load %arg9[%get3A_779, %get3A_780] {strides = array<i32>} : memref<8x256xf32, #tpu.memory_space<vmem>>, vector<16xf32>,
      %mul3A_782 = arith.mulf %get3A_777, %get3A_781 : vector<16xf32>
      %add3A_783 = arith.addf %add3A_769, %mul3A_782 : vector<16xf32>
      %mul3A_784 = arith.mulf %get3A_777, %get3A_777 : vector<16xf32>
      %add3A_785 = arith.addf %add3A_771, %mul3A_784 : vector<16xf32>
      %mul3A_786 = arith.mulf %get3A_781, %get3A_781 : vector<16xf32>
      %add3A_787 = arith.addf %add3A_773, %mul3A_786 : vector<16xf32>
      %eq3A_788 = arith.constant 2 : i32
      %eq3A_789 = vector.broadcast %eq3A_788 : i32 to vector<16xi32>
      %eq3A_790 = arith.cmpi eq, %iota3A, %eq3A_789 : vector<16xi32>
      %reduce_sum3A_791 = arith.constant true
      %reduce_sum3A_792 = vector.broadcast %reduce_sum3A_791 : i1 to vector<16xi1>
      %reduce_sum3A_793 = tpu.scan <sum>, %add3A_783 masked %reduce_sum3A_792 : vector<16xf32>, vector<16xi1> -> vector<16xf32>
      %reduce_sum3A_794 = vector.extract %reduce_sum3A_793[15] : f32 from vector<16xf32>
      %broadcast_in_dim3A_795 = vector.broadcast %reduce_sum3A_794 : f32 to vector<16xf32>
      %select_n3A_796 = arith.select %eq3A_790, %broadcast_in_dim3A_795, %select_n3A_545 : vector<16xi1>, vector<16xf32>
      %reduce_sum3A_797 = arith.constant true
      %reduce_sum3A_798 = vector.broadcast %reduce_sum3A_797 : i1 to vector<16xi1>
      %reduce_sum3A_799 = tpu.scan <sum>, %add3A_785 masked %reduce_sum3A_798 : vector<16xf32>, vector<16xi1> -> vector<16xf32>
      %reduce_sum3A_800 = vector.extract %reduce_sum3A_799[15] : f32 from vector<16xf32>
      %broadcast_in_dim3A_801 = vector.broadcast %reduce_sum3A_800 : f32 to vector<16xf32>
      %select_n3A_802 = arith.select %eq3A_790, %broadcast_in_dim3A_801, %select_n3A_551 : vector<16xi1>, vector<16xf32>
      %reduce_sum3A_803 = arith.constant true
      %reduce_sum3A_804 = vector.broadcast %reduce_sum3A_803 : i1 to vector<16xi1>
      %reduce_sum3A_805 = tpu.scan <sum>, %add3A_787 masked %reduce_sum3A_804 : vector<16xf32>, vector<16xi1> -> vector<16xf32>
      %reduce_sum3A_806 = vector.extract %reduce_sum3A_805[15] : f32 from vector<16xf32>
      %broadcast_in_dim3A_807 = vector.broadcast %reduce_sum3A_806 : f32 to vector<16xf32>
      %select_n3A_808 = arith.select %eq3A_790, %broadcast_in_dim3A_807, %select_n3A_557 : vector<16xi1>, vector<16xf32>
      %broadcast_in_dim3A_809 = arith.constant 0.000000e+00 : f32
      %broadcast_in_dim3A_810 = vector.broadcast %broadcast_in_dim3A_809 : f32 to vector<16xf32>
      %broadcast_in_dim3A_811 = arith.constant 0.000000e+00 : f32
      %broadcast_in_dim3A_812 = vector.broadcast %broadcast_in_dim3A_811 : f32 to vector<16xf32>
      %broadcast_in_dim3A_813 = arith.constant 0.000000e+00 : f32
      %broadcast_in_dim3A_814 = vector.broadcast %broadcast_in_dim3A_813 : f32 to vector<16xf32>
      %get3A_815 = arith.constant 3 : i32
      %get3A_816 = arith.index_cast %get3A_815 : i32 to index
      %get3A_817 = arith.constant 0 : index
      %get3A_818 = tpu.vector_load %arg8[%get3A_816, %get3A_817] {strides = array<i32>} : memref<8x256xf32, #tpu.memory_space<vmem>>, vector<16xf32>,
      %get3A_819 = arith.constant 3 : i32
      %get3A_820 = arith.index_cast %get3A_819 : i32 to index
      %get3A_821 = arith.constant 0 : index
      %get3A_822 = tpu.vector_load %arg9[%get3A_820, %get3A_821] {strides = array<i32>} : memref<8x256xf32, #tpu.memory_space<vmem>>, vector<16xf32>,
      %mul3A_823 = arith.mulf %get3A_818, %get3A_822 : vector<16xf32>
      %add3A_824 = arith.addf %broadcast_in_dim3A_810, %mul3A_823 : vector<16xf32>
      %mul3A_825 = arith.mulf %get3A_818, %get3A_818 : vector<16xf32>
      %add3A_826 = arith.addf %broadcast_in_dim3A_812, %mul3A_825 : vector<16xf32>
      %mul3A_827 = arith.mulf %get3A_822, %get3A_822 : vector<16xf32>
      %add3A_828 = arith.addf %broadcast_in_dim3A_814, %mul3A_827 : vector<16xf32>
      %get3A_829 = arith.constant 3 : i32
      %get3A_830 = arith.index_cast %get3A_829 : i32 to index
      %get3A_831 = arith.constant 16 : index
      %get3A_832 = tpu.vector_load %arg8[%get3A_830, %get3A_831] {strides = array<i32>} : memref<8x256xf32, #tpu.memory_space<vmem>>, vector<16xf32>,
      %get3A_833 = arith.constant 3 : i32
      %get3A_834 = arith.index_cast %get3A_833 : i32 to index
      %get3A_835 = arith.constant 16 : index
      %get3A_836 = tpu.vector_load %arg9[%get3A_834, %get3A_835] {strides = array<i32>} : memref<8x256xf32, #tpu.memory_space<vmem>>, vector<16xf32>,
      %mul3A_837 = arith.mulf %get3A_832, %get3A_836 : vector<16xf32>
      %add3A_838 = arith.addf %add3A_824, %mul3A_837 : vector<16xf32>
      %mul3A_839 = arith.mulf %get3A_832, %get3A_832 : vector<16xf32>
      %add3A_840 = arith.addf %add3A_826, %mul3A_839 : vector<16xf32>
      %mul3A_841 = arith.mulf %get3A_836, %get3A_836 : vector<16xf32>
      %add3A_842 = arith.addf %add3A_828, %mul3A_841 : vector<16xf32>
      %get3A_843 = arith.constant 3 : i32
      %get3A_844 = arith.index_cast %get3A_843 : i32 to index
      %get3A_845 = arith.constant 32 : index
      %get3A_846 = tpu.vector_load %arg8[%get3A_844, %get3A_845] {strides = array<i32>} : memref<8x256xf32, #tpu.memory_space<vmem>>, vector<16xf32>,
      %get3A_847 = arith.constant 3 : i32
      %get3A_848 = arith.index_cast %get3A_847 : i32 to index
      %get3A_849 = arith.constant 32 : index
      %get3A_850 = tpu.vector_load %arg9[%get3A_848, %get3A_849] {strides = array<i32>} : memref<8x256xf32, #tpu.memory_space<vmem>>, vector<16xf32>,
      %mul3A_851 = arith.mulf %get3A_846, %get3A_850 : vector<16xf32>
      %add3A_852 = arith.addf %add3A_838, %mul3A_851 : vector<16xf32>
      %mul3A_853 = arith.mulf %get3A_846, %get3A_846 : vector<16xf32>
      %add3A_854 = arith.addf %add3A_840, %mul3A_853 : vector<16xf32>
      %mul3A_855 = arith.mulf %get3A_850, %get3A_850 : vector<16xf32>
      %add3A_856 = arith.addf %add3A_842, %mul3A_855 : vector<16xf32>
      %get3A_857 = arith.constant 3 : i32
      %get3A_858 = arith.index_cast %get3A_857 : i32 to index
      %get3A_859 = arith.constant 48 : index
      %get3A_860 = tpu.vector_load %arg8[%get3A_858, %get3A_859] {strides = array<i32>} : memref<8x256xf32, #tpu.memory_space<vmem>>, vector<16xf32>,
      %get3A_861 = arith.constant 3 : i32
      %get3A_862 = arith.index_cast %get3A_861 : i32 to index
      %get3A_863 = arith.constant 48 : index
      %get3A_864 = tpu.vector_load %arg9[%get3A_862, %get3A_863] {strides = array<i32>} : memref<8x256xf32, #tpu.memory_space<vmem>>, vector<16xf32>,
      %mul3A_865 = arith.mulf %get3A_860, %get3A_864 : vector<16xf32>
      %add3A_866 = arith.addf %add3A_852, %mul3A_865 : vector<16xf32>
      %mul3A_867 = arith.mulf %get3A_860, %get3A_860 : vector<16xf32>
      %add3A_868 = arith.addf %add3A_854, %mul3A_867 : vector<16xf32>
      %mul3A_869 = arith.mulf %get3A_864, %get3A_864 : vector<16xf32>
      %add3A_870 = arith.addf %add3A_856, %mul3A_869 : vector<16xf32>
      %get3A_871 = arith.constant 3 : i32
      %get3A_872 = arith.index_cast %get3A_871 : i32 to index
      %get3A_873 = arith.constant 64 : index
      %get3A_874 = tpu.vector_load %arg8[%get3A_872, %get3A_873] {strides = array<i32>} : memref<8x256xf32, #tpu.memory_space<vmem>>, vector<16xf32>,
      %get3A_875 = arith.constant 3 : i32
      %get3A_876 = arith.index_cast %get3A_875 : i32 to index
      %get3A_877 = arith.constant 64 : index
      %get3A_878 = tpu.vector_load %arg9[%get3A_876, %get3A_877] {strides = array<i32>} : memref<8x256xf32, #tpu.memory_space<vmem>>, vector<16xf32>,
      %mul3A_879 = arith.mulf %get3A_874, %get3A_878 : vector<16xf32>
      %add3A_880 = arith.addf %add3A_866, %mul3A_879 : vector<16xf32>
      %mul3A_881 = arith.mulf %get3A_874, %get3A_874 : vector<16xf32>
      %add3A_882 = arith.addf %add3A_868, %mul3A_881 : vector<16xf32>
      %mul3A_883 = arith.mulf %get3A_878, %get3A_878 : vector<16xf32>
      %add3A_884 = arith.addf %add3A_870, %mul3A_883 : vector<16xf32>
      %get3A_885 = arith.constant 3 : i32
      %get3A_886 = arith.index_cast %get3A_885 : i32 to index
      %get3A_887 = arith.constant 80 : index
      %get3A_888 = tpu.vector_load %arg8[%get3A_886, %get3A_887] {strides = array<i32>} : memref<8x256xf32, #tpu.memory_space<vmem>>, vector<16xf32>,
      %get3A_889 = arith.constant 3 : i32
      %get3A_890 = arith.index_cast %get3A_889 : i32 to index
      %get3A_891 = arith.constant 80 : index
      %get3A_892 = tpu.vector_load %arg9[%get3A_890, %get3A_891] {strides = array<i32>} : memref<8x256xf32, #tpu.memory_space<vmem>>, vector<16xf32>,
      %mul3A_893 = arith.mulf %get3A_888, %get3A_892 : vector<16xf32>
      %add3A_894 = arith.addf %add3A_880, %mul3A_893 : vector<16xf32>
      %mul3A_895 = arith.mulf %get3A_888, %get3A_888 : vector<16xf32>
      %add3A_896 = arith.addf %add3A_882, %mul3A_895 : vector<16xf32>
      %mul3A_897 = arith.mulf %get3A_892, %get3A_892 : vector<16xf32>
      %add3A_898 = arith.addf %add3A_884, %mul3A_897 : vector<16xf32>
      %get3A_899 = arith.constant 3 : i32
      %get3A_900 = arith.index_cast %get3A_899 : i32 to index
      %get3A_901 = arith.constant 96 : index
      %get3A_902 = tpu.vector_load %arg8[%get3A_900, %get3A_901] {strides = array<i32>} : memref<8x256xf32, #tpu.memory_space<vmem>>, vector<16xf32>,
      %get3A_903 = arith.constant 3 : i32
      %get3A_904 = arith.index_cast %get3A_903 : i32 to index
      %get3A_905 = arith.constant 96 : index
      %get3A_906 = tpu.vector_load %arg9[%get3A_904, %get3A_905] {strides = array<i32>} : memref<8x256xf32, #tpu.memory_space<vmem>>, vector<16xf32>,
      %mul3A_907 = arith.mulf %get3A_902, %get3A_906 : vector<16xf32>
      %add3A_908 = arith.addf %add3A_894, %mul3A_907 : vector<16xf32>
      %mul3A_909 = arith.mulf %get3A_902, %get3A_902 : vector<16xf32>
      %add3A_910 = arith.addf %add3A_896, %mul3A_909 : vector<16xf32>
      %mul3A_911 = arith.mulf %get3A_906, %get3A_906 : vector<16xf32>
      %add3A_912 = arith.addf %add3A_898, %mul3A_911 : vector<16xf32>
      %get3A_913 = arith.constant 3 : i32
      %get3A_914 = arith.index_cast %get3A_913 : i32 to index
      %get3A_915 = arith.constant 112 : index
      %get3A_916 = tpu.vector_load %arg8[%get3A_914, %get3A_915] {strides = array<i32>} : memref<8x256xf32, #tpu.memory_space<vmem>>, vector<16xf32>,
      %get3A_917 = arith.constant 3 : i32
      %get3A_918 = arith.index_cast %get3A_917 : i32 to index
      %get3A_919 = arith.constant 112 : index
      %get3A_920 = tpu.vector_load %arg9[%get3A_918, %get3A_919] {strides = array<i32>} : memref<8x256xf32, #tpu.memory_space<vmem>>, vector<16xf32>,
      %mul3A_921 = arith.mulf %get3A_916, %get3A_920 : vector<16xf32>
      %add3A_922 = arith.addf %add3A_908, %mul3A_921 : vector<16xf32>
      %mul3A_923 = arith.mulf %get3A_916, %get3A_916 : vector<16xf32>
      %add3A_924 = arith.addf %add3A_910, %mul3A_923 : vector<16xf32>
      %mul3A_925 = arith.mulf %get3A_920, %get3A_920 : vector<16xf32>
      %add3A_926 = arith.addf %add3A_912, %mul3A_925 : vector<16xf32>
      %get3A_927 = arith.constant 3 : i32
      %get3A_928 = arith.index_cast %get3A_927 : i32 to index
      %get3A_929 = arith.constant 128 : index
      %get3A_930 = tpu.vector_load %arg8[%get3A_928, %get3A_929] {strides = array<i32>} : memref<8x256xf32, #tpu.memory_space<vmem>>, vector<16xf32>,
      %get3A_931 = arith.constant 3 : i32
      %get3A_932 = arith.index_cast %get3A_931 : i32 to index
      %get3A_933 = arith.constant 128 : index
      %get3A_934 = tpu.vector_load %arg9[%get3A_932, %get3A_933] {strides = array<i32>} : memref<8x256xf32, #tpu.memory_space<vmem>>, vector<16xf32>,
      %mul3A_935 = arith.mulf %get3A_930, %get3A_934 : vector<16xf32>
      %add3A_936 = arith.addf %add3A_922, %mul3A_935 : vector<16xf32>
      %mul3A_937 = arith.mulf %get3A_930, %get3A_930 : vector<16xf32>
      %add3A_938 = arith.addf %add3A_924, %mul3A_937 : vector<16xf32>
      %mul3A_939 = arith.mulf %get3A_934, %get3A_934 : vector<16xf32>
      %add3A_940 = arith.addf %add3A_926, %mul3A_939 : vector<16xf32>
      %get3A_941 = arith.constant 3 : i32
      %get3A_942 = arith.index_cast %get3A_941 : i32 to index
      %get3A_943 = arith.constant 144 : index
      %get3A_944 = tpu.vector_load %arg8[%get3A_942, %get3A_943] {strides = array<i32>} : memref<8x256xf32, #tpu.memory_space<vmem>>, vector<16xf32>,
      %get3A_945 = arith.constant 3 : i32
      %get3A_946 = arith.index_cast %get3A_945 : i32 to index
      %get3A_947 = arith.constant 144 : index
      %get3A_948 = tpu.vector_load %arg9[%get3A_946, %get3A_947] {strides = array<i32>} : memref<8x256xf32, #tpu.memory_space<vmem>>, vector<16xf32>,
      %mul3A_949 = arith.mulf %get3A_944, %get3A_948 : vector<16xf32>
      %add3A_950 = arith.addf %add3A_936, %mul3A_949 : vector<16xf32>
      %mul3A_951 = arith.mulf %get3A_944, %get3A_944 : vector<16xf32>
      %add3A_952 = arith.addf %add3A_938, %mul3A_951 : vector<16xf32>
      %mul3A_953 = arith.mulf %get3A_948, %get3A_948 : vector<16xf32>
      %add3A_954 = arith.addf %add3A_940, %mul3A_953 : vector<16xf32>
      %get3A_955 = arith.constant 3 : i32
      %get3A_956 = arith.index_cast %get3A_955 : i32 to index
      %get3A_957 = arith.constant 160 : index
      %get3A_958 = tpu.vector_load %arg8[%get3A_956, %get3A_957] {strides = array<i32>} : memref<8x256xf32, #tpu.memory_space<vmem>>, vector<16xf32>,
      %get3A_959 = arith.constant 3 : i32
      %get3A_960 = arith.index_cast %get3A_959 : i32 to index
      %get3A_961 = arith.constant 160 : index
      %get3A_962 = tpu.vector_load %arg9[%get3A_960, %get3A_961] {strides = array<i32>} : memref<8x256xf32, #tpu.memory_space<vmem>>, vector<16xf32>,
      %mul3A_963 = arith.mulf %get3A_958, %get3A_962 : vector<16xf32>
      %add3A_964 = arith.addf %add3A_950, %mul3A_963 : vector<16xf32>
      %mul3A_965 = arith.mulf %get3A_958, %get3A_958 : vector<16xf32>
      %add3A_966 = arith.addf %add3A_952, %mul3A_965 : vector<16xf32>
      %mul3A_967 = arith.mulf %get3A_962, %get3A_962 : vector<16xf32>
      %add3A_968 = arith.addf %add3A_954, %mul3A_967 : vector<16xf32>
      %get3A_969 = arith.constant 3 : i32
      %get3A_970 = arith.index_cast %get3A_969 : i32 to index
      %get3A_971 = arith.constant 176 : index
      %get3A_972 = tpu.vector_load %arg8[%get3A_970, %get3A_971] {strides = array<i32>} : memref<8x256xf32, #tpu.memory_space<vmem>>, vector<16xf32>,
      %get3A_973 = arith.constant 3 : i32
      %get3A_974 = arith.index_cast %get3A_973 : i32 to index
      %get3A_975 = arith.constant 176 : index
      %get3A_976 = tpu.vector_load %arg9[%get3A_974, %get3A_975] {strides = array<i32>} : memref<8x256xf32, #tpu.memory_space<vmem>>, vector<16xf32>,
      %mul3A_977 = arith.mulf %get3A_972, %get3A_976 : vector<16xf32>
      %add3A_978 = arith.addf %add3A_964, %mul3A_977 : vector<16xf32>
      %mul3A_979 = arith.mulf %get3A_972, %get3A_972 : vector<16xf32>
      %add3A_980 = arith.addf %add3A_966, %mul3A_979 : vector<16xf32>
      %mul3A_981 = arith.mulf %get3A_976, %get3A_976 : vector<16xf32>
      %add3A_982 = arith.addf %add3A_968, %mul3A_981 : vector<16xf32>
      %get3A_983 = arith.constant 3 : i32
      %get3A_984 = arith.index_cast %get3A_983 : i32 to index
      %get3A_985 = arith.constant 192 : index
      %get3A_986 = tpu.vector_load %arg8[%get3A_984, %get3A_985] {strides = array<i32>} : memref<8x256xf32, #tpu.memory_space<vmem>>, vector<16xf32>,
      %get3A_987 = arith.constant 3 : i32
      %get3A_988 = arith.index_cast %get3A_987 : i32 to index
      %get3A_989 = arith.constant 192 : index
      %get3A_990 = tpu.vector_load %arg9[%get3A_988, %get3A_989] {strides = array<i32>} : memref<8x256xf32, #tpu.memory_space<vmem>>, vector<16xf32>,
      %mul3A_991 = arith.mulf %get3A_986, %get3A_990 : vector<16xf32>
      %add3A_992 = arith.addf %add3A_978, %mul3A_991 : vector<16xf32>
      %mul3A_993 = arith.mulf %get3A_986, %get3A_986 : vector<16xf32>
      %add3A_994 = arith.addf %add3A_980, %mul3A_993 : vector<16xf32>
      %mul3A_995 = arith.mulf %get3A_990, %get3A_990 : vector<16xf32>
      %add3A_996 = arith.addf %add3A_982, %mul3A_995 : vector<16xf32>
      %get3A_997 = arith.constant 3 : i32
      %get3A_998 = arith.index_cast %get3A_997 : i32 to index
      %get3A_999 = arith.constant 208 : index
      %get3A_1000 = tpu.vector_load %arg8[%get3A_998, %get3A_999] {strides = array<i32>} : memref<8x256xf32, #tpu.memory_space<vmem>>, vector<16xf32>,
      %get3A_1001 = arith.constant 3 : i32
      %get3A_1002 = arith.index_cast %get3A_1001 : i32 to index
      %get3A_1003 = arith.constant 208 : index
      %get3A_1004 = tpu.vector_load %arg9[%get3A_1002, %get3A_1003] {strides = array<i32>} : memref<8x256xf32, #tpu.memory_space<vmem>>, vector<16xf32>,
      %mul3A_1005 = arith.mulf %get3A_1000, %get3A_1004 : vector<16xf32>
      %add3A_1006 = arith.addf %add3A_992, %mul3A_1005 : vector<16xf32>
      %mul3A_1007 = arith.mulf %get3A_1000, %get3A_1000 : vector<16xf32>
      %add3A_1008 = arith.addf %add3A_994, %mul3A_1007 : vector<16xf32>
      %mul3A_1009 = arith.mulf %get3A_1004, %get3A_1004 : vector<16xf32>
      %add3A_1010 = arith.addf %add3A_996, %mul3A_1009 : vector<16xf32>
      %get3A_1011 = arith.constant 3 : i32
      %get3A_1012 = arith.index_cast %get3A_1011 : i32 to index
      %get3A_1013 = arith.constant 224 : index
      %get3A_1014 = tpu.vector_load %arg8[%get3A_1012, %get3A_1013] {strides = array<i32>} : memref<8x256xf32, #tpu.memory_space<vmem>>, vector<16xf32>,
      %get3A_1015 = arith.constant 3 : i32
      %get3A_1016 = arith.index_cast %get3A_1015 : i32 to index
      %get3A_1017 = arith.constant 224 : index
      %get3A_1018 = tpu.vector_load %arg9[%get3A_1016, %get3A_1017] {strides = array<i32>} : memref<8x256xf32, #tpu.memory_space<vmem>>, vector<16xf32>,
      %mul3A_1019 = arith.mulf %get3A_1014, %get3A_1018 : vector<16xf32>
      %add3A_1020 = arith.addf %add3A_1006, %mul3A_1019 : vector<16xf32>
      %mul3A_1021 = arith.mulf %get3A_1014, %get3A_1014 : vector<16xf32>
      %add3A_1022 = arith.addf %add3A_1008, %mul3A_1021 : vector<16xf32>
      %mul3A_1023 = arith.mulf %get3A_1018, %get3A_1018 : vector<16xf32>
      %add3A_1024 = arith.addf %add3A_1010, %mul3A_1023 : vector<16xf32>
      %get3A_1025 = arith.constant 3 : i32
      %get3A_1026 = arith.index_cast %get3A_1025 : i32 to index
      %get3A_1027 = arith.constant 240 : index
      %get3A_1028 = tpu.vector_load %arg8[%get3A_1026, %get3A_1027] {strides = array<i32>} : memref<8x256xf32, #tpu.memory_space<vmem>>, vector<16xf32>,
      %get3A_1029 = arith.constant 3 : i32
      %get3A_1030 = arith.index_cast %get3A_1029 : i32 to index
      %get3A_1031 = arith.constant 240 : index
      %get3A_1032 = tpu.vector_load %arg9[%get3A_1030, %get3A_1031] {strides = array<i32>} : memref<8x256xf32, #tpu.memory_space<vmem>>, vector<16xf32>,
      %mul3A_1033 = arith.mulf %get3A_1028, %get3A_1032 : vector<16xf32>
      %add3A_1034 = arith.addf %add3A_1020, %mul3A_1033 : vector<16xf32>
      %mul3A_1035 = arith.mulf %get3A_1028, %get3A_1028 : vector<16xf32>
      %add3A_1036 = arith.addf %add3A_1022, %mul3A_1035 : vector<16xf32>
      %mul3A_1037 = arith.mulf %get3A_1032, %get3A_1032 : vector<16xf32>
      %add3A_1038 = arith.addf %add3A_1024, %mul3A_1037 : vector<16xf32>
      %eq3A_1039 = arith.constant 3 : i32
      %eq3A_1040 = vector.broadcast %eq3A_1039 : i32 to vector<16xi32>
      %eq3A_1041 = arith.cmpi eq, %iota3A, %eq3A_1040 : vector<16xi32>
      %reduce_sum3A_1042 = arith.constant true
      %reduce_sum3A_1043 = vector.broadcast %reduce_sum3A_1042 : i1 to vector<16xi1>
      %reduce_sum3A_1044 = tpu.scan <sum>, %add3A_1034 masked %reduce_sum3A_1043 : vector<16xf32>, vector<16xi1> -> vector<16xf32>
      %reduce_sum3A_1045 = vector.extract %reduce_sum3A_1044[15] : f32 from vector<16xf32>
      %broadcast_in_dim3A_1046 = vector.broadcast %reduce_sum3A_1045 : f32 to vector<16xf32>
      %select_n3A_1047 = arith.select %eq3A_1041, %broadcast_in_dim3A_1046, %select_n3A_796 : vector<16xi1>, vector<16xf32>
      %reduce_sum3A_1048 = arith.constant true
      %reduce_sum3A_1049 = vector.broadcast %reduce_sum3A_1048 : i1 to vector<16xi1>
      %reduce_sum3A_1050 = tpu.scan <sum>, %add3A_1036 masked %reduce_sum3A_1049 : vector<16xf32>, vector<16xi1> -> vector<16xf32>
      %reduce_sum3A_1051 = vector.extract %reduce_sum3A_1050[15] : f32 from vector<16xf32>
      %broadcast_in_dim3A_1052 = vector.broadcast %reduce_sum3A_1051 : f32 to vector<16xf32>
      %select_n3A_1053 = arith.select %eq3A_1041, %broadcast_in_dim3A_1052, %select_n3A_802 : vector<16xi1>, vector<16xf32>
      %reduce_sum3A_1054 = arith.constant true
      %reduce_sum3A_1055 = vector.broadcast %reduce_sum3A_1054 : i1 to vector<16xi1>
      %reduce_sum3A_1056 = tpu.scan <sum>, %add3A_1038 masked %reduce_sum3A_1055 : vector<16xf32>, vector<16xi1> -> vector<16xf32>
      %reduce_sum3A_1057 = vector.extract %reduce_sum3A_1056[15] : f32 from vector<16xf32>
      %broadcast_in_dim3A_1058 = vector.broadcast %reduce_sum3A_1057 : f32 to vector<16xf32>
      %select_n3A_1059 = arith.select %eq3A_1041, %broadcast_in_dim3A_1058, %select_n3A_808 : vector<16xi1>, vector<16xf32>
      %broadcast_in_dim3A_1060 = arith.constant 0.000000e+00 : f32
      %broadcast_in_dim3A_1061 = vector.broadcast %broadcast_in_dim3A_1060 : f32 to vector<16xf32>
      %broadcast_in_dim3A_1062 = arith.constant 0.000000e+00 : f32
      %broadcast_in_dim3A_1063 = vector.broadcast %broadcast_in_dim3A_1062 : f32 to vector<16xf32>
      %broadcast_in_dim3A_1064 = arith.constant 0.000000e+00 : f32
      %broadcast_in_dim3A_1065 = vector.broadcast %broadcast_in_dim3A_1064 : f32 to vector<16xf32>
      %get3A_1066 = arith.constant 4 : i32
      %get3A_1067 = arith.index_cast %get3A_1066 : i32 to index
      %get3A_1068 = arith.constant 0 : index
      %get3A_1069 = tpu.vector_load %arg8[%get3A_1067, %get3A_1068] {strides = array<i32>} : memref<8x256xf32, #tpu.memory_space<vmem>>, vector<16xf32>,
      %get3A_1070 = arith.constant 4 : i32
      %get3A_1071 = arith.index_cast %get3A_1070 : i32 to index
      %get3A_1072 = arith.constant 0 : index
      %get3A_1073 = tpu.vector_load %arg9[%get3A_1071, %get3A_1072] {strides = array<i32>} : memref<8x256xf32, #tpu.memory_space<vmem>>, vector<16xf32>,
      %mul3A_1074 = arith.mulf %get3A_1069, %get3A_1073 : vector<16xf32>
      %add3A_1075 = arith.addf %broadcast_in_dim3A_1061, %mul3A_1074 : vector<16xf32>
      %mul3A_1076 = arith.mulf %get3A_1069, %get3A_1069 : vector<16xf32>
      %add3A_1077 = arith.addf %broadcast_in_dim3A_1063, %mul3A_1076 : vector<16xf32>
      %mul3A_1078 = arith.mulf %get3A_1073, %get3A_1073 : vector<16xf32>
      %add3A_1079 = arith.addf %broadcast_in_dim3A_1065, %mul3A_1078 : vector<16xf32>
      %get3A_1080 = arith.constant 4 : i32
      %get3A_1081 = arith.index_cast %get3A_1080 : i32 to index
      %get3A_1082 = arith.constant 16 : index
      %get3A_1083 = tpu.vector_load %arg8[%get3A_1081, %get3A_1082] {strides = array<i32>} : memref<8x256xf32, #tpu.memory_space<vmem>>, vector<16xf32>,
      %get3A_1084 = arith.constant 4 : i32
      %get3A_1085 = arith.index_cast %get3A_1084 : i32 to index
      %get3A_1086 = arith.constant 16 : index
      %get3A_1087 = tpu.vector_load %arg9[%get3A_1085, %get3A_1086] {strides = array<i32>} : memref<8x256xf32, #tpu.memory_space<vmem>>, vector<16xf32>,
      %mul3A_1088 = arith.mulf %get3A_1083, %get3A_1087 : vector<16xf32>
      %add3A_1089 = arith.addf %add3A_1075, %mul3A_1088 : vector<16xf32>
      %mul3A_1090 = arith.mulf %get3A_1083, %get3A_1083 : vector<16xf32>
      %add3A_1091 = arith.addf %add3A_1077, %mul3A_1090 : vector<16xf32>
      %mul3A_1092 = arith.mulf %get3A_1087, %get3A_1087 : vector<16xf32>
      %add3A_1093 = arith.addf %add3A_1079, %mul3A_1092 : vector<16xf32>
      %get3A_1094 = arith.constant 4 : i32
      %get3A_1095 = arith.index_cast %get3A_1094 : i32 to index
      %get3A_1096 = arith.constant 32 : index
      %get3A_1097 = tpu.vector_load %arg8[%get3A_1095, %get3A_1096] {strides = array<i32>} : memref<8x256xf32, #tpu.memory_space<vmem>>, vector<16xf32>,
      %get3A_1098 = arith.constant 4 : i32
      %get3A_1099 = arith.index_cast %get3A_1098 : i32 to index
      %get3A_1100 = arith.constant 32 : index
      %get3A_1101 = tpu.vector_load %arg9[%get3A_1099, %get3A_1100] {strides = array<i32>} : memref<8x256xf32, #tpu.memory_space<vmem>>, vector<16xf32>,
      %mul3A_1102 = arith.mulf %get3A_1097, %get3A_1101 : vector<16xf32>
      %add3A_1103 = arith.addf %add3A_1089, %mul3A_1102 : vector<16xf32>
      %mul3A_1104 = arith.mulf %get3A_1097, %get3A_1097 : vector<16xf32>
      %add3A_1105 = arith.addf %add3A_1091, %mul3A_1104 : vector<16xf32>
      %mul3A_1106 = arith.mulf %get3A_1101, %get3A_1101 : vector<16xf32>
      %add3A_1107 = arith.addf %add3A_1093, %mul3A_1106 : vector<16xf32>
      %get3A_1108 = arith.constant 4 : i32
      %get3A_1109 = arith.index_cast %get3A_1108 : i32 to index
      %get3A_1110 = arith.constant 48 : index
      %get3A_1111 = tpu.vector_load %arg8[%get3A_1109, %get3A_1110] {strides = array<i32>} : memref<8x256xf32, #tpu.memory_space<vmem>>, vector<16xf32>,
      %get3A_1112 = arith.constant 4 : i32
      %get3A_1113 = arith.index_cast %get3A_1112 : i32 to index
      %get3A_1114 = arith.constant 48 : index
      %get3A_1115 = tpu.vector_load %arg9[%get3A_1113, %get3A_1114] {strides = array<i32>} : memref<8x256xf32, #tpu.memory_space<vmem>>, vector<16xf32>,
      %mul3A_1116 = arith.mulf %get3A_1111, %get3A_1115 : vector<16xf32>
      %add3A_1117 = arith.addf %add3A_1103, %mul3A_1116 : vector<16xf32>
      %mul3A_1118 = arith.mulf %get3A_1111, %get3A_1111 : vector<16xf32>
      %add3A_1119 = arith.addf %add3A_1105, %mul3A_1118 : vector<16xf32>
      %mul3A_1120 = arith.mulf %get3A_1115, %get3A_1115 : vector<16xf32>
      %add3A_1121 = arith.addf %add3A_1107, %mul3A_1120 : vector<16xf32>
      %get3A_1122 = arith.constant 4 : i32
      %get3A_1123 = arith.index_cast %get3A_1122 : i32 to index
      %get3A_1124 = arith.constant 64 : index
      %get3A_1125 = tpu.vector_load %arg8[%get3A_1123, %get3A_1124] {strides = array<i32>} : memref<8x256xf32, #tpu.memory_space<vmem>>, vector<16xf32>,
      %get3A_1126 = arith.constant 4 : i32
      %get3A_1127 = arith.index_cast %get3A_1126 : i32 to index
      %get3A_1128 = arith.constant 64 : index
      %get3A_1129 = tpu.vector_load %arg9[%get3A_1127, %get3A_1128] {strides = array<i32>} : memref<8x256xf32, #tpu.memory_space<vmem>>, vector<16xf32>,
      %mul3A_1130 = arith.mulf %get3A_1125, %get3A_1129 : vector<16xf32>
      %add3A_1131 = arith.addf %add3A_1117, %mul3A_1130 : vector<16xf32>
      %mul3A_1132 = arith.mulf %get3A_1125, %get3A_1125 : vector<16xf32>
      %add3A_1133 = arith.addf %add3A_1119, %mul3A_1132 : vector<16xf32>
      %mul3A_1134 = arith.mulf %get3A_1129, %get3A_1129 : vector<16xf32>
      %add3A_1135 = arith.addf %add3A_1121, %mul3A_1134 : vector<16xf32>
      %get3A_1136 = arith.constant 4 : i32
      %get3A_1137 = arith.index_cast %get3A_1136 : i32 to index
      %get3A_1138 = arith.constant 80 : index
      %get3A_1139 = tpu.vector_load %arg8[%get3A_1137, %get3A_1138] {strides = array<i32>} : memref<8x256xf32, #tpu.memory_space<vmem>>, vector<16xf32>,
      %get3A_1140 = arith.constant 4 : i32
      %get3A_1141 = arith.index_cast %get3A_1140 : i32 to index
      %get3A_1142 = arith.constant 80 : index
      %get3A_1143 = tpu.vector_load %arg9[%get3A_1141, %get3A_1142] {strides = array<i32>} : memref<8x256xf32, #tpu.memory_space<vmem>>, vector<16xf32>,
      %mul3A_1144 = arith.mulf %get3A_1139, %get3A_1143 : vector<16xf32>
      %add3A_1145 = arith.addf %add3A_1131, %mul3A_1144 : vector<16xf32>
      %mul3A_1146 = arith.mulf %get3A_1139, %get3A_1139 : vector<16xf32>
      %add3A_1147 = arith.addf %add3A_1133, %mul3A_1146 : vector<16xf32>
      %mul3A_1148 = arith.mulf %get3A_1143, %get3A_1143 : vector<16xf32>
      %add3A_1149 = arith.addf %add3A_1135, %mul3A_1148 : vector<16xf32>
      %get3A_1150 = arith.constant 4 : i32
      %get3A_1151 = arith.index_cast %get3A_1150 : i32 to index
      %get3A_1152 = arith.constant 96 : index
      %get3A_1153 = tpu.vector_load %arg8[%get3A_1151, %get3A_1152] {strides = array<i32>} : memref<8x256xf32, #tpu.memory_space<vmem>>, vector<16xf32>,
      %get3A_1154 = arith.constant 4 : i32
      %get3A_1155 = arith.index_cast %get3A_1154 : i32 to index
      %get3A_1156 = arith.constant 96 : index
      %get3A_1157 = tpu.vector_load %arg9[%get3A_1155, %get3A_1156] {strides = array<i32>} : memref<8x256xf32, #tpu.memory_space<vmem>>, vector<16xf32>,
      %mul3A_1158 = arith.mulf %get3A_1153, %get3A_1157 : vector<16xf32>
      %add3A_1159 = arith.addf %add3A_1145, %mul3A_1158 : vector<16xf32>
      %mul3A_1160 = arith.mulf %get3A_1153, %get3A_1153 : vector<16xf32>
      %add3A_1161 = arith.addf %add3A_1147, %mul3A_1160 : vector<16xf32>
      %mul3A_1162 = arith.mulf %get3A_1157, %get3A_1157 : vector<16xf32>
      %add3A_1163 = arith.addf %add3A_1149, %mul3A_1162 : vector<16xf32>
      %get3A_1164 = arith.constant 4 : i32
      %get3A_1165 = arith.index_cast %get3A_1164 : i32 to index
      %get3A_1166 = arith.constant 112 : index
      %get3A_1167 = tpu.vector_load %arg8[%get3A_1165, %get3A_1166] {strides = array<i32>} : memref<8x256xf32, #tpu.memory_space<vmem>>, vector<16xf32>,
      %get3A_1168 = arith.constant 4 : i32
      %get3A_1169 = arith.index_cast %get3A_1168 : i32 to index
      %get3A_1170 = arith.constant 112 : index
      %get3A_1171 = tpu.vector_load %arg9[%get3A_1169, %get3A_1170] {strides = array<i32>} : memref<8x256xf32, #tpu.memory_space<vmem>>, vector<16xf32>,
      %mul3A_1172 = arith.mulf %get3A_1167, %get3A_1171 : vector<16xf32>
      %add3A_1173 = arith.addf %add3A_1159, %mul3A_1172 : vector<16xf32>
      %mul3A_1174 = arith.mulf %get3A_1167, %get3A_1167 : vector<16xf32>
      %add3A_1175 = arith.addf %add3A_1161, %mul3A_1174 : vector<16xf32>
      %mul3A_1176 = arith.mulf %get3A_1171, %get3A_1171 : vector<16xf32>
      %add3A_1177 = arith.addf %add3A_1163, %mul3A_1176 : vector<16xf32>
      %get3A_1178 = arith.constant 4 : i32
      %get3A_1179 = arith.index_cast %get3A_1178 : i32 to index
      %get3A_1180 = arith.constant 128 : index
      %get3A_1181 = tpu.vector_load %arg8[%get3A_1179, %get3A_1180] {strides = array<i32>} : memref<8x256xf32, #tpu.memory_space<vmem>>, vector<16xf32>,
      %get3A_1182 = arith.constant 4 : i32
      %get3A_1183 = arith.index_cast %get3A_1182 : i32 to index
      %get3A_1184 = arith.constant 128 : index
      %get3A_1185 = tpu.vector_load %arg9[%get3A_1183, %get3A_1184] {strides = array<i32>} : memref<8x256xf32, #tpu.memory_space<vmem>>, vector<16xf32>,
      %mul3A_1186 = arith.mulf %get3A_1181, %get3A_1185 : vector<16xf32>
      %add3A_1187 = arith.addf %add3A_1173, %mul3A_1186 : vector<16xf32>
      %mul3A_1188 = arith.mulf %get3A_1181, %get3A_1181 : vector<16xf32>
      %add3A_1189 = arith.addf %add3A_1175, %mul3A_1188 : vector<16xf32>
      %mul3A_1190 = arith.mulf %get3A_1185, %get3A_1185 : vector<16xf32>
      %add3A_1191 = arith.addf %add3A_1177, %mul3A_1190 : vector<16xf32>
      %get3A_1192 = arith.constant 4 : i32
      %get3A_1193 = arith.index_cast %get3A_1192 : i32 to index
      %get3A_1194 = arith.constant 144 : index
      %get3A_1195 = tpu.vector_load %arg8[%get3A_1193, %get3A_1194] {strides = array<i32>} : memref<8x256xf32, #tpu.memory_space<vmem>>, vector<16xf32>,
      %get3A_1196 = arith.constant 4 : i32
      %get3A_1197 = arith.index_cast %get3A_1196 : i32 to index
      %get3A_1198 = arith.constant 144 : index
      %get3A_1199 = tpu.vector_load %arg9[%get3A_1197, %get3A_1198] {strides = array<i32>} : memref<8x256xf32, #tpu.memory_space<vmem>>, vector<16xf32>,
      %mul3A_1200 = arith.mulf %get3A_1195, %get3A_1199 : vector<16xf32>
      %add3A_1201 = arith.addf %add3A_1187, %mul3A_1200 : vector<16xf32>
      %mul3A_1202 = arith.mulf %get3A_1195, %get3A_1195 : vector<16xf32>
      %add3A_1203 = arith.addf %add3A_1189, %mul3A_1202 : vector<16xf32>
      %mul3A_1204 = arith.mulf %get3A_1199, %get3A_1199 : vector<16xf32>
      %add3A_1205 = arith.addf %add3A_1191, %mul3A_1204 : vector<16xf32>
      %get3A_1206 = arith.constant 4 : i32
      %get3A_1207 = arith.index_cast %get3A_1206 : i32 to index
      %get3A_1208 = arith.constant 160 : index
      %get3A_1209 = tpu.vector_load %arg8[%get3A_1207, %get3A_1208] {strides = array<i32>} : memref<8x256xf32, #tpu.memory_space<vmem>>, vector<16xf32>,
      %get3A_1210 = arith.constant 4 : i32
      %get3A_1211 = arith.index_cast %get3A_1210 : i32 to index
      %get3A_1212 = arith.constant 160 : index
      %get3A_1213 = tpu.vector_load %arg9[%get3A_1211, %get3A_1212] {strides = array<i32>} : memref<8x256xf32, #tpu.memory_space<vmem>>, vector<16xf32>,
      %mul3A_1214 = arith.mulf %get3A_1209, %get3A_1213 : vector<16xf32>
      %add3A_1215 = arith.addf %add3A_1201, %mul3A_1214 : vector<16xf32>
      %mul3A_1216 = arith.mulf %get3A_1209, %get3A_1209 : vector<16xf32>
      %add3A_1217 = arith.addf %add3A_1203, %mul3A_1216 : vector<16xf32>
      %mul3A_1218 = arith.mulf %get3A_1213, %get3A_1213 : vector<16xf32>
      %add3A_1219 = arith.addf %add3A_1205, %mul3A_1218 : vector<16xf32>
      %get3A_1220 = arith.constant 4 : i32
      %get3A_1221 = arith.index_cast %get3A_1220 : i32 to index
      %get3A_1222 = arith.constant 176 : index
      %get3A_1223 = tpu.vector_load %arg8[%get3A_1221, %get3A_1222] {strides = array<i32>} : memref<8x256xf32, #tpu.memory_space<vmem>>, vector<16xf32>,
      %get3A_1224 = arith.constant 4 : i32
      %get3A_1225 = arith.index_cast %get3A_1224 : i32 to index
      %get3A_1226 = arith.constant 176 : index
      %get3A_1227 = tpu.vector_load %arg9[%get3A_1225, %get3A_1226] {strides = array<i32>} : memref<8x256xf32, #tpu.memory_space<vmem>>, vector<16xf32>,
      %mul3A_1228 = arith.mulf %get3A_1223, %get3A_1227 : vector<16xf32>
      %add3A_1229 = arith.addf %add3A_1215, %mul3A_1228 : vector<16xf32>
      %mul3A_1230 = arith.mulf %get3A_1223, %get3A_1223 : vector<16xf32>
      %add3A_1231 = arith.addf %add3A_1217, %mul3A_1230 : vector<16xf32>
      %mul3A_1232 = arith.mulf %get3A_1227, %get3A_1227 : vector<16xf32>
      %add3A_1233 = arith.addf %add3A_1219, %mul3A_1232 : vector<16xf32>
      %get3A_1234 = arith.constant 4 : i32
      %get3A_1235 = arith.index_cast %get3A_1234 : i32 to index
      %get3A_1236 = arith.constant 192 : index
      %get3A_1237 = tpu.vector_load %arg8[%get3A_1235, %get3A_1236] {strides = array<i32>} : memref<8x256xf32, #tpu.memory_space<vmem>>, vector<16xf32>,
      %get3A_1238 = arith.constant 4 : i32
      %get3A_1239 = arith.index_cast %get3A_1238 : i32 to index
      %get3A_1240 = arith.constant 192 : index
      %get3A_1241 = tpu.vector_load %arg9[%get3A_1239, %get3A_1240] {strides = array<i32>} : memref<8x256xf32, #tpu.memory_space<vmem>>, vector<16xf32>,
      %mul3A_1242 = arith.mulf %get3A_1237, %get3A_1241 : vector<16xf32>
      %add3A_1243 = arith.addf %add3A_1229, %mul3A_1242 : vector<16xf32>
      %mul3A_1244 = arith.mulf %get3A_1237, %get3A_1237 : vector<16xf32>
      %add3A_1245 = arith.addf %add3A_1231, %mul3A_1244 : vector<16xf32>
      %mul3A_1246 = arith.mulf %get3A_1241, %get3A_1241 : vector<16xf32>
      %add3A_1247 = arith.addf %add3A_1233, %mul3A_1246 : vector<16xf32>
      %get3A_1248 = arith.constant 4 : i32
      %get3A_1249 = arith.index_cast %get3A_1248 : i32 to index
      %get3A_1250 = arith.constant 208 : index
      %get3A_1251 = tpu.vector_load %arg8[%get3A_1249, %get3A_1250] {strides = array<i32>} : memref<8x256xf32, #tpu.memory_space<vmem>>, vector<16xf32>,
      %get3A_1252 = arith.constant 4 : i32
      %get3A_1253 = arith.index_cast %get3A_1252 : i32 to index
      %get3A_1254 = arith.constant 208 : index
      %get3A_1255 = tpu.vector_load %arg9[%get3A_1253, %get3A_1254] {strides = array<i32>} : memref<8x256xf32, #tpu.memory_space<vmem>>, vector<16xf32>,
      %mul3A_1256 = arith.mulf %get3A_1251, %get3A_1255 : vector<16xf32>
      %add3A_1257 = arith.addf %add3A_1243, %mul3A_1256 : vector<16xf32>
      %mul3A_1258 = arith.mulf %get3A_1251, %get3A_1251 : vector<16xf32>
      %add3A_1259 = arith.addf %add3A_1245, %mul3A_1258 : vector<16xf32>
      %mul3A_1260 = arith.mulf %get3A_1255, %get3A_1255 : vector<16xf32>
      %add3A_1261 = arith.addf %add3A_1247, %mul3A_1260 : vector<16xf32>
      %get3A_1262 = arith.constant 4 : i32
      %get3A_1263 = arith.index_cast %get3A_1262 : i32 to index
      %get3A_1264 = arith.constant 224 : index
      %get3A_1265 = tpu.vector_load %arg8[%get3A_1263, %get3A_1264] {strides = array<i32>} : memref<8x256xf32, #tpu.memory_space<vmem>>, vector<16xf32>,
      %get3A_1266 = arith.constant 4 : i32
      %get3A_1267 = arith.index_cast %get3A_1266 : i32 to index
      %get3A_1268 = arith.constant 224 : index
      %get3A_1269 = tpu.vector_load %arg9[%get3A_1267, %get3A_1268] {strides = array<i32>} : memref<8x256xf32, #tpu.memory_space<vmem>>, vector<16xf32>,
      %mul3A_1270 = arith.mulf %get3A_1265, %get3A_1269 : vector<16xf32>
      %add3A_1271 = arith.addf %add3A_1257, %mul3A_1270 : vector<16xf32>
      %mul3A_1272 = arith.mulf %get3A_1265, %get3A_1265 : vector<16xf32>
      %add3A_1273 = arith.addf %add3A_1259, %mul3A_1272 : vector<16xf32>
      %mul3A_1274 = arith.mulf %get3A_1269, %get3A_1269 : vector<16xf32>
      %add3A_1275 = arith.addf %add3A_1261, %mul3A_1274 : vector<16xf32>
      %get3A_1276 = arith.constant 4 : i32
      %get3A_1277 = arith.index_cast %get3A_1276 : i32 to index
      %get3A_1278 = arith.constant 240 : index
      %get3A_1279 = tpu.vector_load %arg8[%get3A_1277, %get3A_1278] {strides = array<i32>} : memref<8x256xf32, #tpu.memory_space<vmem>>, vector<16xf32>,
      %get3A_1280 = arith.constant 4 : i32
      %get3A_1281 = arith.index_cast %get3A_1280 : i32 to index
      %get3A_1282 = arith.constant 240 : index
      %get3A_1283 = tpu.vector_load %arg9[%get3A_1281, %get3A_1282] {strides = array<i32>} : memref<8x256xf32, #tpu.memory_space<vmem>>, vector<16xf32>,
      %mul3A_1284 = arith.mulf %get3A_1279, %get3A_1283 : vector<16xf32>
      %add3A_1285 = arith.addf %add3A_1271, %mul3A_1284 : vector<16xf32>
      %mul3A_1286 = arith.mulf %get3A_1279, %get3A_1279 : vector<16xf32>
      %add3A_1287 = arith.addf %add3A_1273, %mul3A_1286 : vector<16xf32>
      %mul3A_1288 = arith.mulf %get3A_1283, %get3A_1283 : vector<16xf32>
      %add3A_1289 = arith.addf %add3A_1275, %mul3A_1288 : vector<16xf32>
      %eq3A_1290 = arith.constant 4 : i32
      %eq3A_1291 = vector.broadcast %eq3A_1290 : i32 to vector<16xi32>
      %eq3A_1292 = arith.cmpi eq, %iota3A, %eq3A_1291 : vector<16xi32>
      %reduce_sum3A_1293 = arith.constant true
      %reduce_sum3A_1294 = vector.broadcast %reduce_sum3A_1293 : i1 to vector<16xi1>
      %reduce_sum3A_1295 = tpu.scan <sum>, %add3A_1285 masked %reduce_sum3A_1294 : vector<16xf32>, vector<16xi1> -> vector<16xf32>
      %reduce_sum3A_1296 = vector.extract %reduce_sum3A_1295[15] : f32 from vector<16xf32>
      %broadcast_in_dim3A_1297 = vector.broadcast %reduce_sum3A_1296 : f32 to vector<16xf32>
      %select_n3A_1298 = arith.select %eq3A_1292, %broadcast_in_dim3A_1297, %select_n3A_1047 : vector<16xi1>, vector<16xf32>
      %reduce_sum3A_1299 = arith.constant true
      %reduce_sum3A_1300 = vector.broadcast %reduce_sum3A_1299 : i1 to vector<16xi1>
      %reduce_sum3A_1301 = tpu.scan <sum>, %add3A_1287 masked %reduce_sum3A_1300 : vector<16xf32>, vector<16xi1> -> vector<16xf32>
      %reduce_sum3A_1302 = vector.extract %reduce_sum3A_1301[15] : f32 from vector<16xf32>
      %broadcast_in_dim3A_1303 = vector.broadcast %reduce_sum3A_1302 : f32 to vector<16xf32>
      %select_n3A_1304 = arith.select %eq3A_1292, %broadcast_in_dim3A_1303, %select_n3A_1053 : vector<16xi1>, vector<16xf32>
      %reduce_sum3A_1305 = arith.constant true
      %reduce_sum3A_1306 = vector.broadcast %reduce_sum3A_1305 : i1 to vector<16xi1>
      %reduce_sum3A_1307 = tpu.scan <sum>, %add3A_1289 masked %reduce_sum3A_1306 : vector<16xf32>, vector<16xi1> -> vector<16xf32>
      %reduce_sum3A_1308 = vector.extract %reduce_sum3A_1307[15] : f32 from vector<16xf32>
      %broadcast_in_dim3A_1309 = vector.broadcast %reduce_sum3A_1308 : f32 to vector<16xf32>
      %select_n3A_1310 = arith.select %eq3A_1292, %broadcast_in_dim3A_1309, %select_n3A_1059 : vector<16xi1>, vector<16xf32>
      %broadcast_in_dim3A_1311 = arith.constant 0.000000e+00 : f32
      %broadcast_in_dim3A_1312 = vector.broadcast %broadcast_in_dim3A_1311 : f32 to vector<16xf32>
      %broadcast_in_dim3A_1313 = arith.constant 0.000000e+00 : f32
      %broadcast_in_dim3A_1314 = vector.broadcast %broadcast_in_dim3A_1313 : f32 to vector<16xf32>
      %broadcast_in_dim3A_1315 = arith.constant 0.000000e+00 : f32
      %broadcast_in_dim3A_1316 = vector.broadcast %broadcast_in_dim3A_1315 : f32 to vector<16xf32>
      %get3A_1317 = arith.constant 5 : i32
      %get3A_1318 = arith.index_cast %get3A_1317 : i32 to index
      %get3A_1319 = arith.constant 0 : index
      %get3A_1320 = tpu.vector_load %arg8[%get3A_1318, %get3A_1319] {strides = array<i32>} : memref<8x256xf32, #tpu.memory_space<vmem>>, vector<16xf32>,
      %get3A_1321 = arith.constant 5 : i32
      %get3A_1322 = arith.index_cast %get3A_1321 : i32 to index
      %get3A_1323 = arith.constant 0 : index
      %get3A_1324 = tpu.vector_load %arg9[%get3A_1322, %get3A_1323] {strides = array<i32>} : memref<8x256xf32, #tpu.memory_space<vmem>>, vector<16xf32>,
      %mul3A_1325 = arith.mulf %get3A_1320, %get3A_1324 : vector<16xf32>
      %add3A_1326 = arith.addf %broadcast_in_dim3A_1312, %mul3A_1325 : vector<16xf32>
      %mul3A_1327 = arith.mulf %get3A_1320, %get3A_1320 : vector<16xf32>
      %add3A_1328 = arith.addf %broadcast_in_dim3A_1314, %mul3A_1327 : vector<16xf32>
      %mul3A_1329 = arith.mulf %get3A_1324, %get3A_1324 : vector<16xf32>
      %add3A_1330 = arith.addf %broadcast_in_dim3A_1316, %mul3A_1329 : vector<16xf32>
      %get3A_1331 = arith.constant 5 : i32
      %get3A_1332 = arith.index_cast %get3A_1331 : i32 to index
      %get3A_1333 = arith.constant 16 : index
      %get3A_1334 = tpu.vector_load %arg8[%get3A_1332, %get3A_1333] {strides = array<i32>} : memref<8x256xf32, #tpu.memory_space<vmem>>, vector<16xf32>,
      %get3A_1335 = arith.constant 5 : i32
      %get3A_1336 = arith.index_cast %get3A_1335 : i32 to index
      %get3A_1337 = arith.constant 16 : index
      %get3A_1338 = tpu.vector_load %arg9[%get3A_1336, %get3A_1337] {strides = array<i32>} : memref<8x256xf32, #tpu.memory_space<vmem>>, vector<16xf32>,
      %mul3A_1339 = arith.mulf %get3A_1334, %get3A_1338 : vector<16xf32>
      %add3A_1340 = arith.addf %add3A_1326, %mul3A_1339 : vector<16xf32>
      %mul3A_1341 = arith.mulf %get3A_1334, %get3A_1334 : vector<16xf32>
      %add3A_1342 = arith.addf %add3A_1328, %mul3A_1341 : vector<16xf32>
      %mul3A_1343 = arith.mulf %get3A_1338, %get3A_1338 : vector<16xf32>
      %add3A_1344 = arith.addf %add3A_1330, %mul3A_1343 : vector<16xf32>
      %get3A_1345 = arith.constant 5 : i32
      %get3A_1346 = arith.index_cast %get3A_1345 : i32 to index
      %get3A_1347 = arith.constant 32 : index
      %get3A_1348 = tpu.vector_load %arg8[%get3A_1346, %get3A_1347] {strides = array<i32>} : memref<8x256xf32, #tpu.memory_space<vmem>>, vector<16xf32>,
      %get3A_1349 = arith.constant 5 : i32
      %get3A_1350 = arith.index_cast %get3A_1349 : i32 to index
      %get3A_1351 = arith.constant 32 : index
      %get3A_1352 = tpu.vector_load %arg9[%get3A_1350, %get3A_1351] {strides = array<i32>} : memref<8x256xf32, #tpu.memory_space<vmem>>, vector<16xf32>,
      %mul3A_1353 = arith.mulf %get3A_1348, %get3A_1352 : vector<16xf32>
      %add3A_1354 = arith.addf %add3A_1340, %mul3A_1353 : vector<16xf32>
      %mul3A_1355 = arith.mulf %get3A_1348, %get3A_1348 : vector<16xf32>
      %add3A_1356 = arith.addf %add3A_1342, %mul3A_1355 : vector<16xf32>
      %mul3A_1357 = arith.mulf %get3A_1352, %get3A_1352 : vector<16xf32>
      %add3A_1358 = arith.addf %add3A_1344, %mul3A_1357 : vector<16xf32>
      %get3A_1359 = arith.constant 5 : i32
      %get3A_1360 = arith.index_cast %get3A_1359 : i32 to index
      %get3A_1361 = arith.constant 48 : index
      %get3A_1362 = tpu.vector_load %arg8[%get3A_1360, %get3A_1361] {strides = array<i32>} : memref<8x256xf32, #tpu.memory_space<vmem>>, vector<16xf32>,
      %get3A_1363 = arith.constant 5 : i32
      %get3A_1364 = arith.index_cast %get3A_1363 : i32 to index
      %get3A_1365 = arith.constant 48 : index
      %get3A_1366 = tpu.vector_load %arg9[%get3A_1364, %get3A_1365] {strides = array<i32>} : memref<8x256xf32, #tpu.memory_space<vmem>>, vector<16xf32>,
      %mul3A_1367 = arith.mulf %get3A_1362, %get3A_1366 : vector<16xf32>
      %add3A_1368 = arith.addf %add3A_1354, %mul3A_1367 : vector<16xf32>
      %mul3A_1369 = arith.mulf %get3A_1362, %get3A_1362 : vector<16xf32>
      %add3A_1370 = arith.addf %add3A_1356, %mul3A_1369 : vector<16xf32>
      %mul3A_1371 = arith.mulf %get3A_1366, %get3A_1366 : vector<16xf32>
      %add3A_1372 = arith.addf %add3A_1358, %mul3A_1371 : vector<16xf32>
      %get3A_1373 = arith.constant 5 : i32
      %get3A_1374 = arith.index_cast %get3A_1373 : i32 to index
      %get3A_1375 = arith.constant 64 : index
      %get3A_1376 = tpu.vector_load %arg8[%get3A_1374, %get3A_1375] {strides = array<i32>} : memref<8x256xf32, #tpu.memory_space<vmem>>, vector<16xf32>,
      %get3A_1377 = arith.constant 5 : i32
      %get3A_1378 = arith.index_cast %get3A_1377 : i32 to index
      %get3A_1379 = arith.constant 64 : index
      %get3A_1380 = tpu.vector_load %arg9[%get3A_1378, %get3A_1379] {strides = array<i32>} : memref<8x256xf32, #tpu.memory_space<vmem>>, vector<16xf32>,
      %mul3A_1381 = arith.mulf %get3A_1376, %get3A_1380 : vector<16xf32>
      %add3A_1382 = arith.addf %add3A_1368, %mul3A_1381 : vector<16xf32>
      %mul3A_1383 = arith.mulf %get3A_1376, %get3A_1376 : vector<16xf32>
      %add3A_1384 = arith.addf %add3A_1370, %mul3A_1383 : vector<16xf32>
      %mul3A_1385 = arith.mulf %get3A_1380, %get3A_1380 : vector<16xf32>
      %add3A_1386 = arith.addf %add3A_1372, %mul3A_1385 : vector<16xf32>
      %get3A_1387 = arith.constant 5 : i32
      %get3A_1388 = arith.index_cast %get3A_1387 : i32 to index
      %get3A_1389 = arith.constant 80 : index
      %get3A_1390 = tpu.vector_load %arg8[%get3A_1388, %get3A_1389] {strides = array<i32>} : memref<8x256xf32, #tpu.memory_space<vmem>>, vector<16xf32>,
      %get3A_1391 = arith.constant 5 : i32
      %get3A_1392 = arith.index_cast %get3A_1391 : i32 to index
      %get3A_1393 = arith.constant 80 : index
      %get3A_1394 = tpu.vector_load %arg9[%get3A_1392, %get3A_1393] {strides = array<i32>} : memref<8x256xf32, #tpu.memory_space<vmem>>, vector<16xf32>,
      %mul3A_1395 = arith.mulf %get3A_1390, %get3A_1394 : vector<16xf32>
      %add3A_1396 = arith.addf %add3A_1382, %mul3A_1395 : vector<16xf32>
      %mul3A_1397 = arith.mulf %get3A_1390, %get3A_1390 : vector<16xf32>
      %add3A_1398 = arith.addf %add3A_1384, %mul3A_1397 : vector<16xf32>
      %mul3A_1399 = arith.mulf %get3A_1394, %get3A_1394 : vector<16xf32>
      %add3A_1400 = arith.addf %add3A_1386, %mul3A_1399 : vector<16xf32>
      %get3A_1401 = arith.constant 5 : i32
      %get3A_1402 = arith.index_cast %get3A_1401 : i32 to index
      %get3A_1403 = arith.constant 96 : index
      %get3A_1404 = tpu.vector_load %arg8[%get3A_1402, %get3A_1403] {strides = array<i32>} : memref<8x256xf32, #tpu.memory_space<vmem>>, vector<16xf32>,
      %get3A_1405 = arith.constant 5 : i32
      %get3A_1406 = arith.index_cast %get3A_1405 : i32 to index
      %get3A_1407 = arith.constant 96 : index
      %get3A_1408 = tpu.vector_load %arg9[%get3A_1406, %get3A_1407] {strides = array<i32>} : memref<8x256xf32, #tpu.memory_space<vmem>>, vector<16xf32>,
      %mul3A_1409 = arith.mulf %get3A_1404, %get3A_1408 : vector<16xf32>
      %add3A_1410 = arith.addf %add3A_1396, %mul3A_1409 : vector<16xf32>
      %mul3A_1411 = arith.mulf %get3A_1404, %get3A_1404 : vector<16xf32>
      %add3A_1412 = arith.addf %add3A_1398, %mul3A_1411 : vector<16xf32>
      %mul3A_1413 = arith.mulf %get3A_1408, %get3A_1408 : vector<16xf32>
      %add3A_1414 = arith.addf %add3A_1400, %mul3A_1413 : vector<16xf32>
      %get3A_1415 = arith.constant 5 : i32
      %get3A_1416 = arith.index_cast %get3A_1415 : i32 to index
      %get3A_1417 = arith.constant 112 : index
      %get3A_1418 = tpu.vector_load %arg8[%get3A_1416, %get3A_1417] {strides = array<i32>} : memref<8x256xf32, #tpu.memory_space<vmem>>, vector<16xf32>,
      %get3A_1419 = arith.constant 5 : i32
      %get3A_1420 = arith.index_cast %get3A_1419 : i32 to index
      %get3A_1421 = arith.constant 112 : index
      %get3A_1422 = tpu.vector_load %arg9[%get3A_1420, %get3A_1421] {strides = array<i32>} : memref<8x256xf32, #tpu.memory_space<vmem>>, vector<16xf32>,
      %mul3A_1423 = arith.mulf %get3A_1418, %get3A_1422 : vector<16xf32>
      %add3A_1424 = arith.addf %add3A_1410, %mul3A_1423 : vector<16xf32>
      %mul3A_1425 = arith.mulf %get3A_1418, %get3A_1418 : vector<16xf32>
      %add3A_1426 = arith.addf %add3A_1412, %mul3A_1425 : vector<16xf32>
      %mul3A_1427 = arith.mulf %get3A_1422, %get3A_1422 : vector<16xf32>
      %add3A_1428 = arith.addf %add3A_1414, %mul3A_1427 : vector<16xf32>
      %get3A_1429 = arith.constant 5 : i32
      %get3A_1430 = arith.index_cast %get3A_1429 : i32 to index
      %get3A_1431 = arith.constant 128 : index
      %get3A_1432 = tpu.vector_load %arg8[%get3A_1430, %get3A_1431] {strides = array<i32>} : memref<8x256xf32, #tpu.memory_space<vmem>>, vector<16xf32>,
      %get3A_1433 = arith.constant 5 : i32
      %get3A_1434 = arith.index_cast %get3A_1433 : i32 to index
      %get3A_1435 = arith.constant 128 : index
      %get3A_1436 = tpu.vector_load %arg9[%get3A_1434, %get3A_1435] {strides = array<i32>} : memref<8x256xf32, #tpu.memory_space<vmem>>, vector<16xf32>,
      %mul3A_1437 = arith.mulf %get3A_1432, %get3A_1436 : vector<16xf32>
      %add3A_1438 = arith.addf %add3A_1424, %mul3A_1437 : vector<16xf32>
      %mul3A_1439 = arith.mulf %get3A_1432, %get3A_1432 : vector<16xf32>
      %add3A_1440 = arith.addf %add3A_1426, %mul3A_1439 : vector<16xf32>
      %mul3A_1441 = arith.mulf %get3A_1436, %get3A_1436 : vector<16xf32>
      %add3A_1442 = arith.addf %add3A_1428, %mul3A_1441 : vector<16xf32>
      %get3A_1443 = arith.constant 5 : i32
      %get3A_1444 = arith.index_cast %get3A_1443 : i32 to index
      %get3A_1445 = arith.constant 144 : index
      %get3A_1446 = tpu.vector_load %arg8[%get3A_1444, %get3A_1445] {strides = array<i32>} : memref<8x256xf32, #tpu.memory_space<vmem>>, vector<16xf32>,
      %get3A_1447 = arith.constant 5 : i32
      %get3A_1448 = arith.index_cast %get3A_1447 : i32 to index
      %get3A_1449 = arith.constant 144 : index
      %get3A_1450 = tpu.vector_load %arg9[%get3A_1448, %get3A_1449] {strides = array<i32>} : memref<8x256xf32, #tpu.memory_space<vmem>>, vector<16xf32>,
      %mul3A_1451 = arith.mulf %get3A_1446, %get3A_1450 : vector<16xf32>
      %add3A_1452 = arith.addf %add3A_1438, %mul3A_1451 : vector<16xf32>
      %mul3A_1453 = arith.mulf %get3A_1446, %get3A_1446 : vector<16xf32>
      %add3A_1454 = arith.addf %add3A_1440, %mul3A_1453 : vector<16xf32>
      %mul3A_1455 = arith.mulf %get3A_1450, %get3A_1450 : vector<16xf32>
      %add3A_1456 = arith.addf %add3A_1442, %mul3A_1455 : vector<16xf32>
      %get3A_1457 = arith.constant 5 : i32
      %get3A_1458 = arith.index_cast %get3A_1457 : i32 to index
      %get3A_1459 = arith.constant 160 : index
      %get3A_1460 = tpu.vector_load %arg8[%get3A_1458, %get3A_1459] {strides = array<i32>} : memref<8x256xf32, #tpu.memory_space<vmem>>, vector<16xf32>,
      %get3A_1461 = arith.constant 5 : i32
      %get3A_1462 = arith.index_cast %get3A_1461 : i32 to index
      %get3A_1463 = arith.constant 160 : index
      %get3A_1464 = tpu.vector_load %arg9[%get3A_1462, %get3A_1463] {strides = array<i32>} : memref<8x256xf32, #tpu.memory_space<vmem>>, vector<16xf32>,
      %mul3A_1465 = arith.mulf %get3A_1460, %get3A_1464 : vector<16xf32>
      %add3A_1466 = arith.addf %add3A_1452, %mul3A_1465 : vector<16xf32>
      %mul3A_1467 = arith.mulf %get3A_1460, %get3A_1460 : vector<16xf32>
      %add3A_1468 = arith.addf %add3A_1454, %mul3A_1467 : vector<16xf32>
      %mul3A_1469 = arith.mulf %get3A_1464, %get3A_1464 : vector<16xf32>
      %add3A_1470 = arith.addf %add3A_1456, %mul3A_1469 : vector<16xf32>
      %get3A_1471 = arith.constant 5 : i32
      %get3A_1472 = arith.index_cast %get3A_1471 : i32 to index
      %get3A_1473 = arith.constant 176 : index
      %get3A_1474 = tpu.vector_load %arg8[%get3A_1472, %get3A_1473] {strides = array<i32>} : memref<8x256xf32, #tpu.memory_space<vmem>>, vector<16xf32>,
      %get3A_1475 = arith.constant 5 : i32
      %get3A_1476 = arith.index_cast %get3A_1475 : i32 to index
      %get3A_1477 = arith.constant 176 : index
      %get3A_1478 = tpu.vector_load %arg9[%get3A_1476, %get3A_1477] {strides = array<i32>} : memref<8x256xf32, #tpu.memory_space<vmem>>, vector<16xf32>,
      %mul3A_1479 = arith.mulf %get3A_1474, %get3A_1478 : vector<16xf32>
      %add3A_1480 = arith.addf %add3A_1466, %mul3A_1479 : vector<16xf32>
      %mul3A_1481 = arith.mulf %get3A_1474, %get3A_1474 : vector<16xf32>
      %add3A_1482 = arith.addf %add3A_1468, %mul3A_1481 : vector<16xf32>
      %mul3A_1483 = arith.mulf %get3A_1478, %get3A_1478 : vector<16xf32>
      %add3A_1484 = arith.addf %add3A_1470, %mul3A_1483 : vector<16xf32>
      %get3A_1485 = arith.constant 5 : i32
      %get3A_1486 = arith.index_cast %get3A_1485 : i32 to index
      %get3A_1487 = arith.constant 192 : index
      %get3A_1488 = tpu.vector_load %arg8[%get3A_1486, %get3A_1487] {strides = array<i32>} : memref<8x256xf32, #tpu.memory_space<vmem>>, vector<16xf32>,
      %get3A_1489 = arith.constant 5 : i32
      %get3A_1490 = arith.index_cast %get3A_1489 : i32 to index
      %get3A_1491 = arith.constant 192 : index
      %get3A_1492 = tpu.vector_load %arg9[%get3A_1490, %get3A_1491] {strides = array<i32>} : memref<8x256xf32, #tpu.memory_space<vmem>>, vector<16xf32>,
      %mul3A_1493 = arith.mulf %get3A_1488, %get3A_1492 : vector<16xf32>
      %add3A_1494 = arith.addf %add3A_1480, %mul3A_1493 : vector<16xf32>
      %mul3A_1495 = arith.mulf %get3A_1488, %get3A_1488 : vector<16xf32>
      %add3A_1496 = arith.addf %add3A_1482, %mul3A_1495 : vector<16xf32>
      %mul3A_1497 = arith.mulf %get3A_1492, %get3A_1492 : vector<16xf32>
      %add3A_1498 = arith.addf %add3A_1484, %mul3A_1497 : vector<16xf32>
      %get3A_1499 = arith.constant 5 : i32
      %get3A_1500 = arith.index_cast %get3A_1499 : i32 to index
      %get3A_1501 = arith.constant 208 : index
      %get3A_1502 = tpu.vector_load %arg8[%get3A_1500, %get3A_1501] {strides = array<i32>} : memref<8x256xf32, #tpu.memory_space<vmem>>, vector<16xf32>,
      %get3A_1503 = arith.constant 5 : i32
      %get3A_1504 = arith.index_cast %get3A_1503 : i32 to index
      %get3A_1505 = arith.constant 208 : index
      %get3A_1506 = tpu.vector_load %arg9[%get3A_1504, %get3A_1505] {strides = array<i32>} : memref<8x256xf32, #tpu.memory_space<vmem>>, vector<16xf32>,
      %mul3A_1507 = arith.mulf %get3A_1502, %get3A_1506 : vector<16xf32>
      %add3A_1508 = arith.addf %add3A_1494, %mul3A_1507 : vector<16xf32>
      %mul3A_1509 = arith.mulf %get3A_1502, %get3A_1502 : vector<16xf32>
      %add3A_1510 = arith.addf %add3A_1496, %mul3A_1509 : vector<16xf32>
      %mul3A_1511 = arith.mulf %get3A_1506, %get3A_1506 : vector<16xf32>
      %add3A_1512 = arith.addf %add3A_1498, %mul3A_1511 : vector<16xf32>
      %get3A_1513 = arith.constant 5 : i32
      %get3A_1514 = arith.index_cast %get3A_1513 : i32 to index
      %get3A_1515 = arith.constant 224 : index
      %get3A_1516 = tpu.vector_load %arg8[%get3A_1514, %get3A_1515] {strides = array<i32>} : memref<8x256xf32, #tpu.memory_space<vmem>>, vector<16xf32>,
      %get3A_1517 = arith.constant 5 : i32
      %get3A_1518 = arith.index_cast %get3A_1517 : i32 to index
      %get3A_1519 = arith.constant 224 : index
      %get3A_1520 = tpu.vector_load %arg9[%get3A_1518, %get3A_1519] {strides = array<i32>} : memref<8x256xf32, #tpu.memory_space<vmem>>, vector<16xf32>,
      %mul3A_1521 = arith.mulf %get3A_1516, %get3A_1520 : vector<16xf32>
      %add3A_1522 = arith.addf %add3A_1508, %mul3A_1521 : vector<16xf32>
      %mul3A_1523 = arith.mulf %get3A_1516, %get3A_1516 : vector<16xf32>
      %add3A_1524 = arith.addf %add3A_1510, %mul3A_1523 : vector<16xf32>
      %mul3A_1525 = arith.mulf %get3A_1520, %get3A_1520 : vector<16xf32>
      %add3A_1526 = arith.addf %add3A_1512, %mul3A_1525 : vector<16xf32>
      %get3A_1527 = arith.constant 5 : i32
      %get3A_1528 = arith.index_cast %get3A_1527 : i32 to index
      %get3A_1529 = arith.constant 240 : index
      %get3A_1530 = tpu.vector_load %arg8[%get3A_1528, %get3A_1529] {strides = array<i32>} : memref<8x256xf32, #tpu.memory_space<vmem>>, vector<16xf32>,
      %get3A_1531 = arith.constant 5 : i32
      %get3A_1532 = arith.index_cast %get3A_1531 : i32 to index
      %get3A_1533 = arith.constant 240 : index
      %get3A_1534 = tpu.vector_load %arg9[%get3A_1532, %get3A_1533] {strides = array<i32>} : memref<8x256xf32, #tpu.memory_space<vmem>>, vector<16xf32>,
      %mul3A_1535 = arith.mulf %get3A_1530, %get3A_1534 : vector<16xf32>
      %add3A_1536 = arith.addf %add3A_1522, %mul3A_1535 : vector<16xf32>
      %mul3A_1537 = arith.mulf %get3A_1530, %get3A_1530 : vector<16xf32>
      %add3A_1538 = arith.addf %add3A_1524, %mul3A_1537 : vector<16xf32>
      %mul3A_1539 = arith.mulf %get3A_1534, %get3A_1534 : vector<16xf32>
      %add3A_1540 = arith.addf %add3A_1526, %mul3A_1539 : vector<16xf32>
      %eq3A_1541 = arith.constant 5 : i32
      %eq3A_1542 = vector.broadcast %eq3A_1541 : i32 to vector<16xi32>
      %eq3A_1543 = arith.cmpi eq, %iota3A, %eq3A_1542 : vector<16xi32>
      %reduce_sum3A_1544 = arith.constant true
      %reduce_sum3A_1545 = vector.broadcast %reduce_sum3A_1544 : i1 to vector<16xi1>
      %reduce_sum3A_1546 = tpu.scan <sum>, %add3A_1536 masked %reduce_sum3A_1545 : vector<16xf32>, vector<16xi1> -> vector<16xf32>
      %reduce_sum3A_1547 = vector.extract %reduce_sum3A_1546[15] : f32 from vector<16xf32>
      %broadcast_in_dim3A_1548 = vector.broadcast %reduce_sum3A_1547 : f32 to vector<16xf32>
      %select_n3A_1549 = arith.select %eq3A_1543, %broadcast_in_dim3A_1548, %select_n3A_1298 : vector<16xi1>, vector<16xf32>
      %reduce_sum3A_1550 = arith.constant true
      %reduce_sum3A_1551 = vector.broadcast %reduce_sum3A_1550 : i1 to vector<16xi1>
      %reduce_sum3A_1552 = tpu.scan <sum>, %add3A_1538 masked %reduce_sum3A_1551 : vector<16xf32>, vector<16xi1> -> vector<16xf32>
      %reduce_sum3A_1553 = vector.extract %reduce_sum3A_1552[15] : f32 from vector<16xf32>
      %broadcast_in_dim3A_1554 = vector.broadcast %reduce_sum3A_1553 : f32 to vector<16xf32>
      %select_n3A_1555 = arith.select %eq3A_1543, %broadcast_in_dim3A_1554, %select_n3A_1304 : vector<16xi1>, vector<16xf32>
      %reduce_sum3A_1556 = arith.constant true
      %reduce_sum3A_1557 = vector.broadcast %reduce_sum3A_1556 : i1 to vector<16xi1>
      %reduce_sum3A_1558 = tpu.scan <sum>, %add3A_1540 masked %reduce_sum3A_1557 : vector<16xf32>, vector<16xi1> -> vector<16xf32>
      %reduce_sum3A_1559 = vector.extract %reduce_sum3A_1558[15] : f32 from vector<16xf32>
      %broadcast_in_dim3A_1560 = vector.broadcast %reduce_sum3A_1559 : f32 to vector<16xf32>
      %select_n3A_1561 = arith.select %eq3A_1543, %broadcast_in_dim3A_1560, %select_n3A_1310 : vector<16xi1>, vector<16xf32>
      %broadcast_in_dim3A_1562 = arith.constant 0.000000e+00 : f32
      %broadcast_in_dim3A_1563 = vector.broadcast %broadcast_in_dim3A_1562 : f32 to vector<16xf32>
      %broadcast_in_dim3A_1564 = arith.constant 0.000000e+00 : f32
      %broadcast_in_dim3A_1565 = vector.broadcast %broadcast_in_dim3A_1564 : f32 to vector<16xf32>
      %broadcast_in_dim3A_1566 = arith.constant 0.000000e+00 : f32
      %broadcast_in_dim3A_1567 = vector.broadcast %broadcast_in_dim3A_1566 : f32 to vector<16xf32>
      %get3A_1568 = arith.constant 6 : i32
      %get3A_1569 = arith.index_cast %get3A_1568 : i32 to index
      %get3A_1570 = arith.constant 0 : index
      %get3A_1571 = tpu.vector_load %arg8[%get3A_1569, %get3A_1570] {strides = array<i32>} : memref<8x256xf32, #tpu.memory_space<vmem>>, vector<16xf32>,
      %get3A_1572 = arith.constant 6 : i32
      %get3A_1573 = arith.index_cast %get3A_1572 : i32 to index
      %get3A_1574 = arith.constant 0 : index
      %get3A_1575 = tpu.vector_load %arg9[%get3A_1573, %get3A_1574] {strides = array<i32>} : memref<8x256xf32, #tpu.memory_space<vmem>>, vector<16xf32>,
      %mul3A_1576 = arith.mulf %get3A_1571, %get3A_1575 : vector<16xf32>
      %add3A_1577 = arith.addf %broadcast_in_dim3A_1563, %mul3A_1576 : vector<16xf32>
      %mul3A_1578 = arith.mulf %get3A_1571, %get3A_1571 : vector<16xf32>
      %add3A_1579 = arith.addf %broadcast_in_dim3A_1565, %mul3A_1578 : vector<16xf32>
      %mul3A_1580 = arith.mulf %get3A_1575, %get3A_1575 : vector<16xf32>
      %add3A_1581 = arith.addf %broadcast_in_dim3A_1567, %mul3A_1580 : vector<16xf32>
      %get3A_1582 = arith.constant 6 : i32
      %get3A_1583 = arith.index_cast %get3A_1582 : i32 to index
      %get3A_1584 = arith.constant 16 : index
      %get3A_1585 = tpu.vector_load %arg8[%get3A_1583, %get3A_1584] {strides = array<i32>} : memref<8x256xf32, #tpu.memory_space<vmem>>, vector<16xf32>,
      %get3A_1586 = arith.constant 6 : i32
      %get3A_1587 = arith.index_cast %get3A_1586 : i32 to index
      %get3A_1588 = arith.constant 16 : index
      %get3A_1589 = tpu.vector_load %arg9[%get3A_1587, %get3A_1588] {strides = array<i32>} : memref<8x256xf32, #tpu.memory_space<vmem>>, vector<16xf32>,
      %mul3A_1590 = arith.mulf %get3A_1585, %get3A_1589 : vector<16xf32>
      %add3A_1591 = arith.addf %add3A_1577, %mul3A_1590 : vector<16xf32>
      %mul3A_1592 = arith.mulf %get3A_1585, %get3A_1585 : vector<16xf32>
      %add3A_1593 = arith.addf %add3A_1579, %mul3A_1592 : vector<16xf32>
      %mul3A_1594 = arith.mulf %get3A_1589, %get3A_1589 : vector<16xf32>
      %add3A_1595 = arith.addf %add3A_1581, %mul3A_1594 : vector<16xf32>
      %get3A_1596 = arith.constant 6 : i32
      %get3A_1597 = arith.index_cast %get3A_1596 : i32 to index
      %get3A_1598 = arith.constant 32 : index
      %get3A_1599 = tpu.vector_load %arg8[%get3A_1597, %get3A_1598] {strides = array<i32>} : memref<8x256xf32, #tpu.memory_space<vmem>>, vector<16xf32>,
      %get3A_1600 = arith.constant 6 : i32
      %get3A_1601 = arith.index_cast %get3A_1600 : i32 to index
      %get3A_1602 = arith.constant 32 : index
      %get3A_1603 = tpu.vector_load %arg9[%get3A_1601, %get3A_1602] {strides = array<i32>} : memref<8x256xf32, #tpu.memory_space<vmem>>, vector<16xf32>,
      %mul3A_1604 = arith.mulf %get3A_1599, %get3A_1603 : vector<16xf32>
      %add3A_1605 = arith.addf %add3A_1591, %mul3A_1604 : vector<16xf32>
      %mul3A_1606 = arith.mulf %get3A_1599, %get3A_1599 : vector<16xf32>
      %add3A_1607 = arith.addf %add3A_1593, %mul3A_1606 : vector<16xf32>
      %mul3A_1608 = arith.mulf %get3A_1603, %get3A_1603 : vector<16xf32>
      %add3A_1609 = arith.addf %add3A_1595, %mul3A_1608 : vector<16xf32>
      %get3A_1610 = arith.constant 6 : i32
      %get3A_1611 = arith.index_cast %get3A_1610 : i32 to index
      %get3A_1612 = arith.constant 48 : index
      %get3A_1613 = tpu.vector_load %arg8[%get3A_1611, %get3A_1612] {strides = array<i32>} : memref<8x256xf32, #tpu.memory_space<vmem>>, vector<16xf32>,
      %get3A_1614 = arith.constant 6 : i32
      %get3A_1615 = arith.index_cast %get3A_1614 : i32 to index
      %get3A_1616 = arith.constant 48 : index
      %get3A_1617 = tpu.vector_load %arg9[%get3A_1615, %get3A_1616] {strides = array<i32>} : memref<8x256xf32, #tpu.memory_space<vmem>>, vector<16xf32>,
      %mul3A_1618 = arith.mulf %get3A_1613, %get3A_1617 : vector<16xf32>
      %add3A_1619 = arith.addf %add3A_1605, %mul3A_1618 : vector<16xf32>
      %mul3A_1620 = arith.mulf %get3A_1613, %get3A_1613 : vector<16xf32>
      %add3A_1621 = arith.addf %add3A_1607, %mul3A_1620 : vector<16xf32>
      %mul3A_1622 = arith.mulf %get3A_1617, %get3A_1617 : vector<16xf32>
      %add3A_1623 = arith.addf %add3A_1609, %mul3A_1622 : vector<16xf32>
      %get3A_1624 = arith.constant 6 : i32
      %get3A_1625 = arith.index_cast %get3A_1624 : i32 to index
      %get3A_1626 = arith.constant 64 : index
      %get3A_1627 = tpu.vector_load %arg8[%get3A_1625, %get3A_1626] {strides = array<i32>} : memref<8x256xf32, #tpu.memory_space<vmem>>, vector<16xf32>,
      %get3A_1628 = arith.constant 6 : i32
      %get3A_1629 = arith.index_cast %get3A_1628 : i32 to index
      %get3A_1630 = arith.constant 64 : index
      %get3A_1631 = tpu.vector_load %arg9[%get3A_1629, %get3A_1630] {strides = array<i32>} : memref<8x256xf32, #tpu.memory_space<vmem>>, vector<16xf32>,
      %mul3A_1632 = arith.mulf %get3A_1627, %get3A_1631 : vector<16xf32>
      %add3A_1633 = arith.addf %add3A_1619, %mul3A_1632 : vector<16xf32>
      %mul3A_1634 = arith.mulf %get3A_1627, %get3A_1627 : vector<16xf32>
      %add3A_1635 = arith.addf %add3A_1621, %mul3A_1634 : vector<16xf32>
      %mul3A_1636 = arith.mulf %get3A_1631, %get3A_1631 : vector<16xf32>
      %add3A_1637 = arith.addf %add3A_1623, %mul3A_1636 : vector<16xf32>
      %get3A_1638 = arith.constant 6 : i32
      %get3A_1639 = arith.index_cast %get3A_1638 : i32 to index
      %get3A_1640 = arith.constant 80 : index
      %get3A_1641 = tpu.vector_load %arg8[%get3A_1639, %get3A_1640] {strides = array<i32>} : memref<8x256xf32, #tpu.memory_space<vmem>>, vector<16xf32>,
      %get3A_1642 = arith.constant 6 : i32
      %get3A_1643 = arith.index_cast %get3A_1642 : i32 to index
      %get3A_1644 = arith.constant 80 : index
      %get3A_1645 = tpu.vector_load %arg9[%get3A_1643, %get3A_1644] {strides = array<i32>} : memref<8x256xf32, #tpu.memory_space<vmem>>, vector<16xf32>,
      %mul3A_1646 = arith.mulf %get3A_1641, %get3A_1645 : vector<16xf32>
      %add3A_1647 = arith.addf %add3A_1633, %mul3A_1646 : vector<16xf32>
      %mul3A_1648 = arith.mulf %get3A_1641, %get3A_1641 : vector<16xf32>
      %add3A_1649 = arith.addf %add3A_1635, %mul3A_1648 : vector<16xf32>
      %mul3A_1650 = arith.mulf %get3A_1645, %get3A_1645 : vector<16xf32>
      %add3A_1651 = arith.addf %add3A_1637, %mul3A_1650 : vector<16xf32>
      %get3A_1652 = arith.constant 6 : i32
      %get3A_1653 = arith.index_cast %get3A_1652 : i32 to index
      %get3A_1654 = arith.constant 96 : index
      %get3A_1655 = tpu.vector_load %arg8[%get3A_1653, %get3A_1654] {strides = array<i32>} : memref<8x256xf32, #tpu.memory_space<vmem>>, vector<16xf32>,
      %get3A_1656 = arith.constant 6 : i32
      %get3A_1657 = arith.index_cast %get3A_1656 : i32 to index
      %get3A_1658 = arith.constant 96 : index
      %get3A_1659 = tpu.vector_load %arg9[%get3A_1657, %get3A_1658] {strides = array<i32>} : memref<8x256xf32, #tpu.memory_space<vmem>>, vector<16xf32>,
      %mul3A_1660 = arith.mulf %get3A_1655, %get3A_1659 : vector<16xf32>
      %add3A_1661 = arith.addf %add3A_1647, %mul3A_1660 : vector<16xf32>
      %mul3A_1662 = arith.mulf %get3A_1655, %get3A_1655 : vector<16xf32>
      %add3A_1663 = arith.addf %add3A_1649, %mul3A_1662 : vector<16xf32>
      %mul3A_1664 = arith.mulf %get3A_1659, %get3A_1659 : vector<16xf32>
      %add3A_1665 = arith.addf %add3A_1651, %mul3A_1664 : vector<16xf32>
      %get3A_1666 = arith.constant 6 : i32
      %get3A_1667 = arith.index_cast %get3A_1666 : i32 to index
      %get3A_1668 = arith.constant 112 : index
      %get3A_1669 = tpu.vector_load %arg8[%get3A_1667, %get3A_1668] {strides = array<i32>} : memref<8x256xf32, #tpu.memory_space<vmem>>, vector<16xf32>,
      %get3A_1670 = arith.constant 6 : i32
      %get3A_1671 = arith.index_cast %get3A_1670 : i32 to index
      %get3A_1672 = arith.constant 112 : index
      %get3A_1673 = tpu.vector_load %arg9[%get3A_1671, %get3A_1672] {strides = array<i32>} : memref<8x256xf32, #tpu.memory_space<vmem>>, vector<16xf32>,
      %mul3A_1674 = arith.mulf %get3A_1669, %get3A_1673 : vector<16xf32>
      %add3A_1675 = arith.addf %add3A_1661, %mul3A_1674 : vector<16xf32>
      %mul3A_1676 = arith.mulf %get3A_1669, %get3A_1669 : vector<16xf32>
      %add3A_1677 = arith.addf %add3A_1663, %mul3A_1676 : vector<16xf32>
      %mul3A_1678 = arith.mulf %get3A_1673, %get3A_1673 : vector<16xf32>
      %add3A_1679 = arith.addf %add3A_1665, %mul3A_1678 : vector<16xf32>
      %get3A_1680 = arith.constant 6 : i32
      %get3A_1681 = arith.index_cast %get3A_1680 : i32 to index
      %get3A_1682 = arith.constant 128 : index
      %get3A_1683 = tpu.vector_load %arg8[%get3A_1681, %get3A_1682] {strides = array<i32>} : memref<8x256xf32, #tpu.memory_space<vmem>>, vector<16xf32>,
      %get3A_1684 = arith.constant 6 : i32
      %get3A_1685 = arith.index_cast %get3A_1684 : i32 to index
      %get3A_1686 = arith.constant 128 : index
      %get3A_1687 = tpu.vector_load %arg9[%get3A_1685, %get3A_1686] {strides = array<i32>} : memref<8x256xf32, #tpu.memory_space<vmem>>, vector<16xf32>,
      %mul3A_1688 = arith.mulf %get3A_1683, %get3A_1687 : vector<16xf32>
      %add3A_1689 = arith.addf %add3A_1675, %mul3A_1688 : vector<16xf32>
      %mul3A_1690 = arith.mulf %get3A_1683, %get3A_1683 : vector<16xf32>
      %add3A_1691 = arith.addf %add3A_1677, %mul3A_1690 : vector<16xf32>
      %mul3A_1692 = arith.mulf %get3A_1687, %get3A_1687 : vector<16xf32>
      %add3A_1693 = arith.addf %add3A_1679, %mul3A_1692 : vector<16xf32>
      %get3A_1694 = arith.constant 6 : i32
      %get3A_1695 = arith.index_cast %get3A_1694 : i32 to index
      %get3A_1696 = arith.constant 144 : index
      %get3A_1697 = tpu.vector_load %arg8[%get3A_1695, %get3A_1696] {strides = array<i32>} : memref<8x256xf32, #tpu.memory_space<vmem>>, vector<16xf32>,
      %get3A_1698 = arith.constant 6 : i32
      %get3A_1699 = arith.index_cast %get3A_1698 : i32 to index
      %get3A_1700 = arith.constant 144 : index
      %get3A_1701 = tpu.vector_load %arg9[%get3A_1699, %get3A_1700] {strides = array<i32>} : memref<8x256xf32, #tpu.memory_space<vmem>>, vector<16xf32>,
      %mul3A_1702 = arith.mulf %get3A_1697, %get3A_1701 : vector<16xf32>
      %add3A_1703 = arith.addf %add3A_1689, %mul3A_1702 : vector<16xf32>
      %mul3A_1704 = arith.mulf %get3A_1697, %get3A_1697 : vector<16xf32>
      %add3A_1705 = arith.addf %add3A_1691, %mul3A_1704 : vector<16xf32>
      %mul3A_1706 = arith.mulf %get3A_1701, %get3A_1701 : vector<16xf32>
      %add3A_1707 = arith.addf %add3A_1693, %mul3A_1706 : vector<16xf32>
      %get3A_1708 = arith.constant 6 : i32
      %get3A_1709 = arith.index_cast %get3A_1708 : i32 to index
      %get3A_1710 = arith.constant 160 : index
      %get3A_1711 = tpu.vector_load %arg8[%get3A_1709, %get3A_1710] {strides = array<i32>} : memref<8x256xf32, #tpu.memory_space<vmem>>, vector<16xf32>,
      %get3A_1712 = arith.constant 6 : i32
      %get3A_1713 = arith.index_cast %get3A_1712 : i32 to index
      %get3A_1714 = arith.constant 160 : index
      %get3A_1715 = tpu.vector_load %arg9[%get3A_1713, %get3A_1714] {strides = array<i32>} : memref<8x256xf32, #tpu.memory_space<vmem>>, vector<16xf32>,
      %mul3A_1716 = arith.mulf %get3A_1711, %get3A_1715 : vector<16xf32>
      %add3A_1717 = arith.addf %add3A_1703, %mul3A_1716 : vector<16xf32>
      %mul3A_1718 = arith.mulf %get3A_1711, %get3A_1711 : vector<16xf32>
      %add3A_1719 = arith.addf %add3A_1705, %mul3A_1718 : vector<16xf32>
      %mul3A_1720 = arith.mulf %get3A_1715, %get3A_1715 : vector<16xf32>
      %add3A_1721 = arith.addf %add3A_1707, %mul3A_1720 : vector<16xf32>
      %get3A_1722 = arith.constant 6 : i32
      %get3A_1723 = arith.index_cast %get3A_1722 : i32 to index
      %get3A_1724 = arith.constant 176 : index
      %get3A_1725 = tpu.vector_load %arg8[%get3A_1723, %get3A_1724] {strides = array<i32>} : memref<8x256xf32, #tpu.memory_space<vmem>>, vector<16xf32>,
      %get3A_1726 = arith.constant 6 : i32
      %get3A_1727 = arith.index_cast %get3A_1726 : i32 to index
      %get3A_1728 = arith.constant 176 : index
      %get3A_1729 = tpu.vector_load %arg9[%get3A_1727, %get3A_1728] {strides = array<i32>} : memref<8x256xf32, #tpu.memory_space<vmem>>, vector<16xf32>,
      %mul3A_1730 = arith.mulf %get3A_1725, %get3A_1729 : vector<16xf32>
      %add3A_1731 = arith.addf %add3A_1717, %mul3A_1730 : vector<16xf32>
      %mul3A_1732 = arith.mulf %get3A_1725, %get3A_1725 : vector<16xf32>
      %add3A_1733 = arith.addf %add3A_1719, %mul3A_1732 : vector<16xf32>
      %mul3A_1734 = arith.mulf %get3A_1729, %get3A_1729 : vector<16xf32>
      %add3A_1735 = arith.addf %add3A_1721, %mul3A_1734 : vector<16xf32>
      %get3A_1736 = arith.constant 6 : i32
      %get3A_1737 = arith.index_cast %get3A_1736 : i32 to index
      %get3A_1738 = arith.constant 192 : index
      %get3A_1739 = tpu.vector_load %arg8[%get3A_1737, %get3A_1738] {strides = array<i32>} : memref<8x256xf32, #tpu.memory_space<vmem>>, vector<16xf32>,
      %get3A_1740 = arith.constant 6 : i32
      %get3A_1741 = arith.index_cast %get3A_1740 : i32 to index
      %get3A_1742 = arith.constant 192 : index
      %get3A_1743 = tpu.vector_load %arg9[%get3A_1741, %get3A_1742] {strides = array<i32>} : memref<8x256xf32, #tpu.memory_space<vmem>>, vector<16xf32>,
      %mul3A_1744 = arith.mulf %get3A_1739, %get3A_1743 : vector<16xf32>
      %add3A_1745 = arith.addf %add3A_1731, %mul3A_1744 : vector<16xf32>
      %mul3A_1746 = arith.mulf %get3A_1739, %get3A_1739 : vector<16xf32>
      %add3A_1747 = arith.addf %add3A_1733, %mul3A_1746 : vector<16xf32>
      %mul3A_1748 = arith.mulf %get3A_1743, %get3A_1743 : vector<16xf32>
      %add3A_1749 = arith.addf %add3A_1735, %mul3A_1748 : vector<16xf32>
      %get3A_1750 = arith.constant 6 : i32
      %get3A_1751 = arith.index_cast %get3A_1750 : i32 to index
      %get3A_1752 = arith.constant 208 : index
      %get3A_1753 = tpu.vector_load %arg8[%get3A_1751, %get3A_1752] {strides = array<i32>} : memref<8x256xf32, #tpu.memory_space<vmem>>, vector<16xf32>,
      %get3A_1754 = arith.constant 6 : i32
      %get3A_1755 = arith.index_cast %get3A_1754 : i32 to index
      %get3A_1756 = arith.constant 208 : index
      %get3A_1757 = tpu.vector_load %arg9[%get3A_1755, %get3A_1756] {strides = array<i32>} : memref<8x256xf32, #tpu.memory_space<vmem>>, vector<16xf32>,
      %mul3A_1758 = arith.mulf %get3A_1753, %get3A_1757 : vector<16xf32>
      %add3A_1759 = arith.addf %add3A_1745, %mul3A_1758 : vector<16xf32>
      %mul3A_1760 = arith.mulf %get3A_1753, %get3A_1753 : vector<16xf32>
      %add3A_1761 = arith.addf %add3A_1747, %mul3A_1760 : vector<16xf32>
      %mul3A_1762 = arith.mulf %get3A_1757, %get3A_1757 : vector<16xf32>
      %add3A_1763 = arith.addf %add3A_1749, %mul3A_1762 : vector<16xf32>
      %get3A_1764 = arith.constant 6 : i32
      %get3A_1765 = arith.index_cast %get3A_1764 : i32 to index
      %get3A_1766 = arith.constant 224 : index
      %get3A_1767 = tpu.vector_load %arg8[%get3A_1765, %get3A_1766] {strides = array<i32>} : memref<8x256xf32, #tpu.memory_space<vmem>>, vector<16xf32>,
      %get3A_1768 = arith.constant 6 : i32
      %get3A_1769 = arith.index_cast %get3A_1768 : i32 to index
      %get3A_1770 = arith.constant 224 : index
      %get3A_1771 = tpu.vector_load %arg9[%get3A_1769, %get3A_1770] {strides = array<i32>} : memref<8x256xf32, #tpu.memory_space<vmem>>, vector<16xf32>,
      %mul3A_1772 = arith.mulf %get3A_1767, %get3A_1771 : vector<16xf32>
      %add3A_1773 = arith.addf %add3A_1759, %mul3A_1772 : vector<16xf32>
      %mul3A_1774 = arith.mulf %get3A_1767, %get3A_1767 : vector<16xf32>
      %add3A_1775 = arith.addf %add3A_1761, %mul3A_1774 : vector<16xf32>
      %mul3A_1776 = arith.mulf %get3A_1771, %get3A_1771 : vector<16xf32>
      %add3A_1777 = arith.addf %add3A_1763, %mul3A_1776 : vector<16xf32>
      %get3A_1778 = arith.constant 6 : i32
      %get3A_1779 = arith.index_cast %get3A_1778 : i32 to index
      %get3A_1780 = arith.constant 240 : index
      %get3A_1781 = tpu.vector_load %arg8[%get3A_1779, %get3A_1780] {strides = array<i32>} : memref<8x256xf32, #tpu.memory_space<vmem>>, vector<16xf32>,
      %get3A_1782 = arith.constant 6 : i32
      %get3A_1783 = arith.index_cast %get3A_1782 : i32 to index
      %get3A_1784 = arith.constant 240 : index
      %get3A_1785 = tpu.vector_load %arg9[%get3A_1783, %get3A_1784] {strides = array<i32>} : memref<8x256xf32, #tpu.memory_space<vmem>>, vector<16xf32>,
      %mul3A_1786 = arith.mulf %get3A_1781, %get3A_1785 : vector<16xf32>
      %add3A_1787 = arith.addf %add3A_1773, %mul3A_1786 : vector<16xf32>
      %mul3A_1788 = arith.mulf %get3A_1781, %get3A_1781 : vector<16xf32>
      %add3A_1789 = arith.addf %add3A_1775, %mul3A_1788 : vector<16xf32>
      %mul3A_1790 = arith.mulf %get3A_1785, %get3A_1785 : vector<16xf32>
      %add3A_1791 = arith.addf %add3A_1777, %mul3A_1790 : vector<16xf32>
      %eq3A_1792 = arith.constant 6 : i32
      %eq3A_1793 = vector.broadcast %eq3A_1792 : i32 to vector<16xi32>
      %eq3A_1794 = arith.cmpi eq, %iota3A, %eq3A_1793 : vector<16xi32>
      %reduce_sum3A_1795 = arith.constant true
      %reduce_sum3A_1796 = vector.broadcast %reduce_sum3A_1795 : i1 to vector<16xi1>
      %reduce_sum3A_1797 = tpu.scan <sum>, %add3A_1787 masked %reduce_sum3A_1796 : vector<16xf32>, vector<16xi1> -> vector<16xf32>
      %reduce_sum3A_1798 = vector.extract %reduce_sum3A_1797[15] : f32 from vector<16xf32>
      %broadcast_in_dim3A_1799 = vector.broadcast %reduce_sum3A_1798 : f32 to vector<16xf32>
      %select_n3A_1800 = arith.select %eq3A_1794, %broadcast_in_dim3A_1799, %select_n3A_1549 : vector<16xi1>, vector<16xf32>
      %reduce_sum3A_1801 = arith.constant true
      %reduce_sum3A_1802 = vector.broadcast %reduce_sum3A_1801 : i1 to vector<16xi1>
      %reduce_sum3A_1803 = tpu.scan <sum>, %add3A_1789 masked %reduce_sum3A_1802 : vector<16xf32>, vector<16xi1> -> vector<16xf32>
      %reduce_sum3A_1804 = vector.extract %reduce_sum3A_1803[15] : f32 from vector<16xf32>
      %broadcast_in_dim3A_1805 = vector.broadcast %reduce_sum3A_1804 : f32 to vector<16xf32>
      %select_n3A_1806 = arith.select %eq3A_1794, %broadcast_in_dim3A_1805, %select_n3A_1555 : vector<16xi1>, vector<16xf32>
      %reduce_sum3A_1807 = arith.constant true
      %reduce_sum3A_1808 = vector.broadcast %reduce_sum3A_1807 : i1 to vector<16xi1>
      %reduce_sum3A_1809 = tpu.scan <sum>, %add3A_1791 masked %reduce_sum3A_1808 : vector<16xf32>, vector<16xi1> -> vector<16xf32>
      %reduce_sum3A_1810 = vector.extract %reduce_sum3A_1809[15] : f32 from vector<16xf32>
      %broadcast_in_dim3A_1811 = vector.broadcast %reduce_sum3A_1810 : f32 to vector<16xf32>
      %select_n3A_1812 = arith.select %eq3A_1794, %broadcast_in_dim3A_1811, %select_n3A_1561 : vector<16xi1>, vector<16xf32>
      %broadcast_in_dim3A_1813 = arith.constant 0.000000e+00 : f32
      %broadcast_in_dim3A_1814 = vector.broadcast %broadcast_in_dim3A_1813 : f32 to vector<16xf32>
      %broadcast_in_dim3A_1815 = arith.constant 0.000000e+00 : f32
      %broadcast_in_dim3A_1816 = vector.broadcast %broadcast_in_dim3A_1815 : f32 to vector<16xf32>
      %broadcast_in_dim3A_1817 = arith.constant 0.000000e+00 : f32
      %broadcast_in_dim3A_1818 = vector.broadcast %broadcast_in_dim3A_1817 : f32 to vector<16xf32>
      %get3A_1819 = arith.constant 7 : i32
      %get3A_1820 = arith.index_cast %get3A_1819 : i32 to index
      %get3A_1821 = arith.constant 0 : index
      %get3A_1822 = tpu.vector_load %arg8[%get3A_1820, %get3A_1821] {strides = array<i32>} : memref<8x256xf32, #tpu.memory_space<vmem>>, vector<16xf32>,
      %get3A_1823 = arith.constant 7 : i32
      %get3A_1824 = arith.index_cast %get3A_1823 : i32 to index
      %get3A_1825 = arith.constant 0 : index
      %get3A_1826 = tpu.vector_load %arg9[%get3A_1824, %get3A_1825] {strides = array<i32>} : memref<8x256xf32, #tpu.memory_space<vmem>>, vector<16xf32>,
      %mul3A_1827 = arith.mulf %get3A_1822, %get3A_1826 : vector<16xf32>
      %add3A_1828 = arith.addf %broadcast_in_dim3A_1814, %mul3A_1827 : vector<16xf32>
      %mul3A_1829 = arith.mulf %get3A_1822, %get3A_1822 : vector<16xf32>
      %add3A_1830 = arith.addf %broadcast_in_dim3A_1816, %mul3A_1829 : vector<16xf32>
      %mul3A_1831 = arith.mulf %get3A_1826, %get3A_1826 : vector<16xf32>
      %add3A_1832 = arith.addf %broadcast_in_dim3A_1818, %mul3A_1831 : vector<16xf32>
      %get3A_1833 = arith.constant 7 : i32
      %get3A_1834 = arith.index_cast %get3A_1833 : i32 to index
      %get3A_1835 = arith.constant 16 : index
      %get3A_1836 = tpu.vector_load %arg8[%get3A_1834, %get3A_1835] {strides = array<i32>} : memref<8x256xf32, #tpu.memory_space<vmem>>, vector<16xf32>,
      %get3A_1837 = arith.constant 7 : i32
      %get3A_1838 = arith.index_cast %get3A_1837 : i32 to index
      %get3A_1839 = arith.constant 16 : index
      %get3A_1840 = tpu.vector_load %arg9[%get3A_1838, %get3A_1839] {strides = array<i32>} : memref<8x256xf32, #tpu.memory_space<vmem>>, vector<16xf32>,
      %mul3A_1841 = arith.mulf %get3A_1836, %get3A_1840 : vector<16xf32>
      %add3A_1842 = arith.addf %add3A_1828, %mul3A_1841 : vector<16xf32>
      %mul3A_1843 = arith.mulf %get3A_1836, %get3A_1836 : vector<16xf32>
      %add3A_1844 = arith.addf %add3A_1830, %mul3A_1843 : vector<16xf32>
      %mul3A_1845 = arith.mulf %get3A_1840, %get3A_1840 : vector<16xf32>
      %add3A_1846 = arith.addf %add3A_1832, %mul3A_1845 : vector<16xf32>
      %get3A_1847 = arith.constant 7 : i32
      %get3A_1848 = arith.index_cast %get3A_1847 : i32 to index
      %get3A_1849 = arith.constant 32 : index
      %get3A_1850 = tpu.vector_load %arg8[%get3A_1848, %get3A_1849] {strides = array<i32>} : memref<8x256xf32, #tpu.memory_space<vmem>>, vector<16xf32>,
      %get3A_1851 = arith.constant 7 : i32
      %get3A_1852 = arith.index_cast %get3A_1851 : i32 to index
      %get3A_1853 = arith.constant 32 : index
      %get3A_1854 = tpu.vector_load %arg9[%get3A_1852, %get3A_1853] {strides = array<i32>} : memref<8x256xf32, #tpu.memory_space<vmem>>, vector<16xf32>,
      %mul3A_1855 = arith.mulf %get3A_1850, %get3A_1854 : vector<16xf32>
      %add3A_1856 = arith.addf %add3A_1842, %mul3A_1855 : vector<16xf32>
      %mul3A_1857 = arith.mulf %get3A_1850, %get3A_1850 : vector<16xf32>
      %add3A_1858 = arith.addf %add3A_1844, %mul3A_1857 : vector<16xf32>
      %mul3A_1859 = arith.mulf %get3A_1854, %get3A_1854 : vector<16xf32>
      %add3A_1860 = arith.addf %add3A_1846, %mul3A_1859 : vector<16xf32>
      %get3A_1861 = arith.constant 7 : i32
      %get3A_1862 = arith.index_cast %get3A_1861 : i32 to index
      %get3A_1863 = arith.constant 48 : index
      %get3A_1864 = tpu.vector_load %arg8[%get3A_1862, %get3A_1863] {strides = array<i32>} : memref<8x256xf32, #tpu.memory_space<vmem>>, vector<16xf32>,
      %get3A_1865 = arith.constant 7 : i32
      %get3A_1866 = arith.index_cast %get3A_1865 : i32 to index
      %get3A_1867 = arith.constant 48 : index
      %get3A_1868 = tpu.vector_load %arg9[%get3A_1866, %get3A_1867] {strides = array<i32>} : memref<8x256xf32, #tpu.memory_space<vmem>>, vector<16xf32>,
      %mul3A_1869 = arith.mulf %get3A_1864, %get3A_1868 : vector<16xf32>
      %add3A_1870 = arith.addf %add3A_1856, %mul3A_1869 : vector<16xf32>
      %mul3A_1871 = arith.mulf %get3A_1864, %get3A_1864 : vector<16xf32>
      %add3A_1872 = arith.addf %add3A_1858, %mul3A_1871 : vector<16xf32>
      %mul3A_1873 = arith.mulf %get3A_1868, %get3A_1868 : vector<16xf32>
      %add3A_1874 = arith.addf %add3A_1860, %mul3A_1873 : vector<16xf32>
      %get3A_1875 = arith.constant 7 : i32
      %get3A_1876 = arith.index_cast %get3A_1875 : i32 to index
      %get3A_1877 = arith.constant 64 : index
      %get3A_1878 = tpu.vector_load %arg8[%get3A_1876, %get3A_1877] {strides = array<i32>} : memref<8x256xf32, #tpu.memory_space<vmem>>, vector<16xf32>,
      %get3A_1879 = arith.constant 7 : i32
      %get3A_1880 = arith.index_cast %get3A_1879 : i32 to index
      %get3A_1881 = arith.constant 64 : index
      %get3A_1882 = tpu.vector_load %arg9[%get3A_1880, %get3A_1881] {strides = array<i32>} : memref<8x256xf32, #tpu.memory_space<vmem>>, vector<16xf32>,
      %mul3A_1883 = arith.mulf %get3A_1878, %get3A_1882 : vector<16xf32>
      %add3A_1884 = arith.addf %add3A_1870, %mul3A_1883 : vector<16xf32>
      %mul3A_1885 = arith.mulf %get3A_1878, %get3A_1878 : vector<16xf32>
      %add3A_1886 = arith.addf %add3A_1872, %mul3A_1885 : vector<16xf32>
      %mul3A_1887 = arith.mulf %get3A_1882, %get3A_1882 : vector<16xf32>
      %add3A_1888 = arith.addf %add3A_1874, %mul3A_1887 : vector<16xf32>
      %get3A_1889 = arith.constant 7 : i32
      %get3A_1890 = arith.index_cast %get3A_1889 : i32 to index
      %get3A_1891 = arith.constant 80 : index
      %get3A_1892 = tpu.vector_load %arg8[%get3A_1890, %get3A_1891] {strides = array<i32>} : memref<8x256xf32, #tpu.memory_space<vmem>>, vector<16xf32>,
      %get3A_1893 = arith.constant 7 : i32
      %get3A_1894 = arith.index_cast %get3A_1893 : i32 to index
      %get3A_1895 = arith.constant 80 : index
      %get3A_1896 = tpu.vector_load %arg9[%get3A_1894, %get3A_1895] {strides = array<i32>} : memref<8x256xf32, #tpu.memory_space<vmem>>, vector<16xf32>,
      %mul3A_1897 = arith.mulf %get3A_1892, %get3A_1896 : vector<16xf32>
      %add3A_1898 = arith.addf %add3A_1884, %mul3A_1897 : vector<16xf32>
      %mul3A_1899 = arith.mulf %get3A_1892, %get3A_1892 : vector<16xf32>
      %add3A_1900 = arith.addf %add3A_1886, %mul3A_1899 : vector<16xf32>
      %mul3A_1901 = arith.mulf %get3A_1896, %get3A_1896 : vector<16xf32>
      %add3A_1902 = arith.addf %add3A_1888, %mul3A_1901 : vector<16xf32>
      %get3A_1903 = arith.constant 7 : i32
      %get3A_1904 = arith.index_cast %get3A_1903 : i32 to index
      %get3A_1905 = arith.constant 96 : index
      %get3A_1906 = tpu.vector_load %arg8[%get3A_1904, %get3A_1905] {strides = array<i32>} : memref<8x256xf32, #tpu.memory_space<vmem>>, vector<16xf32>,
      %get3A_1907 = arith.constant 7 : i32
      %get3A_1908 = arith.index_cast %get3A_1907 : i32 to index
      %get3A_1909 = arith.constant 96 : index
      %get3A_1910 = tpu.vector_load %arg9[%get3A_1908, %get3A_1909] {strides = array<i32>} : memref<8x256xf32, #tpu.memory_space<vmem>>, vector<16xf32>,
      %mul3A_1911 = arith.mulf %get3A_1906, %get3A_1910 : vector<16xf32>
      %add3A_1912 = arith.addf %add3A_1898, %mul3A_1911 : vector<16xf32>
      %mul3A_1913 = arith.mulf %get3A_1906, %get3A_1906 : vector<16xf32>
      %add3A_1914 = arith.addf %add3A_1900, %mul3A_1913 : vector<16xf32>
      %mul3A_1915 = arith.mulf %get3A_1910, %get3A_1910 : vector<16xf32>
      %add3A_1916 = arith.addf %add3A_1902, %mul3A_1915 : vector<16xf32>
      %get3A_1917 = arith.constant 7 : i32
      %get3A_1918 = arith.index_cast %get3A_1917 : i32 to index
      %get3A_1919 = arith.constant 112 : index
      %get3A_1920 = tpu.vector_load %arg8[%get3A_1918, %get3A_1919] {strides = array<i32>} : memref<8x256xf32, #tpu.memory_space<vmem>>, vector<16xf32>,
      %get3A_1921 = arith.constant 7 : i32
      %get3A_1922 = arith.index_cast %get3A_1921 : i32 to index
      %get3A_1923 = arith.constant 112 : index
      %get3A_1924 = tpu.vector_load %arg9[%get3A_1922, %get3A_1923] {strides = array<i32>} : memref<8x256xf32, #tpu.memory_space<vmem>>, vector<16xf32>,
      %mul3A_1925 = arith.mulf %get3A_1920, %get3A_1924 : vector<16xf32>
      %add3A_1926 = arith.addf %add3A_1912, %mul3A_1925 : vector<16xf32>
      %mul3A_1927 = arith.mulf %get3A_1920, %get3A_1920 : vector<16xf32>
      %add3A_1928 = arith.addf %add3A_1914, %mul3A_1927 : vector<16xf32>
      %mul3A_1929 = arith.mulf %get3A_1924, %get3A_1924 : vector<16xf32>
      %add3A_1930 = arith.addf %add3A_1916, %mul3A_1929 : vector<16xf32>
      %get3A_1931 = arith.constant 7 : i32
      %get3A_1932 = arith.index_cast %get3A_1931 : i32 to index
      %get3A_1933 = arith.constant 128 : index
      %get3A_1934 = tpu.vector_load %arg8[%get3A_1932, %get3A_1933] {strides = array<i32>} : memref<8x256xf32, #tpu.memory_space<vmem>>, vector<16xf32>,
      %get3A_1935 = arith.constant 7 : i32
      %get3A_1936 = arith.index_cast %get3A_1935 : i32 to index
      %get3A_1937 = arith.constant 128 : index
      %get3A_1938 = tpu.vector_load %arg9[%get3A_1936, %get3A_1937] {strides = array<i32>} : memref<8x256xf32, #tpu.memory_space<vmem>>, vector<16xf32>,
      %mul3A_1939 = arith.mulf %get3A_1934, %get3A_1938 : vector<16xf32>
      %add3A_1940 = arith.addf %add3A_1926, %mul3A_1939 : vector<16xf32>
      %mul3A_1941 = arith.mulf %get3A_1934, %get3A_1934 : vector<16xf32>
      %add3A_1942 = arith.addf %add3A_1928, %mul3A_1941 : vector<16xf32>
      %mul3A_1943 = arith.mulf %get3A_1938, %get3A_1938 : vector<16xf32>
      %add3A_1944 = arith.addf %add3A_1930, %mul3A_1943 : vector<16xf32>
      %get3A_1945 = arith.constant 7 : i32
      %get3A_1946 = arith.index_cast %get3A_1945 : i32 to index
      %get3A_1947 = arith.constant 144 : index
      %get3A_1948 = tpu.vector_load %arg8[%get3A_1946, %get3A_1947] {strides = array<i32>} : memref<8x256xf32, #tpu.memory_space<vmem>>, vector<16xf32>,
      %get3A_1949 = arith.constant 7 : i32
      %get3A_1950 = arith.index_cast %get3A_1949 : i32 to index
      %get3A_1951 = arith.constant 144 : index
      %get3A_1952 = tpu.vector_load %arg9[%get3A_1950, %get3A_1951] {strides = array<i32>} : memref<8x256xf32, #tpu.memory_space<vmem>>, vector<16xf32>,
      %mul3A_1953 = arith.mulf %get3A_1948, %get3A_1952 : vector<16xf32>
      %add3A_1954 = arith.addf %add3A_1940, %mul3A_1953 : vector<16xf32>
      %mul3A_1955 = arith.mulf %get3A_1948, %get3A_1948 : vector<16xf32>
      %add3A_1956 = arith.addf %add3A_1942, %mul3A_1955 : vector<16xf32>
      %mul3A_1957 = arith.mulf %get3A_1952, %get3A_1952 : vector<16xf32>
      %add3A_1958 = arith.addf %add3A_1944, %mul3A_1957 : vector<16xf32>
      %get3A_1959 = arith.constant 7 : i32
      %get3A_1960 = arith.index_cast %get3A_1959 : i32 to index
      %get3A_1961 = arith.constant 160 : index
      %get3A_1962 = tpu.vector_load %arg8[%get3A_1960, %get3A_1961] {strides = array<i32>} : memref<8x256xf32, #tpu.memory_space<vmem>>, vector<16xf32>,
      %get3A_1963 = arith.constant 7 : i32
      %get3A_1964 = arith.index_cast %get3A_1963 : i32 to index
      %get3A_1965 = arith.constant 160 : index
      %get3A_1966 = tpu.vector_load %arg9[%get3A_1964, %get3A_1965] {strides = array<i32>} : memref<8x256xf32, #tpu.memory_space<vmem>>, vector<16xf32>,
      %mul3A_1967 = arith.mulf %get3A_1962, %get3A_1966 : vector<16xf32>
      %add3A_1968 = arith.addf %add3A_1954, %mul3A_1967 : vector<16xf32>
      %mul3A_1969 = arith.mulf %get3A_1962, %get3A_1962 : vector<16xf32>
      %add3A_1970 = arith.addf %add3A_1956, %mul3A_1969 : vector<16xf32>
      %mul3A_1971 = arith.mulf %get3A_1966, %get3A_1966 : vector<16xf32>
      %add3A_1972 = arith.addf %add3A_1958, %mul3A_1971 : vector<16xf32>
      %get3A_1973 = arith.constant 7 : i32
      %get3A_1974 = arith.index_cast %get3A_1973 : i32 to index
      %get3A_1975 = arith.constant 176 : index
      %get3A_1976 = tpu.vector_load %arg8[%get3A_1974, %get3A_1975] {strides = array<i32>} : memref<8x256xf32, #tpu.memory_space<vmem>>, vector<16xf32>,
      %get3A_1977 = arith.constant 7 : i32
      %get3A_1978 = arith.index_cast %get3A_1977 : i32 to index
      %get3A_1979 = arith.constant 176 : index
      %get3A_1980 = tpu.vector_load %arg9[%get3A_1978, %get3A_1979] {strides = array<i32>} : memref<8x256xf32, #tpu.memory_space<vmem>>, vector<16xf32>,
      %mul3A_1981 = arith.mulf %get3A_1976, %get3A_1980 : vector<16xf32>
      %add3A_1982 = arith.addf %add3A_1968, %mul3A_1981 : vector<16xf32>
      %mul3A_1983 = arith.mulf %get3A_1976, %get3A_1976 : vector<16xf32>
      %add3A_1984 = arith.addf %add3A_1970, %mul3A_1983 : vector<16xf32>
      %mul3A_1985 = arith.mulf %get3A_1980, %get3A_1980 : vector<16xf32>
      %add3A_1986 = arith.addf %add3A_1972, %mul3A_1985 : vector<16xf32>
      %get3A_1987 = arith.constant 7 : i32
      %get3A_1988 = arith.index_cast %get3A_1987 : i32 to index
      %get3A_1989 = arith.constant 192 : index
      %get3A_1990 = tpu.vector_load %arg8[%get3A_1988, %get3A_1989] {strides = array<i32>} : memref<8x256xf32, #tpu.memory_space<vmem>>, vector<16xf32>,
      %get3A_1991 = arith.constant 7 : i32
      %get3A_1992 = arith.index_cast %get3A_1991 : i32 to index
      %get3A_1993 = arith.constant 192 : index
      %get3A_1994 = tpu.vector_load %arg9[%get3A_1992, %get3A_1993] {strides = array<i32>} : memref<8x256xf32, #tpu.memory_space<vmem>>, vector<16xf32>,
      %mul3A_1995 = arith.mulf %get3A_1990, %get3A_1994 : vector<16xf32>
      %add3A_1996 = arith.addf %add3A_1982, %mul3A_1995 : vector<16xf32>
      %mul3A_1997 = arith.mulf %get3A_1990, %get3A_1990 : vector<16xf32>
      %add3A_1998 = arith.addf %add3A_1984, %mul3A_1997 : vector<16xf32>
      %mul3A_1999 = arith.mulf %get3A_1994, %get3A_1994 : vector<16xf32>
      %add3A_2000 = arith.addf %add3A_1986, %mul3A_1999 : vector<16xf32>
      %get3A_2001 = arith.constant 7 : i32
      %get3A_2002 = arith.index_cast %get3A_2001 : i32 to index
      %get3A_2003 = arith.constant 208 : index
      %get3A_2004 = tpu.vector_load %arg8[%get3A_2002, %get3A_2003] {strides = array<i32>} : memref<8x256xf32, #tpu.memory_space<vmem>>, vector<16xf32>,
      %get3A_2005 = arith.constant 7 : i32
      %get3A_2006 = arith.index_cast %get3A_2005 : i32 to index
      %get3A_2007 = arith.constant 208 : index
      %get3A_2008 = tpu.vector_load %arg9[%get3A_2006, %get3A_2007] {strides = array<i32>} : memref<8x256xf32, #tpu.memory_space<vmem>>, vector<16xf32>,
      %mul3A_2009 = arith.mulf %get3A_2004, %get3A_2008 : vector<16xf32>
      %add3A_2010 = arith.addf %add3A_1996, %mul3A_2009 : vector<16xf32>
      %mul3A_2011 = arith.mulf %get3A_2004, %get3A_2004 : vector<16xf32>
      %add3A_2012 = arith.addf %add3A_1998, %mul3A_2011 : vector<16xf32>
      %mul3A_2013 = arith.mulf %get3A_2008, %get3A_2008 : vector<16xf32>
      %add3A_2014 = arith.addf %add3A_2000, %mul3A_2013 : vector<16xf32>
      %get3A_2015 = arith.constant 7 : i32
      %get3A_2016 = arith.index_cast %get3A_2015 : i32 to index
      %get3A_2017 = arith.constant 224 : index
      %get3A_2018 = tpu.vector_load %arg8[%get3A_2016, %get3A_2017] {strides = array<i32>} : memref<8x256xf32, #tpu.memory_space<vmem>>, vector<16xf32>,
      %get3A_2019 = arith.constant 7 : i32
      %get3A_2020 = arith.index_cast %get3A_2019 : i32 to index
      %get3A_2021 = arith.constant 224 : index
      %get3A_2022 = tpu.vector_load %arg9[%get3A_2020, %get3A_2021] {strides = array<i32>} : memref<8x256xf32, #tpu.memory_space<vmem>>, vector<16xf32>,
      %mul3A_2023 = arith.mulf %get3A_2018, %get3A_2022 : vector<16xf32>
      %add3A_2024 = arith.addf %add3A_2010, %mul3A_2023 : vector<16xf32>
      %mul3A_2025 = arith.mulf %get3A_2018, %get3A_2018 : vector<16xf32>
      %add3A_2026 = arith.addf %add3A_2012, %mul3A_2025 : vector<16xf32>
      %mul3A_2027 = arith.mulf %get3A_2022, %get3A_2022 : vector<16xf32>
      %add3A_2028 = arith.addf %add3A_2014, %mul3A_2027 : vector<16xf32>
      %get3A_2029 = arith.constant 7 : i32
      %get3A_2030 = arith.index_cast %get3A_2029 : i32 to index
      %get3A_2031 = arith.constant 240 : index
      %get3A_2032 = tpu.vector_load %arg8[%get3A_2030, %get3A_2031] {strides = array<i32>} : memref<8x256xf32, #tpu.memory_space<vmem>>, vector<16xf32>,
      %get3A_2033 = arith.constant 7 : i32
      %get3A_2034 = arith.index_cast %get3A_2033 : i32 to index
      %get3A_2035 = arith.constant 240 : index
      %get3A_2036 = tpu.vector_load %arg9[%get3A_2034, %get3A_2035] {strides = array<i32>} : memref<8x256xf32, #tpu.memory_space<vmem>>, vector<16xf32>,
      %mul3A_2037 = arith.mulf %get3A_2032, %get3A_2036 : vector<16xf32>
      %add3A_2038 = arith.addf %add3A_2024, %mul3A_2037 : vector<16xf32>
      %mul3A_2039 = arith.mulf %get3A_2032, %get3A_2032 : vector<16xf32>
      %add3A_2040 = arith.addf %add3A_2026, %mul3A_2039 : vector<16xf32>
      %mul3A_2041 = arith.mulf %get3A_2036, %get3A_2036 : vector<16xf32>
      %add3A_2042 = arith.addf %add3A_2028, %mul3A_2041 : vector<16xf32>
      %eq3A_2043 = arith.constant 7 : i32
      %eq3A_2044 = vector.broadcast %eq3A_2043 : i32 to vector<16xi32>
      %eq3A_2045 = arith.cmpi eq, %iota3A, %eq3A_2044 : vector<16xi32>
      %reduce_sum3A_2046 = arith.constant true
      %reduce_sum3A_2047 = vector.broadcast %reduce_sum3A_2046 : i1 to vector<16xi1>
      %reduce_sum3A_2048 = tpu.scan <sum>, %add3A_2038 masked %reduce_sum3A_2047 : vector<16xf32>, vector<16xi1> -> vector<16xf32>
      %reduce_sum3A_2049 = vector.extract %reduce_sum3A_2048[15] : f32 from vector<16xf32>
      %broadcast_in_dim3A_2050 = vector.broadcast %reduce_sum3A_2049 : f32 to vector<16xf32>
      %select_n3A_2051 = arith.select %eq3A_2045, %broadcast_in_dim3A_2050, %select_n3A_1800 : vector<16xi1>, vector<16xf32>
      %reduce_sum3A_2052 = arith.constant true
      %reduce_sum3A_2053 = vector.broadcast %reduce_sum3A_2052 : i1 to vector<16xi1>
      %reduce_sum3A_2054 = tpu.scan <sum>, %add3A_2040 masked %reduce_sum3A_2053 : vector<16xf32>, vector<16xi1> -> vector<16xf32>
      %reduce_sum3A_2055 = vector.extract %reduce_sum3A_2054[15] : f32 from vector<16xf32>
      %broadcast_in_dim3A_2056 = vector.broadcast %reduce_sum3A_2055 : f32 to vector<16xf32>
      %select_n3A_2057 = arith.select %eq3A_2045, %broadcast_in_dim3A_2056, %select_n3A_1806 : vector<16xi1>, vector<16xf32>
      %reduce_sum3A_2058 = arith.constant true
      %reduce_sum3A_2059 = vector.broadcast %reduce_sum3A_2058 : i1 to vector<16xi1>
      %reduce_sum3A_2060 = tpu.scan <sum>, %add3A_2042 masked %reduce_sum3A_2059 : vector<16xf32>, vector<16xi1> -> vector<16xf32>
      %reduce_sum3A_2061 = vector.extract %reduce_sum3A_2060[15] : f32 from vector<16xf32>
      %broadcast_in_dim3A_2062 = vector.broadcast %reduce_sum3A_2061 : f32 to vector<16xf32>
      %select_n3A_2063 = arith.select %eq3A_2045, %broadcast_in_dim3A_2062, %select_n3A_1812 : vector<16xi1>, vector<16xf32>
      %mul3A_2064 = arith.mulf %select_n3A_2057, %select_n3A_2063 : vector<16xf32>
      %bitcast3A = vector.bitcast %mul3A_2064 : vector<16xf32> to vector<16xi32>
      %shift_right_arithmetic3A = arith.constant 1 : i32
      %shift_right_arithmetic3A_2065 = vector.broadcast %shift_right_arithmetic3A : i32 to vector<16xi32>
      %shift_right_arithmetic3A_2066 = arith.shrsi %bitcast3A, %shift_right_arithmetic3A_2065 : vector<16xi32>
      %sub3A_2067 = arith.constant 1597463007 : i32
      %sub3A_2068 = vector.broadcast %sub3A_2067 : i32 to vector<16xi32>
      %sub3A_2069 = arith.subi %sub3A_2068, %shift_right_arithmetic3A_2066 : vector<16xi32>
      %bitcast3A_2070 = vector.bitcast %sub3A_2069 : vector<16xi32> to vector<16xf32>
      %mul3A_2071 = arith.constant 5.000000e-01 : f32
      %mul3A_2072 = vector.broadcast %mul3A_2071 : f32 to vector<16xf32>
      %mul3A_2073 = arith.mulf %mul3A_2072, %mul3A_2064 : vector<16xf32>
      %mul3A_2074 = arith.mulf %mul3A_2073, %bitcast3A_2070 : vector<16xf32>
      %mul3A_2075 = arith.mulf %mul3A_2074, %bitcast3A_2070 : vector<16xf32>
      %sub3A_2076 = arith.constant 1.500000e+00 : f32
      %sub3A_2077 = vector.broadcast %sub3A_2076 : f32 to vector<16xf32>
      %sub3A_2078 = arith.subf %sub3A_2077, %mul3A_2075 : vector<16xf32>
      %mul3A_2079 = arith.mulf %bitcast3A_2070, %sub3A_2078 : vector<16xf32>
      %mul3A_2080 = arith.constant 5.000000e-01 : f32
      %mul3A_2081 = vector.broadcast %mul3A_2080 : f32 to vector<16xf32>
      %mul3A_2082 = arith.mulf %mul3A_2081, %mul3A_2064 : vector<16xf32>
      %mul3A_2083 = arith.mulf %mul3A_2082, %mul3A_2079 : vector<16xf32>
      %mul3A_2084 = arith.mulf %mul3A_2083, %mul3A_2079 : vector<16xf32>
      %sub3A_2085 = arith.constant 1.500000e+00 : f32
      %sub3A_2086 = vector.broadcast %sub3A_2085 : f32 to vector<16xf32>
      %sub3A_2087 = arith.subf %sub3A_2086, %mul3A_2084 : vector<16xf32>
      %mul3A_2088 = arith.mulf %mul3A_2079, %sub3A_2087 : vector<16xf32>
      %mul3A_2089 = arith.constant 5.000000e-01 : f32
      %mul3A_2090 = vector.broadcast %mul3A_2089 : f32 to vector<16xf32>
      %mul3A_2091 = arith.mulf %mul3A_2090, %mul3A_2064 : vector<16xf32>
      %mul3A_2092 = arith.mulf %mul3A_2091, %mul3A_2088 : vector<16xf32>
      %mul3A_2093 = arith.mulf %mul3A_2092, %mul3A_2088 : vector<16xf32>
      %sub3A_2094 = arith.constant 1.500000e+00 : f32
      %sub3A_2095 = vector.broadcast %sub3A_2094 : f32 to vector<16xf32>
      %sub3A_2096 = arith.subf %sub3A_2095, %mul3A_2093 : vector<16xf32>
      %mul3A_2097 = arith.mulf %mul3A_2088, %sub3A_2096 : vector<16xf32>
      %mul3A_2098 = arith.constant 5.000000e-01 : f32
      %mul3A_2099 = vector.broadcast %mul3A_2098 : f32 to vector<16xf32>
      %mul3A_2100 = arith.mulf %mul3A_2099, %mul3A_2064 : vector<16xf32>
      %mul3A_2101 = arith.mulf %mul3A_2100, %mul3A_2097 : vector<16xf32>
      %mul3A_2102 = arith.mulf %mul3A_2101, %mul3A_2097 : vector<16xf32>
      %sub3A_2103 = arith.constant 1.500000e+00 : f32
      %sub3A_2104 = vector.broadcast %sub3A_2103 : f32 to vector<16xf32>
      %sub3A_2105 = arith.subf %sub3A_2104, %mul3A_2102 : vector<16xf32>
      %mul3A_2106 = arith.mulf %mul3A_2097, %sub3A_2105 : vector<16xf32>
      %mul3A_2107 = arith.mulf %select_n3A_2051, %mul3A_2106 : vector<16xf32>
      %add3A_2108 = vector.broadcast %mul3A_40 : i32 to vector<16xi32>
      %add3A_2109 = arith.addi %add3A_2108, %iota3A : vector<16xi32>
      %lt3A_2110 = arith.constant 25 : i32
      %lt3A_2111 = vector.broadcast %lt3A_2110 : i32 to vector<16xi32>
      %lt3A_2112 = arith.cmpi slt, %add3A_2109, %lt3A_2111 : vector<16xi32>
      %lt3A_2113 = arith.constant 8 : i32
      %lt3A_2114 = vector.broadcast %lt3A_2113 : i32 to vector<16xi32>
      %lt3A_2115 = arith.cmpi slt, %iota3A, %lt3A_2114 : vector<16xi32>
      %and3A_2116 = arith.andi %lt3A_2112, %lt3A_2115 : vector<16xi1>
      %jit3A_2117 = arith.constant 0.000000e+00 : f32
      %broadcast_in_dim3A_2118 = vector.broadcast %jit3A_2117 : f32 to vector<16xf32>
      %select_n3A_2119 = arith.select %and3A_2116, %mul3A_2107, %broadcast_in_dim3A_2118 : vector<16xi1>, vector<16xf32>
      %reduce_sum3A_2120 = arith.constant true
      %reduce_sum3A_2121 = vector.broadcast %reduce_sum3A_2120 : i1 to vector<16xi1>
      %reduce_sum3A_2122 = tpu.scan <sum>, %select_n3A_2119 masked %reduce_sum3A_2121 : vector<16xf32>, vector<16xi1> -> vector<16xf32>
      %reduce_sum3A_2123 = vector.extract %reduce_sum3A_2122[15] : f32 from vector<16xf32>
      %eq3A_2124 = arith.constant 0 : i32
      %eq3A_2125 = vector.broadcast %eq3A_2124 : i32 to vector<16xi32>
      %eq3A_2126 = arith.cmpi eq, %iota3A, %eq3A_2125 : vector<16xi32>
      %jit3A_2127 = arith.constant 0.000000e+00 : f32
      %broadcast_in_dim3A_2128 = vector.broadcast %reduce_sum3A_2123 : f32 to vector<16xf32>
      %broadcast_in_dim3A_2129 = vector.broadcast %jit3A_2127 : f32 to vector<16xf32>
      %select_n3A_2130 = arith.select %eq3A_2126, %broadcast_in_dim3A_2128, %broadcast_in_dim3A_2129 : vector<16xi1>, vector<16xf32>
      %swap3A = arith.constant 0 : index
      %swap3A_2131 = tpu.vector_load %arg10[%swap3A] {strides = array<i32>} : memref<16xf32, #tpu.memory_space<vmem>>, vector<16xf32>,
      tpu.vector_store %arg10[%swap3A], %select_n3A_2130 {strides = array<i32>} : memref<16xf32, #tpu.memory_space<vmem>>, vector<16xf32>,
      "tpu.region"() ({
        %run_scoped3A = tpu.sem_alloc : memref<!tpu.dma_semaphore, #tpu.memory_space<semaphore_mem>>
        %dma_start3A_2132 = arith.constant 0 : i32
        %dma_start3A_2133 = tpu.memref_slice %arg12[%arg1, %dma_start3A_2132] : memref<16x16xf32, #tpu.memory_space<vmem_shared>> -> memref<1x16xf32, #tpu.memory_space<vmem_shared>>
        %dma_start3A_2134 = tpu.memref_squeeze %dma_start3A_2133 : memref<1x16xf32, #tpu.memory_space<vmem_shared>> -> memref<16xf32, #tpu.memory_space<vmem_shared>>
        %dma_start3A_2135 = arith.constant 0 : i32
        %dma_start3A_2136 = tpu.memref_slice %arg12[%arg1, %dma_start3A_2135] : memref<16x16xf32, #tpu.memory_space<vmem_shared>> -> memref<1x16xf32, #tpu.memory_space<vmem_shared>>
        %dma_start3A_2137 = tpu.memref_squeeze %dma_start3A_2136 : memref<1x16xf32, #tpu.memory_space<vmem_shared>> -> memref<16xf32, #tpu.memory_space<vmem_shared>>
        tpu.enqueue_dma source(%arg10 : memref<16xf32, #tpu.memory_space<vmem>>) target(%dma_start3A_2137 : memref<16xf32, #tpu.memory_space<vmem_shared>>) target_semaphore(%run_scoped3A : memref<!tpu.dma_semaphore, #tpu.memory_space<semaphore_mem>>)
        %dma_wait3A_2138 = arith.constant 0 : i32
        %dma_wait3A_2139 = tpu.memref_slice %arg12[%arg1, %dma_wait3A_2138] : memref<16x16xf32, #tpu.memory_space<vmem_shared>> -> memref<1x16xf32, #tpu.memory_space<vmem_shared>>
        %dma_wait3A_2140 = tpu.memref_squeeze %dma_wait3A_2139 : memref<1x16xf32, #tpu.memory_space<vmem_shared>> -> memref<16xf32, #tpu.memory_space<vmem_shared>>
        %dma_wait3A_2141 = arith.constant 0 : i32
        %dma_wait3A_2142 = tpu.memref_slice %arg12[%arg1, %dma_wait3A_2141] : memref<16x16xf32, #tpu.memory_space<vmem_shared>> -> memref<1x16xf32, #tpu.memory_space<vmem_shared>>
        %dma_wait3A_2143 = tpu.memref_squeeze %dma_wait3A_2142 : memref<1x16xf32, #tpu.memory_space<vmem_shared>> -> memref<16xf32, #tpu.memory_space<vmem_shared>>
        tpu.wait_dma2 semaphore(%run_scoped3A : memref<!tpu.dma_semaphore, #tpu.memory_space<semaphore_mem>>) src(%arg10 : memref<16xf32, #tpu.memory_space<vmem>>) dst(%dma_wait3A_2143 : memref<16xf32, #tpu.memory_space<vmem_shared>>)
        tpu.yield
      }) : () -> ()
    } else {
    }
    %barrier3A = arith.constant 0 : index
    tpu.barrier barrier_id(%barrier3A)
    %eq3A_2 = arith.constant 0 : i32
    %eq3A_3 = arith.cmpi eq, %arg0, %eq3A_2 : i32
    %eq3A_4 = arith.constant 0 : i32
    %eq3A_5 = arith.cmpi eq, %arg1, %eq3A_4 : i32
    %and3A = arith.andi %eq3A_3, %eq3A_5 : i1
    %convert_element_type3A_6 = arith.extui %and3A : i1 to i32
    %cond3A_7 = arith.constant 0 : i32
    %cond3A_8 = arith.cmpi ne, %convert_element_type3A_6, %cond3A_7 : i32
    scf.if %cond3A_8 {
      "tpu.region"() ({
        %run_scoped3A = tpu.sem_alloc : memref<!tpu.dma_semaphore, #tpu.memory_space<semaphore_mem>>
        tpu.enqueue_dma source(%arg12 : memref<16x16xf32, #tpu.memory_space<vmem_shared>>) target(%arg11 : memref<16x16xf32, #tpu.memory_space<vmem>>) target_semaphore(%run_scoped3A : memref<!tpu.dma_semaphore, #tpu.memory_space<semaphore_mem>>)
        tpu.wait_dma2 semaphore(%run_scoped3A : memref<!tpu.dma_semaphore, #tpu.memory_space<semaphore_mem>>) src(%arg12 : memref<16x16xf32, #tpu.memory_space<vmem_shared>>) dst(%arg11 : memref<16x16xf32, #tpu.memory_space<vmem>>)
        tpu.yield
      }) : () -> ()
      %broadcast_in_dim3A = arith.constant 0.000000e+00 : f32
      %broadcast_in_dim3A_9 = vector.broadcast %broadcast_in_dim3A : f32 to vector<16xf32>
      %get3A = arith.constant 0 : i32
      %get3A_10 = arith.index_cast %get3A : i32 to index
      %get3A_11 = arith.constant 0 : index
      %get3A_12 = tpu.vector_load %arg11[%get3A_10, %get3A_11] {strides = array<i32>} : memref<16x16xf32, #tpu.memory_space<vmem>>, vector<16xf32>,
      %add3A = arith.addf %broadcast_in_dim3A_9, %get3A_12 : vector<16xf32>
      %get3A_13 = arith.constant 1 : i32
      %get3A_14 = arith.index_cast %get3A_13 : i32 to index
      %get3A_15 = arith.constant 0 : index
      %get3A_16 = tpu.vector_load %arg11[%get3A_14, %get3A_15] {strides = array<i32>} : memref<16x16xf32, #tpu.memory_space<vmem>>, vector<16xf32>,
      %add3A_17 = arith.addf %add3A, %get3A_16 : vector<16xf32>
      %get3A_18 = arith.constant 2 : i32
      %get3A_19 = arith.index_cast %get3A_18 : i32 to index
      %get3A_20 = arith.constant 0 : index
      %get3A_21 = tpu.vector_load %arg11[%get3A_19, %get3A_20] {strides = array<i32>} : memref<16x16xf32, #tpu.memory_space<vmem>>, vector<16xf32>,
      %add3A_22 = arith.addf %add3A_17, %get3A_21 : vector<16xf32>
      %get3A_23 = arith.constant 3 : i32
      %get3A_24 = arith.index_cast %get3A_23 : i32 to index
      %get3A_25 = arith.constant 0 : index
      %get3A_26 = tpu.vector_load %arg11[%get3A_24, %get3A_25] {strides = array<i32>} : memref<16x16xf32, #tpu.memory_space<vmem>>, vector<16xf32>,
      %add3A_27 = arith.addf %add3A_22, %get3A_26 : vector<16xf32>
      %get3A_28 = arith.constant 4 : i32
      %get3A_29 = arith.index_cast %get3A_28 : i32 to index
      %get3A_30 = arith.constant 0 : index
      %get3A_31 = tpu.vector_load %arg11[%get3A_29, %get3A_30] {strides = array<i32>} : memref<16x16xf32, #tpu.memory_space<vmem>>, vector<16xf32>,
      %add3A_32 = arith.addf %add3A_27, %get3A_31 : vector<16xf32>
      %get3A_33 = arith.constant 5 : i32
      %get3A_34 = arith.index_cast %get3A_33 : i32 to index
      %get3A_35 = arith.constant 0 : index
      %get3A_36 = tpu.vector_load %arg11[%get3A_34, %get3A_35] {strides = array<i32>} : memref<16x16xf32, #tpu.memory_space<vmem>>, vector<16xf32>,
      %add3A_37 = arith.addf %add3A_32, %get3A_36 : vector<16xf32>
      %get3A_38 = arith.constant 6 : i32
      %get3A_39 = arith.index_cast %get3A_38 : i32 to index
      %get3A_40 = arith.constant 0 : index
      %get3A_41 = tpu.vector_load %arg11[%get3A_39, %get3A_40] {strides = array<i32>} : memref<16x16xf32, #tpu.memory_space<vmem>>, vector<16xf32>,
      %add3A_42 = arith.addf %add3A_37, %get3A_41 : vector<16xf32>
      %get3A_43 = arith.constant 7 : i32
      %get3A_44 = arith.index_cast %get3A_43 : i32 to index
      %get3A_45 = arith.constant 0 : index
      %get3A_46 = tpu.vector_load %arg11[%get3A_44, %get3A_45] {strides = array<i32>} : memref<16x16xf32, #tpu.memory_space<vmem>>, vector<16xf32>,
      %add3A_47 = arith.addf %add3A_42, %get3A_46 : vector<16xf32>
      %get3A_48 = arith.constant 8 : i32
      %get3A_49 = arith.index_cast %get3A_48 : i32 to index
      %get3A_50 = arith.constant 0 : index
      %get3A_51 = tpu.vector_load %arg11[%get3A_49, %get3A_50] {strides = array<i32>} : memref<16x16xf32, #tpu.memory_space<vmem>>, vector<16xf32>,
      %add3A_52 = arith.addf %add3A_47, %get3A_51 : vector<16xf32>
      %get3A_53 = arith.constant 9 : i32
      %get3A_54 = arith.index_cast %get3A_53 : i32 to index
      %get3A_55 = arith.constant 0 : index
      %get3A_56 = tpu.vector_load %arg11[%get3A_54, %get3A_55] {strides = array<i32>} : memref<16x16xf32, #tpu.memory_space<vmem>>, vector<16xf32>,
      %add3A_57 = arith.addf %add3A_52, %get3A_56 : vector<16xf32>
      %get3A_58 = arith.constant 10 : i32
      %get3A_59 = arith.index_cast %get3A_58 : i32 to index
      %get3A_60 = arith.constant 0 : index
      %get3A_61 = tpu.vector_load %arg11[%get3A_59, %get3A_60] {strides = array<i32>} : memref<16x16xf32, #tpu.memory_space<vmem>>, vector<16xf32>,
      %add3A_62 = arith.addf %add3A_57, %get3A_61 : vector<16xf32>
      %get3A_63 = arith.constant 11 : i32
      %get3A_64 = arith.index_cast %get3A_63 : i32 to index
      %get3A_65 = arith.constant 0 : index
      %get3A_66 = tpu.vector_load %arg11[%get3A_64, %get3A_65] {strides = array<i32>} : memref<16x16xf32, #tpu.memory_space<vmem>>, vector<16xf32>,
      %add3A_67 = arith.addf %add3A_62, %get3A_66 : vector<16xf32>
      %get3A_68 = arith.constant 12 : i32
      %get3A_69 = arith.index_cast %get3A_68 : i32 to index
      %get3A_70 = arith.constant 0 : index
      %get3A_71 = tpu.vector_load %arg11[%get3A_69, %get3A_70] {strides = array<i32>} : memref<16x16xf32, #tpu.memory_space<vmem>>, vector<16xf32>,
      %add3A_72 = arith.addf %add3A_67, %get3A_71 : vector<16xf32>
      %get3A_73 = arith.constant 13 : i32
      %get3A_74 = arith.index_cast %get3A_73 : i32 to index
      %get3A_75 = arith.constant 0 : index
      %get3A_76 = tpu.vector_load %arg11[%get3A_74, %get3A_75] {strides = array<i32>} : memref<16x16xf32, #tpu.memory_space<vmem>>, vector<16xf32>,
      %add3A_77 = arith.addf %add3A_72, %get3A_76 : vector<16xf32>
      %get3A_78 = arith.constant 14 : i32
      %get3A_79 = arith.index_cast %get3A_78 : i32 to index
      %get3A_80 = arith.constant 0 : index
      %get3A_81 = tpu.vector_load %arg11[%get3A_79, %get3A_80] {strides = array<i32>} : memref<16x16xf32, #tpu.memory_space<vmem>>, vector<16xf32>,
      %add3A_82 = arith.addf %add3A_77, %get3A_81 : vector<16xf32>
      %get3A_83 = arith.constant 15 : i32
      %get3A_84 = arith.index_cast %get3A_83 : i32 to index
      %get3A_85 = arith.constant 0 : index
      %get3A_86 = tpu.vector_load %arg11[%get3A_84, %get3A_85] {strides = array<i32>} : memref<16x16xf32, #tpu.memory_space<vmem>>, vector<16xf32>,
      %add3A_87 = arith.addf %add3A_82, %get3A_86 : vector<16xf32>
      %reduce_sum3A = arith.constant true
      %reduce_sum3A_88 = vector.broadcast %reduce_sum3A : i1 to vector<16xi1>
      %reduce_sum3A_89 = tpu.scan <sum>, %add3A_87 masked %reduce_sum3A_88 : vector<16xf32>, vector<16xi1> -> vector<16xf32>
      %reduce_sum3A_90 = vector.extract %reduce_sum3A_89[15] : f32 from vector<16xf32>
      %eq3A_91 = arith.constant 0 : i32
      %eq3A_92 = vector.broadcast %eq3A_91 : i32 to vector<16xi32>
      %eq3A_93 = arith.cmpi eq, %iota3A, %eq3A_92 : vector<16xi32>
      %neg3A = arith.constant 0.000000e+00 : f32
      %neg3A_94 = arith.subf %neg3A, %reduce_sum3A_90 : f32
      %mul3A = arith.constant 0.00999999977 : f32
      %mul3A_95 = arith.mulf %neg3A_94, %mul3A : f32
      %jit3A = arith.constant 0.000000e+00 : f32
      %broadcast_in_dim3A_96 = vector.broadcast %mul3A_95 : f32 to vector<16xf32>
      %broadcast_in_dim3A_97 = vector.broadcast %jit3A : f32 to vector<16xf32>
      %select_n3A = arith.select %eq3A_93, %broadcast_in_dim3A_96, %broadcast_in_dim3A_97 : vector<16xi1>, vector<16xf32>
      %swap3A = arith.constant 0 : index
      %swap3A_98 = tpu.vector_load %arg10[%swap3A] {strides = array<i32>} : memref<16xf32, #tpu.memory_space<vmem>>, vector<16xf32>,
      tpu.vector_store %arg10[%swap3A], %select_n3A {strides = array<i32>} : memref<16xf32, #tpu.memory_space<vmem>>, vector<16xf32>,
      "tpu.region"() ({
        %run_scoped3A = tpu.sem_alloc : memref<!tpu.dma_semaphore, #tpu.memory_space<semaphore_mem>>
        tpu.enqueue_dma source(%arg10 : memref<16xf32, #tpu.memory_space<vmem>>) target(%arg5 : memref<16xf32, #tpu.memory_space<hbm>>) target_semaphore(%run_scoped3A : memref<!tpu.dma_semaphore, #tpu.memory_space<semaphore_mem>>)
        tpu.wait_dma2 semaphore(%run_scoped3A : memref<!tpu.dma_semaphore, #tpu.memory_space<semaphore_mem>>) src(%arg10 : memref<16xf32, #tpu.memory_space<vmem>>) dst(%arg5 : memref<16xf32, #tpu.memory_space<hbm>>)
        tpu.yield
      }) : () -> ()
    } else {
    }
    return
  }
}

module attributes {stable_mosaic.version = 14 : i64} {
  func.func @_match_body(%arg0: memref<4x900x91xf32, #tpu.memory_space<vmem>>, %arg1: memref<4x4x900xf32, #tpu.memory_space<vmem>>, %arg2: memref<4x900x91xf32, #tpu.memory_space<vmem>>, %arg3: memref<4x4x900xf32, #tpu.memory_space<vmem>>, %arg4: memref<4x25x1xi32, #tpu.memory_space<vmem>>, %arg5: memref<4x25x4xf32, #tpu.memory_space<vmem>>, %arg6: memref<8x32xi32, #tpu.memory_space<vmem>>) attributes {dimension_semantics = [], scalar_prefetch = 0 : i64, scratch_operands = 0 : i64, tpu.core_type = #tpu.core_type<tc>} {
    %get3A = arith.constant 0 : index
    %get3A_0 = arith.constant 0 : index
    %get3A_1 = arith.constant 0 : index
    %get3A_2 = vector.load %arg0[%get3A, %get3A_0, %get3A_1] : memref<4x900x91xf32, #tpu.memory_space<vmem>>, vector<1x900x91xf32>
    %get3A_3 = vector.shape_cast %get3A_2 : vector<1x900x91xf32> to vector<900x91xf32>
    %get3A_4 = arith.constant 0 : index
    %get3A_5 = arith.constant 0 : index
    %get3A_6 = arith.constant 0 : index
    %get3A_7 = vector.load %arg1[%get3A_4, %get3A_5, %get3A_6] : memref<4x4x900xf32, #tpu.memory_space<vmem>>, vector<1x4x900xf32>
    %get3A_8 = vector.shape_cast %get3A_7 : vector<1x4x900xf32> to vector<4x900xf32>
    %get3A_9 = arith.constant 0 : index
    %get3A_10 = arith.constant 0 : index
    %get3A_11 = arith.constant 0 : index
    %get3A_12 = vector.load %arg4[%get3A_9, %get3A_10, %get3A_11] : memref<4x25x1xi32, #tpu.memory_space<vmem>>, vector<1x25x1xi32>
    %get3A_13 = vector.shape_cast %get3A_12 : vector<1x25x1xi32> to vector<25x1xi32>
    %get3A_14 = arith.constant 0 : index
    %get3A_15 = arith.constant 0 : index
    %get3A_16 = arith.constant 0 : index
    %get3A_17 = vector.load %arg5[%get3A_14, %get3A_15, %get3A_16] : memref<4x25x4xf32, #tpu.memory_space<vmem>>, vector<1x25x4xf32>
    %get3A_18 = vector.shape_cast %get3A_17 : vector<1x25x4xf32> to vector<25x4xf32>
    %reduce_max3A = arith.constant dense<0xFF800000> : vector<900xf32>
    %reduce_max3A_19 = vector.multi_reduction <maximumf>, %get3A_3, %reduce_max3A [1] : vector<900x91xf32> to vector<900xf32>
    %broadcast_in_dim3A = vector.shape_cast %reduce_max3A_19 : vector<900xf32> to vector<900x1xf32>
    %sub3A = vector.broadcast %broadcast_in_dim3A : vector<900x1xf32> to vector<900x91xf32>
    %sub3A_20 = arith.subf %get3A_3, %sub3A : vector<900x91xf32>
    %exp3A = math.exp %sub3A_20 : vector<900x91xf32>
    %reduce_sum3A = arith.constant dense<0.000000e+00> : vector<900xf32>
    %reduce_sum3A_21 = vector.multi_reduction <add>, %exp3A, %reduce_sum3A [1] : vector<900x91xf32> to vector<900xf32>
    %broadcast_in_dim3A_22 = vector.shape_cast %reduce_sum3A_21 : vector<900xf32> to vector<900x1xf32>
    %div3A = vector.broadcast %broadcast_in_dim3A_22 : vector<900x1xf32> to vector<900x91xf32>
    %div3A_23 = arith.divf %exp3A, %div3A : vector<900x91xf32>
    %iota3A = tpu.iota {dimensions = array<i32: 1>} : vector<25x91xi32>
    %eq3A = vector.broadcast %get3A_13 : vector<25x1xi32> to vector<25x91xi32>
    %eq3A_24 = arith.cmpi eq, %eq3A, %iota3A : vector<25x91xi32>
    %convert_element_type3A = arith.extui %eq3A_24 : vector<25x91xi1> to vector<25x91xi32>
    %convert_element_type3A_25 = arith.sitofp %convert_element_type3A : vector<25x91xi32> to vector<25x91xf32>
    %dot_general3A = arith.constant dense<0.000000e+00> : vector<25x900xf32>
    %dot_general3A_26 = tpu.matmul %convert_element_type3A_25, %div3A_23, %dot_general3A {dimension_numbers = #tpu.dot_dimension_numbers<[1], [1], [0], [0], [0, 0, 1, 0], [], []>, precision = #tpu.contract_precision<fp32>, transpose_lhs_hint = false} : vector<25x91xf32>, vector<900x91xf32>, vector<25x900xf32> -> vector<25x900xf32>
    %mul3A = arith.constant -2.000000e+00 : f32
    %mul3A_27 = vector.broadcast %mul3A : f32 to vector<25x900xf32>
    %mul3A_28 = arith.mulf %mul3A_27, %dot_general3A_26 : vector<25x900xf32>
    %slice3A = vector.extract_strided_slice %get3A_18 {offsets = [0, 0], sizes = [25, 1], strides = [1, 1]} : vector<25x4xf32> to vector<25x1xf32>
    %slice3A_29 = vector.extract_strided_slice %get3A_8 {offsets = [0, 0], sizes = [1, 900], strides = [1, 1]} : vector<4x900xf32> to vector<1x900xf32>
    %sub3A_30 = vector.broadcast %slice3A : vector<25x1xf32> to vector<25x900xf32>
    %sub3A_31 = vector.broadcast %slice3A_29 : vector<1x900xf32> to vector<25x900xf32>
    %sub3A_32 = arith.subf %sub3A_30, %sub3A_31 : vector<25x900xf32>
    %abs3A = math.absf %sub3A_32 : vector<25x900xf32>
    %mul3A_33 = arith.constant 5.000000e+00 : f32
    %mul3A_34 = vector.broadcast %mul3A_33 : f32 to vector<25x900xf32>
    %mul3A_35 = arith.mulf %mul3A_34, %abs3A : vector<25x900xf32>
    %add3A = arith.addf %mul3A_28, %mul3A_35 : vector<25x900xf32>
    %slice3A_36 = vector.extract_strided_slice %get3A_18 {offsets = [0, 1], sizes = [25, 1], strides = [1, 1]} : vector<25x4xf32> to vector<25x1xf32>
    %slice3A_37 = vector.extract_strided_slice %get3A_8 {offsets = [1, 0], sizes = [1, 900], strides = [1, 1]} : vector<4x900xf32> to vector<1x900xf32>
    %sub3A_38 = vector.broadcast %slice3A_36 : vector<25x1xf32> to vector<25x900xf32>
    %sub3A_39 = vector.broadcast %slice3A_37 : vector<1x900xf32> to vector<25x900xf32>
    %sub3A_40 = arith.subf %sub3A_38, %sub3A_39 : vector<25x900xf32>
    %abs3A_41 = math.absf %sub3A_40 : vector<25x900xf32>
    %mul3A_42 = arith.constant 5.000000e+00 : f32
    %mul3A_43 = vector.broadcast %mul3A_42 : f32 to vector<25x900xf32>
    %mul3A_44 = arith.mulf %mul3A_43, %abs3A_41 : vector<25x900xf32>
    %add3A_45 = arith.addf %add3A, %mul3A_44 : vector<25x900xf32>
    %slice3A_46 = vector.extract_strided_slice %get3A_18 {offsets = [0, 2], sizes = [25, 1], strides = [1, 1]} : vector<25x4xf32> to vector<25x1xf32>
    %slice3A_47 = vector.extract_strided_slice %get3A_8 {offsets = [2, 0], sizes = [1, 900], strides = [1, 1]} : vector<4x900xf32> to vector<1x900xf32>
    %sub3A_48 = vector.broadcast %slice3A_46 : vector<25x1xf32> to vector<25x900xf32>
    %sub3A_49 = vector.broadcast %slice3A_47 : vector<1x900xf32> to vector<25x900xf32>
    %sub3A_50 = arith.subf %sub3A_48, %sub3A_49 : vector<25x900xf32>
    %abs3A_51 = math.absf %sub3A_50 : vector<25x900xf32>
    %mul3A_52 = arith.constant 5.000000e+00 : f32
    %mul3A_53 = vector.broadcast %mul3A_52 : f32 to vector<25x900xf32>
    %mul3A_54 = arith.mulf %mul3A_53, %abs3A_51 : vector<25x900xf32>
    %add3A_55 = arith.addf %add3A_45, %mul3A_54 : vector<25x900xf32>
    %slice3A_56 = vector.extract_strided_slice %get3A_18 {offsets = [0, 3], sizes = [25, 1], strides = [1, 1]} : vector<25x4xf32> to vector<25x1xf32>
    %slice3A_57 = vector.extract_strided_slice %get3A_8 {offsets = [3, 0], sizes = [1, 900], strides = [1, 1]} : vector<4x900xf32> to vector<1x900xf32>
    %sub3A_58 = vector.broadcast %slice3A_56 : vector<25x1xf32> to vector<25x900xf32>
    %sub3A_59 = vector.broadcast %slice3A_57 : vector<1x900xf32> to vector<25x900xf32>
    %sub3A_60 = arith.subf %sub3A_58, %sub3A_59 : vector<25x900xf32>
    %abs3A_61 = math.absf %sub3A_60 : vector<25x900xf32>
    %mul3A_62 = arith.constant 5.000000e+00 : f32
    %mul3A_63 = vector.broadcast %mul3A_62 : f32 to vector<25x900xf32>
    %mul3A_64 = arith.mulf %mul3A_63, %abs3A_61 : vector<25x900xf32>
    %add3A_65 = arith.addf %add3A_55, %mul3A_64 : vector<25x900xf32>
    %get3A_66 = arith.constant 1 : index
    %get3A_67 = arith.constant 0 : index
    %get3A_68 = arith.constant 0 : index
    %get3A_69 = vector.load %arg0[%get3A_66, %get3A_67, %get3A_68] : memref<4x900x91xf32, #tpu.memory_space<vmem>>, vector<1x900x91xf32>
    %get3A_70 = vector.shape_cast %get3A_69 : vector<1x900x91xf32> to vector<900x91xf32>
    %get3A_71 = arith.constant 1 : index
    %get3A_72 = arith.constant 0 : index
    %get3A_73 = arith.constant 0 : index
    %get3A_74 = vector.load %arg1[%get3A_71, %get3A_72, %get3A_73] : memref<4x4x900xf32, #tpu.memory_space<vmem>>, vector<1x4x900xf32>
    %get3A_75 = vector.shape_cast %get3A_74 : vector<1x4x900xf32> to vector<4x900xf32>
    %get3A_76 = arith.constant 1 : index
    %get3A_77 = arith.constant 0 : index
    %get3A_78 = arith.constant 0 : index
    %get3A_79 = vector.load %arg4[%get3A_76, %get3A_77, %get3A_78] : memref<4x25x1xi32, #tpu.memory_space<vmem>>, vector<1x25x1xi32>
    %get3A_80 = vector.shape_cast %get3A_79 : vector<1x25x1xi32> to vector<25x1xi32>
    %get3A_81 = arith.constant 1 : index
    %get3A_82 = arith.constant 0 : index
    %get3A_83 = arith.constant 0 : index
    %get3A_84 = vector.load %arg5[%get3A_81, %get3A_82, %get3A_83] : memref<4x25x4xf32, #tpu.memory_space<vmem>>, vector<1x25x4xf32>
    %get3A_85 = vector.shape_cast %get3A_84 : vector<1x25x4xf32> to vector<25x4xf32>
    %reduce_max3A_86 = arith.constant dense<0xFF800000> : vector<900xf32>
    %reduce_max3A_87 = vector.multi_reduction <maximumf>, %get3A_70, %reduce_max3A_86 [1] : vector<900x91xf32> to vector<900xf32>
    %broadcast_in_dim3A_88 = vector.shape_cast %reduce_max3A_87 : vector<900xf32> to vector<900x1xf32>
    %sub3A_89 = vector.broadcast %broadcast_in_dim3A_88 : vector<900x1xf32> to vector<900x91xf32>
    %sub3A_90 = arith.subf %get3A_70, %sub3A_89 : vector<900x91xf32>
    %exp3A_91 = math.exp %sub3A_90 : vector<900x91xf32>
    %reduce_sum3A_92 = arith.constant dense<0.000000e+00> : vector<900xf32>
    %reduce_sum3A_93 = vector.multi_reduction <add>, %exp3A_91, %reduce_sum3A_92 [1] : vector<900x91xf32> to vector<900xf32>
    %broadcast_in_dim3A_94 = vector.shape_cast %reduce_sum3A_93 : vector<900xf32> to vector<900x1xf32>
    %div3A_95 = vector.broadcast %broadcast_in_dim3A_94 : vector<900x1xf32> to vector<900x91xf32>
    %div3A_96 = arith.divf %exp3A_91, %div3A_95 : vector<900x91xf32>
    %iota3A_97 = tpu.iota {dimensions = array<i32: 1>} : vector<25x91xi32>
    %eq3A_98 = vector.broadcast %get3A_80 : vector<25x1xi32> to vector<25x91xi32>
    %eq3A_99 = arith.cmpi eq, %eq3A_98, %iota3A_97 : vector<25x91xi32>
    %convert_element_type3A_100 = arith.extui %eq3A_99 : vector<25x91xi1> to vector<25x91xi32>
    %convert_element_type3A_101 = arith.sitofp %convert_element_type3A_100 : vector<25x91xi32> to vector<25x91xf32>
    %dot_general3A_102 = arith.constant dense<0.000000e+00> : vector<25x900xf32>
    %dot_general3A_103 = tpu.matmul %convert_element_type3A_101, %div3A_96, %dot_general3A_102 {dimension_numbers = #tpu.dot_dimension_numbers<[1], [1], [0], [0], [0, 0, 1, 0], [], []>, precision = #tpu.contract_precision<fp32>, transpose_lhs_hint = false} : vector<25x91xf32>, vector<900x91xf32>, vector<25x900xf32> -> vector<25x900xf32>
    %mul3A_104 = arith.constant -2.000000e+00 : f32
    %mul3A_105 = vector.broadcast %mul3A_104 : f32 to vector<25x900xf32>
    %mul3A_106 = arith.mulf %mul3A_105, %dot_general3A_103 : vector<25x900xf32>
    %slice3A_107 = vector.extract_strided_slice %get3A_85 {offsets = [0, 0], sizes = [25, 1], strides = [1, 1]} : vector<25x4xf32> to vector<25x1xf32>
    %slice3A_108 = vector.extract_strided_slice %get3A_75 {offsets = [0, 0], sizes = [1, 900], strides = [1, 1]} : vector<4x900xf32> to vector<1x900xf32>
    %sub3A_109 = vector.broadcast %slice3A_107 : vector<25x1xf32> to vector<25x900xf32>
    %sub3A_110 = vector.broadcast %slice3A_108 : vector<1x900xf32> to vector<25x900xf32>
    %sub3A_111 = arith.subf %sub3A_109, %sub3A_110 : vector<25x900xf32>
    %abs3A_112 = math.absf %sub3A_111 : vector<25x900xf32>
    %mul3A_113 = arith.constant 5.000000e+00 : f32
    %mul3A_114 = vector.broadcast %mul3A_113 : f32 to vector<25x900xf32>
    %mul3A_115 = arith.mulf %mul3A_114, %abs3A_112 : vector<25x900xf32>
    %add3A_116 = arith.addf %mul3A_106, %mul3A_115 : vector<25x900xf32>
    %slice3A_117 = vector.extract_strided_slice %get3A_85 {offsets = [0, 1], sizes = [25, 1], strides = [1, 1]} : vector<25x4xf32> to vector<25x1xf32>
    %slice3A_118 = vector.extract_strided_slice %get3A_75 {offsets = [1, 0], sizes = [1, 900], strides = [1, 1]} : vector<4x900xf32> to vector<1x900xf32>
    %sub3A_119 = vector.broadcast %slice3A_117 : vector<25x1xf32> to vector<25x900xf32>
    %sub3A_120 = vector.broadcast %slice3A_118 : vector<1x900xf32> to vector<25x900xf32>
    %sub3A_121 = arith.subf %sub3A_119, %sub3A_120 : vector<25x900xf32>
    %abs3A_122 = math.absf %sub3A_121 : vector<25x900xf32>
    %mul3A_123 = arith.constant 5.000000e+00 : f32
    %mul3A_124 = vector.broadcast %mul3A_123 : f32 to vector<25x900xf32>
    %mul3A_125 = arith.mulf %mul3A_124, %abs3A_122 : vector<25x900xf32>
    %add3A_126 = arith.addf %add3A_116, %mul3A_125 : vector<25x900xf32>
    %slice3A_127 = vector.extract_strided_slice %get3A_85 {offsets = [0, 2], sizes = [25, 1], strides = [1, 1]} : vector<25x4xf32> to vector<25x1xf32>
    %slice3A_128 = vector.extract_strided_slice %get3A_75 {offsets = [2, 0], sizes = [1, 900], strides = [1, 1]} : vector<4x900xf32> to vector<1x900xf32>
    %sub3A_129 = vector.broadcast %slice3A_127 : vector<25x1xf32> to vector<25x900xf32>
    %sub3A_130 = vector.broadcast %slice3A_128 : vector<1x900xf32> to vector<25x900xf32>
    %sub3A_131 = arith.subf %sub3A_129, %sub3A_130 : vector<25x900xf32>
    %abs3A_132 = math.absf %sub3A_131 : vector<25x900xf32>
    %mul3A_133 = arith.constant 5.000000e+00 : f32
    %mul3A_134 = vector.broadcast %mul3A_133 : f32 to vector<25x900xf32>
    %mul3A_135 = arith.mulf %mul3A_134, %abs3A_132 : vector<25x900xf32>
    %add3A_136 = arith.addf %add3A_126, %mul3A_135 : vector<25x900xf32>
    %slice3A_137 = vector.extract_strided_slice %get3A_85 {offsets = [0, 3], sizes = [25, 1], strides = [1, 1]} : vector<25x4xf32> to vector<25x1xf32>
    %slice3A_138 = vector.extract_strided_slice %get3A_75 {offsets = [3, 0], sizes = [1, 900], strides = [1, 1]} : vector<4x900xf32> to vector<1x900xf32>
    %sub3A_139 = vector.broadcast %slice3A_137 : vector<25x1xf32> to vector<25x900xf32>
    %sub3A_140 = vector.broadcast %slice3A_138 : vector<1x900xf32> to vector<25x900xf32>
    %sub3A_141 = arith.subf %sub3A_139, %sub3A_140 : vector<25x900xf32>
    %abs3A_142 = math.absf %sub3A_141 : vector<25x900xf32>
    %mul3A_143 = arith.constant 5.000000e+00 : f32
    %mul3A_144 = vector.broadcast %mul3A_143 : f32 to vector<25x900xf32>
    %mul3A_145 = arith.mulf %mul3A_144, %abs3A_142 : vector<25x900xf32>
    %add3A_146 = arith.addf %add3A_136, %mul3A_145 : vector<25x900xf32>
    %get3A_147 = arith.constant 2 : index
    %get3A_148 = arith.constant 0 : index
    %get3A_149 = arith.constant 0 : index
    %get3A_150 = vector.load %arg0[%get3A_147, %get3A_148, %get3A_149] : memref<4x900x91xf32, #tpu.memory_space<vmem>>, vector<1x900x91xf32>
    %get3A_151 = vector.shape_cast %get3A_150 : vector<1x900x91xf32> to vector<900x91xf32>
    %get3A_152 = arith.constant 2 : index
    %get3A_153 = arith.constant 0 : index
    %get3A_154 = arith.constant 0 : index
    %get3A_155 = vector.load %arg1[%get3A_152, %get3A_153, %get3A_154] : memref<4x4x900xf32, #tpu.memory_space<vmem>>, vector<1x4x900xf32>
    %get3A_156 = vector.shape_cast %get3A_155 : vector<1x4x900xf32> to vector<4x900xf32>
    %get3A_157 = arith.constant 2 : index
    %get3A_158 = arith.constant 0 : index
    %get3A_159 = arith.constant 0 : index
    %get3A_160 = vector.load %arg4[%get3A_157, %get3A_158, %get3A_159] : memref<4x25x1xi32, #tpu.memory_space<vmem>>, vector<1x25x1xi32>
    %get3A_161 = vector.shape_cast %get3A_160 : vector<1x25x1xi32> to vector<25x1xi32>
    %get3A_162 = arith.constant 2 : index
    %get3A_163 = arith.constant 0 : index
    %get3A_164 = arith.constant 0 : index
    %get3A_165 = vector.load %arg5[%get3A_162, %get3A_163, %get3A_164] : memref<4x25x4xf32, #tpu.memory_space<vmem>>, vector<1x25x4xf32>
    %get3A_166 = vector.shape_cast %get3A_165 : vector<1x25x4xf32> to vector<25x4xf32>
    %reduce_max3A_167 = arith.constant dense<0xFF800000> : vector<900xf32>
    %reduce_max3A_168 = vector.multi_reduction <maximumf>, %get3A_151, %reduce_max3A_167 [1] : vector<900x91xf32> to vector<900xf32>
    %broadcast_in_dim3A_169 = vector.shape_cast %reduce_max3A_168 : vector<900xf32> to vector<900x1xf32>
    %sub3A_170 = vector.broadcast %broadcast_in_dim3A_169 : vector<900x1xf32> to vector<900x91xf32>
    %sub3A_171 = arith.subf %get3A_151, %sub3A_170 : vector<900x91xf32>
    %exp3A_172 = math.exp %sub3A_171 : vector<900x91xf32>
    %reduce_sum3A_173 = arith.constant dense<0.000000e+00> : vector<900xf32>
    %reduce_sum3A_174 = vector.multi_reduction <add>, %exp3A_172, %reduce_sum3A_173 [1] : vector<900x91xf32> to vector<900xf32>
    %broadcast_in_dim3A_175 = vector.shape_cast %reduce_sum3A_174 : vector<900xf32> to vector<900x1xf32>
    %div3A_176 = vector.broadcast %broadcast_in_dim3A_175 : vector<900x1xf32> to vector<900x91xf32>
    %div3A_177 = arith.divf %exp3A_172, %div3A_176 : vector<900x91xf32>
    %iota3A_178 = tpu.iota {dimensions = array<i32: 1>} : vector<25x91xi32>
    %eq3A_179 = vector.broadcast %get3A_161 : vector<25x1xi32> to vector<25x91xi32>
    %eq3A_180 = arith.cmpi eq, %eq3A_179, %iota3A_178 : vector<25x91xi32>
    %convert_element_type3A_181 = arith.extui %eq3A_180 : vector<25x91xi1> to vector<25x91xi32>
    %convert_element_type3A_182 = arith.sitofp %convert_element_type3A_181 : vector<25x91xi32> to vector<25x91xf32>
    %dot_general3A_183 = arith.constant dense<0.000000e+00> : vector<25x900xf32>
    %dot_general3A_184 = tpu.matmul %convert_element_type3A_182, %div3A_177, %dot_general3A_183 {dimension_numbers = #tpu.dot_dimension_numbers<[1], [1], [0], [0], [0, 0, 1, 0], [], []>, precision = #tpu.contract_precision<fp32>, transpose_lhs_hint = false} : vector<25x91xf32>, vector<900x91xf32>, vector<25x900xf32> -> vector<25x900xf32>
    %mul3A_185 = arith.constant -2.000000e+00 : f32
    %mul3A_186 = vector.broadcast %mul3A_185 : f32 to vector<25x900xf32>
    %mul3A_187 = arith.mulf %mul3A_186, %dot_general3A_184 : vector<25x900xf32>
    %slice3A_188 = vector.extract_strided_slice %get3A_166 {offsets = [0, 0], sizes = [25, 1], strides = [1, 1]} : vector<25x4xf32> to vector<25x1xf32>
    %slice3A_189 = vector.extract_strided_slice %get3A_156 {offsets = [0, 0], sizes = [1, 900], strides = [1, 1]} : vector<4x900xf32> to vector<1x900xf32>
    %sub3A_190 = vector.broadcast %slice3A_188 : vector<25x1xf32> to vector<25x900xf32>
    %sub3A_191 = vector.broadcast %slice3A_189 : vector<1x900xf32> to vector<25x900xf32>
    %sub3A_192 = arith.subf %sub3A_190, %sub3A_191 : vector<25x900xf32>
    %abs3A_193 = math.absf %sub3A_192 : vector<25x900xf32>
    %mul3A_194 = arith.constant 5.000000e+00 : f32
    %mul3A_195 = vector.broadcast %mul3A_194 : f32 to vector<25x900xf32>
    %mul3A_196 = arith.mulf %mul3A_195, %abs3A_193 : vector<25x900xf32>
    %add3A_197 = arith.addf %mul3A_187, %mul3A_196 : vector<25x900xf32>
    %slice3A_198 = vector.extract_strided_slice %get3A_166 {offsets = [0, 1], sizes = [25, 1], strides = [1, 1]} : vector<25x4xf32> to vector<25x1xf32>
    %slice3A_199 = vector.extract_strided_slice %get3A_156 {offsets = [1, 0], sizes = [1, 900], strides = [1, 1]} : vector<4x900xf32> to vector<1x900xf32>
    %sub3A_200 = vector.broadcast %slice3A_198 : vector<25x1xf32> to vector<25x900xf32>
    %sub3A_201 = vector.broadcast %slice3A_199 : vector<1x900xf32> to vector<25x900xf32>
    %sub3A_202 = arith.subf %sub3A_200, %sub3A_201 : vector<25x900xf32>
    %abs3A_203 = math.absf %sub3A_202 : vector<25x900xf32>
    %mul3A_204 = arith.constant 5.000000e+00 : f32
    %mul3A_205 = vector.broadcast %mul3A_204 : f32 to vector<25x900xf32>
    %mul3A_206 = arith.mulf %mul3A_205, %abs3A_203 : vector<25x900xf32>
    %add3A_207 = arith.addf %add3A_197, %mul3A_206 : vector<25x900xf32>
    %slice3A_208 = vector.extract_strided_slice %get3A_166 {offsets = [0, 2], sizes = [25, 1], strides = [1, 1]} : vector<25x4xf32> to vector<25x1xf32>
    %slice3A_209 = vector.extract_strided_slice %get3A_156 {offsets = [2, 0], sizes = [1, 900], strides = [1, 1]} : vector<4x900xf32> to vector<1x900xf32>
    %sub3A_210 = vector.broadcast %slice3A_208 : vector<25x1xf32> to vector<25x900xf32>
    %sub3A_211 = vector.broadcast %slice3A_209 : vector<1x900xf32> to vector<25x900xf32>
    %sub3A_212 = arith.subf %sub3A_210, %sub3A_211 : vector<25x900xf32>
    %abs3A_213 = math.absf %sub3A_212 : vector<25x900xf32>
    %mul3A_214 = arith.constant 5.000000e+00 : f32
    %mul3A_215 = vector.broadcast %mul3A_214 : f32 to vector<25x900xf32>
    %mul3A_216 = arith.mulf %mul3A_215, %abs3A_213 : vector<25x900xf32>
    %add3A_217 = arith.addf %add3A_207, %mul3A_216 : vector<25x900xf32>
    %slice3A_218 = vector.extract_strided_slice %get3A_166 {offsets = [0, 3], sizes = [25, 1], strides = [1, 1]} : vector<25x4xf32> to vector<25x1xf32>
    %slice3A_219 = vector.extract_strided_slice %get3A_156 {offsets = [3, 0], sizes = [1, 900], strides = [1, 1]} : vector<4x900xf32> to vector<1x900xf32>
    %sub3A_220 = vector.broadcast %slice3A_218 : vector<25x1xf32> to vector<25x900xf32>
    %sub3A_221 = vector.broadcast %slice3A_219 : vector<1x900xf32> to vector<25x900xf32>
    %sub3A_222 = arith.subf %sub3A_220, %sub3A_221 : vector<25x900xf32>
    %abs3A_223 = math.absf %sub3A_222 : vector<25x900xf32>
    %mul3A_224 = arith.constant 5.000000e+00 : f32
    %mul3A_225 = vector.broadcast %mul3A_224 : f32 to vector<25x900xf32>
    %mul3A_226 = arith.mulf %mul3A_225, %abs3A_223 : vector<25x900xf32>
    %add3A_227 = arith.addf %add3A_217, %mul3A_226 : vector<25x900xf32>
    %get3A_228 = arith.constant 3 : index
    %get3A_229 = arith.constant 0 : index
    %get3A_230 = arith.constant 0 : index
    %get3A_231 = vector.load %arg0[%get3A_228, %get3A_229, %get3A_230] : memref<4x900x91xf32, #tpu.memory_space<vmem>>, vector<1x900x91xf32>
    %get3A_232 = vector.shape_cast %get3A_231 : vector<1x900x91xf32> to vector<900x91xf32>
    %get3A_233 = arith.constant 3 : index
    %get3A_234 = arith.constant 0 : index
    %get3A_235 = arith.constant 0 : index
    %get3A_236 = vector.load %arg1[%get3A_233, %get3A_234, %get3A_235] : memref<4x4x900xf32, #tpu.memory_space<vmem>>, vector<1x4x900xf32>
    %get3A_237 = vector.shape_cast %get3A_236 : vector<1x4x900xf32> to vector<4x900xf32>
    %get3A_238 = arith.constant 3 : index
    %get3A_239 = arith.constant 0 : index
    %get3A_240 = arith.constant 0 : index
    %get3A_241 = vector.load %arg4[%get3A_238, %get3A_239, %get3A_240] : memref<4x25x1xi32, #tpu.memory_space<vmem>>, vector<1x25x1xi32>
    %get3A_242 = vector.shape_cast %get3A_241 : vector<1x25x1xi32> to vector<25x1xi32>
    %get3A_243 = arith.constant 3 : index
    %get3A_244 = arith.constant 0 : index
    %get3A_245 = arith.constant 0 : index
    %get3A_246 = vector.load %arg5[%get3A_243, %get3A_244, %get3A_245] : memref<4x25x4xf32, #tpu.memory_space<vmem>>, vector<1x25x4xf32>
    %get3A_247 = vector.shape_cast %get3A_246 : vector<1x25x4xf32> to vector<25x4xf32>
    %reduce_max3A_248 = arith.constant dense<0xFF800000> : vector<900xf32>
    %reduce_max3A_249 = vector.multi_reduction <maximumf>, %get3A_232, %reduce_max3A_248 [1] : vector<900x91xf32> to vector<900xf32>
    %broadcast_in_dim3A_250 = vector.shape_cast %reduce_max3A_249 : vector<900xf32> to vector<900x1xf32>
    %sub3A_251 = vector.broadcast %broadcast_in_dim3A_250 : vector<900x1xf32> to vector<900x91xf32>
    %sub3A_252 = arith.subf %get3A_232, %sub3A_251 : vector<900x91xf32>
    %exp3A_253 = math.exp %sub3A_252 : vector<900x91xf32>
    %reduce_sum3A_254 = arith.constant dense<0.000000e+00> : vector<900xf32>
    %reduce_sum3A_255 = vector.multi_reduction <add>, %exp3A_253, %reduce_sum3A_254 [1] : vector<900x91xf32> to vector<900xf32>
    %broadcast_in_dim3A_256 = vector.shape_cast %reduce_sum3A_255 : vector<900xf32> to vector<900x1xf32>
    %div3A_257 = vector.broadcast %broadcast_in_dim3A_256 : vector<900x1xf32> to vector<900x91xf32>
    %div3A_258 = arith.divf %exp3A_253, %div3A_257 : vector<900x91xf32>
    %iota3A_259 = tpu.iota {dimensions = array<i32: 1>} : vector<25x91xi32>
    %eq3A_260 = vector.broadcast %get3A_242 : vector<25x1xi32> to vector<25x91xi32>
    %eq3A_261 = arith.cmpi eq, %eq3A_260, %iota3A_259 : vector<25x91xi32>
    %convert_element_type3A_262 = arith.extui %eq3A_261 : vector<25x91xi1> to vector<25x91xi32>
    %convert_element_type3A_263 = arith.sitofp %convert_element_type3A_262 : vector<25x91xi32> to vector<25x91xf32>
    %dot_general3A_264 = arith.constant dense<0.000000e+00> : vector<25x900xf32>
    %dot_general3A_265 = tpu.matmul %convert_element_type3A_263, %div3A_258, %dot_general3A_264 {dimension_numbers = #tpu.dot_dimension_numbers<[1], [1], [0], [0], [0, 0, 1, 0], [], []>, precision = #tpu.contract_precision<fp32>, transpose_lhs_hint = false} : vector<25x91xf32>, vector<900x91xf32>, vector<25x900xf32> -> vector<25x900xf32>
    %mul3A_266 = arith.constant -2.000000e+00 : f32
    %mul3A_267 = vector.broadcast %mul3A_266 : f32 to vector<25x900xf32>
    %mul3A_268 = arith.mulf %mul3A_267, %dot_general3A_265 : vector<25x900xf32>
    %slice3A_269 = vector.extract_strided_slice %get3A_247 {offsets = [0, 0], sizes = [25, 1], strides = [1, 1]} : vector<25x4xf32> to vector<25x1xf32>
    %slice3A_270 = vector.extract_strided_slice %get3A_237 {offsets = [0, 0], sizes = [1, 900], strides = [1, 1]} : vector<4x900xf32> to vector<1x900xf32>
    %sub3A_271 = vector.broadcast %slice3A_269 : vector<25x1xf32> to vector<25x900xf32>
    %sub3A_272 = vector.broadcast %slice3A_270 : vector<1x900xf32> to vector<25x900xf32>
    %sub3A_273 = arith.subf %sub3A_271, %sub3A_272 : vector<25x900xf32>
    %abs3A_274 = math.absf %sub3A_273 : vector<25x900xf32>
    %mul3A_275 = arith.constant 5.000000e+00 : f32
    %mul3A_276 = vector.broadcast %mul3A_275 : f32 to vector<25x900xf32>
    %mul3A_277 = arith.mulf %mul3A_276, %abs3A_274 : vector<25x900xf32>
    %add3A_278 = arith.addf %mul3A_268, %mul3A_277 : vector<25x900xf32>
    %slice3A_279 = vector.extract_strided_slice %get3A_247 {offsets = [0, 1], sizes = [25, 1], strides = [1, 1]} : vector<25x4xf32> to vector<25x1xf32>
    %slice3A_280 = vector.extract_strided_slice %get3A_237 {offsets = [1, 0], sizes = [1, 900], strides = [1, 1]} : vector<4x900xf32> to vector<1x900xf32>
    %sub3A_281 = vector.broadcast %slice3A_279 : vector<25x1xf32> to vector<25x900xf32>
    %sub3A_282 = vector.broadcast %slice3A_280 : vector<1x900xf32> to vector<25x900xf32>
    %sub3A_283 = arith.subf %sub3A_281, %sub3A_282 : vector<25x900xf32>
    %abs3A_284 = math.absf %sub3A_283 : vector<25x900xf32>
    %mul3A_285 = arith.constant 5.000000e+00 : f32
    %mul3A_286 = vector.broadcast %mul3A_285 : f32 to vector<25x900xf32>
    %mul3A_287 = arith.mulf %mul3A_286, %abs3A_284 : vector<25x900xf32>
    %add3A_288 = arith.addf %add3A_278, %mul3A_287 : vector<25x900xf32>
    %slice3A_289 = vector.extract_strided_slice %get3A_247 {offsets = [0, 2], sizes = [25, 1], strides = [1, 1]} : vector<25x4xf32> to vector<25x1xf32>
    %slice3A_290 = vector.extract_strided_slice %get3A_237 {offsets = [2, 0], sizes = [1, 900], strides = [1, 1]} : vector<4x900xf32> to vector<1x900xf32>
    %sub3A_291 = vector.broadcast %slice3A_289 : vector<25x1xf32> to vector<25x900xf32>
    %sub3A_292 = vector.broadcast %slice3A_290 : vector<1x900xf32> to vector<25x900xf32>
    %sub3A_293 = arith.subf %sub3A_291, %sub3A_292 : vector<25x900xf32>
    %abs3A_294 = math.absf %sub3A_293 : vector<25x900xf32>
    %mul3A_295 = arith.constant 5.000000e+00 : f32
    %mul3A_296 = vector.broadcast %mul3A_295 : f32 to vector<25x900xf32>
    %mul3A_297 = arith.mulf %mul3A_296, %abs3A_294 : vector<25x900xf32>
    %add3A_298 = arith.addf %add3A_288, %mul3A_297 : vector<25x900xf32>
    %slice3A_299 = vector.extract_strided_slice %get3A_247 {offsets = [0, 3], sizes = [25, 1], strides = [1, 1]} : vector<25x4xf32> to vector<25x1xf32>
    %slice3A_300 = vector.extract_strided_slice %get3A_237 {offsets = [3, 0], sizes = [1, 900], strides = [1, 1]} : vector<4x900xf32> to vector<1x900xf32>
    %sub3A_301 = vector.broadcast %slice3A_299 : vector<25x1xf32> to vector<25x900xf32>
    %sub3A_302 = vector.broadcast %slice3A_300 : vector<1x900xf32> to vector<25x900xf32>
    %sub3A_303 = arith.subf %sub3A_301, %sub3A_302 : vector<25x900xf32>
    %abs3A_304 = math.absf %sub3A_303 : vector<25x900xf32>
    %mul3A_305 = arith.constant 5.000000e+00 : f32
    %mul3A_306 = vector.broadcast %mul3A_305 : f32 to vector<25x900xf32>
    %mul3A_307 = arith.mulf %mul3A_306, %abs3A_304 : vector<25x900xf32>
    %add3A_308 = arith.addf %add3A_298, %mul3A_307 : vector<25x900xf32>
    %get3A_309 = arith.constant 0 : index
    %get3A_310 = arith.constant 0 : index
    %get3A_311 = arith.constant 0 : index
    %get3A_312 = vector.load %arg2[%get3A_309, %get3A_310, %get3A_311] : memref<4x900x91xf32, #tpu.memory_space<vmem>>, vector<1x900x91xf32>
    %get3A_313 = vector.shape_cast %get3A_312 : vector<1x900x91xf32> to vector<900x91xf32>
    %get3A_314 = arith.constant 0 : index
    %get3A_315 = arith.constant 0 : index
    %get3A_316 = arith.constant 0 : index
    %get3A_317 = vector.load %arg3[%get3A_314, %get3A_315, %get3A_316] : memref<4x4x900xf32, #tpu.memory_space<vmem>>, vector<1x4x900xf32>
    %get3A_318 = vector.shape_cast %get3A_317 : vector<1x4x900xf32> to vector<4x900xf32>
    %get3A_319 = arith.constant 0 : index
    %get3A_320 = arith.constant 0 : index
    %get3A_321 = arith.constant 0 : index
    %get3A_322 = vector.load %arg4[%get3A_319, %get3A_320, %get3A_321] : memref<4x25x1xi32, #tpu.memory_space<vmem>>, vector<1x25x1xi32>
    %get3A_323 = vector.shape_cast %get3A_322 : vector<1x25x1xi32> to vector<25x1xi32>
    %get3A_324 = arith.constant 0 : index
    %get3A_325 = arith.constant 0 : index
    %get3A_326 = arith.constant 0 : index
    %get3A_327 = vector.load %arg5[%get3A_324, %get3A_325, %get3A_326] : memref<4x25x4xf32, #tpu.memory_space<vmem>>, vector<1x25x4xf32>
    %get3A_328 = vector.shape_cast %get3A_327 : vector<1x25x4xf32> to vector<25x4xf32>
    %reduce_max3A_329 = arith.constant dense<0xFF800000> : vector<900xf32>
    %reduce_max3A_330 = vector.multi_reduction <maximumf>, %get3A_313, %reduce_max3A_329 [1] : vector<900x91xf32> to vector<900xf32>
    %broadcast_in_dim3A_331 = vector.shape_cast %reduce_max3A_330 : vector<900xf32> to vector<900x1xf32>
    %sub3A_332 = vector.broadcast %broadcast_in_dim3A_331 : vector<900x1xf32> to vector<900x91xf32>
    %sub3A_333 = arith.subf %get3A_313, %sub3A_332 : vector<900x91xf32>
    %exp3A_334 = math.exp %sub3A_333 : vector<900x91xf32>
    %reduce_sum3A_335 = arith.constant dense<0.000000e+00> : vector<900xf32>
    %reduce_sum3A_336 = vector.multi_reduction <add>, %exp3A_334, %reduce_sum3A_335 [1] : vector<900x91xf32> to vector<900xf32>
    %broadcast_in_dim3A_337 = vector.shape_cast %reduce_sum3A_336 : vector<900xf32> to vector<900x1xf32>
    %div3A_338 = vector.broadcast %broadcast_in_dim3A_337 : vector<900x1xf32> to vector<900x91xf32>
    %div3A_339 = arith.divf %exp3A_334, %div3A_338 : vector<900x91xf32>
    %iota3A_340 = tpu.iota {dimensions = array<i32: 1>} : vector<25x91xi32>
    %eq3A_341 = vector.broadcast %get3A_323 : vector<25x1xi32> to vector<25x91xi32>
    %eq3A_342 = arith.cmpi eq, %eq3A_341, %iota3A_340 : vector<25x91xi32>
    %convert_element_type3A_343 = arith.extui %eq3A_342 : vector<25x91xi1> to vector<25x91xi32>
    %convert_element_type3A_344 = arith.sitofp %convert_element_type3A_343 : vector<25x91xi32> to vector<25x91xf32>
    %dot_general3A_345 = arith.constant dense<0.000000e+00> : vector<25x900xf32>
    %dot_general3A_346 = tpu.matmul %convert_element_type3A_344, %div3A_339, %dot_general3A_345 {dimension_numbers = #tpu.dot_dimension_numbers<[1], [1], [0], [0], [0, 0, 1, 0], [], []>, precision = #tpu.contract_precision<fp32>, transpose_lhs_hint = false} : vector<25x91xf32>, vector<900x91xf32>, vector<25x900xf32> -> vector<25x900xf32>
    %mul3A_347 = arith.constant -2.000000e+00 : f32
    %mul3A_348 = vector.broadcast %mul3A_347 : f32 to vector<25x900xf32>
    %mul3A_349 = arith.mulf %mul3A_348, %dot_general3A_346 : vector<25x900xf32>
    %slice3A_350 = vector.extract_strided_slice %get3A_328 {offsets = [0, 0], sizes = [25, 1], strides = [1, 1]} : vector<25x4xf32> to vector<25x1xf32>
    %slice3A_351 = vector.extract_strided_slice %get3A_318 {offsets = [0, 0], sizes = [1, 900], strides = [1, 1]} : vector<4x900xf32> to vector<1x900xf32>
    %sub3A_352 = vector.broadcast %slice3A_350 : vector<25x1xf32> to vector<25x900xf32>
    %sub3A_353 = vector.broadcast %slice3A_351 : vector<1x900xf32> to vector<25x900xf32>
    %sub3A_354 = arith.subf %sub3A_352, %sub3A_353 : vector<25x900xf32>
    %abs3A_355 = math.absf %sub3A_354 : vector<25x900xf32>
    %mul3A_356 = arith.constant 5.000000e+00 : f32
    %mul3A_357 = vector.broadcast %mul3A_356 : f32 to vector<25x900xf32>
    %mul3A_358 = arith.mulf %mul3A_357, %abs3A_355 : vector<25x900xf32>
    %add3A_359 = arith.addf %mul3A_349, %mul3A_358 : vector<25x900xf32>
    %slice3A_360 = vector.extract_strided_slice %get3A_328 {offsets = [0, 1], sizes = [25, 1], strides = [1, 1]} : vector<25x4xf32> to vector<25x1xf32>
    %slice3A_361 = vector.extract_strided_slice %get3A_318 {offsets = [1, 0], sizes = [1, 900], strides = [1, 1]} : vector<4x900xf32> to vector<1x900xf32>
    %sub3A_362 = vector.broadcast %slice3A_360 : vector<25x1xf32> to vector<25x900xf32>
    %sub3A_363 = vector.broadcast %slice3A_361 : vector<1x900xf32> to vector<25x900xf32>
    %sub3A_364 = arith.subf %sub3A_362, %sub3A_363 : vector<25x900xf32>
    %abs3A_365 = math.absf %sub3A_364 : vector<25x900xf32>
    %mul3A_366 = arith.constant 5.000000e+00 : f32
    %mul3A_367 = vector.broadcast %mul3A_366 : f32 to vector<25x900xf32>
    %mul3A_368 = arith.mulf %mul3A_367, %abs3A_365 : vector<25x900xf32>
    %add3A_369 = arith.addf %add3A_359, %mul3A_368 : vector<25x900xf32>
    %slice3A_370 = vector.extract_strided_slice %get3A_328 {offsets = [0, 2], sizes = [25, 1], strides = [1, 1]} : vector<25x4xf32> to vector<25x1xf32>
    %slice3A_371 = vector.extract_strided_slice %get3A_318 {offsets = [2, 0], sizes = [1, 900], strides = [1, 1]} : vector<4x900xf32> to vector<1x900xf32>
    %sub3A_372 = vector.broadcast %slice3A_370 : vector<25x1xf32> to vector<25x900xf32>
    %sub3A_373 = vector.broadcast %slice3A_371 : vector<1x900xf32> to vector<25x900xf32>
    %sub3A_374 = arith.subf %sub3A_372, %sub3A_373 : vector<25x900xf32>
    %abs3A_375 = math.absf %sub3A_374 : vector<25x900xf32>
    %mul3A_376 = arith.constant 5.000000e+00 : f32
    %mul3A_377 = vector.broadcast %mul3A_376 : f32 to vector<25x900xf32>
    %mul3A_378 = arith.mulf %mul3A_377, %abs3A_375 : vector<25x900xf32>
    %add3A_379 = arith.addf %add3A_369, %mul3A_378 : vector<25x900xf32>
    %slice3A_380 = vector.extract_strided_slice %get3A_328 {offsets = [0, 3], sizes = [25, 1], strides = [1, 1]} : vector<25x4xf32> to vector<25x1xf32>
    %slice3A_381 = vector.extract_strided_slice %get3A_318 {offsets = [3, 0], sizes = [1, 900], strides = [1, 1]} : vector<4x900xf32> to vector<1x900xf32>
    %sub3A_382 = vector.broadcast %slice3A_380 : vector<25x1xf32> to vector<25x900xf32>
    %sub3A_383 = vector.broadcast %slice3A_381 : vector<1x900xf32> to vector<25x900xf32>
    %sub3A_384 = arith.subf %sub3A_382, %sub3A_383 : vector<25x900xf32>
    %abs3A_385 = math.absf %sub3A_384 : vector<25x900xf32>
    %mul3A_386 = arith.constant 5.000000e+00 : f32
    %mul3A_387 = vector.broadcast %mul3A_386 : f32 to vector<25x900xf32>
    %mul3A_388 = arith.mulf %mul3A_387, %abs3A_385 : vector<25x900xf32>
    %add3A_389 = arith.addf %add3A_379, %mul3A_388 : vector<25x900xf32>
    %get3A_390 = arith.constant 1 : index
    %get3A_391 = arith.constant 0 : index
    %get3A_392 = arith.constant 0 : index
    %get3A_393 = vector.load %arg2[%get3A_390, %get3A_391, %get3A_392] : memref<4x900x91xf32, #tpu.memory_space<vmem>>, vector<1x900x91xf32>
    %get3A_394 = vector.shape_cast %get3A_393 : vector<1x900x91xf32> to vector<900x91xf32>
    %get3A_395 = arith.constant 1 : index
    %get3A_396 = arith.constant 0 : index
    %get3A_397 = arith.constant 0 : index
    %get3A_398 = vector.load %arg3[%get3A_395, %get3A_396, %get3A_397] : memref<4x4x900xf32, #tpu.memory_space<vmem>>, vector<1x4x900xf32>
    %get3A_399 = vector.shape_cast %get3A_398 : vector<1x4x900xf32> to vector<4x900xf32>
    %get3A_400 = arith.constant 1 : index
    %get3A_401 = arith.constant 0 : index
    %get3A_402 = arith.constant 0 : index
    %get3A_403 = vector.load %arg4[%get3A_400, %get3A_401, %get3A_402] : memref<4x25x1xi32, #tpu.memory_space<vmem>>, vector<1x25x1xi32>
    %get3A_404 = vector.shape_cast %get3A_403 : vector<1x25x1xi32> to vector<25x1xi32>
    %get3A_405 = arith.constant 1 : index
    %get3A_406 = arith.constant 0 : index
    %get3A_407 = arith.constant 0 : index
    %get3A_408 = vector.load %arg5[%get3A_405, %get3A_406, %get3A_407] : memref<4x25x4xf32, #tpu.memory_space<vmem>>, vector<1x25x4xf32>
    %get3A_409 = vector.shape_cast %get3A_408 : vector<1x25x4xf32> to vector<25x4xf32>
    %reduce_max3A_410 = arith.constant dense<0xFF800000> : vector<900xf32>
    %reduce_max3A_411 = vector.multi_reduction <maximumf>, %get3A_394, %reduce_max3A_410 [1] : vector<900x91xf32> to vector<900xf32>
    %broadcast_in_dim3A_412 = vector.shape_cast %reduce_max3A_411 : vector<900xf32> to vector<900x1xf32>
    %sub3A_413 = vector.broadcast %broadcast_in_dim3A_412 : vector<900x1xf32> to vector<900x91xf32>
    %sub3A_414 = arith.subf %get3A_394, %sub3A_413 : vector<900x91xf32>
    %exp3A_415 = math.exp %sub3A_414 : vector<900x91xf32>
    %reduce_sum3A_416 = arith.constant dense<0.000000e+00> : vector<900xf32>
    %reduce_sum3A_417 = vector.multi_reduction <add>, %exp3A_415, %reduce_sum3A_416 [1] : vector<900x91xf32> to vector<900xf32>
    %broadcast_in_dim3A_418 = vector.shape_cast %reduce_sum3A_417 : vector<900xf32> to vector<900x1xf32>
    %div3A_419 = vector.broadcast %broadcast_in_dim3A_418 : vector<900x1xf32> to vector<900x91xf32>
    %div3A_420 = arith.divf %exp3A_415, %div3A_419 : vector<900x91xf32>
    %iota3A_421 = tpu.iota {dimensions = array<i32: 1>} : vector<25x91xi32>
    %eq3A_422 = vector.broadcast %get3A_404 : vector<25x1xi32> to vector<25x91xi32>
    %eq3A_423 = arith.cmpi eq, %eq3A_422, %iota3A_421 : vector<25x91xi32>
    %convert_element_type3A_424 = arith.extui %eq3A_423 : vector<25x91xi1> to vector<25x91xi32>
    %convert_element_type3A_425 = arith.sitofp %convert_element_type3A_424 : vector<25x91xi32> to vector<25x91xf32>
    %dot_general3A_426 = arith.constant dense<0.000000e+00> : vector<25x900xf32>
    %dot_general3A_427 = tpu.matmul %convert_element_type3A_425, %div3A_420, %dot_general3A_426 {dimension_numbers = #tpu.dot_dimension_numbers<[1], [1], [0], [0], [0, 0, 1, 0], [], []>, precision = #tpu.contract_precision<fp32>, transpose_lhs_hint = false} : vector<25x91xf32>, vector<900x91xf32>, vector<25x900xf32> -> vector<25x900xf32>
    %mul3A_428 = arith.constant -2.000000e+00 : f32
    %mul3A_429 = vector.broadcast %mul3A_428 : f32 to vector<25x900xf32>
    %mul3A_430 = arith.mulf %mul3A_429, %dot_general3A_427 : vector<25x900xf32>
    %slice3A_431 = vector.extract_strided_slice %get3A_409 {offsets = [0, 0], sizes = [25, 1], strides = [1, 1]} : vector<25x4xf32> to vector<25x1xf32>
    %slice3A_432 = vector.extract_strided_slice %get3A_399 {offsets = [0, 0], sizes = [1, 900], strides = [1, 1]} : vector<4x900xf32> to vector<1x900xf32>
    %sub3A_433 = vector.broadcast %slice3A_431 : vector<25x1xf32> to vector<25x900xf32>
    %sub3A_434 = vector.broadcast %slice3A_432 : vector<1x900xf32> to vector<25x900xf32>
    %sub3A_435 = arith.subf %sub3A_433, %sub3A_434 : vector<25x900xf32>
    %abs3A_436 = math.absf %sub3A_435 : vector<25x900xf32>
    %mul3A_437 = arith.constant 5.000000e+00 : f32
    %mul3A_438 = vector.broadcast %mul3A_437 : f32 to vector<25x900xf32>
    %mul3A_439 = arith.mulf %mul3A_438, %abs3A_436 : vector<25x900xf32>
    %add3A_440 = arith.addf %mul3A_430, %mul3A_439 : vector<25x900xf32>
    %slice3A_441 = vector.extract_strided_slice %get3A_409 {offsets = [0, 1], sizes = [25, 1], strides = [1, 1]} : vector<25x4xf32> to vector<25x1xf32>
    %slice3A_442 = vector.extract_strided_slice %get3A_399 {offsets = [1, 0], sizes = [1, 900], strides = [1, 1]} : vector<4x900xf32> to vector<1x900xf32>
    %sub3A_443 = vector.broadcast %slice3A_441 : vector<25x1xf32> to vector<25x900xf32>
    %sub3A_444 = vector.broadcast %slice3A_442 : vector<1x900xf32> to vector<25x900xf32>
    %sub3A_445 = arith.subf %sub3A_443, %sub3A_444 : vector<25x900xf32>
    %abs3A_446 = math.absf %sub3A_445 : vector<25x900xf32>
    %mul3A_447 = arith.constant 5.000000e+00 : f32
    %mul3A_448 = vector.broadcast %mul3A_447 : f32 to vector<25x900xf32>
    %mul3A_449 = arith.mulf %mul3A_448, %abs3A_446 : vector<25x900xf32>
    %add3A_450 = arith.addf %add3A_440, %mul3A_449 : vector<25x900xf32>
    %slice3A_451 = vector.extract_strided_slice %get3A_409 {offsets = [0, 2], sizes = [25, 1], strides = [1, 1]} : vector<25x4xf32> to vector<25x1xf32>
    %slice3A_452 = vector.extract_strided_slice %get3A_399 {offsets = [2, 0], sizes = [1, 900], strides = [1, 1]} : vector<4x900xf32> to vector<1x900xf32>
    %sub3A_453 = vector.broadcast %slice3A_451 : vector<25x1xf32> to vector<25x900xf32>
    %sub3A_454 = vector.broadcast %slice3A_452 : vector<1x900xf32> to vector<25x900xf32>
    %sub3A_455 = arith.subf %sub3A_453, %sub3A_454 : vector<25x900xf32>
    %abs3A_456 = math.absf %sub3A_455 : vector<25x900xf32>
    %mul3A_457 = arith.constant 5.000000e+00 : f32
    %mul3A_458 = vector.broadcast %mul3A_457 : f32 to vector<25x900xf32>
    %mul3A_459 = arith.mulf %mul3A_458, %abs3A_456 : vector<25x900xf32>
    %add3A_460 = arith.addf %add3A_450, %mul3A_459 : vector<25x900xf32>
    %slice3A_461 = vector.extract_strided_slice %get3A_409 {offsets = [0, 3], sizes = [25, 1], strides = [1, 1]} : vector<25x4xf32> to vector<25x1xf32>
    %slice3A_462 = vector.extract_strided_slice %get3A_399 {offsets = [3, 0], sizes = [1, 900], strides = [1, 1]} : vector<4x900xf32> to vector<1x900xf32>
    %sub3A_463 = vector.broadcast %slice3A_461 : vector<25x1xf32> to vector<25x900xf32>
    %sub3A_464 = vector.broadcast %slice3A_462 : vector<1x900xf32> to vector<25x900xf32>
    %sub3A_465 = arith.subf %sub3A_463, %sub3A_464 : vector<25x900xf32>
    %abs3A_466 = math.absf %sub3A_465 : vector<25x900xf32>
    %mul3A_467 = arith.constant 5.000000e+00 : f32
    %mul3A_468 = vector.broadcast %mul3A_467 : f32 to vector<25x900xf32>
    %mul3A_469 = arith.mulf %mul3A_468, %abs3A_466 : vector<25x900xf32>
    %add3A_470 = arith.addf %add3A_460, %mul3A_469 : vector<25x900xf32>
    %get3A_471 = arith.constant 2 : index
    %get3A_472 = arith.constant 0 : index
    %get3A_473 = arith.constant 0 : index
    %get3A_474 = vector.load %arg2[%get3A_471, %get3A_472, %get3A_473] : memref<4x900x91xf32, #tpu.memory_space<vmem>>, vector<1x900x91xf32>
    %get3A_475 = vector.shape_cast %get3A_474 : vector<1x900x91xf32> to vector<900x91xf32>
    %get3A_476 = arith.constant 2 : index
    %get3A_477 = arith.constant 0 : index
    %get3A_478 = arith.constant 0 : index
    %get3A_479 = vector.load %arg3[%get3A_476, %get3A_477, %get3A_478] : memref<4x4x900xf32, #tpu.memory_space<vmem>>, vector<1x4x900xf32>
    %get3A_480 = vector.shape_cast %get3A_479 : vector<1x4x900xf32> to vector<4x900xf32>
    %get3A_481 = arith.constant 2 : index
    %get3A_482 = arith.constant 0 : index
    %get3A_483 = arith.constant 0 : index
    %get3A_484 = vector.load %arg4[%get3A_481, %get3A_482, %get3A_483] : memref<4x25x1xi32, #tpu.memory_space<vmem>>, vector<1x25x1xi32>
    %get3A_485 = vector.shape_cast %get3A_484 : vector<1x25x1xi32> to vector<25x1xi32>
    %get3A_486 = arith.constant 2 : index
    %get3A_487 = arith.constant 0 : index
    %get3A_488 = arith.constant 0 : index
    %get3A_489 = vector.load %arg5[%get3A_486, %get3A_487, %get3A_488] : memref<4x25x4xf32, #tpu.memory_space<vmem>>, vector<1x25x4xf32>
    %get3A_490 = vector.shape_cast %get3A_489 : vector<1x25x4xf32> to vector<25x4xf32>
    %reduce_max3A_491 = arith.constant dense<0xFF800000> : vector<900xf32>
    %reduce_max3A_492 = vector.multi_reduction <maximumf>, %get3A_475, %reduce_max3A_491 [1] : vector<900x91xf32> to vector<900xf32>
    %broadcast_in_dim3A_493 = vector.shape_cast %reduce_max3A_492 : vector<900xf32> to vector<900x1xf32>
    %sub3A_494 = vector.broadcast %broadcast_in_dim3A_493 : vector<900x1xf32> to vector<900x91xf32>
    %sub3A_495 = arith.subf %get3A_475, %sub3A_494 : vector<900x91xf32>
    %exp3A_496 = math.exp %sub3A_495 : vector<900x91xf32>
    %reduce_sum3A_497 = arith.constant dense<0.000000e+00> : vector<900xf32>
    %reduce_sum3A_498 = vector.multi_reduction <add>, %exp3A_496, %reduce_sum3A_497 [1] : vector<900x91xf32> to vector<900xf32>
    %broadcast_in_dim3A_499 = vector.shape_cast %reduce_sum3A_498 : vector<900xf32> to vector<900x1xf32>
    %div3A_500 = vector.broadcast %broadcast_in_dim3A_499 : vector<900x1xf32> to vector<900x91xf32>
    %div3A_501 = arith.divf %exp3A_496, %div3A_500 : vector<900x91xf32>
    %iota3A_502 = tpu.iota {dimensions = array<i32: 1>} : vector<25x91xi32>
    %eq3A_503 = vector.broadcast %get3A_485 : vector<25x1xi32> to vector<25x91xi32>
    %eq3A_504 = arith.cmpi eq, %eq3A_503, %iota3A_502 : vector<25x91xi32>
    %convert_element_type3A_505 = arith.extui %eq3A_504 : vector<25x91xi1> to vector<25x91xi32>
    %convert_element_type3A_506 = arith.sitofp %convert_element_type3A_505 : vector<25x91xi32> to vector<25x91xf32>
    %dot_general3A_507 = arith.constant dense<0.000000e+00> : vector<25x900xf32>
    %dot_general3A_508 = tpu.matmul %convert_element_type3A_506, %div3A_501, %dot_general3A_507 {dimension_numbers = #tpu.dot_dimension_numbers<[1], [1], [0], [0], [0, 0, 1, 0], [], []>, precision = #tpu.contract_precision<fp32>, transpose_lhs_hint = false} : vector<25x91xf32>, vector<900x91xf32>, vector<25x900xf32> -> vector<25x900xf32>
    %mul3A_509 = arith.constant -2.000000e+00 : f32
    %mul3A_510 = vector.broadcast %mul3A_509 : f32 to vector<25x900xf32>
    %mul3A_511 = arith.mulf %mul3A_510, %dot_general3A_508 : vector<25x900xf32>
    %slice3A_512 = vector.extract_strided_slice %get3A_490 {offsets = [0, 0], sizes = [25, 1], strides = [1, 1]} : vector<25x4xf32> to vector<25x1xf32>
    %slice3A_513 = vector.extract_strided_slice %get3A_480 {offsets = [0, 0], sizes = [1, 900], strides = [1, 1]} : vector<4x900xf32> to vector<1x900xf32>
    %sub3A_514 = vector.broadcast %slice3A_512 : vector<25x1xf32> to vector<25x900xf32>
    %sub3A_515 = vector.broadcast %slice3A_513 : vector<1x900xf32> to vector<25x900xf32>
    %sub3A_516 = arith.subf %sub3A_514, %sub3A_515 : vector<25x900xf32>
    %abs3A_517 = math.absf %sub3A_516 : vector<25x900xf32>
    %mul3A_518 = arith.constant 5.000000e+00 : f32
    %mul3A_519 = vector.broadcast %mul3A_518 : f32 to vector<25x900xf32>
    %mul3A_520 = arith.mulf %mul3A_519, %abs3A_517 : vector<25x900xf32>
    %add3A_521 = arith.addf %mul3A_511, %mul3A_520 : vector<25x900xf32>
    %slice3A_522 = vector.extract_strided_slice %get3A_490 {offsets = [0, 1], sizes = [25, 1], strides = [1, 1]} : vector<25x4xf32> to vector<25x1xf32>
    %slice3A_523 = vector.extract_strided_slice %get3A_480 {offsets = [1, 0], sizes = [1, 900], strides = [1, 1]} : vector<4x900xf32> to vector<1x900xf32>
    %sub3A_524 = vector.broadcast %slice3A_522 : vector<25x1xf32> to vector<25x900xf32>
    %sub3A_525 = vector.broadcast %slice3A_523 : vector<1x900xf32> to vector<25x900xf32>
    %sub3A_526 = arith.subf %sub3A_524, %sub3A_525 : vector<25x900xf32>
    %abs3A_527 = math.absf %sub3A_526 : vector<25x900xf32>
    %mul3A_528 = arith.constant 5.000000e+00 : f32
    %mul3A_529 = vector.broadcast %mul3A_528 : f32 to vector<25x900xf32>
    %mul3A_530 = arith.mulf %mul3A_529, %abs3A_527 : vector<25x900xf32>
    %add3A_531 = arith.addf %add3A_521, %mul3A_530 : vector<25x900xf32>
    %slice3A_532 = vector.extract_strided_slice %get3A_490 {offsets = [0, 2], sizes = [25, 1], strides = [1, 1]} : vector<25x4xf32> to vector<25x1xf32>
    %slice3A_533 = vector.extract_strided_slice %get3A_480 {offsets = [2, 0], sizes = [1, 900], strides = [1, 1]} : vector<4x900xf32> to vector<1x900xf32>
    %sub3A_534 = vector.broadcast %slice3A_532 : vector<25x1xf32> to vector<25x900xf32>
    %sub3A_535 = vector.broadcast %slice3A_533 : vector<1x900xf32> to vector<25x900xf32>
    %sub3A_536 = arith.subf %sub3A_534, %sub3A_535 : vector<25x900xf32>
    %abs3A_537 = math.absf %sub3A_536 : vector<25x900xf32>
    %mul3A_538 = arith.constant 5.000000e+00 : f32
    %mul3A_539 = vector.broadcast %mul3A_538 : f32 to vector<25x900xf32>
    %mul3A_540 = arith.mulf %mul3A_539, %abs3A_537 : vector<25x900xf32>
    %add3A_541 = arith.addf %add3A_531, %mul3A_540 : vector<25x900xf32>
    %slice3A_542 = vector.extract_strided_slice %get3A_490 {offsets = [0, 3], sizes = [25, 1], strides = [1, 1]} : vector<25x4xf32> to vector<25x1xf32>
    %slice3A_543 = vector.extract_strided_slice %get3A_480 {offsets = [3, 0], sizes = [1, 900], strides = [1, 1]} : vector<4x900xf32> to vector<1x900xf32>
    %sub3A_544 = vector.broadcast %slice3A_542 : vector<25x1xf32> to vector<25x900xf32>
    %sub3A_545 = vector.broadcast %slice3A_543 : vector<1x900xf32> to vector<25x900xf32>
    %sub3A_546 = arith.subf %sub3A_544, %sub3A_545 : vector<25x900xf32>
    %abs3A_547 = math.absf %sub3A_546 : vector<25x900xf32>
    %mul3A_548 = arith.constant 5.000000e+00 : f32
    %mul3A_549 = vector.broadcast %mul3A_548 : f32 to vector<25x900xf32>
    %mul3A_550 = arith.mulf %mul3A_549, %abs3A_547 : vector<25x900xf32>
    %add3A_551 = arith.addf %add3A_541, %mul3A_550 : vector<25x900xf32>
    %get3A_552 = arith.constant 3 : index
    %get3A_553 = arith.constant 0 : index
    %get3A_554 = arith.constant 0 : index
    %get3A_555 = vector.load %arg2[%get3A_552, %get3A_553, %get3A_554] : memref<4x900x91xf32, #tpu.memory_space<vmem>>, vector<1x900x91xf32>
    %get3A_556 = vector.shape_cast %get3A_555 : vector<1x900x91xf32> to vector<900x91xf32>
    %get3A_557 = arith.constant 3 : index
    %get3A_558 = arith.constant 0 : index
    %get3A_559 = arith.constant 0 : index
    %get3A_560 = vector.load %arg3[%get3A_557, %get3A_558, %get3A_559] : memref<4x4x900xf32, #tpu.memory_space<vmem>>, vector<1x4x900xf32>
    %get3A_561 = vector.shape_cast %get3A_560 : vector<1x4x900xf32> to vector<4x900xf32>
    %get3A_562 = arith.constant 3 : index
    %get3A_563 = arith.constant 0 : index
    %get3A_564 = arith.constant 0 : index
    %get3A_565 = vector.load %arg4[%get3A_562, %get3A_563, %get3A_564] : memref<4x25x1xi32, #tpu.memory_space<vmem>>, vector<1x25x1xi32>
    %get3A_566 = vector.shape_cast %get3A_565 : vector<1x25x1xi32> to vector<25x1xi32>
    %get3A_567 = arith.constant 3 : index
    %get3A_568 = arith.constant 0 : index
    %get3A_569 = arith.constant 0 : index
    %get3A_570 = vector.load %arg5[%get3A_567, %get3A_568, %get3A_569] : memref<4x25x4xf32, #tpu.memory_space<vmem>>, vector<1x25x4xf32>
    %get3A_571 = vector.shape_cast %get3A_570 : vector<1x25x4xf32> to vector<25x4xf32>
    %reduce_max3A_572 = arith.constant dense<0xFF800000> : vector<900xf32>
    %reduce_max3A_573 = vector.multi_reduction <maximumf>, %get3A_556, %reduce_max3A_572 [1] : vector<900x91xf32> to vector<900xf32>
    %broadcast_in_dim3A_574 = vector.shape_cast %reduce_max3A_573 : vector<900xf32> to vector<900x1xf32>
    %sub3A_575 = vector.broadcast %broadcast_in_dim3A_574 : vector<900x1xf32> to vector<900x91xf32>
    %sub3A_576 = arith.subf %get3A_556, %sub3A_575 : vector<900x91xf32>
    %exp3A_577 = math.exp %sub3A_576 : vector<900x91xf32>
    %reduce_sum3A_578 = arith.constant dense<0.000000e+00> : vector<900xf32>
    %reduce_sum3A_579 = vector.multi_reduction <add>, %exp3A_577, %reduce_sum3A_578 [1] : vector<900x91xf32> to vector<900xf32>
    %broadcast_in_dim3A_580 = vector.shape_cast %reduce_sum3A_579 : vector<900xf32> to vector<900x1xf32>
    %div3A_581 = vector.broadcast %broadcast_in_dim3A_580 : vector<900x1xf32> to vector<900x91xf32>
    %div3A_582 = arith.divf %exp3A_577, %div3A_581 : vector<900x91xf32>
    %iota3A_583 = tpu.iota {dimensions = array<i32: 1>} : vector<25x91xi32>
    %eq3A_584 = vector.broadcast %get3A_566 : vector<25x1xi32> to vector<25x91xi32>
    %eq3A_585 = arith.cmpi eq, %eq3A_584, %iota3A_583 : vector<25x91xi32>
    %convert_element_type3A_586 = arith.extui %eq3A_585 : vector<25x91xi1> to vector<25x91xi32>
    %convert_element_type3A_587 = arith.sitofp %convert_element_type3A_586 : vector<25x91xi32> to vector<25x91xf32>
    %dot_general3A_588 = arith.constant dense<0.000000e+00> : vector<25x900xf32>
    %dot_general3A_589 = tpu.matmul %convert_element_type3A_587, %div3A_582, %dot_general3A_588 {dimension_numbers = #tpu.dot_dimension_numbers<[1], [1], [0], [0], [0, 0, 1, 0], [], []>, precision = #tpu.contract_precision<fp32>, transpose_lhs_hint = false} : vector<25x91xf32>, vector<900x91xf32>, vector<25x900xf32> -> vector<25x900xf32>
    %mul3A_590 = arith.constant -2.000000e+00 : f32
    %mul3A_591 = vector.broadcast %mul3A_590 : f32 to vector<25x900xf32>
    %mul3A_592 = arith.mulf %mul3A_591, %dot_general3A_589 : vector<25x900xf32>
    %slice3A_593 = vector.extract_strided_slice %get3A_571 {offsets = [0, 0], sizes = [25, 1], strides = [1, 1]} : vector<25x4xf32> to vector<25x1xf32>
    %slice3A_594 = vector.extract_strided_slice %get3A_561 {offsets = [0, 0], sizes = [1, 900], strides = [1, 1]} : vector<4x900xf32> to vector<1x900xf32>
    %sub3A_595 = vector.broadcast %slice3A_593 : vector<25x1xf32> to vector<25x900xf32>
    %sub3A_596 = vector.broadcast %slice3A_594 : vector<1x900xf32> to vector<25x900xf32>
    %sub3A_597 = arith.subf %sub3A_595, %sub3A_596 : vector<25x900xf32>
    %abs3A_598 = math.absf %sub3A_597 : vector<25x900xf32>
    %mul3A_599 = arith.constant 5.000000e+00 : f32
    %mul3A_600 = vector.broadcast %mul3A_599 : f32 to vector<25x900xf32>
    %mul3A_601 = arith.mulf %mul3A_600, %abs3A_598 : vector<25x900xf32>
    %add3A_602 = arith.addf %mul3A_592, %mul3A_601 : vector<25x900xf32>
    %slice3A_603 = vector.extract_strided_slice %get3A_571 {offsets = [0, 1], sizes = [25, 1], strides = [1, 1]} : vector<25x4xf32> to vector<25x1xf32>
    %slice3A_604 = vector.extract_strided_slice %get3A_561 {offsets = [1, 0], sizes = [1, 900], strides = [1, 1]} : vector<4x900xf32> to vector<1x900xf32>
    %sub3A_605 = vector.broadcast %slice3A_603 : vector<25x1xf32> to vector<25x900xf32>
    %sub3A_606 = vector.broadcast %slice3A_604 : vector<1x900xf32> to vector<25x900xf32>
    %sub3A_607 = arith.subf %sub3A_605, %sub3A_606 : vector<25x900xf32>
    %abs3A_608 = math.absf %sub3A_607 : vector<25x900xf32>
    %mul3A_609 = arith.constant 5.000000e+00 : f32
    %mul3A_610 = vector.broadcast %mul3A_609 : f32 to vector<25x900xf32>
    %mul3A_611 = arith.mulf %mul3A_610, %abs3A_608 : vector<25x900xf32>
    %add3A_612 = arith.addf %add3A_602, %mul3A_611 : vector<25x900xf32>
    %slice3A_613 = vector.extract_strided_slice %get3A_571 {offsets = [0, 2], sizes = [25, 1], strides = [1, 1]} : vector<25x4xf32> to vector<25x1xf32>
    %slice3A_614 = vector.extract_strided_slice %get3A_561 {offsets = [2, 0], sizes = [1, 900], strides = [1, 1]} : vector<4x900xf32> to vector<1x900xf32>
    %sub3A_615 = vector.broadcast %slice3A_613 : vector<25x1xf32> to vector<25x900xf32>
    %sub3A_616 = vector.broadcast %slice3A_614 : vector<1x900xf32> to vector<25x900xf32>
    %sub3A_617 = arith.subf %sub3A_615, %sub3A_616 : vector<25x900xf32>
    %abs3A_618 = math.absf %sub3A_617 : vector<25x900xf32>
    %mul3A_619 = arith.constant 5.000000e+00 : f32
    %mul3A_620 = vector.broadcast %mul3A_619 : f32 to vector<25x900xf32>
    %mul3A_621 = arith.mulf %mul3A_620, %abs3A_618 : vector<25x900xf32>
    %add3A_622 = arith.addf %add3A_612, %mul3A_621 : vector<25x900xf32>
    %slice3A_623 = vector.extract_strided_slice %get3A_571 {offsets = [0, 3], sizes = [25, 1], strides = [1, 1]} : vector<25x4xf32> to vector<25x1xf32>
    %slice3A_624 = vector.extract_strided_slice %get3A_561 {offsets = [3, 0], sizes = [1, 900], strides = [1, 1]} : vector<4x900xf32> to vector<1x900xf32>
    %sub3A_625 = vector.broadcast %slice3A_623 : vector<25x1xf32> to vector<25x900xf32>
    %sub3A_626 = vector.broadcast %slice3A_624 : vector<1x900xf32> to vector<25x900xf32>
    %sub3A_627 = arith.subf %sub3A_625, %sub3A_626 : vector<25x900xf32>
    %abs3A_628 = math.absf %sub3A_627 : vector<25x900xf32>
    %mul3A_629 = arith.constant 5.000000e+00 : f32
    %mul3A_630 = vector.broadcast %mul3A_629 : f32 to vector<25x900xf32>
    %mul3A_631 = arith.mulf %mul3A_630, %abs3A_628 : vector<25x900xf32>
    %add3A_632 = arith.addf %add3A_622, %mul3A_631 : vector<25x900xf32>
    %stack3A = vector.shape_cast %add3A_65 : vector<25x900xf32> to vector<25x1x900xf32>
    %stack3A_633 = vector.shape_cast %add3A_146 : vector<25x900xf32> to vector<25x1x900xf32>
    %stack3A_634 = vector.shape_cast %add3A_227 : vector<25x900xf32> to vector<25x1x900xf32>
    %stack3A_635 = vector.shape_cast %add3A_308 : vector<25x900xf32> to vector<25x1x900xf32>
    %stack3A_636 = vector.shape_cast %add3A_389 : vector<25x900xf32> to vector<25x1x900xf32>
    %stack3A_637 = vector.shape_cast %add3A_470 : vector<25x900xf32> to vector<25x1x900xf32>
    %stack3A_638 = vector.shape_cast %add3A_551 : vector<25x900xf32> to vector<25x1x900xf32>
    %stack3A_639 = vector.shape_cast %add3A_632 : vector<25x900xf32> to vector<25x1x900xf32>
    %stack3A_640 = tpu.concatenate %stack3A, %stack3A_633, %stack3A_634, %stack3A_635, %stack3A_636, %stack3A_637, %stack3A_638, %stack3A_639 in 1 : vector<25x1x900xf32>, vector<25x1x900xf32>, vector<25x1x900xf32>, vector<25x1x900xf32>, vector<25x1x900xf32>, vector<25x1x900xf32>, vector<25x1x900xf32>, vector<25x1x900xf32> -> vector<25x8x900xf32>
    %iota3A_641 = tpu.iota {dimensions = array<i32: 1>} : vector<8x900xi32>
    %iota3A_642 = tpu.iota {dimensions = array<i32: 1>} : vector<8x25xi32>
    %broadcast_in_dim3A_643 = arith.constant 1.000000e+00 : f32
    %broadcast_in_dim3A_644 = vector.broadcast %broadcast_in_dim3A_643 : f32 to vector<8x900xf32>
    %broadcast_in_dim3A_645 = arith.constant 0 : i32
    %broadcast_in_dim3A_646 = vector.broadcast %broadcast_in_dim3A_645 : i32 to vector<8x25xi32>
    %gt3A = arith.constant 0.000000e+00 : f32
    %gt3A_647 = vector.broadcast %gt3A : f32 to vector<8x900xf32>
    %gt3A_648 = arith.cmpf ogt, %broadcast_in_dim3A_644, %gt3A_647 : vector<8x900xf32>
    %slice3A_649 = vector.extract_strided_slice %stack3A_640 {offsets = [0, 0, 0], sizes = [1, 8, 900], strides = [1, 1, 1]} : vector<25x8x900xf32> to vector<1x8x900xf32>
    %squeeze3A = vector.shape_cast %slice3A_649 : vector<1x8x900xf32> to vector<8x900xf32>
    %jit3A = arith.constant 0x7F800000 : f32
    %broadcast_in_dim3A_650 = vector.broadcast %jit3A : f32 to vector<8x900xf32>
    %select_n3A = arith.select %gt3A_648, %squeeze3A, %broadcast_in_dim3A_650 : vector<8x900xi1>, vector<8x900xf32>
    %reduce_min3A = arith.constant dense<0x7F800000> : vector<8xf32>
    %reduce_min3A_651 = vector.multi_reduction <minimumf>, %select_n3A, %reduce_min3A [1] : vector<8x900xf32> to vector<8xf32>
    %broadcast_in_dim3A_652 = vector.shape_cast %reduce_min3A_651 : vector<8xf32> to vector<8x1xf32>
    %eq3A_653 = vector.broadcast %broadcast_in_dim3A_652 : vector<8x1xf32> to vector<8x900xf32>
    %eq3A_654 = arith.cmpf oeq, %select_n3A, %eq3A_653 : vector<8x900xf32>
    %jit3A_655 = arith.constant 1073741824 : i32
    %broadcast_in_dim3A_656 = vector.broadcast %jit3A_655 : i32 to vector<8x900xi32>
    %select_n3A_657 = arith.select %eq3A_654, %iota3A_641, %broadcast_in_dim3A_656 : vector<8x900xi1>, vector<8x900xi32>
    %reduce_min3A_658 = arith.constant dense<2147483647> : vector<8xi32>
    %reduce_min3A_659 = vector.multi_reduction <minsi>, %select_n3A_657, %reduce_min3A_658 [1] : vector<8x900xi32> to vector<8xi32>
    %broadcast_in_dim3A_660 = vector.shape_cast %reduce_min3A_659 : vector<8xi32> to vector<8x1xi32>
    %eq3A_661 = vector.broadcast %broadcast_in_dim3A_660 : vector<8x1xi32> to vector<8x900xi32>
    %eq3A_662 = arith.cmpi eq, %iota3A_641, %eq3A_661 : vector<8x900xi32>
    %jit3A_663 = arith.constant 0.000000e+00 : f32
    %broadcast_in_dim3A_664 = vector.broadcast %jit3A_663 : f32 to vector<8x900xf32>
    %select_n3A_665 = arith.select %eq3A_662, %broadcast_in_dim3A_664, %broadcast_in_dim3A_644 : vector<8x900xi1>, vector<8x900xf32>
    %eq3A_666 = arith.constant 0 : i32
    %eq3A_667 = vector.broadcast %eq3A_666 : i32 to vector<8x25xi32>
    %eq3A_668 = arith.cmpi eq, %iota3A_642, %eq3A_667 : vector<8x25xi32>
    %broadcast_in_dim3A_669 = vector.shape_cast %broadcast_in_dim3A_660 : vector<8x1xi32> to vector<8x1xi32>
    %broadcast_in_dim3A_670 = vector.broadcast %broadcast_in_dim3A_669 : vector<8x1xi32> to vector<8x25xi32>
    %select_n3A_671 = arith.select %eq3A_668, %broadcast_in_dim3A_670, %broadcast_in_dim3A_646 : vector<8x25xi1>, vector<8x25xi32>
    %gt3A_672 = arith.constant 0.000000e+00 : f32
    %gt3A_673 = vector.broadcast %gt3A_672 : f32 to vector<8x900xf32>
    %gt3A_674 = arith.cmpf ogt, %select_n3A_665, %gt3A_673 : vector<8x900xf32>
    %slice3A_675 = vector.extract_strided_slice %stack3A_640 {offsets = [1, 0, 0], sizes = [1, 8, 900], strides = [1, 1, 1]} : vector<25x8x900xf32> to vector<1x8x900xf32>
    %squeeze3A_676 = vector.shape_cast %slice3A_675 : vector<1x8x900xf32> to vector<8x900xf32>
    %jit3A_677 = arith.constant 0x7F800000 : f32
    %broadcast_in_dim3A_678 = vector.broadcast %jit3A_677 : f32 to vector<8x900xf32>
    %select_n3A_679 = arith.select %gt3A_674, %squeeze3A_676, %broadcast_in_dim3A_678 : vector<8x900xi1>, vector<8x900xf32>
    %reduce_min3A_680 = arith.constant dense<0x7F800000> : vector<8xf32>
    %reduce_min3A_681 = vector.multi_reduction <minimumf>, %select_n3A_679, %reduce_min3A_680 [1] : vector<8x900xf32> to vector<8xf32>
    %broadcast_in_dim3A_682 = vector.shape_cast %reduce_min3A_681 : vector<8xf32> to vector<8x1xf32>
    %eq3A_683 = vector.broadcast %broadcast_in_dim3A_682 : vector<8x1xf32> to vector<8x900xf32>
    %eq3A_684 = arith.cmpf oeq, %select_n3A_679, %eq3A_683 : vector<8x900xf32>
    %jit3A_685 = arith.constant 1073741824 : i32
    %broadcast_in_dim3A_686 = vector.broadcast %jit3A_685 : i32 to vector<8x900xi32>
    %select_n3A_687 = arith.select %eq3A_684, %iota3A_641, %broadcast_in_dim3A_686 : vector<8x900xi1>, vector<8x900xi32>
    %reduce_min3A_688 = arith.constant dense<2147483647> : vector<8xi32>
    %reduce_min3A_689 = vector.multi_reduction <minsi>, %select_n3A_687, %reduce_min3A_688 [1] : vector<8x900xi32> to vector<8xi32>
    %broadcast_in_dim3A_690 = vector.shape_cast %reduce_min3A_689 : vector<8xi32> to vector<8x1xi32>
    %eq3A_691 = vector.broadcast %broadcast_in_dim3A_690 : vector<8x1xi32> to vector<8x900xi32>
    %eq3A_692 = arith.cmpi eq, %iota3A_641, %eq3A_691 : vector<8x900xi32>
    %jit3A_693 = arith.constant 0.000000e+00 : f32
    %broadcast_in_dim3A_694 = vector.broadcast %jit3A_693 : f32 to vector<8x900xf32>
    %select_n3A_695 = arith.select %eq3A_692, %broadcast_in_dim3A_694, %select_n3A_665 : vector<8x900xi1>, vector<8x900xf32>
    %eq3A_696 = arith.constant 1 : i32
    %eq3A_697 = vector.broadcast %eq3A_696 : i32 to vector<8x25xi32>
    %eq3A_698 = arith.cmpi eq, %iota3A_642, %eq3A_697 : vector<8x25xi32>
    %broadcast_in_dim3A_699 = vector.shape_cast %broadcast_in_dim3A_690 : vector<8x1xi32> to vector<8x1xi32>
    %broadcast_in_dim3A_700 = vector.broadcast %broadcast_in_dim3A_699 : vector<8x1xi32> to vector<8x25xi32>
    %select_n3A_701 = arith.select %eq3A_698, %broadcast_in_dim3A_700, %select_n3A_671 : vector<8x25xi1>, vector<8x25xi32>
    %gt3A_702 = arith.constant 0.000000e+00 : f32
    %gt3A_703 = vector.broadcast %gt3A_702 : f32 to vector<8x900xf32>
    %gt3A_704 = arith.cmpf ogt, %select_n3A_695, %gt3A_703 : vector<8x900xf32>
    %slice3A_705 = vector.extract_strided_slice %stack3A_640 {offsets = [2, 0, 0], sizes = [1, 8, 900], strides = [1, 1, 1]} : vector<25x8x900xf32> to vector<1x8x900xf32>
    %squeeze3A_706 = vector.shape_cast %slice3A_705 : vector<1x8x900xf32> to vector<8x900xf32>
    %jit3A_707 = arith.constant 0x7F800000 : f32
    %broadcast_in_dim3A_708 = vector.broadcast %jit3A_707 : f32 to vector<8x900xf32>
    %select_n3A_709 = arith.select %gt3A_704, %squeeze3A_706, %broadcast_in_dim3A_708 : vector<8x900xi1>, vector<8x900xf32>
    %reduce_min3A_710 = arith.constant dense<0x7F800000> : vector<8xf32>
    %reduce_min3A_711 = vector.multi_reduction <minimumf>, %select_n3A_709, %reduce_min3A_710 [1] : vector<8x900xf32> to vector<8xf32>
    %broadcast_in_dim3A_712 = vector.shape_cast %reduce_min3A_711 : vector<8xf32> to vector<8x1xf32>
    %eq3A_713 = vector.broadcast %broadcast_in_dim3A_712 : vector<8x1xf32> to vector<8x900xf32>
    %eq3A_714 = arith.cmpf oeq, %select_n3A_709, %eq3A_713 : vector<8x900xf32>
    %jit3A_715 = arith.constant 1073741824 : i32
    %broadcast_in_dim3A_716 = vector.broadcast %jit3A_715 : i32 to vector<8x900xi32>
    %select_n3A_717 = arith.select %eq3A_714, %iota3A_641, %broadcast_in_dim3A_716 : vector<8x900xi1>, vector<8x900xi32>
    %reduce_min3A_718 = arith.constant dense<2147483647> : vector<8xi32>
    %reduce_min3A_719 = vector.multi_reduction <minsi>, %select_n3A_717, %reduce_min3A_718 [1] : vector<8x900xi32> to vector<8xi32>
    %broadcast_in_dim3A_720 = vector.shape_cast %reduce_min3A_719 : vector<8xi32> to vector<8x1xi32>
    %eq3A_721 = vector.broadcast %broadcast_in_dim3A_720 : vector<8x1xi32> to vector<8x900xi32>
    %eq3A_722 = arith.cmpi eq, %iota3A_641, %eq3A_721 : vector<8x900xi32>
    %jit3A_723 = arith.constant 0.000000e+00 : f32
    %broadcast_in_dim3A_724 = vector.broadcast %jit3A_723 : f32 to vector<8x900xf32>
    %select_n3A_725 = arith.select %eq3A_722, %broadcast_in_dim3A_724, %select_n3A_695 : vector<8x900xi1>, vector<8x900xf32>
    %eq3A_726 = arith.constant 2 : i32
    %eq3A_727 = vector.broadcast %eq3A_726 : i32 to vector<8x25xi32>
    %eq3A_728 = arith.cmpi eq, %iota3A_642, %eq3A_727 : vector<8x25xi32>
    %broadcast_in_dim3A_729 = vector.shape_cast %broadcast_in_dim3A_720 : vector<8x1xi32> to vector<8x1xi32>
    %broadcast_in_dim3A_730 = vector.broadcast %broadcast_in_dim3A_729 : vector<8x1xi32> to vector<8x25xi32>
    %select_n3A_731 = arith.select %eq3A_728, %broadcast_in_dim3A_730, %select_n3A_701 : vector<8x25xi1>, vector<8x25xi32>
    %gt3A_732 = arith.constant 0.000000e+00 : f32
    %gt3A_733 = vector.broadcast %gt3A_732 : f32 to vector<8x900xf32>
    %gt3A_734 = arith.cmpf ogt, %select_n3A_725, %gt3A_733 : vector<8x900xf32>
    %slice3A_735 = vector.extract_strided_slice %stack3A_640 {offsets = [3, 0, 0], sizes = [1, 8, 900], strides = [1, 1, 1]} : vector<25x8x900xf32> to vector<1x8x900xf32>
    %squeeze3A_736 = vector.shape_cast %slice3A_735 : vector<1x8x900xf32> to vector<8x900xf32>
    %jit3A_737 = arith.constant 0x7F800000 : f32
    %broadcast_in_dim3A_738 = vector.broadcast %jit3A_737 : f32 to vector<8x900xf32>
    %select_n3A_739 = arith.select %gt3A_734, %squeeze3A_736, %broadcast_in_dim3A_738 : vector<8x900xi1>, vector<8x900xf32>
    %reduce_min3A_740 = arith.constant dense<0x7F800000> : vector<8xf32>
    %reduce_min3A_741 = vector.multi_reduction <minimumf>, %select_n3A_739, %reduce_min3A_740 [1] : vector<8x900xf32> to vector<8xf32>
    %broadcast_in_dim3A_742 = vector.shape_cast %reduce_min3A_741 : vector<8xf32> to vector<8x1xf32>
    %eq3A_743 = vector.broadcast %broadcast_in_dim3A_742 : vector<8x1xf32> to vector<8x900xf32>
    %eq3A_744 = arith.cmpf oeq, %select_n3A_739, %eq3A_743 : vector<8x900xf32>
    %jit3A_745 = arith.constant 1073741824 : i32
    %broadcast_in_dim3A_746 = vector.broadcast %jit3A_745 : i32 to vector<8x900xi32>
    %select_n3A_747 = arith.select %eq3A_744, %iota3A_641, %broadcast_in_dim3A_746 : vector<8x900xi1>, vector<8x900xi32>
    %reduce_min3A_748 = arith.constant dense<2147483647> : vector<8xi32>
    %reduce_min3A_749 = vector.multi_reduction <minsi>, %select_n3A_747, %reduce_min3A_748 [1] : vector<8x900xi32> to vector<8xi32>
    %broadcast_in_dim3A_750 = vector.shape_cast %reduce_min3A_749 : vector<8xi32> to vector<8x1xi32>
    %eq3A_751 = vector.broadcast %broadcast_in_dim3A_750 : vector<8x1xi32> to vector<8x900xi32>
    %eq3A_752 = arith.cmpi eq, %iota3A_641, %eq3A_751 : vector<8x900xi32>
    %jit3A_753 = arith.constant 0.000000e+00 : f32
    %broadcast_in_dim3A_754 = vector.broadcast %jit3A_753 : f32 to vector<8x900xf32>
    %select_n3A_755 = arith.select %eq3A_752, %broadcast_in_dim3A_754, %select_n3A_725 : vector<8x900xi1>, vector<8x900xf32>
    %eq3A_756 = arith.constant 3 : i32
    %eq3A_757 = vector.broadcast %eq3A_756 : i32 to vector<8x25xi32>
    %eq3A_758 = arith.cmpi eq, %iota3A_642, %eq3A_757 : vector<8x25xi32>
    %broadcast_in_dim3A_759 = vector.shape_cast %broadcast_in_dim3A_750 : vector<8x1xi32> to vector<8x1xi32>
    %broadcast_in_dim3A_760 = vector.broadcast %broadcast_in_dim3A_759 : vector<8x1xi32> to vector<8x25xi32>
    %select_n3A_761 = arith.select %eq3A_758, %broadcast_in_dim3A_760, %select_n3A_731 : vector<8x25xi1>, vector<8x25xi32>
    %gt3A_762 = arith.constant 0.000000e+00 : f32
    %gt3A_763 = vector.broadcast %gt3A_762 : f32 to vector<8x900xf32>
    %gt3A_764 = arith.cmpf ogt, %select_n3A_755, %gt3A_763 : vector<8x900xf32>
    %slice3A_765 = vector.extract_strided_slice %stack3A_640 {offsets = [4, 0, 0], sizes = [1, 8, 900], strides = [1, 1, 1]} : vector<25x8x900xf32> to vector<1x8x900xf32>
    %squeeze3A_766 = vector.shape_cast %slice3A_765 : vector<1x8x900xf32> to vector<8x900xf32>
    %jit3A_767 = arith.constant 0x7F800000 : f32
    %broadcast_in_dim3A_768 = vector.broadcast %jit3A_767 : f32 to vector<8x900xf32>
    %select_n3A_769 = arith.select %gt3A_764, %squeeze3A_766, %broadcast_in_dim3A_768 : vector<8x900xi1>, vector<8x900xf32>
    %reduce_min3A_770 = arith.constant dense<0x7F800000> : vector<8xf32>
    %reduce_min3A_771 = vector.multi_reduction <minimumf>, %select_n3A_769, %reduce_min3A_770 [1] : vector<8x900xf32> to vector<8xf32>
    %broadcast_in_dim3A_772 = vector.shape_cast %reduce_min3A_771 : vector<8xf32> to vector<8x1xf32>
    %eq3A_773 = vector.broadcast %broadcast_in_dim3A_772 : vector<8x1xf32> to vector<8x900xf32>
    %eq3A_774 = arith.cmpf oeq, %select_n3A_769, %eq3A_773 : vector<8x900xf32>
    %jit3A_775 = arith.constant 1073741824 : i32
    %broadcast_in_dim3A_776 = vector.broadcast %jit3A_775 : i32 to vector<8x900xi32>
    %select_n3A_777 = arith.select %eq3A_774, %iota3A_641, %broadcast_in_dim3A_776 : vector<8x900xi1>, vector<8x900xi32>
    %reduce_min3A_778 = arith.constant dense<2147483647> : vector<8xi32>
    %reduce_min3A_779 = vector.multi_reduction <minsi>, %select_n3A_777, %reduce_min3A_778 [1] : vector<8x900xi32> to vector<8xi32>
    %broadcast_in_dim3A_780 = vector.shape_cast %reduce_min3A_779 : vector<8xi32> to vector<8x1xi32>
    %eq3A_781 = vector.broadcast %broadcast_in_dim3A_780 : vector<8x1xi32> to vector<8x900xi32>
    %eq3A_782 = arith.cmpi eq, %iota3A_641, %eq3A_781 : vector<8x900xi32>
    %jit3A_783 = arith.constant 0.000000e+00 : f32
    %broadcast_in_dim3A_784 = vector.broadcast %jit3A_783 : f32 to vector<8x900xf32>
    %select_n3A_785 = arith.select %eq3A_782, %broadcast_in_dim3A_784, %select_n3A_755 : vector<8x900xi1>, vector<8x900xf32>
    %eq3A_786 = arith.constant 4 : i32
    %eq3A_787 = vector.broadcast %eq3A_786 : i32 to vector<8x25xi32>
    %eq3A_788 = arith.cmpi eq, %iota3A_642, %eq3A_787 : vector<8x25xi32>
    %broadcast_in_dim3A_789 = vector.shape_cast %broadcast_in_dim3A_780 : vector<8x1xi32> to vector<8x1xi32>
    %broadcast_in_dim3A_790 = vector.broadcast %broadcast_in_dim3A_789 : vector<8x1xi32> to vector<8x25xi32>
    %select_n3A_791 = arith.select %eq3A_788, %broadcast_in_dim3A_790, %select_n3A_761 : vector<8x25xi1>, vector<8x25xi32>
    %gt3A_792 = arith.constant 0.000000e+00 : f32
    %gt3A_793 = vector.broadcast %gt3A_792 : f32 to vector<8x900xf32>
    %gt3A_794 = arith.cmpf ogt, %select_n3A_785, %gt3A_793 : vector<8x900xf32>
    %slice3A_795 = vector.extract_strided_slice %stack3A_640 {offsets = [5, 0, 0], sizes = [1, 8, 900], strides = [1, 1, 1]} : vector<25x8x900xf32> to vector<1x8x900xf32>
    %squeeze3A_796 = vector.shape_cast %slice3A_795 : vector<1x8x900xf32> to vector<8x900xf32>
    %jit3A_797 = arith.constant 0x7F800000 : f32
    %broadcast_in_dim3A_798 = vector.broadcast %jit3A_797 : f32 to vector<8x900xf32>
    %select_n3A_799 = arith.select %gt3A_794, %squeeze3A_796, %broadcast_in_dim3A_798 : vector<8x900xi1>, vector<8x900xf32>
    %reduce_min3A_800 = arith.constant dense<0x7F800000> : vector<8xf32>
    %reduce_min3A_801 = vector.multi_reduction <minimumf>, %select_n3A_799, %reduce_min3A_800 [1] : vector<8x900xf32> to vector<8xf32>
    %broadcast_in_dim3A_802 = vector.shape_cast %reduce_min3A_801 : vector<8xf32> to vector<8x1xf32>
    %eq3A_803 = vector.broadcast %broadcast_in_dim3A_802 : vector<8x1xf32> to vector<8x900xf32>
    %eq3A_804 = arith.cmpf oeq, %select_n3A_799, %eq3A_803 : vector<8x900xf32>
    %jit3A_805 = arith.constant 1073741824 : i32
    %broadcast_in_dim3A_806 = vector.broadcast %jit3A_805 : i32 to vector<8x900xi32>
    %select_n3A_807 = arith.select %eq3A_804, %iota3A_641, %broadcast_in_dim3A_806 : vector<8x900xi1>, vector<8x900xi32>
    %reduce_min3A_808 = arith.constant dense<2147483647> : vector<8xi32>
    %reduce_min3A_809 = vector.multi_reduction <minsi>, %select_n3A_807, %reduce_min3A_808 [1] : vector<8x900xi32> to vector<8xi32>
    %broadcast_in_dim3A_810 = vector.shape_cast %reduce_min3A_809 : vector<8xi32> to vector<8x1xi32>
    %eq3A_811 = vector.broadcast %broadcast_in_dim3A_810 : vector<8x1xi32> to vector<8x900xi32>
    %eq3A_812 = arith.cmpi eq, %iota3A_641, %eq3A_811 : vector<8x900xi32>
    %jit3A_813 = arith.constant 0.000000e+00 : f32
    %broadcast_in_dim3A_814 = vector.broadcast %jit3A_813 : f32 to vector<8x900xf32>
    %select_n3A_815 = arith.select %eq3A_812, %broadcast_in_dim3A_814, %select_n3A_785 : vector<8x900xi1>, vector<8x900xf32>
    %eq3A_816 = arith.constant 5 : i32
    %eq3A_817 = vector.broadcast %eq3A_816 : i32 to vector<8x25xi32>
    %eq3A_818 = arith.cmpi eq, %iota3A_642, %eq3A_817 : vector<8x25xi32>
    %broadcast_in_dim3A_819 = vector.shape_cast %broadcast_in_dim3A_810 : vector<8x1xi32> to vector<8x1xi32>
    %broadcast_in_dim3A_820 = vector.broadcast %broadcast_in_dim3A_819 : vector<8x1xi32> to vector<8x25xi32>
    %select_n3A_821 = arith.select %eq3A_818, %broadcast_in_dim3A_820, %select_n3A_791 : vector<8x25xi1>, vector<8x25xi32>
    %gt3A_822 = arith.constant 0.000000e+00 : f32
    %gt3A_823 = vector.broadcast %gt3A_822 : f32 to vector<8x900xf32>
    %gt3A_824 = arith.cmpf ogt, %select_n3A_815, %gt3A_823 : vector<8x900xf32>
    %slice3A_825 = vector.extract_strided_slice %stack3A_640 {offsets = [6, 0, 0], sizes = [1, 8, 900], strides = [1, 1, 1]} : vector<25x8x900xf32> to vector<1x8x900xf32>
    %squeeze3A_826 = vector.shape_cast %slice3A_825 : vector<1x8x900xf32> to vector<8x900xf32>
    %jit3A_827 = arith.constant 0x7F800000 : f32
    %broadcast_in_dim3A_828 = vector.broadcast %jit3A_827 : f32 to vector<8x900xf32>
    %select_n3A_829 = arith.select %gt3A_824, %squeeze3A_826, %broadcast_in_dim3A_828 : vector<8x900xi1>, vector<8x900xf32>
    %reduce_min3A_830 = arith.constant dense<0x7F800000> : vector<8xf32>
    %reduce_min3A_831 = vector.multi_reduction <minimumf>, %select_n3A_829, %reduce_min3A_830 [1] : vector<8x900xf32> to vector<8xf32>
    %broadcast_in_dim3A_832 = vector.shape_cast %reduce_min3A_831 : vector<8xf32> to vector<8x1xf32>
    %eq3A_833 = vector.broadcast %broadcast_in_dim3A_832 : vector<8x1xf32> to vector<8x900xf32>
    %eq3A_834 = arith.cmpf oeq, %select_n3A_829, %eq3A_833 : vector<8x900xf32>
    %jit3A_835 = arith.constant 1073741824 : i32
    %broadcast_in_dim3A_836 = vector.broadcast %jit3A_835 : i32 to vector<8x900xi32>
    %select_n3A_837 = arith.select %eq3A_834, %iota3A_641, %broadcast_in_dim3A_836 : vector<8x900xi1>, vector<8x900xi32>
    %reduce_min3A_838 = arith.constant dense<2147483647> : vector<8xi32>
    %reduce_min3A_839 = vector.multi_reduction <minsi>, %select_n3A_837, %reduce_min3A_838 [1] : vector<8x900xi32> to vector<8xi32>
    %broadcast_in_dim3A_840 = vector.shape_cast %reduce_min3A_839 : vector<8xi32> to vector<8x1xi32>
    %eq3A_841 = vector.broadcast %broadcast_in_dim3A_840 : vector<8x1xi32> to vector<8x900xi32>
    %eq3A_842 = arith.cmpi eq, %iota3A_641, %eq3A_841 : vector<8x900xi32>
    %jit3A_843 = arith.constant 0.000000e+00 : f32
    %broadcast_in_dim3A_844 = vector.broadcast %jit3A_843 : f32 to vector<8x900xf32>
    %select_n3A_845 = arith.select %eq3A_842, %broadcast_in_dim3A_844, %select_n3A_815 : vector<8x900xi1>, vector<8x900xf32>
    %eq3A_846 = arith.constant 6 : i32
    %eq3A_847 = vector.broadcast %eq3A_846 : i32 to vector<8x25xi32>
    %eq3A_848 = arith.cmpi eq, %iota3A_642, %eq3A_847 : vector<8x25xi32>
    %broadcast_in_dim3A_849 = vector.shape_cast %broadcast_in_dim3A_840 : vector<8x1xi32> to vector<8x1xi32>
    %broadcast_in_dim3A_850 = vector.broadcast %broadcast_in_dim3A_849 : vector<8x1xi32> to vector<8x25xi32>
    %select_n3A_851 = arith.select %eq3A_848, %broadcast_in_dim3A_850, %select_n3A_821 : vector<8x25xi1>, vector<8x25xi32>
    %gt3A_852 = arith.constant 0.000000e+00 : f32
    %gt3A_853 = vector.broadcast %gt3A_852 : f32 to vector<8x900xf32>
    %gt3A_854 = arith.cmpf ogt, %select_n3A_845, %gt3A_853 : vector<8x900xf32>
    %slice3A_855 = vector.extract_strided_slice %stack3A_640 {offsets = [7, 0, 0], sizes = [1, 8, 900], strides = [1, 1, 1]} : vector<25x8x900xf32> to vector<1x8x900xf32>
    %squeeze3A_856 = vector.shape_cast %slice3A_855 : vector<1x8x900xf32> to vector<8x900xf32>
    %jit3A_857 = arith.constant 0x7F800000 : f32
    %broadcast_in_dim3A_858 = vector.broadcast %jit3A_857 : f32 to vector<8x900xf32>
    %select_n3A_859 = arith.select %gt3A_854, %squeeze3A_856, %broadcast_in_dim3A_858 : vector<8x900xi1>, vector<8x900xf32>
    %reduce_min3A_860 = arith.constant dense<0x7F800000> : vector<8xf32>
    %reduce_min3A_861 = vector.multi_reduction <minimumf>, %select_n3A_859, %reduce_min3A_860 [1] : vector<8x900xf32> to vector<8xf32>
    %broadcast_in_dim3A_862 = vector.shape_cast %reduce_min3A_861 : vector<8xf32> to vector<8x1xf32>
    %eq3A_863 = vector.broadcast %broadcast_in_dim3A_862 : vector<8x1xf32> to vector<8x900xf32>
    %eq3A_864 = arith.cmpf oeq, %select_n3A_859, %eq3A_863 : vector<8x900xf32>
    %jit3A_865 = arith.constant 1073741824 : i32
    %broadcast_in_dim3A_866 = vector.broadcast %jit3A_865 : i32 to vector<8x900xi32>
    %select_n3A_867 = arith.select %eq3A_864, %iota3A_641, %broadcast_in_dim3A_866 : vector<8x900xi1>, vector<8x900xi32>
    %reduce_min3A_868 = arith.constant dense<2147483647> : vector<8xi32>
    %reduce_min3A_869 = vector.multi_reduction <minsi>, %select_n3A_867, %reduce_min3A_868 [1] : vector<8x900xi32> to vector<8xi32>
    %broadcast_in_dim3A_870 = vector.shape_cast %reduce_min3A_869 : vector<8xi32> to vector<8x1xi32>
    %eq3A_871 = vector.broadcast %broadcast_in_dim3A_870 : vector<8x1xi32> to vector<8x900xi32>
    %eq3A_872 = arith.cmpi eq, %iota3A_641, %eq3A_871 : vector<8x900xi32>
    %jit3A_873 = arith.constant 0.000000e+00 : f32
    %broadcast_in_dim3A_874 = vector.broadcast %jit3A_873 : f32 to vector<8x900xf32>
    %select_n3A_875 = arith.select %eq3A_872, %broadcast_in_dim3A_874, %select_n3A_845 : vector<8x900xi1>, vector<8x900xf32>
    %eq3A_876 = arith.constant 7 : i32
    %eq3A_877 = vector.broadcast %eq3A_876 : i32 to vector<8x25xi32>
    %eq3A_878 = arith.cmpi eq, %iota3A_642, %eq3A_877 : vector<8x25xi32>
    %broadcast_in_dim3A_879 = vector.shape_cast %broadcast_in_dim3A_870 : vector<8x1xi32> to vector<8x1xi32>
    %broadcast_in_dim3A_880 = vector.broadcast %broadcast_in_dim3A_879 : vector<8x1xi32> to vector<8x25xi32>
    %select_n3A_881 = arith.select %eq3A_878, %broadcast_in_dim3A_880, %select_n3A_851 : vector<8x25xi1>, vector<8x25xi32>
    %gt3A_882 = arith.constant 0.000000e+00 : f32
    %gt3A_883 = vector.broadcast %gt3A_882 : f32 to vector<8x900xf32>
    %gt3A_884 = arith.cmpf ogt, %select_n3A_875, %gt3A_883 : vector<8x900xf32>
    %slice3A_885 = vector.extract_strided_slice %stack3A_640 {offsets = [8, 0, 0], sizes = [1, 8, 900], strides = [1, 1, 1]} : vector<25x8x900xf32> to vector<1x8x900xf32>
    %squeeze3A_886 = vector.shape_cast %slice3A_885 : vector<1x8x900xf32> to vector<8x900xf32>
    %jit3A_887 = arith.constant 0x7F800000 : f32
    %broadcast_in_dim3A_888 = vector.broadcast %jit3A_887 : f32 to vector<8x900xf32>
    %select_n3A_889 = arith.select %gt3A_884, %squeeze3A_886, %broadcast_in_dim3A_888 : vector<8x900xi1>, vector<8x900xf32>
    %reduce_min3A_890 = arith.constant dense<0x7F800000> : vector<8xf32>
    %reduce_min3A_891 = vector.multi_reduction <minimumf>, %select_n3A_889, %reduce_min3A_890 [1] : vector<8x900xf32> to vector<8xf32>
    %broadcast_in_dim3A_892 = vector.shape_cast %reduce_min3A_891 : vector<8xf32> to vector<8x1xf32>
    %eq3A_893 = vector.broadcast %broadcast_in_dim3A_892 : vector<8x1xf32> to vector<8x900xf32>
    %eq3A_894 = arith.cmpf oeq, %select_n3A_889, %eq3A_893 : vector<8x900xf32>
    %jit3A_895 = arith.constant 1073741824 : i32
    %broadcast_in_dim3A_896 = vector.broadcast %jit3A_895 : i32 to vector<8x900xi32>
    %select_n3A_897 = arith.select %eq3A_894, %iota3A_641, %broadcast_in_dim3A_896 : vector<8x900xi1>, vector<8x900xi32>
    %reduce_min3A_898 = arith.constant dense<2147483647> : vector<8xi32>
    %reduce_min3A_899 = vector.multi_reduction <minsi>, %select_n3A_897, %reduce_min3A_898 [1] : vector<8x900xi32> to vector<8xi32>
    %broadcast_in_dim3A_900 = vector.shape_cast %reduce_min3A_899 : vector<8xi32> to vector<8x1xi32>
    %eq3A_901 = vector.broadcast %broadcast_in_dim3A_900 : vector<8x1xi32> to vector<8x900xi32>
    %eq3A_902 = arith.cmpi eq, %iota3A_641, %eq3A_901 : vector<8x900xi32>
    %jit3A_903 = arith.constant 0.000000e+00 : f32
    %broadcast_in_dim3A_904 = vector.broadcast %jit3A_903 : f32 to vector<8x900xf32>
    %select_n3A_905 = arith.select %eq3A_902, %broadcast_in_dim3A_904, %select_n3A_875 : vector<8x900xi1>, vector<8x900xf32>
    %eq3A_906 = arith.constant 8 : i32
    %eq3A_907 = vector.broadcast %eq3A_906 : i32 to vector<8x25xi32>
    %eq3A_908 = arith.cmpi eq, %iota3A_642, %eq3A_907 : vector<8x25xi32>
    %broadcast_in_dim3A_909 = vector.shape_cast %broadcast_in_dim3A_900 : vector<8x1xi32> to vector<8x1xi32>
    %broadcast_in_dim3A_910 = vector.broadcast %broadcast_in_dim3A_909 : vector<8x1xi32> to vector<8x25xi32>
    %select_n3A_911 = arith.select %eq3A_908, %broadcast_in_dim3A_910, %select_n3A_881 : vector<8x25xi1>, vector<8x25xi32>
    %gt3A_912 = arith.constant 0.000000e+00 : f32
    %gt3A_913 = vector.broadcast %gt3A_912 : f32 to vector<8x900xf32>
    %gt3A_914 = arith.cmpf ogt, %select_n3A_905, %gt3A_913 : vector<8x900xf32>
    %slice3A_915 = vector.extract_strided_slice %stack3A_640 {offsets = [9, 0, 0], sizes = [1, 8, 900], strides = [1, 1, 1]} : vector<25x8x900xf32> to vector<1x8x900xf32>
    %squeeze3A_916 = vector.shape_cast %slice3A_915 : vector<1x8x900xf32> to vector<8x900xf32>
    %jit3A_917 = arith.constant 0x7F800000 : f32
    %broadcast_in_dim3A_918 = vector.broadcast %jit3A_917 : f32 to vector<8x900xf32>
    %select_n3A_919 = arith.select %gt3A_914, %squeeze3A_916, %broadcast_in_dim3A_918 : vector<8x900xi1>, vector<8x900xf32>
    %reduce_min3A_920 = arith.constant dense<0x7F800000> : vector<8xf32>
    %reduce_min3A_921 = vector.multi_reduction <minimumf>, %select_n3A_919, %reduce_min3A_920 [1] : vector<8x900xf32> to vector<8xf32>
    %broadcast_in_dim3A_922 = vector.shape_cast %reduce_min3A_921 : vector<8xf32> to vector<8x1xf32>
    %eq3A_923 = vector.broadcast %broadcast_in_dim3A_922 : vector<8x1xf32> to vector<8x900xf32>
    %eq3A_924 = arith.cmpf oeq, %select_n3A_919, %eq3A_923 : vector<8x900xf32>
    %jit3A_925 = arith.constant 1073741824 : i32
    %broadcast_in_dim3A_926 = vector.broadcast %jit3A_925 : i32 to vector<8x900xi32>
    %select_n3A_927 = arith.select %eq3A_924, %iota3A_641, %broadcast_in_dim3A_926 : vector<8x900xi1>, vector<8x900xi32>
    %reduce_min3A_928 = arith.constant dense<2147483647> : vector<8xi32>
    %reduce_min3A_929 = vector.multi_reduction <minsi>, %select_n3A_927, %reduce_min3A_928 [1] : vector<8x900xi32> to vector<8xi32>
    %broadcast_in_dim3A_930 = vector.shape_cast %reduce_min3A_929 : vector<8xi32> to vector<8x1xi32>
    %eq3A_931 = vector.broadcast %broadcast_in_dim3A_930 : vector<8x1xi32> to vector<8x900xi32>
    %eq3A_932 = arith.cmpi eq, %iota3A_641, %eq3A_931 : vector<8x900xi32>
    %jit3A_933 = arith.constant 0.000000e+00 : f32
    %broadcast_in_dim3A_934 = vector.broadcast %jit3A_933 : f32 to vector<8x900xf32>
    %select_n3A_935 = arith.select %eq3A_932, %broadcast_in_dim3A_934, %select_n3A_905 : vector<8x900xi1>, vector<8x900xf32>
    %eq3A_936 = arith.constant 9 : i32
    %eq3A_937 = vector.broadcast %eq3A_936 : i32 to vector<8x25xi32>
    %eq3A_938 = arith.cmpi eq, %iota3A_642, %eq3A_937 : vector<8x25xi32>
    %broadcast_in_dim3A_939 = vector.shape_cast %broadcast_in_dim3A_930 : vector<8x1xi32> to vector<8x1xi32>
    %broadcast_in_dim3A_940 = vector.broadcast %broadcast_in_dim3A_939 : vector<8x1xi32> to vector<8x25xi32>
    %select_n3A_941 = arith.select %eq3A_938, %broadcast_in_dim3A_940, %select_n3A_911 : vector<8x25xi1>, vector<8x25xi32>
    %gt3A_942 = arith.constant 0.000000e+00 : f32
    %gt3A_943 = vector.broadcast %gt3A_942 : f32 to vector<8x900xf32>
    %gt3A_944 = arith.cmpf ogt, %select_n3A_935, %gt3A_943 : vector<8x900xf32>
    %slice3A_945 = vector.extract_strided_slice %stack3A_640 {offsets = [10, 0, 0], sizes = [1, 8, 900], strides = [1, 1, 1]} : vector<25x8x900xf32> to vector<1x8x900xf32>
    %squeeze3A_946 = vector.shape_cast %slice3A_945 : vector<1x8x900xf32> to vector<8x900xf32>
    %jit3A_947 = arith.constant 0x7F800000 : f32
    %broadcast_in_dim3A_948 = vector.broadcast %jit3A_947 : f32 to vector<8x900xf32>
    %select_n3A_949 = arith.select %gt3A_944, %squeeze3A_946, %broadcast_in_dim3A_948 : vector<8x900xi1>, vector<8x900xf32>
    %reduce_min3A_950 = arith.constant dense<0x7F800000> : vector<8xf32>
    %reduce_min3A_951 = vector.multi_reduction <minimumf>, %select_n3A_949, %reduce_min3A_950 [1] : vector<8x900xf32> to vector<8xf32>
    %broadcast_in_dim3A_952 = vector.shape_cast %reduce_min3A_951 : vector<8xf32> to vector<8x1xf32>
    %eq3A_953 = vector.broadcast %broadcast_in_dim3A_952 : vector<8x1xf32> to vector<8x900xf32>
    %eq3A_954 = arith.cmpf oeq, %select_n3A_949, %eq3A_953 : vector<8x900xf32>
    %jit3A_955 = arith.constant 1073741824 : i32
    %broadcast_in_dim3A_956 = vector.broadcast %jit3A_955 : i32 to vector<8x900xi32>
    %select_n3A_957 = arith.select %eq3A_954, %iota3A_641, %broadcast_in_dim3A_956 : vector<8x900xi1>, vector<8x900xi32>
    %reduce_min3A_958 = arith.constant dense<2147483647> : vector<8xi32>
    %reduce_min3A_959 = vector.multi_reduction <minsi>, %select_n3A_957, %reduce_min3A_958 [1] : vector<8x900xi32> to vector<8xi32>
    %broadcast_in_dim3A_960 = vector.shape_cast %reduce_min3A_959 : vector<8xi32> to vector<8x1xi32>
    %eq3A_961 = vector.broadcast %broadcast_in_dim3A_960 : vector<8x1xi32> to vector<8x900xi32>
    %eq3A_962 = arith.cmpi eq, %iota3A_641, %eq3A_961 : vector<8x900xi32>
    %jit3A_963 = arith.constant 0.000000e+00 : f32
    %broadcast_in_dim3A_964 = vector.broadcast %jit3A_963 : f32 to vector<8x900xf32>
    %select_n3A_965 = arith.select %eq3A_962, %broadcast_in_dim3A_964, %select_n3A_935 : vector<8x900xi1>, vector<8x900xf32>
    %eq3A_966 = arith.constant 10 : i32
    %eq3A_967 = vector.broadcast %eq3A_966 : i32 to vector<8x25xi32>
    %eq3A_968 = arith.cmpi eq, %iota3A_642, %eq3A_967 : vector<8x25xi32>
    %broadcast_in_dim3A_969 = vector.shape_cast %broadcast_in_dim3A_960 : vector<8x1xi32> to vector<8x1xi32>
    %broadcast_in_dim3A_970 = vector.broadcast %broadcast_in_dim3A_969 : vector<8x1xi32> to vector<8x25xi32>
    %select_n3A_971 = arith.select %eq3A_968, %broadcast_in_dim3A_970, %select_n3A_941 : vector<8x25xi1>, vector<8x25xi32>
    %gt3A_972 = arith.constant 0.000000e+00 : f32
    %gt3A_973 = vector.broadcast %gt3A_972 : f32 to vector<8x900xf32>
    %gt3A_974 = arith.cmpf ogt, %select_n3A_965, %gt3A_973 : vector<8x900xf32>
    %slice3A_975 = vector.extract_strided_slice %stack3A_640 {offsets = [11, 0, 0], sizes = [1, 8, 900], strides = [1, 1, 1]} : vector<25x8x900xf32> to vector<1x8x900xf32>
    %squeeze3A_976 = vector.shape_cast %slice3A_975 : vector<1x8x900xf32> to vector<8x900xf32>
    %jit3A_977 = arith.constant 0x7F800000 : f32
    %broadcast_in_dim3A_978 = vector.broadcast %jit3A_977 : f32 to vector<8x900xf32>
    %select_n3A_979 = arith.select %gt3A_974, %squeeze3A_976, %broadcast_in_dim3A_978 : vector<8x900xi1>, vector<8x900xf32>
    %reduce_min3A_980 = arith.constant dense<0x7F800000> : vector<8xf32>
    %reduce_min3A_981 = vector.multi_reduction <minimumf>, %select_n3A_979, %reduce_min3A_980 [1] : vector<8x900xf32> to vector<8xf32>
    %broadcast_in_dim3A_982 = vector.shape_cast %reduce_min3A_981 : vector<8xf32> to vector<8x1xf32>
    %eq3A_983 = vector.broadcast %broadcast_in_dim3A_982 : vector<8x1xf32> to vector<8x900xf32>
    %eq3A_984 = arith.cmpf oeq, %select_n3A_979, %eq3A_983 : vector<8x900xf32>
    %jit3A_985 = arith.constant 1073741824 : i32
    %broadcast_in_dim3A_986 = vector.broadcast %jit3A_985 : i32 to vector<8x900xi32>
    %select_n3A_987 = arith.select %eq3A_984, %iota3A_641, %broadcast_in_dim3A_986 : vector<8x900xi1>, vector<8x900xi32>
    %reduce_min3A_988 = arith.constant dense<2147483647> : vector<8xi32>
    %reduce_min3A_989 = vector.multi_reduction <minsi>, %select_n3A_987, %reduce_min3A_988 [1] : vector<8x900xi32> to vector<8xi32>
    %broadcast_in_dim3A_990 = vector.shape_cast %reduce_min3A_989 : vector<8xi32> to vector<8x1xi32>
    %eq3A_991 = vector.broadcast %broadcast_in_dim3A_990 : vector<8x1xi32> to vector<8x900xi32>
    %eq3A_992 = arith.cmpi eq, %iota3A_641, %eq3A_991 : vector<8x900xi32>
    %jit3A_993 = arith.constant 0.000000e+00 : f32
    %broadcast_in_dim3A_994 = vector.broadcast %jit3A_993 : f32 to vector<8x900xf32>
    %select_n3A_995 = arith.select %eq3A_992, %broadcast_in_dim3A_994, %select_n3A_965 : vector<8x900xi1>, vector<8x900xf32>
    %eq3A_996 = arith.constant 11 : i32
    %eq3A_997 = vector.broadcast %eq3A_996 : i32 to vector<8x25xi32>
    %eq3A_998 = arith.cmpi eq, %iota3A_642, %eq3A_997 : vector<8x25xi32>
    %broadcast_in_dim3A_999 = vector.shape_cast %broadcast_in_dim3A_990 : vector<8x1xi32> to vector<8x1xi32>
    %broadcast_in_dim3A_1000 = vector.broadcast %broadcast_in_dim3A_999 : vector<8x1xi32> to vector<8x25xi32>
    %select_n3A_1001 = arith.select %eq3A_998, %broadcast_in_dim3A_1000, %select_n3A_971 : vector<8x25xi1>, vector<8x25xi32>
    %gt3A_1002 = arith.constant 0.000000e+00 : f32
    %gt3A_1003 = vector.broadcast %gt3A_1002 : f32 to vector<8x900xf32>
    %gt3A_1004 = arith.cmpf ogt, %select_n3A_995, %gt3A_1003 : vector<8x900xf32>
    %slice3A_1005 = vector.extract_strided_slice %stack3A_640 {offsets = [12, 0, 0], sizes = [1, 8, 900], strides = [1, 1, 1]} : vector<25x8x900xf32> to vector<1x8x900xf32>
    %squeeze3A_1006 = vector.shape_cast %slice3A_1005 : vector<1x8x900xf32> to vector<8x900xf32>
    %jit3A_1007 = arith.constant 0x7F800000 : f32
    %broadcast_in_dim3A_1008 = vector.broadcast %jit3A_1007 : f32 to vector<8x900xf32>
    %select_n3A_1009 = arith.select %gt3A_1004, %squeeze3A_1006, %broadcast_in_dim3A_1008 : vector<8x900xi1>, vector<8x900xf32>
    %reduce_min3A_1010 = arith.constant dense<0x7F800000> : vector<8xf32>
    %reduce_min3A_1011 = vector.multi_reduction <minimumf>, %select_n3A_1009, %reduce_min3A_1010 [1] : vector<8x900xf32> to vector<8xf32>
    %broadcast_in_dim3A_1012 = vector.shape_cast %reduce_min3A_1011 : vector<8xf32> to vector<8x1xf32>
    %eq3A_1013 = vector.broadcast %broadcast_in_dim3A_1012 : vector<8x1xf32> to vector<8x900xf32>
    %eq3A_1014 = arith.cmpf oeq, %select_n3A_1009, %eq3A_1013 : vector<8x900xf32>
    %jit3A_1015 = arith.constant 1073741824 : i32
    %broadcast_in_dim3A_1016 = vector.broadcast %jit3A_1015 : i32 to vector<8x900xi32>
    %select_n3A_1017 = arith.select %eq3A_1014, %iota3A_641, %broadcast_in_dim3A_1016 : vector<8x900xi1>, vector<8x900xi32>
    %reduce_min3A_1018 = arith.constant dense<2147483647> : vector<8xi32>
    %reduce_min3A_1019 = vector.multi_reduction <minsi>, %select_n3A_1017, %reduce_min3A_1018 [1] : vector<8x900xi32> to vector<8xi32>
    %broadcast_in_dim3A_1020 = vector.shape_cast %reduce_min3A_1019 : vector<8xi32> to vector<8x1xi32>
    %eq3A_1021 = vector.broadcast %broadcast_in_dim3A_1020 : vector<8x1xi32> to vector<8x900xi32>
    %eq3A_1022 = arith.cmpi eq, %iota3A_641, %eq3A_1021 : vector<8x900xi32>
    %jit3A_1023 = arith.constant 0.000000e+00 : f32
    %broadcast_in_dim3A_1024 = vector.broadcast %jit3A_1023 : f32 to vector<8x900xf32>
    %select_n3A_1025 = arith.select %eq3A_1022, %broadcast_in_dim3A_1024, %select_n3A_995 : vector<8x900xi1>, vector<8x900xf32>
    %eq3A_1026 = arith.constant 12 : i32
    %eq3A_1027 = vector.broadcast %eq3A_1026 : i32 to vector<8x25xi32>
    %eq3A_1028 = arith.cmpi eq, %iota3A_642, %eq3A_1027 : vector<8x25xi32>
    %broadcast_in_dim3A_1029 = vector.shape_cast %broadcast_in_dim3A_1020 : vector<8x1xi32> to vector<8x1xi32>
    %broadcast_in_dim3A_1030 = vector.broadcast %broadcast_in_dim3A_1029 : vector<8x1xi32> to vector<8x25xi32>
    %select_n3A_1031 = arith.select %eq3A_1028, %broadcast_in_dim3A_1030, %select_n3A_1001 : vector<8x25xi1>, vector<8x25xi32>
    %gt3A_1032 = arith.constant 0.000000e+00 : f32
    %gt3A_1033 = vector.broadcast %gt3A_1032 : f32 to vector<8x900xf32>
    %gt3A_1034 = arith.cmpf ogt, %select_n3A_1025, %gt3A_1033 : vector<8x900xf32>
    %slice3A_1035 = vector.extract_strided_slice %stack3A_640 {offsets = [13, 0, 0], sizes = [1, 8, 900], strides = [1, 1, 1]} : vector<25x8x900xf32> to vector<1x8x900xf32>
    %squeeze3A_1036 = vector.shape_cast %slice3A_1035 : vector<1x8x900xf32> to vector<8x900xf32>
    %jit3A_1037 = arith.constant 0x7F800000 : f32
    %broadcast_in_dim3A_1038 = vector.broadcast %jit3A_1037 : f32 to vector<8x900xf32>
    %select_n3A_1039 = arith.select %gt3A_1034, %squeeze3A_1036, %broadcast_in_dim3A_1038 : vector<8x900xi1>, vector<8x900xf32>
    %reduce_min3A_1040 = arith.constant dense<0x7F800000> : vector<8xf32>
    %reduce_min3A_1041 = vector.multi_reduction <minimumf>, %select_n3A_1039, %reduce_min3A_1040 [1] : vector<8x900xf32> to vector<8xf32>
    %broadcast_in_dim3A_1042 = vector.shape_cast %reduce_min3A_1041 : vector<8xf32> to vector<8x1xf32>
    %eq3A_1043 = vector.broadcast %broadcast_in_dim3A_1042 : vector<8x1xf32> to vector<8x900xf32>
    %eq3A_1044 = arith.cmpf oeq, %select_n3A_1039, %eq3A_1043 : vector<8x900xf32>
    %jit3A_1045 = arith.constant 1073741824 : i32
    %broadcast_in_dim3A_1046 = vector.broadcast %jit3A_1045 : i32 to vector<8x900xi32>
    %select_n3A_1047 = arith.select %eq3A_1044, %iota3A_641, %broadcast_in_dim3A_1046 : vector<8x900xi1>, vector<8x900xi32>
    %reduce_min3A_1048 = arith.constant dense<2147483647> : vector<8xi32>
    %reduce_min3A_1049 = vector.multi_reduction <minsi>, %select_n3A_1047, %reduce_min3A_1048 [1] : vector<8x900xi32> to vector<8xi32>
    %broadcast_in_dim3A_1050 = vector.shape_cast %reduce_min3A_1049 : vector<8xi32> to vector<8x1xi32>
    %eq3A_1051 = vector.broadcast %broadcast_in_dim3A_1050 : vector<8x1xi32> to vector<8x900xi32>
    %eq3A_1052 = arith.cmpi eq, %iota3A_641, %eq3A_1051 : vector<8x900xi32>
    %jit3A_1053 = arith.constant 0.000000e+00 : f32
    %broadcast_in_dim3A_1054 = vector.broadcast %jit3A_1053 : f32 to vector<8x900xf32>
    %select_n3A_1055 = arith.select %eq3A_1052, %broadcast_in_dim3A_1054, %select_n3A_1025 : vector<8x900xi1>, vector<8x900xf32>
    %eq3A_1056 = arith.constant 13 : i32
    %eq3A_1057 = vector.broadcast %eq3A_1056 : i32 to vector<8x25xi32>
    %eq3A_1058 = arith.cmpi eq, %iota3A_642, %eq3A_1057 : vector<8x25xi32>
    %broadcast_in_dim3A_1059 = vector.shape_cast %broadcast_in_dim3A_1050 : vector<8x1xi32> to vector<8x1xi32>
    %broadcast_in_dim3A_1060 = vector.broadcast %broadcast_in_dim3A_1059 : vector<8x1xi32> to vector<8x25xi32>
    %select_n3A_1061 = arith.select %eq3A_1058, %broadcast_in_dim3A_1060, %select_n3A_1031 : vector<8x25xi1>, vector<8x25xi32>
    %gt3A_1062 = arith.constant 0.000000e+00 : f32
    %gt3A_1063 = vector.broadcast %gt3A_1062 : f32 to vector<8x900xf32>
    %gt3A_1064 = arith.cmpf ogt, %select_n3A_1055, %gt3A_1063 : vector<8x900xf32>
    %slice3A_1065 = vector.extract_strided_slice %stack3A_640 {offsets = [14, 0, 0], sizes = [1, 8, 900], strides = [1, 1, 1]} : vector<25x8x900xf32> to vector<1x8x900xf32>
    %squeeze3A_1066 = vector.shape_cast %slice3A_1065 : vector<1x8x900xf32> to vector<8x900xf32>
    %jit3A_1067 = arith.constant 0x7F800000 : f32
    %broadcast_in_dim3A_1068 = vector.broadcast %jit3A_1067 : f32 to vector<8x900xf32>
    %select_n3A_1069 = arith.select %gt3A_1064, %squeeze3A_1066, %broadcast_in_dim3A_1068 : vector<8x900xi1>, vector<8x900xf32>
    %reduce_min3A_1070 = arith.constant dense<0x7F800000> : vector<8xf32>
    %reduce_min3A_1071 = vector.multi_reduction <minimumf>, %select_n3A_1069, %reduce_min3A_1070 [1] : vector<8x900xf32> to vector<8xf32>
    %broadcast_in_dim3A_1072 = vector.shape_cast %reduce_min3A_1071 : vector<8xf32> to vector<8x1xf32>
    %eq3A_1073 = vector.broadcast %broadcast_in_dim3A_1072 : vector<8x1xf32> to vector<8x900xf32>
    %eq3A_1074 = arith.cmpf oeq, %select_n3A_1069, %eq3A_1073 : vector<8x900xf32>
    %jit3A_1075 = arith.constant 1073741824 : i32
    %broadcast_in_dim3A_1076 = vector.broadcast %jit3A_1075 : i32 to vector<8x900xi32>
    %select_n3A_1077 = arith.select %eq3A_1074, %iota3A_641, %broadcast_in_dim3A_1076 : vector<8x900xi1>, vector<8x900xi32>
    %reduce_min3A_1078 = arith.constant dense<2147483647> : vector<8xi32>
    %reduce_min3A_1079 = vector.multi_reduction <minsi>, %select_n3A_1077, %reduce_min3A_1078 [1] : vector<8x900xi32> to vector<8xi32>
    %broadcast_in_dim3A_1080 = vector.shape_cast %reduce_min3A_1079 : vector<8xi32> to vector<8x1xi32>
    %eq3A_1081 = vector.broadcast %broadcast_in_dim3A_1080 : vector<8x1xi32> to vector<8x900xi32>
    %eq3A_1082 = arith.cmpi eq, %iota3A_641, %eq3A_1081 : vector<8x900xi32>
    %jit3A_1083 = arith.constant 0.000000e+00 : f32
    %broadcast_in_dim3A_1084 = vector.broadcast %jit3A_1083 : f32 to vector<8x900xf32>
    %select_n3A_1085 = arith.select %eq3A_1082, %broadcast_in_dim3A_1084, %select_n3A_1055 : vector<8x900xi1>, vector<8x900xf32>
    %eq3A_1086 = arith.constant 14 : i32
    %eq3A_1087 = vector.broadcast %eq3A_1086 : i32 to vector<8x25xi32>
    %eq3A_1088 = arith.cmpi eq, %iota3A_642, %eq3A_1087 : vector<8x25xi32>
    %broadcast_in_dim3A_1089 = vector.shape_cast %broadcast_in_dim3A_1080 : vector<8x1xi32> to vector<8x1xi32>
    %broadcast_in_dim3A_1090 = vector.broadcast %broadcast_in_dim3A_1089 : vector<8x1xi32> to vector<8x25xi32>
    %select_n3A_1091 = arith.select %eq3A_1088, %broadcast_in_dim3A_1090, %select_n3A_1061 : vector<8x25xi1>, vector<8x25xi32>
    %gt3A_1092 = arith.constant 0.000000e+00 : f32
    %gt3A_1093 = vector.broadcast %gt3A_1092 : f32 to vector<8x900xf32>
    %gt3A_1094 = arith.cmpf ogt, %select_n3A_1085, %gt3A_1093 : vector<8x900xf32>
    %slice3A_1095 = vector.extract_strided_slice %stack3A_640 {offsets = [15, 0, 0], sizes = [1, 8, 900], strides = [1, 1, 1]} : vector<25x8x900xf32> to vector<1x8x900xf32>
    %squeeze3A_1096 = vector.shape_cast %slice3A_1095 : vector<1x8x900xf32> to vector<8x900xf32>
    %jit3A_1097 = arith.constant 0x7F800000 : f32
    %broadcast_in_dim3A_1098 = vector.broadcast %jit3A_1097 : f32 to vector<8x900xf32>
    %select_n3A_1099 = arith.select %gt3A_1094, %squeeze3A_1096, %broadcast_in_dim3A_1098 : vector<8x900xi1>, vector<8x900xf32>
    %reduce_min3A_1100 = arith.constant dense<0x7F800000> : vector<8xf32>
    %reduce_min3A_1101 = vector.multi_reduction <minimumf>, %select_n3A_1099, %reduce_min3A_1100 [1] : vector<8x900xf32> to vector<8xf32>
    %broadcast_in_dim3A_1102 = vector.shape_cast %reduce_min3A_1101 : vector<8xf32> to vector<8x1xf32>
    %eq3A_1103 = vector.broadcast %broadcast_in_dim3A_1102 : vector<8x1xf32> to vector<8x900xf32>
    %eq3A_1104 = arith.cmpf oeq, %select_n3A_1099, %eq3A_1103 : vector<8x900xf32>
    %jit3A_1105 = arith.constant 1073741824 : i32
    %broadcast_in_dim3A_1106 = vector.broadcast %jit3A_1105 : i32 to vector<8x900xi32>
    %select_n3A_1107 = arith.select %eq3A_1104, %iota3A_641, %broadcast_in_dim3A_1106 : vector<8x900xi1>, vector<8x900xi32>
    %reduce_min3A_1108 = arith.constant dense<2147483647> : vector<8xi32>
    %reduce_min3A_1109 = vector.multi_reduction <minsi>, %select_n3A_1107, %reduce_min3A_1108 [1] : vector<8x900xi32> to vector<8xi32>
    %broadcast_in_dim3A_1110 = vector.shape_cast %reduce_min3A_1109 : vector<8xi32> to vector<8x1xi32>
    %eq3A_1111 = vector.broadcast %broadcast_in_dim3A_1110 : vector<8x1xi32> to vector<8x900xi32>
    %eq3A_1112 = arith.cmpi eq, %iota3A_641, %eq3A_1111 : vector<8x900xi32>
    %jit3A_1113 = arith.constant 0.000000e+00 : f32
    %broadcast_in_dim3A_1114 = vector.broadcast %jit3A_1113 : f32 to vector<8x900xf32>
    %select_n3A_1115 = arith.select %eq3A_1112, %broadcast_in_dim3A_1114, %select_n3A_1085 : vector<8x900xi1>, vector<8x900xf32>
    %eq3A_1116 = arith.constant 15 : i32
    %eq3A_1117 = vector.broadcast %eq3A_1116 : i32 to vector<8x25xi32>
    %eq3A_1118 = arith.cmpi eq, %iota3A_642, %eq3A_1117 : vector<8x25xi32>
    %broadcast_in_dim3A_1119 = vector.shape_cast %broadcast_in_dim3A_1110 : vector<8x1xi32> to vector<8x1xi32>
    %broadcast_in_dim3A_1120 = vector.broadcast %broadcast_in_dim3A_1119 : vector<8x1xi32> to vector<8x25xi32>
    %select_n3A_1121 = arith.select %eq3A_1118, %broadcast_in_dim3A_1120, %select_n3A_1091 : vector<8x25xi1>, vector<8x25xi32>
    %gt3A_1122 = arith.constant 0.000000e+00 : f32
    %gt3A_1123 = vector.broadcast %gt3A_1122 : f32 to vector<8x900xf32>
    %gt3A_1124 = arith.cmpf ogt, %select_n3A_1115, %gt3A_1123 : vector<8x900xf32>
    %slice3A_1125 = vector.extract_strided_slice %stack3A_640 {offsets = [16, 0, 0], sizes = [1, 8, 900], strides = [1, 1, 1]} : vector<25x8x900xf32> to vector<1x8x900xf32>
    %squeeze3A_1126 = vector.shape_cast %slice3A_1125 : vector<1x8x900xf32> to vector<8x900xf32>
    %jit3A_1127 = arith.constant 0x7F800000 : f32
    %broadcast_in_dim3A_1128 = vector.broadcast %jit3A_1127 : f32 to vector<8x900xf32>
    %select_n3A_1129 = arith.select %gt3A_1124, %squeeze3A_1126, %broadcast_in_dim3A_1128 : vector<8x900xi1>, vector<8x900xf32>
    %reduce_min3A_1130 = arith.constant dense<0x7F800000> : vector<8xf32>
    %reduce_min3A_1131 = vector.multi_reduction <minimumf>, %select_n3A_1129, %reduce_min3A_1130 [1] : vector<8x900xf32> to vector<8xf32>
    %broadcast_in_dim3A_1132 = vector.shape_cast %reduce_min3A_1131 : vector<8xf32> to vector<8x1xf32>
    %eq3A_1133 = vector.broadcast %broadcast_in_dim3A_1132 : vector<8x1xf32> to vector<8x900xf32>
    %eq3A_1134 = arith.cmpf oeq, %select_n3A_1129, %eq3A_1133 : vector<8x900xf32>
    %jit3A_1135 = arith.constant 1073741824 : i32
    %broadcast_in_dim3A_1136 = vector.broadcast %jit3A_1135 : i32 to vector<8x900xi32>
    %select_n3A_1137 = arith.select %eq3A_1134, %iota3A_641, %broadcast_in_dim3A_1136 : vector<8x900xi1>, vector<8x900xi32>
    %reduce_min3A_1138 = arith.constant dense<2147483647> : vector<8xi32>
    %reduce_min3A_1139 = vector.multi_reduction <minsi>, %select_n3A_1137, %reduce_min3A_1138 [1] : vector<8x900xi32> to vector<8xi32>
    %broadcast_in_dim3A_1140 = vector.shape_cast %reduce_min3A_1139 : vector<8xi32> to vector<8x1xi32>
    %eq3A_1141 = vector.broadcast %broadcast_in_dim3A_1140 : vector<8x1xi32> to vector<8x900xi32>
    %eq3A_1142 = arith.cmpi eq, %iota3A_641, %eq3A_1141 : vector<8x900xi32>
    %jit3A_1143 = arith.constant 0.000000e+00 : f32
    %broadcast_in_dim3A_1144 = vector.broadcast %jit3A_1143 : f32 to vector<8x900xf32>
    %select_n3A_1145 = arith.select %eq3A_1142, %broadcast_in_dim3A_1144, %select_n3A_1115 : vector<8x900xi1>, vector<8x900xf32>
    %eq3A_1146 = arith.constant 16 : i32
    %eq3A_1147 = vector.broadcast %eq3A_1146 : i32 to vector<8x25xi32>
    %eq3A_1148 = arith.cmpi eq, %iota3A_642, %eq3A_1147 : vector<8x25xi32>
    %broadcast_in_dim3A_1149 = vector.shape_cast %broadcast_in_dim3A_1140 : vector<8x1xi32> to vector<8x1xi32>
    %broadcast_in_dim3A_1150 = vector.broadcast %broadcast_in_dim3A_1149 : vector<8x1xi32> to vector<8x25xi32>
    %select_n3A_1151 = arith.select %eq3A_1148, %broadcast_in_dim3A_1150, %select_n3A_1121 : vector<8x25xi1>, vector<8x25xi32>
    %gt3A_1152 = arith.constant 0.000000e+00 : f32
    %gt3A_1153 = vector.broadcast %gt3A_1152 : f32 to vector<8x900xf32>
    %gt3A_1154 = arith.cmpf ogt, %select_n3A_1145, %gt3A_1153 : vector<8x900xf32>
    %slice3A_1155 = vector.extract_strided_slice %stack3A_640 {offsets = [17, 0, 0], sizes = [1, 8, 900], strides = [1, 1, 1]} : vector<25x8x900xf32> to vector<1x8x900xf32>
    %squeeze3A_1156 = vector.shape_cast %slice3A_1155 : vector<1x8x900xf32> to vector<8x900xf32>
    %jit3A_1157 = arith.constant 0x7F800000 : f32
    %broadcast_in_dim3A_1158 = vector.broadcast %jit3A_1157 : f32 to vector<8x900xf32>
    %select_n3A_1159 = arith.select %gt3A_1154, %squeeze3A_1156, %broadcast_in_dim3A_1158 : vector<8x900xi1>, vector<8x900xf32>
    %reduce_min3A_1160 = arith.constant dense<0x7F800000> : vector<8xf32>
    %reduce_min3A_1161 = vector.multi_reduction <minimumf>, %select_n3A_1159, %reduce_min3A_1160 [1] : vector<8x900xf32> to vector<8xf32>
    %broadcast_in_dim3A_1162 = vector.shape_cast %reduce_min3A_1161 : vector<8xf32> to vector<8x1xf32>
    %eq3A_1163 = vector.broadcast %broadcast_in_dim3A_1162 : vector<8x1xf32> to vector<8x900xf32>
    %eq3A_1164 = arith.cmpf oeq, %select_n3A_1159, %eq3A_1163 : vector<8x900xf32>
    %jit3A_1165 = arith.constant 1073741824 : i32
    %broadcast_in_dim3A_1166 = vector.broadcast %jit3A_1165 : i32 to vector<8x900xi32>
    %select_n3A_1167 = arith.select %eq3A_1164, %iota3A_641, %broadcast_in_dim3A_1166 : vector<8x900xi1>, vector<8x900xi32>
    %reduce_min3A_1168 = arith.constant dense<2147483647> : vector<8xi32>
    %reduce_min3A_1169 = vector.multi_reduction <minsi>, %select_n3A_1167, %reduce_min3A_1168 [1] : vector<8x900xi32> to vector<8xi32>
    %broadcast_in_dim3A_1170 = vector.shape_cast %reduce_min3A_1169 : vector<8xi32> to vector<8x1xi32>
    %eq3A_1171 = vector.broadcast %broadcast_in_dim3A_1170 : vector<8x1xi32> to vector<8x900xi32>
    %eq3A_1172 = arith.cmpi eq, %iota3A_641, %eq3A_1171 : vector<8x900xi32>
    %jit3A_1173 = arith.constant 0.000000e+00 : f32
    %broadcast_in_dim3A_1174 = vector.broadcast %jit3A_1173 : f32 to vector<8x900xf32>
    %select_n3A_1175 = arith.select %eq3A_1172, %broadcast_in_dim3A_1174, %select_n3A_1145 : vector<8x900xi1>, vector<8x900xf32>
    %eq3A_1176 = arith.constant 17 : i32
    %eq3A_1177 = vector.broadcast %eq3A_1176 : i32 to vector<8x25xi32>
    %eq3A_1178 = arith.cmpi eq, %iota3A_642, %eq3A_1177 : vector<8x25xi32>
    %broadcast_in_dim3A_1179 = vector.shape_cast %broadcast_in_dim3A_1170 : vector<8x1xi32> to vector<8x1xi32>
    %broadcast_in_dim3A_1180 = vector.broadcast %broadcast_in_dim3A_1179 : vector<8x1xi32> to vector<8x25xi32>
    %select_n3A_1181 = arith.select %eq3A_1178, %broadcast_in_dim3A_1180, %select_n3A_1151 : vector<8x25xi1>, vector<8x25xi32>
    %gt3A_1182 = arith.constant 0.000000e+00 : f32
    %gt3A_1183 = vector.broadcast %gt3A_1182 : f32 to vector<8x900xf32>
    %gt3A_1184 = arith.cmpf ogt, %select_n3A_1175, %gt3A_1183 : vector<8x900xf32>
    %slice3A_1185 = vector.extract_strided_slice %stack3A_640 {offsets = [18, 0, 0], sizes = [1, 8, 900], strides = [1, 1, 1]} : vector<25x8x900xf32> to vector<1x8x900xf32>
    %squeeze3A_1186 = vector.shape_cast %slice3A_1185 : vector<1x8x900xf32> to vector<8x900xf32>
    %jit3A_1187 = arith.constant 0x7F800000 : f32
    %broadcast_in_dim3A_1188 = vector.broadcast %jit3A_1187 : f32 to vector<8x900xf32>
    %select_n3A_1189 = arith.select %gt3A_1184, %squeeze3A_1186, %broadcast_in_dim3A_1188 : vector<8x900xi1>, vector<8x900xf32>
    %reduce_min3A_1190 = arith.constant dense<0x7F800000> : vector<8xf32>
    %reduce_min3A_1191 = vector.multi_reduction <minimumf>, %select_n3A_1189, %reduce_min3A_1190 [1] : vector<8x900xf32> to vector<8xf32>
    %broadcast_in_dim3A_1192 = vector.shape_cast %reduce_min3A_1191 : vector<8xf32> to vector<8x1xf32>
    %eq3A_1193 = vector.broadcast %broadcast_in_dim3A_1192 : vector<8x1xf32> to vector<8x900xf32>
    %eq3A_1194 = arith.cmpf oeq, %select_n3A_1189, %eq3A_1193 : vector<8x900xf32>
    %jit3A_1195 = arith.constant 1073741824 : i32
    %broadcast_in_dim3A_1196 = vector.broadcast %jit3A_1195 : i32 to vector<8x900xi32>
    %select_n3A_1197 = arith.select %eq3A_1194, %iota3A_641, %broadcast_in_dim3A_1196 : vector<8x900xi1>, vector<8x900xi32>
    %reduce_min3A_1198 = arith.constant dense<2147483647> : vector<8xi32>
    %reduce_min3A_1199 = vector.multi_reduction <minsi>, %select_n3A_1197, %reduce_min3A_1198 [1] : vector<8x900xi32> to vector<8xi32>
    %broadcast_in_dim3A_1200 = vector.shape_cast %reduce_min3A_1199 : vector<8xi32> to vector<8x1xi32>
    %eq3A_1201 = vector.broadcast %broadcast_in_dim3A_1200 : vector<8x1xi32> to vector<8x900xi32>
    %eq3A_1202 = arith.cmpi eq, %iota3A_641, %eq3A_1201 : vector<8x900xi32>
    %jit3A_1203 = arith.constant 0.000000e+00 : f32
    %broadcast_in_dim3A_1204 = vector.broadcast %jit3A_1203 : f32 to vector<8x900xf32>
    %select_n3A_1205 = arith.select %eq3A_1202, %broadcast_in_dim3A_1204, %select_n3A_1175 : vector<8x900xi1>, vector<8x900xf32>
    %eq3A_1206 = arith.constant 18 : i32
    %eq3A_1207 = vector.broadcast %eq3A_1206 : i32 to vector<8x25xi32>
    %eq3A_1208 = arith.cmpi eq, %iota3A_642, %eq3A_1207 : vector<8x25xi32>
    %broadcast_in_dim3A_1209 = vector.shape_cast %broadcast_in_dim3A_1200 : vector<8x1xi32> to vector<8x1xi32>
    %broadcast_in_dim3A_1210 = vector.broadcast %broadcast_in_dim3A_1209 : vector<8x1xi32> to vector<8x25xi32>
    %select_n3A_1211 = arith.select %eq3A_1208, %broadcast_in_dim3A_1210, %select_n3A_1181 : vector<8x25xi1>, vector<8x25xi32>
    %gt3A_1212 = arith.constant 0.000000e+00 : f32
    %gt3A_1213 = vector.broadcast %gt3A_1212 : f32 to vector<8x900xf32>
    %gt3A_1214 = arith.cmpf ogt, %select_n3A_1205, %gt3A_1213 : vector<8x900xf32>
    %slice3A_1215 = vector.extract_strided_slice %stack3A_640 {offsets = [19, 0, 0], sizes = [1, 8, 900], strides = [1, 1, 1]} : vector<25x8x900xf32> to vector<1x8x900xf32>
    %squeeze3A_1216 = vector.shape_cast %slice3A_1215 : vector<1x8x900xf32> to vector<8x900xf32>
    %jit3A_1217 = arith.constant 0x7F800000 : f32
    %broadcast_in_dim3A_1218 = vector.broadcast %jit3A_1217 : f32 to vector<8x900xf32>
    %select_n3A_1219 = arith.select %gt3A_1214, %squeeze3A_1216, %broadcast_in_dim3A_1218 : vector<8x900xi1>, vector<8x900xf32>
    %reduce_min3A_1220 = arith.constant dense<0x7F800000> : vector<8xf32>
    %reduce_min3A_1221 = vector.multi_reduction <minimumf>, %select_n3A_1219, %reduce_min3A_1220 [1] : vector<8x900xf32> to vector<8xf32>
    %broadcast_in_dim3A_1222 = vector.shape_cast %reduce_min3A_1221 : vector<8xf32> to vector<8x1xf32>
    %eq3A_1223 = vector.broadcast %broadcast_in_dim3A_1222 : vector<8x1xf32> to vector<8x900xf32>
    %eq3A_1224 = arith.cmpf oeq, %select_n3A_1219, %eq3A_1223 : vector<8x900xf32>
    %jit3A_1225 = arith.constant 1073741824 : i32
    %broadcast_in_dim3A_1226 = vector.broadcast %jit3A_1225 : i32 to vector<8x900xi32>
    %select_n3A_1227 = arith.select %eq3A_1224, %iota3A_641, %broadcast_in_dim3A_1226 : vector<8x900xi1>, vector<8x900xi32>
    %reduce_min3A_1228 = arith.constant dense<2147483647> : vector<8xi32>
    %reduce_min3A_1229 = vector.multi_reduction <minsi>, %select_n3A_1227, %reduce_min3A_1228 [1] : vector<8x900xi32> to vector<8xi32>
    %broadcast_in_dim3A_1230 = vector.shape_cast %reduce_min3A_1229 : vector<8xi32> to vector<8x1xi32>
    %eq3A_1231 = vector.broadcast %broadcast_in_dim3A_1230 : vector<8x1xi32> to vector<8x900xi32>
    %eq3A_1232 = arith.cmpi eq, %iota3A_641, %eq3A_1231 : vector<8x900xi32>
    %jit3A_1233 = arith.constant 0.000000e+00 : f32
    %broadcast_in_dim3A_1234 = vector.broadcast %jit3A_1233 : f32 to vector<8x900xf32>
    %select_n3A_1235 = arith.select %eq3A_1232, %broadcast_in_dim3A_1234, %select_n3A_1205 : vector<8x900xi1>, vector<8x900xf32>
    %eq3A_1236 = arith.constant 19 : i32
    %eq3A_1237 = vector.broadcast %eq3A_1236 : i32 to vector<8x25xi32>
    %eq3A_1238 = arith.cmpi eq, %iota3A_642, %eq3A_1237 : vector<8x25xi32>
    %broadcast_in_dim3A_1239 = vector.shape_cast %broadcast_in_dim3A_1230 : vector<8x1xi32> to vector<8x1xi32>
    %broadcast_in_dim3A_1240 = vector.broadcast %broadcast_in_dim3A_1239 : vector<8x1xi32> to vector<8x25xi32>
    %select_n3A_1241 = arith.select %eq3A_1238, %broadcast_in_dim3A_1240, %select_n3A_1211 : vector<8x25xi1>, vector<8x25xi32>
    %gt3A_1242 = arith.constant 0.000000e+00 : f32
    %gt3A_1243 = vector.broadcast %gt3A_1242 : f32 to vector<8x900xf32>
    %gt3A_1244 = arith.cmpf ogt, %select_n3A_1235, %gt3A_1243 : vector<8x900xf32>
    %slice3A_1245 = vector.extract_strided_slice %stack3A_640 {offsets = [20, 0, 0], sizes = [1, 8, 900], strides = [1, 1, 1]} : vector<25x8x900xf32> to vector<1x8x900xf32>
    %squeeze3A_1246 = vector.shape_cast %slice3A_1245 : vector<1x8x900xf32> to vector<8x900xf32>
    %jit3A_1247 = arith.constant 0x7F800000 : f32
    %broadcast_in_dim3A_1248 = vector.broadcast %jit3A_1247 : f32 to vector<8x900xf32>
    %select_n3A_1249 = arith.select %gt3A_1244, %squeeze3A_1246, %broadcast_in_dim3A_1248 : vector<8x900xi1>, vector<8x900xf32>
    %reduce_min3A_1250 = arith.constant dense<0x7F800000> : vector<8xf32>
    %reduce_min3A_1251 = vector.multi_reduction <minimumf>, %select_n3A_1249, %reduce_min3A_1250 [1] : vector<8x900xf32> to vector<8xf32>
    %broadcast_in_dim3A_1252 = vector.shape_cast %reduce_min3A_1251 : vector<8xf32> to vector<8x1xf32>
    %eq3A_1253 = vector.broadcast %broadcast_in_dim3A_1252 : vector<8x1xf32> to vector<8x900xf32>
    %eq3A_1254 = arith.cmpf oeq, %select_n3A_1249, %eq3A_1253 : vector<8x900xf32>
    %jit3A_1255 = arith.constant 1073741824 : i32
    %broadcast_in_dim3A_1256 = vector.broadcast %jit3A_1255 : i32 to vector<8x900xi32>
    %select_n3A_1257 = arith.select %eq3A_1254, %iota3A_641, %broadcast_in_dim3A_1256 : vector<8x900xi1>, vector<8x900xi32>
    %reduce_min3A_1258 = arith.constant dense<2147483647> : vector<8xi32>
    %reduce_min3A_1259 = vector.multi_reduction <minsi>, %select_n3A_1257, %reduce_min3A_1258 [1] : vector<8x900xi32> to vector<8xi32>
    %broadcast_in_dim3A_1260 = vector.shape_cast %reduce_min3A_1259 : vector<8xi32> to vector<8x1xi32>
    %eq3A_1261 = vector.broadcast %broadcast_in_dim3A_1260 : vector<8x1xi32> to vector<8x900xi32>
    %eq3A_1262 = arith.cmpi eq, %iota3A_641, %eq3A_1261 : vector<8x900xi32>
    %jit3A_1263 = arith.constant 0.000000e+00 : f32
    %broadcast_in_dim3A_1264 = vector.broadcast %jit3A_1263 : f32 to vector<8x900xf32>
    %select_n3A_1265 = arith.select %eq3A_1262, %broadcast_in_dim3A_1264, %select_n3A_1235 : vector<8x900xi1>, vector<8x900xf32>
    %eq3A_1266 = arith.constant 20 : i32
    %eq3A_1267 = vector.broadcast %eq3A_1266 : i32 to vector<8x25xi32>
    %eq3A_1268 = arith.cmpi eq, %iota3A_642, %eq3A_1267 : vector<8x25xi32>
    %broadcast_in_dim3A_1269 = vector.shape_cast %broadcast_in_dim3A_1260 : vector<8x1xi32> to vector<8x1xi32>
    %broadcast_in_dim3A_1270 = vector.broadcast %broadcast_in_dim3A_1269 : vector<8x1xi32> to vector<8x25xi32>
    %select_n3A_1271 = arith.select %eq3A_1268, %broadcast_in_dim3A_1270, %select_n3A_1241 : vector<8x25xi1>, vector<8x25xi32>
    %gt3A_1272 = arith.constant 0.000000e+00 : f32
    %gt3A_1273 = vector.broadcast %gt3A_1272 : f32 to vector<8x900xf32>
    %gt3A_1274 = arith.cmpf ogt, %select_n3A_1265, %gt3A_1273 : vector<8x900xf32>
    %slice3A_1275 = vector.extract_strided_slice %stack3A_640 {offsets = [21, 0, 0], sizes = [1, 8, 900], strides = [1, 1, 1]} : vector<25x8x900xf32> to vector<1x8x900xf32>
    %squeeze3A_1276 = vector.shape_cast %slice3A_1275 : vector<1x8x900xf32> to vector<8x900xf32>
    %jit3A_1277 = arith.constant 0x7F800000 : f32
    %broadcast_in_dim3A_1278 = vector.broadcast %jit3A_1277 : f32 to vector<8x900xf32>
    %select_n3A_1279 = arith.select %gt3A_1274, %squeeze3A_1276, %broadcast_in_dim3A_1278 : vector<8x900xi1>, vector<8x900xf32>
    %reduce_min3A_1280 = arith.constant dense<0x7F800000> : vector<8xf32>
    %reduce_min3A_1281 = vector.multi_reduction <minimumf>, %select_n3A_1279, %reduce_min3A_1280 [1] : vector<8x900xf32> to vector<8xf32>
    %broadcast_in_dim3A_1282 = vector.shape_cast %reduce_min3A_1281 : vector<8xf32> to vector<8x1xf32>
    %eq3A_1283 = vector.broadcast %broadcast_in_dim3A_1282 : vector<8x1xf32> to vector<8x900xf32>
    %eq3A_1284 = arith.cmpf oeq, %select_n3A_1279, %eq3A_1283 : vector<8x900xf32>
    %jit3A_1285 = arith.constant 1073741824 : i32
    %broadcast_in_dim3A_1286 = vector.broadcast %jit3A_1285 : i32 to vector<8x900xi32>
    %select_n3A_1287 = arith.select %eq3A_1284, %iota3A_641, %broadcast_in_dim3A_1286 : vector<8x900xi1>, vector<8x900xi32>
    %reduce_min3A_1288 = arith.constant dense<2147483647> : vector<8xi32>
    %reduce_min3A_1289 = vector.multi_reduction <minsi>, %select_n3A_1287, %reduce_min3A_1288 [1] : vector<8x900xi32> to vector<8xi32>
    %broadcast_in_dim3A_1290 = vector.shape_cast %reduce_min3A_1289 : vector<8xi32> to vector<8x1xi32>
    %eq3A_1291 = vector.broadcast %broadcast_in_dim3A_1290 : vector<8x1xi32> to vector<8x900xi32>
    %eq3A_1292 = arith.cmpi eq, %iota3A_641, %eq3A_1291 : vector<8x900xi32>
    %jit3A_1293 = arith.constant 0.000000e+00 : f32
    %broadcast_in_dim3A_1294 = vector.broadcast %jit3A_1293 : f32 to vector<8x900xf32>
    %select_n3A_1295 = arith.select %eq3A_1292, %broadcast_in_dim3A_1294, %select_n3A_1265 : vector<8x900xi1>, vector<8x900xf32>
    %eq3A_1296 = arith.constant 21 : i32
    %eq3A_1297 = vector.broadcast %eq3A_1296 : i32 to vector<8x25xi32>
    %eq3A_1298 = arith.cmpi eq, %iota3A_642, %eq3A_1297 : vector<8x25xi32>
    %broadcast_in_dim3A_1299 = vector.shape_cast %broadcast_in_dim3A_1290 : vector<8x1xi32> to vector<8x1xi32>
    %broadcast_in_dim3A_1300 = vector.broadcast %broadcast_in_dim3A_1299 : vector<8x1xi32> to vector<8x25xi32>
    %select_n3A_1301 = arith.select %eq3A_1298, %broadcast_in_dim3A_1300, %select_n3A_1271 : vector<8x25xi1>, vector<8x25xi32>
    %gt3A_1302 = arith.constant 0.000000e+00 : f32
    %gt3A_1303 = vector.broadcast %gt3A_1302 : f32 to vector<8x900xf32>
    %gt3A_1304 = arith.cmpf ogt, %select_n3A_1295, %gt3A_1303 : vector<8x900xf32>
    %slice3A_1305 = vector.extract_strided_slice %stack3A_640 {offsets = [22, 0, 0], sizes = [1, 8, 900], strides = [1, 1, 1]} : vector<25x8x900xf32> to vector<1x8x900xf32>
    %squeeze3A_1306 = vector.shape_cast %slice3A_1305 : vector<1x8x900xf32> to vector<8x900xf32>
    %jit3A_1307 = arith.constant 0x7F800000 : f32
    %broadcast_in_dim3A_1308 = vector.broadcast %jit3A_1307 : f32 to vector<8x900xf32>
    %select_n3A_1309 = arith.select %gt3A_1304, %squeeze3A_1306, %broadcast_in_dim3A_1308 : vector<8x900xi1>, vector<8x900xf32>
    %reduce_min3A_1310 = arith.constant dense<0x7F800000> : vector<8xf32>
    %reduce_min3A_1311 = vector.multi_reduction <minimumf>, %select_n3A_1309, %reduce_min3A_1310 [1] : vector<8x900xf32> to vector<8xf32>
    %broadcast_in_dim3A_1312 = vector.shape_cast %reduce_min3A_1311 : vector<8xf32> to vector<8x1xf32>
    %eq3A_1313 = vector.broadcast %broadcast_in_dim3A_1312 : vector<8x1xf32> to vector<8x900xf32>
    %eq3A_1314 = arith.cmpf oeq, %select_n3A_1309, %eq3A_1313 : vector<8x900xf32>
    %jit3A_1315 = arith.constant 1073741824 : i32
    %broadcast_in_dim3A_1316 = vector.broadcast %jit3A_1315 : i32 to vector<8x900xi32>
    %select_n3A_1317 = arith.select %eq3A_1314, %iota3A_641, %broadcast_in_dim3A_1316 : vector<8x900xi1>, vector<8x900xi32>
    %reduce_min3A_1318 = arith.constant dense<2147483647> : vector<8xi32>
    %reduce_min3A_1319 = vector.multi_reduction <minsi>, %select_n3A_1317, %reduce_min3A_1318 [1] : vector<8x900xi32> to vector<8xi32>
    %broadcast_in_dim3A_1320 = vector.shape_cast %reduce_min3A_1319 : vector<8xi32> to vector<8x1xi32>
    %eq3A_1321 = vector.broadcast %broadcast_in_dim3A_1320 : vector<8x1xi32> to vector<8x900xi32>
    %eq3A_1322 = arith.cmpi eq, %iota3A_641, %eq3A_1321 : vector<8x900xi32>
    %jit3A_1323 = arith.constant 0.000000e+00 : f32
    %broadcast_in_dim3A_1324 = vector.broadcast %jit3A_1323 : f32 to vector<8x900xf32>
    %select_n3A_1325 = arith.select %eq3A_1322, %broadcast_in_dim3A_1324, %select_n3A_1295 : vector<8x900xi1>, vector<8x900xf32>
    %eq3A_1326 = arith.constant 22 : i32
    %eq3A_1327 = vector.broadcast %eq3A_1326 : i32 to vector<8x25xi32>
    %eq3A_1328 = arith.cmpi eq, %iota3A_642, %eq3A_1327 : vector<8x25xi32>
    %broadcast_in_dim3A_1329 = vector.shape_cast %broadcast_in_dim3A_1320 : vector<8x1xi32> to vector<8x1xi32>
    %broadcast_in_dim3A_1330 = vector.broadcast %broadcast_in_dim3A_1329 : vector<8x1xi32> to vector<8x25xi32>
    %select_n3A_1331 = arith.select %eq3A_1328, %broadcast_in_dim3A_1330, %select_n3A_1301 : vector<8x25xi1>, vector<8x25xi32>
    %gt3A_1332 = arith.constant 0.000000e+00 : f32
    %gt3A_1333 = vector.broadcast %gt3A_1332 : f32 to vector<8x900xf32>
    %gt3A_1334 = arith.cmpf ogt, %select_n3A_1325, %gt3A_1333 : vector<8x900xf32>
    %slice3A_1335 = vector.extract_strided_slice %stack3A_640 {offsets = [23, 0, 0], sizes = [1, 8, 900], strides = [1, 1, 1]} : vector<25x8x900xf32> to vector<1x8x900xf32>
    %squeeze3A_1336 = vector.shape_cast %slice3A_1335 : vector<1x8x900xf32> to vector<8x900xf32>
    %jit3A_1337 = arith.constant 0x7F800000 : f32
    %broadcast_in_dim3A_1338 = vector.broadcast %jit3A_1337 : f32 to vector<8x900xf32>
    %select_n3A_1339 = arith.select %gt3A_1334, %squeeze3A_1336, %broadcast_in_dim3A_1338 : vector<8x900xi1>, vector<8x900xf32>
    %reduce_min3A_1340 = arith.constant dense<0x7F800000> : vector<8xf32>
    %reduce_min3A_1341 = vector.multi_reduction <minimumf>, %select_n3A_1339, %reduce_min3A_1340 [1] : vector<8x900xf32> to vector<8xf32>
    %broadcast_in_dim3A_1342 = vector.shape_cast %reduce_min3A_1341 : vector<8xf32> to vector<8x1xf32>
    %eq3A_1343 = vector.broadcast %broadcast_in_dim3A_1342 : vector<8x1xf32> to vector<8x900xf32>
    %eq3A_1344 = arith.cmpf oeq, %select_n3A_1339, %eq3A_1343 : vector<8x900xf32>
    %jit3A_1345 = arith.constant 1073741824 : i32
    %broadcast_in_dim3A_1346 = vector.broadcast %jit3A_1345 : i32 to vector<8x900xi32>
    %select_n3A_1347 = arith.select %eq3A_1344, %iota3A_641, %broadcast_in_dim3A_1346 : vector<8x900xi1>, vector<8x900xi32>
    %reduce_min3A_1348 = arith.constant dense<2147483647> : vector<8xi32>
    %reduce_min3A_1349 = vector.multi_reduction <minsi>, %select_n3A_1347, %reduce_min3A_1348 [1] : vector<8x900xi32> to vector<8xi32>
    %broadcast_in_dim3A_1350 = vector.shape_cast %reduce_min3A_1349 : vector<8xi32> to vector<8x1xi32>
    %eq3A_1351 = vector.broadcast %broadcast_in_dim3A_1350 : vector<8x1xi32> to vector<8x900xi32>
    %eq3A_1352 = arith.cmpi eq, %iota3A_641, %eq3A_1351 : vector<8x900xi32>
    %jit3A_1353 = arith.constant 0.000000e+00 : f32
    %broadcast_in_dim3A_1354 = vector.broadcast %jit3A_1353 : f32 to vector<8x900xf32>
    %select_n3A_1355 = arith.select %eq3A_1352, %broadcast_in_dim3A_1354, %select_n3A_1325 : vector<8x900xi1>, vector<8x900xf32>
    %eq3A_1356 = arith.constant 23 : i32
    %eq3A_1357 = vector.broadcast %eq3A_1356 : i32 to vector<8x25xi32>
    %eq3A_1358 = arith.cmpi eq, %iota3A_642, %eq3A_1357 : vector<8x25xi32>
    %broadcast_in_dim3A_1359 = vector.shape_cast %broadcast_in_dim3A_1350 : vector<8x1xi32> to vector<8x1xi32>
    %broadcast_in_dim3A_1360 = vector.broadcast %broadcast_in_dim3A_1359 : vector<8x1xi32> to vector<8x25xi32>
    %select_n3A_1361 = arith.select %eq3A_1358, %broadcast_in_dim3A_1360, %select_n3A_1331 : vector<8x25xi1>, vector<8x25xi32>
    %gt3A_1362 = arith.constant 0.000000e+00 : f32
    %gt3A_1363 = vector.broadcast %gt3A_1362 : f32 to vector<8x900xf32>
    %gt3A_1364 = arith.cmpf ogt, %select_n3A_1355, %gt3A_1363 : vector<8x900xf32>
    %slice3A_1365 = vector.extract_strided_slice %stack3A_640 {offsets = [24, 0, 0], sizes = [1, 8, 900], strides = [1, 1, 1]} : vector<25x8x900xf32> to vector<1x8x900xf32>
    %squeeze3A_1366 = vector.shape_cast %slice3A_1365 : vector<1x8x900xf32> to vector<8x900xf32>
    %jit3A_1367 = arith.constant 0x7F800000 : f32
    %broadcast_in_dim3A_1368 = vector.broadcast %jit3A_1367 : f32 to vector<8x900xf32>
    %select_n3A_1369 = arith.select %gt3A_1364, %squeeze3A_1366, %broadcast_in_dim3A_1368 : vector<8x900xi1>, vector<8x900xf32>
    %reduce_min3A_1370 = arith.constant dense<0x7F800000> : vector<8xf32>
    %reduce_min3A_1371 = vector.multi_reduction <minimumf>, %select_n3A_1369, %reduce_min3A_1370 [1] : vector<8x900xf32> to vector<8xf32>
    %broadcast_in_dim3A_1372 = vector.shape_cast %reduce_min3A_1371 : vector<8xf32> to vector<8x1xf32>
    %eq3A_1373 = vector.broadcast %broadcast_in_dim3A_1372 : vector<8x1xf32> to vector<8x900xf32>
    %eq3A_1374 = arith.cmpf oeq, %select_n3A_1369, %eq3A_1373 : vector<8x900xf32>
    %jit3A_1375 = arith.constant 1073741824 : i32
    %broadcast_in_dim3A_1376 = vector.broadcast %jit3A_1375 : i32 to vector<8x900xi32>
    %select_n3A_1377 = arith.select %eq3A_1374, %iota3A_641, %broadcast_in_dim3A_1376 : vector<8x900xi1>, vector<8x900xi32>
    %reduce_min3A_1378 = arith.constant dense<2147483647> : vector<8xi32>
    %reduce_min3A_1379 = vector.multi_reduction <minsi>, %select_n3A_1377, %reduce_min3A_1378 [1] : vector<8x900xi32> to vector<8xi32>
    %broadcast_in_dim3A_1380 = vector.shape_cast %reduce_min3A_1379 : vector<8xi32> to vector<8x1xi32>
    %eq3A_1381 = arith.constant 24 : i32
    %eq3A_1382 = vector.broadcast %eq3A_1381 : i32 to vector<8x25xi32>
    %eq3A_1383 = arith.cmpi eq, %iota3A_642, %eq3A_1382 : vector<8x25xi32>
    %broadcast_in_dim3A_1384 = vector.shape_cast %broadcast_in_dim3A_1380 : vector<8x1xi32> to vector<8x1xi32>
    %broadcast_in_dim3A_1385 = vector.broadcast %broadcast_in_dim3A_1384 : vector<8x1xi32> to vector<8x25xi32>
    %select_n3A_1386 = arith.select %eq3A_1383, %broadcast_in_dim3A_1385, %select_n3A_1361 : vector<8x25xi1>, vector<8x25xi32>
    %iota3A_1387 = tpu.iota {dimensions = array<i32: 0>} : vector<8x25xi32>
    %jit3A_1388 = arith.constant 4 : i32
    %eq3A_1389 = arith.constant 0 : i32
    %eq3A_1390 = arith.cmpi eq, %jit3A_1388, %eq3A_1389 : i32
    %jit3A_1391 = arith.constant 1 : i32
    %select_n3A_1392 = arith.select %eq3A_1390, %jit3A_1391, %jit3A_1388 : i32
    %rem3A = vector.broadcast %select_n3A_1392 : i32 to vector<8x25xi32>
    %rem3A_1393 = arith.remsi %iota3A_1387, %rem3A : vector<8x25xi32>
    %ne3A = arith.constant 0 : i32
    %ne3A_1394 = vector.broadcast %ne3A : i32 to vector<8x25xi32>
    %ne3A_1395 = arith.cmpi ne, %rem3A_1393, %ne3A_1394 : vector<8x25xi32>
    %lt3A = arith.constant 0 : i32
    %lt3A_1396 = vector.broadcast %lt3A : i32 to vector<8x25xi32>
    %lt3A_1397 = arith.cmpi slt, %rem3A_1393, %lt3A_1396 : vector<8x25xi32>
    %lt3A_1398 = arith.constant 0 : i32
    %lt3A_1399 = arith.cmpi slt, %select_n3A_1392, %lt3A_1398 : i32
    %ne3A_1400 = vector.broadcast %lt3A_1399 : i1 to vector<8x25xi1>
    %ne3A_1401 = vector.broadcast %ne3A_1400 : vector<8x25xi1> to vector<8x25xi1>
    %ne3A_1402 = arith.xori %lt3A_1397, %ne3A_1401 : vector<8x25xi1>
    %and3A = arith.andi %ne3A_1402, %ne3A_1395 : vector<8x25xi1>
    %add3A_1403 = vector.broadcast %select_n3A_1392 : i32 to vector<8x25xi32>
    %add3A_1404 = arith.addi %rem3A_1393, %add3A_1403 : vector<8x25xi32>
    %select_n3A_1405 = arith.select %and3A, %add3A_1404, %rem3A_1393 : vector<8x25xi1>, vector<8x25xi32>
    %mul3A_1406 = arith.constant 900 : i32
    %mul3A_1407 = vector.broadcast %mul3A_1406 : i32 to vector<8x25xi32>
    %mul3A_1408 = arith.muli %select_n3A_1405, %mul3A_1407 : vector<8x25xi32>
    %add3A_1409 = arith.addi %select_n3A_1386, %mul3A_1408 : vector<8x25xi32>
    %swap3A = arith.constant 0 : index
    %swap3A_1410 = arith.constant 0 : index
    %swap3A_1411 = vector.load %arg6[%swap3A, %swap3A_1410] : memref<8x32xi32, #tpu.memory_space<vmem>>, vector<8x25xi32>
    tpu.vector_store %arg6[%swap3A, %swap3A_1410], %add3A_1409 {strides = array<i32>} : memref<8x32xi32, #tpu.memory_space<vmem>>, vector<8x25xi32>,
    %broadcast_in_dim3A_1412 = arith.constant 0 : i32
    %broadcast_in_dim3A_1413 = vector.broadcast %broadcast_in_dim3A_1412 : i32 to vector<8x7xi32>
    %swap3A_1414 = arith.constant 0 : index
    %swap3A_1415 = arith.constant 25 : index
    %swap3A_1416 = vector.load %arg6[%swap3A_1414, %swap3A_1415] : memref<8x32xi32, #tpu.memory_space<vmem>>, vector<8x7xi32>
    tpu.vector_store %arg6[%swap3A_1414, %swap3A_1415], %broadcast_in_dim3A_1413 {strides = array<i32>} : memref<8x32xi32, #tpu.memory_space<vmem>>, vector<8x7xi32>,
    return
  }
}

</mosaic_0001>

<sc_bundles>
// kernel: kernel.4.cloned.1.call-start
scs
__scs_entry_jumppad:
0x0: {  	(pc) =	sbr.rel $0x88, $3  }
0x1: {  	(tag) =	ssettag $0x0;
	lr =	simm.s32 $0x1  }
0x2: {  	[smem:$0x3F99] =	sst lr;
	_ =	strace $0xD0000000  }
0x3: {  	_ = 	snop  }
0x4: {  	_ = 	snop  }
0x5: {  	_ = 	snop  }
0x6: {  	_ = 	snop  }
0x7: {  	_ = 	snop  }
__scs_overlays_trampoline_lowered:
0x8: {  	[smem:$0x3FA8] =	sst s0  }
0x9: {  	[smem:$0x3FA9] =	sst s1  }
0xa: {  	[smem:$0x3FAA] =	sst s2  }
0xb: {  	[smem:$0x3FAB] =	sst s3  }
0xc: {  	[smem:$0x3FAC] =	sst s4  }
0xd: {  	[smem:$0x3FAD] =	sst s5  }
0xe: {  	[smem:$0x3FAE] =	sst s6  }
0xf: {  	[smem:$0x3FAF] =	sst s7  }
0x10: {  	[smem:$0x3FB0] =	sst s8  }
0x11: {  	[smem:$0x3FB1] =	sst s9;
	s0 =	simm.s32 @!p0 $0x0  }
0x12: {  	s1 =	sld [smem:$0x3F97];
	s0 =	simm.s32 @p0 $0x1  }
0x13: {  	[smem:$0x3FB2] =	sst s0;
	s0 =	simm.s32 @!p1 $0x0  }
0x14: {  	s2 =	sld [smem:$0x3F96];
	s0 =	simm.s32 @p1 $0x1  }
0x15: {  	[smem:$0x3FB3] =	sst s0;
	s0 =	simm.s32 @!p2 $0x0  }
0x16: {  	s3 =	sld [smem:$0x3FDB];
	s0 =	simm.s32 @p2 $0x1  }
0x17: {  	s4 =	simm.s32 $0x1BF5;
	[smem:$0x3FB5] =	sst s0  }
0x18: {  	s0 =	sld [smem:$0x3F98];
	_ =	swait.ge [sflag:s4], $0x0  }
0x19: {  	s7 =	sld [smem:$0x3F99]  }
0x1a: {  	s8 =	sadd.s32 $0xFFFFE003, lr  }
0x1b: {  	s9 =	sadd.s32 $0xFFFFFEF7, lr;
	s5 =	simm.s32 $0xFFFFFFFF;
	p2 =	slt.u32 s8, $0xFFFFF086  }
0x1c: {  	p1 =	slt.u32 s9, $0xF7A;
	s5 =	simm.s32 @!p2 $0x0  }
0x1d: {  	s5 =	simm.s32 @p1 $0x1;
	p0 =	seq.s32 s7, s2  }
0x1e: {  	s7 =	smul.u32 @!p0 $0xF7A, s2;
	p2 =	seq.s32 @!p0 s5, $0x0  }
0x1f: {  	s9 =	smul.u32 $0xF7A, s1;
	s8 =	simm.s32 @!p0 $0x1BF5;
	p2 =	por !p2, p0  }
0x20: {  	[sflag:s8] =	ssyncset.s32 @!p0 $0xFFFFF086;
	s6 =	sadd.s32 @!p0 s3, s7;
	s7 =	simm.s32 @!p0 $0x108  }
0x21: {  	s3 =	sadd.s32 s3, s9;
	s6 =	sadd.s32 @!p0 $0x88, s6;
	s7 =	simm.s32 @p2 $0x1082  }
0x22: {  	[simem:s7], [sflag:s8] =	dma.local @!p0 [hbm:s6], $0xF7A  }
0x23: {  	s9 =	sor.u32 $0xD0000000, s2;
	s6 =	simm.s32 $0x108;
	_ =	swait.ge @!p0 [sflag:s8], $0x0  }
0x24: {  	s3 =	sadd.s32 $0x88, s3;
	s6 =	simm.s32 @!p1 $0x1082;
	[sflag:s4] =	ssyncset.s32 $0xFFFFF086  }
0x25: {  	[simem:s6], [sflag:s4] =	dma.local [hbm:s3], $0xF7A  }
0x26: {  	[smem:$0x3F99] =	sst s1;
	(tag) =	ssettag s2;
	_ =	strace s9  }
0x27: {  	s1 =	sld [smem:$0x3FA9]  }
0x28: {  	s2 =	sld [smem:$0x3FAA]  }
0x29: {  	s4 =	sld [smem:$0x3FAC]  }
0x2a: {  	p0 =	seq.s32 s5, $0x0;
	s5 =	sld [smem:$0x3FAD]  }
0x2b: {  	s6 =	sld [smem:$0x3FAE]  }
0x2c: {  	s7 =	sld [smem:$0x3FAF]  }
0x2d: {  	s3 =	simm.s32 $0x108;
	s8 =	sld [smem:$0x3FB0]  }
0x2e: {  	s3 =	simm.s32 @!p0 $0x1082;
	s9 =	sld [smem:$0x3FB1]  }
0x2f: {  	lr =	sadd.s32 s0, s3;
	s0 =	sld [smem:$0x3FA8]  }
0x30: {  	s3 =	sld [smem:$0x3FAB]  }
0x31: {  	[smem:$0x3FB4] =	sst s10  }
0x32: {  	s10 =	sld [smem:$0x3FB2];
	_ =	sdelay $0x3  }
0x33: {  	p0 =	seq.s32 s10, $0x1;
	s10 =	sld [smem:$0x3FB4];
	_ =	sdelay $0x3  }
0x34: {  	[smem:$0x3FB4] =	sst s10  }
0x35: {  	s10 =	sld [smem:$0x3FB3];
	_ =	sdelay $0x3  }
0x36: {  	p1 =	seq.s32 s10, $0x1;
	s10 =	sld [smem:$0x3FB4];
	_ =	sdelay $0x3  }
0x37: {  	[smem:$0x3FB4] =	sst s10  }
0x38: {  	s10 =	sld [smem:$0x3FB5]  }
0x39: {  	_ = 	snop;
	(pc) =	sbr.ind lr, $3  }
0x3a: {  	_ = 	snop  }
0x3b: {  	_ = 	snop  }
0x3c: {  	p2 =	seq.s32 s10, $0x1;
	s10 =	sld [smem:$0x3FB4]  }
0x3d: {  	_ =	shalt  }
0x3e: {  	_ =	shalt  }
0x3f: {  	_ =	shalt  }
0x40: {  	_ =	shalt  }
0x41: {  	_ =	shalt  }
0x42: {  	_ =	shalt  }
0x43: {  	_ =	shalt  }
0x44: {  	_ =	shalt  }
0x45: {  	_ =	shalt  }
0x46: {  	_ =	shalt  }
0x47: {  	_ =	shalt  }
0x48: {  	_ =	shalt  }
0x49: {  	_ =	shalt  }
0x4a: {  	_ =	shalt  }
0x4b: {  	_ =	shalt  }
0x4c: {  	_ =	shalt  }
0x4d: {  	_ =	shalt  }
0x4e: {  	_ =	shalt  }
0x4f: {  	_ =	shalt  }
0x50: {  	_ =	shalt  }
0x51: {  	_ =	shalt  }
0x52: {  	_ =	shalt  }
0x53: {  	_ =	shalt  }
0x54: {  	_ =	shalt  }
0x55: {  	_ =	shalt  }
0x56: {  	_ =	shalt  }
0x57: {  	_ =	shalt  }
0x58: {  	_ =	shalt  }
0x59: {  	_ =	shalt  }
0x5a: {  	_ =	shalt  }
0x5b: {  	_ =	shalt  }
0x5c: {  	_ =	shalt  }
0x5d: {  	_ =	shalt  }
0x5e: {  	_ =	shalt  }
0x5f: {  	_ =	shalt  }
0x60: {  	_ =	shalt  }
0x61: {  	_ =	shalt  }
0x62: {  	_ =	shalt  }
0x63: {  	_ =	shalt  }
0x64: {  	_ =	shalt  }
0x65: {  	_ =	shalt  }
0x66: {  	_ =	shalt  }
0x67: {  	_ =	shalt  }
0x68: {  	_ =	shalt  }
0x69: {  	_ =	shalt  }
0x6a: {  	_ =	shalt  }
0x6b: {  	_ =	shalt  }
0x6c: {  	_ =	shalt  }
0x6d: {  	_ =	shalt  }
0x6e: {  	_ =	shalt  }
0x6f: {  	_ =	shalt  }
0x70: {  	_ =	shalt  }
0x71: {  	_ =	shalt  }
0x72: {  	_ =	shalt  }
0x73: {  	_ =	shalt  }
0x74: {  	_ =	shalt  }
0x75: {  	_ =	shalt  }
0x76: {  	_ =	shalt  }
0x77: {  	_ =	shalt  }
0x78: {  	_ =	shalt  }
0x79: {  	_ =	shalt  }
0x7a: {  	_ =	shalt  }
0x7b: {  	_ =	shalt  }
0x7c: {  	_ =	shalt  }
0x7d: {  	_ =	shalt  }
0x7e: {  	_ =	shalt  }
0x7f: {  	_ =	shalt  }
0x80: {  	_ =	shalt  }
0x81: {  	_ =	shalt  }
0x82: {  	_ =	shalt  }
0x83: {  	_ =	shalt  }
0x84: {  	_ =	shalt  }
0x85: {  	_ =	shalt  }
0x86: {  	_ =	shalt  }
0x87: {  	_ =	shalt  }
.Lfunc_end0:
.L_simem_size_0:
called_computation_lowered:
.L_overlay_start_0:
0x88: {  	s0 =	sld [smem:$0x3FD9]  }
0x89: {  	s1 =	sld [smem:$0x3FFE];
	_ =	sdelay $0x3  }
0x8a: {  	s0 =	sadd.s32 s1, s0  }
0x8b: {  	[smem:$0x3FC0] =	sst s0  }
0x8c: {  	_ = 	snop  }
0x8d: {  	s0 =	sld [smem:$0x3FD0];
	(tm) =	ssettm $0x1  }
0x8e: {  	s16 =	sld [smem:$0x3FFB];
	_ =	sdelay $0x3  }
0x8f: {  	_ =	strace s16  }
0x90: {  	s1 =	sld [smem:$0x3FFC];
	_ =	sdelay $0x3  }
0x91: {  	_ =	strace s1  }
0x92: {  	s1 =	sld [smem:$0x3FFD];
	_ =	sdelay $0x3  }
0x93: {  	_ =	strace s1  }
0x94: {  	_ =	strace $0x8FFFFFFF  }
0x95: {  	s17 =	sld [smem:$0x3FDB];
	_ =	sdelay $0x1  }
0x96: {  	s2 =	simm.s32 $_scs_section_size  }
0x97: {  	s3 =	simm.s32 $_size__tile_overlayer_lowered;
	s4 =	simm.s32 $_tile_overlayer_lowered  }
0x98: {  	s20 =	simm.s32 $0x1BFF;
	s19 =	sshll.u32 s4, $0x1;
	s1 =	sadd.s32 s2, s17  }
0x99: {  	s5 =	simm.s32 $0x0;
	s18 =	sshll.u32 s3, $0x1;
	s3 =	sadd.s32 s19, s1  }
0x9a: {  	[timem:s5], [sflag:s20] =	dma.local [hbm:s3], s18  }
0x9b: {  	_ =	swait.ge [sflag:s20], s18  }
0x9c: {  	s2 =	ssub.s32 $0x0, s18;
	[sflag:s20] =	ssyncset.done $0x0  }
0x9d: {  	[sflag:s20] =	ssyncadd.s32 s2;
	_ =	sdelay $0x1  }
0x9e: {  	s21 =	simm.s32 $0x1B8B  }
0x9f: {  	_ =	swait.ge [sflag:s21], $0x1  }
0xa0: {  	[sflag:s21] =	ssyncset.done $0x0  }
0xa1: {  	s23 =	simm.s32 $0x1B8E;
	s22 =	sld [smem:$0x3FFE];
	[sflag:s21] =	ssyncadd.s32 $0xFFFFFFFF  }
0xa2: {  	s24 =	simm.s32 $execute0_lowered;
	[smem:$0x3FD2] =	sst s23  }
0xa3: {  	s3 =	sshll.u32 s24, $0x1;
	_ =	strace $0x80000046;
	[dreg:$0x1] =	wrdreg $0xFFFFFFFF  }
0xa4: {  	s25 =	simm.s32 $_size_execute0_lowered;
	s1 =	sadd.s32 s1, s3;
	[dreg:$0x0] =	wrdreg $0x0  }
0xa5: {  	s3 =	sshll.u32 s25, $0x1;
	[dreg:$0x2] =	wrdreg s1  }
0xa6: {  	[dreg:$0x3] =	wrdreg s3  }
0xa7: {  	[dreg:$0x4] =	wrdreg $0xC0  }
0xa8: {  	_ =	task [dreg:s5], $0x5FFFF  }
0xa9: {  	[dreg:$0x1] =	wrdreg $0xFFFFFFFF  }
0xaa: {  	[dreg:$0x0] =	wrdreg $0x60  }
0xab: {  	[dreg:$0x2] =	wrdreg s22  }
0xac: {  	[dreg:$0x3] =	wrdreg s0  }
0xad: {  	[dreg:$0x4] =	wrdreg $0x11200  }
0xae: {  	[dreg:$0x5] =	wrdreg $0x9  }
0xaf: {  	_ =	task.clear_ibuf [dreg:s5], $0x6FFFF;
	_ =	strace $0x90000046  }
0xb0: {  	s26 =	simm.s32 $0x9;
	_ =	strace $0x80000048  }
0xb1: {  	_ =	swait.ge [sflag:s26], $0x1  }
0xb2: {  	[sflag:s26] =	ssyncadd.s32 $0xFFFFFFFF  }
0xb3: {  	_ =	strace $0x90000048  }
0xb4: {  	_ =	sfence  }
0xb5: {  	s28 =	sld [smem:$0x0];
	_ =	sdelay $0x1  }
0xb6: {  	s29 =	srdreg.scid  }
0xb7: {  	s30 =	sshll.u32 s29, $0xD;
	s31 =	sshrl.u32 s29, $0x2  }
0xb8: {  	s2 =	sand.u32 $0x4000, s30;
	s1 =	sand.u32 $0x1, s29;
	s0 =	sadd.s32 s31, s28  }
0xb9: {  	s1 =	sor.u32 s2, s1;
	s0 =	sshll.u32 s0, $0x11  }
0xba: {  	s0 =	sor.u32 s0, s1  }
0xbb: {  	s0 =	sadd.s32 $0x8F2B, s0  }
0xbc: {  	[sflag:s0] =	ssyncadd.remote.s32 $0x1  }
0xbd: {  	_ =	sfence.sel $0xFFFF  }
0xbe: {  	[dreg:$0x0] =	wrdreg $0xFFFFFFFF;
	(pc) =	sbr.abs _section_cstart, $3  }
0xbf: {  	[dreg:$0x1] =	wrdreg $0xFFFFFFFF  }
0xc0: {  	_ =	task.clear_ibuf [dreg:s5], $0x2FFFF;
	_ =	strace $0x9FFFFFFF  }
0xc1: {  	(tm) =	ssettm $0x7FFFFFFF  }
tec
execute0_lowered:
.L_overlay_start_1:
0x0: {  	(tag) =	ssettag $0x1  }
0x1: {  	s5 =	rddreg [dreg:$0x0]  }
0x2: {  	s1 =	rddreg [dreg:$0x1]  }
0x3: {  	s2 =	rddreg [dreg:$0x2]  }
0x4: {  	s0 =	rddreg [dreg:$0x3];
	s6 =	simm.s32 $0x0;
	s3 =	stileid.u32  }
0x5: {  	[smem:$0x7FF] =	sst s6;
	s7 =	sadd.s32 s3, s5  }
0x6: {  	s24 =	simm.s32 $0x2;
	_ =	strace $0x80000047;
	s4 =	sadd.s32 $0xE00, s7  }
0x7: {  	[tilespmem:s6], [sflag:$0x2] =	stream.linear.gather [hbm4b:s4+s6], $0x8, $0x38;
	[tilespmem:$0x1130] =	vst v63  }
0x8: {  	_ =	swait.ge [sflag:s24], $0x8  }
0x9: {  	[sflag:s24] =	ssyncset.done $0x0  }
0xa: {  	s8 =	simm.s32 $0x8;
	s7 =	sadd.s32 $0xE10, s7;
	[sflag:s24] =	ssyncadd.s32 $0xFFFFFFF8  }
0xb: {  	[tilespmem:s8], [sflag:$0x2] =	stream.linear.gather [hbm4b:s7+s6], $0x8, $0x38;
	[tilespmem:$0x1130] =	vst v63  }
0xc: {  	_ =	swait.ge [sflag:s24], $0x8  }
0xd: {  	[sflag:s24] =	ssyncset.done $0x0  }
0xe: {  	s9 =	simm.s32 $0x10;
	s25 =	sadd.s32 $0x1000, s5;
	[sflag:s24] =	ssyncadd.s32 $0xFFFFFFF8  }
0xf: {  	[tilespmem:s9], [sflag:$0x1] =	stream.indirect.gather [hbm4b:s25+s8], $0x100, s6, s8, $0xb8;
	[tilespmem:$0x1130] =	vst v63  }
0x10: {  	s26 =	simm.s32 $0x810;
	s28 =	simm.s32 $0x1;
	s5 =	sadd.s32 $0x1D200, s5  }
0x11: {  	[tilespmem:s26], [sflag:$0x1] =	stream.indirect.gather [hbm4b:s5+s8], $0x100, s8, s8, $0xb8;
	[tilespmem:$0x1130] =	vst v63  }
0x12: {  	_ =	swait.ge [sflag:s28], $0x800  }
0x13: {  	[sflag:s28] =	ssyncset.done $0x0  }
0x14: {  	[sflag:s28] =	ssyncadd.s32 $0xFFFFF800  }
0x15: {  	_ =	swait.ge [sflag:s28], $0x800  }
0x16: {  	[sflag:s28] =	ssyncset.done $0x0  }
0x17: {  	[sflag:s28] =	ssyncadd.s32 $0xFFFFF800  }
0x18: {  	v0 =	vld [tilespmem:$0x10]  }
0x19: {  	v1 =	vld [tilespmem:$0x810]  }
0x1a: {  	v2 =	vld [tilespmem:$0x20]  }
0x1b: {  	v3 =	vld [tilespmem:$0x820]  }
0x1c: {  	v4 =	vld [tilespmem:$0x30]  }
0x1d: {  	v5 =	vld [tilespmem:$0x830]  }
0x1e: {  	v6 =	vld [tilespmem:$0x40]  }
0x1f: {  	v7 =	vld [tilespmem:$0x840]  }
0x20: {  	v8 =	vld [tilespmem:$0x50]  }
0x21: {  	v10 =	vld [tilespmem:$0x850]  }
0x22: {  	v11 =	vld [tilespmem:$0x60]  }
0x23: {  	v13 =	vld [tilespmem:$0x860]  }
0x24: {  	v14 =	vld [tilespmem:$0x70]  }
0x25: {  	v15 =	vld [tilespmem:$0x870]  }
0x26: {  	v41 =	vld [tilespmem:$0x80]  }
0x27: {  	v44 =	vld [tilespmem:$0x880]  }
0x28: {  	v46 =	vld [tilespmem:$0x90];
	v9 =	vmul.f32 v1, v0;
	v0 =	vmul.f32 v0, v0  }
0x29: {  	v48 =	vld [tilespmem:$0x890];
	v1 =	vmul.f32 v1, v1;
	v12 =	vmul.f32 v3, v2  }
0x2a: {  	v50 =	vld [tilespmem:$0xA0];
	v2 =	vmul.f32 v2, v2;
	v3 =	vmul.f32 v3, v3  }
0x2b: {  	v52 =	vld [tilespmem:$0x8A0];
	v39 =	vmul.f32 v5, v4;
	v40 =	vmul.f32 v4, v4  }
0x2c: {  	v54 =	vld [tilespmem:$0xB0];
	v5 =	vmul.f32 v5, v5;
	v43 =	vmul.f32 v7, v6  }
0x2d: {  	v57 =	vld [tilespmem:$0x8B0];
	v45 =	vmul.f32 v6, v6;
	v47 =	vmul.f32 v7, v7  }
0x2e: {  	v16 =	vld [tilespmem:$0xC0];
	v49 =	vmul.f32 v10, v8;
	v8 =	vmul.f32 v8, v8  }
0x2f: {  	v60 =	vld [tilespmem:$0x8C0];
	v51 =	vmul.f32 v10, v10;
	v53 =	vmul.f32 v13, v11  }
0x30: {  	v63 =	vld [tilespmem:$0xD0];
	v55 =	vmul.f32 v11, v11;
	v56 =	vmul.f32 v13, v13  }
0x31: {  	v20 =	vld [tilespmem:$0x8D0];
	v58 =	vmul.f32 v15, v14;
	v59 =	vmul.f32 v14, v14  }
0x32: {  	v22 =	vld [tilespmem:$0xE0];
	v61 =	vmul.f32 v15, v15;
	v62 =	vmul.f32 v44, v41  }
0x33: {  	v24 =	vld [tilespmem:$0x8E0];
	v21 =	vmul.f32 v44, v44;
	v23 =	vmul.f32 v48, v46  }
0x34: {  	v26 =	vld [tilespmem:$0xF0];
	v6 =	vmul.f32 v46, v46;
	v25 =	vmul.f32 v48, v48  }
0x35: {  	v28 =	vld [tilespmem:$0x8F0];
	v27 =	vmul.f32 v52, v50;
	v29 =	vmul.f32 v50, v50  }
0x36: {  	v32 =	vld [tilespmem:$0x110];
	v30 =	vmul.f32 v52, v52;
	v17 =	vmul.f32 v57, v54  }
0x37: {  	v35 =	vld [tilespmem:$0x910];
	v31 =	vmul.f32 v54, v54;
	v33 =	vmul.f32 v57, v57;
	v9 =	vadd.f32 $0.0e+00, v9  }
0x38: {  	v37 =	vld [tilespmem:$0x120];
	v34 =	vmul.f32 v60, v16;
	v0 =	vadd.f32 v2, v0;
	v1 =	vadd.f32 v3, v1  }
0x39: {  	v18 =	vld [tilespmem:$0x150];
	v36 =	vmul.f32 v16, v16;
	v38 =	vmul.f32 v60, v60;
	v9 =	vadd.f32 v12, v9  }
0x3a: {  	v10 =	vld [tilespmem:$0x100];
	v44 =	vmul.f32 v24, v22;
	v0 =	vadd.f32 v40, v0;
	v1 =	vadd.f32 v5, v1  }
0x3b: {  	v46 =	vmul.f32 v22, v22;
	v48 =	vld [tilespmem:$0x940];
	v50 =	vmul.f32 v28, v26;
	v42 =	vadd.f32 v39, v9  }
0x3c: {  	v7 =	vmul.f32 v26, v26;
	v0 =	vadd.f32 v45, v0;
	v1 =	vadd.f32 v47, v1;
	v39 =	vld [tilespmem:$0x920]  }
0x3d: {  	v52 =	vmul.f32 v32, v32;
	v3 =	vmul.f32 v41, v41;
	v45 =	vld [tilespmem:$0x140];
	v4 =	vadd.f32 v43, v42  }
0x3e: {  	v47 =	vmul.f32 v24, v24;
	v24 =	vld [tilespmem:$0x990];
	v0 =	vadd.f32 v8, v0;
	v1 =	vadd.f32 v51, v1  }
0x3f: {  	v41 =	vmul.f32 v63, v63;
	v40 =	vmul.f32 v20, v63;
	v42 =	vld [tilespmem:$0x130];
	v2 =	vadd.f32 v49, v4  }
0x40: {  	v5 =	vmul.f32 v20, v20;
	v43 =	vld [tilespmem:$0x930];
	v0 =	vadd.f32 v55, v0;
	v1 =	vadd.f32 v56, v1  }
0x41: {  	v54 =	vld [tilespmem:$0x960];
	v49 =	vmul.f32 v35, v32;
	v19 =	vmul.f32 v39, v37;
	v2 =	vadd.f32 v53, v2  }
0x42: {  	v60 =	vld [tilespmem:$0x980];
	v11 =	vmul.f32 v39, v39;
	v0 =	vadd.f32 v59, v0;
	v1 =	vadd.f32 v61, v1  }
0x43: {  	v26 =	vld [tilespmem:$0x1A0];
	v4 =	vadd.f32 $0.0e+00, v49;
	v53 =	vmul.f32 v37, v37;
	v59 =	vmul.f32 v48, v45  }
0x44: {  	v20 =	vld [tilespmem:$0x160];
	v61 =	vmul.f32 v45, v45;
	v49 =	vmul.f32 v24, v24;
	v2 =	vadd.f32 v58, v2  }
0x45: {  	v51 =	vld [tilespmem:$0x950];
	v56 =	vmul.f32 v43, v42;
	v0 =	vadd.f32 v3, v0;
	v1 =	vadd.f32 v21, v1  }
0x46: {  	v37 =	vld [tilespmem:$0x1C0];
	v15 =	vmul.f32 v42, v42;
	v4 =	vadd.f32 v19, v4;
	v2 =	vadd.f32 v62, v2  }
0x47: {  	v9 =	vmul.f32 v43, v43;
	v21 =	vld [tilespmem:$0x970];
	v0 =	vadd.f32 v6, v0;
	v1 =	vadd.f32 v25, v1  }
0x48: {  	v22 =	vld [tilespmem:$0x9D0];
	v4 =	vadd.f32 v56, v4;
	v62 =	vmul.f32 v48, v48;
	v6 =	vmul.f32 v28, v28  }
0x49: {  	v13 =	vld [tilespmem:$0x9F0];
	v25 =	vmul.f32 v18, v18;
	v2 =	vadd.f32 v23, v2;
	v0 =	vadd.f32 v29, v0  }
0x4a: {  	v63 =	vld [tilespmem:$0x190];
	v28 =	vmul.f32 v54, v20;
	v1 =	vadd.f32 v30, v1;
	v4 =	vadd.f32 v59, v4  }
0x4b: {  	v55 =	vld [tilespmem:$0x170];
	v23 =	vmul.f32 v51, v18;
	v59 =	vmul.f32 v37, v37;
	v3 =	vadd.f32 v27, v2  }
0x4c: {  	v32 =	vld [tilespmem:$0x1B0];
	v39 =	vmul.f32 v21, v21;
	v0 =	vadd.f32 v31, v0;
	v1 =	vadd.f32 v33, v1  }
0x4d: {  	v58 =	vld [tilespmem:$0x180];
	v4 =	vadd.f32 v23, v4;
	v27 =	vmul.f32 v51, v51;
	v31 =	vmul.f32 v20, v20  }
0x4e: {  	v29 =	vld [tilespmem:$0x9A0];
	v33 =	vmul.f32 v54, v54;
	v3 =	vadd.f32 v17, v3;
	v0 =	vadd.f32 v36, v0  }
0x4f: {  	v2 =	vld [tilespmem:$0x900];
	v1 =	vadd.f32 v38, v1;
	v17 =	vmul.f32 v35, v35;
	v4 =	vadd.f32 v28, v4  }
0x50: {  	v45 =	vld [tilespmem:$0x1E0];
	v35 =	vmul.f32 v21, v55;
	v3 =	vadd.f32 v34, v3;
	v0 =	vadd.f32 v41, v0  }
0x51: {  	v42 =	vld [tilespmem:$0x1D0];
	v36 =	vmul.f32 v55, v55;
	v1 =	vadd.f32 v5, v1;
	v5 =	vadd.f32 v53, v52  }
0x52: {  	v48 =	vld [tilespmem:$0x9E0];
	v57 =	vadd.f32 v11, v17;
	v41 =	vmul.f32 v60, v58;
	v11 =	vmul.f32 v58, v58  }
0x53: {  	v56 =	vld [tilespmem:$0x210];
	v4 =	vadd.f32 v35, v4;
	v52 =	vmul.f32 v26, v26;
	v53 =	vmul.f32 v29, v29  }
0x54: {  	v34 =	vld [tilespmem:$0x9B0];
	v38 =	vmul.f32 v2, v10;
	v10 =	vmul.f32 v10, v10;
	v3 =	vadd.f32 v40, v3  }
0x55: {  	v51 =	vld [tilespmem:$0x1F0];
	v2 =	vmul.f32 v2, v2;
	v0 =	vadd.f32 v46, v0;
	v1 =	vadd.f32 v47, v1  }
0x56: {  	v58 =	vld [tilespmem:$0xA10];
	v5 =	vadd.f32 v15, v5;
	v15 =	vmul.f32 v60, v60;
	v47 =	vmul.f32 v63, v63  }
0x57: {  	v23 =	vld [tilespmem:$0x260];
	v3 =	vadd.f32 v44, v3;
	v7 =	vadd.f32 v7, v0;
	v44 =	vmul.f32 v24, v63  }
0x58: {  	v28 =	vld [tilespmem:$0xA30];
	v0 =	vadd.f32 v9, v57;
	v9 =	vmul.f32 v32, v32;
	v24 =	vmul.f32 v42, v42  }
0x59: {  	v40 =	vld [tilespmem:$0x9C0];
	v43 =	vadd.f32 v41, v4;
	v54 =	vmul.f32 v34, v32;
	v55 =	vmul.f32 v34, v34  }
0x5a: {  	v17 =	vld [tilespmem:$0x200];
	v5 =	vadd.f32 v61, v5;
	v32 =	vmul.f32 v48, v48;
	v34 =	vmul.f32 v13, v51  }
0x5b: {  	v6 =	vadd.f32 v6, v1;
	v61 =	vld [tilespmem:$0x220];
	v35 =	vmul.f32 v58, v56;
	v13 =	vmul.f32 v13, v13  }
0x5c: {  	v63 =	vld [tilespmem:$0xA20];
	v3 =	vadd.f32 v50, v3;
	v0 =	vadd.f32 v62, v0;
	v50 =	vmul.f32 v29, v26  }
0x5d: {  	v30 =	vadd.f32 v25, v5;
	v5 =	vld [tilespmem:$0xA00];
	v62 =	vmul.f32 v22, v42;
	v26 =	vmul.f32 v22, v22  }
0x5e: {  	v25 =	vld [tilespmem:$0x230];
	v2 =	vadd.f32 v2, v6;
	v57 =	vmul.f32 v40, v37;
	v0 =	vadd.f32 v27, v0  }
0x5f: {  	v42 =	vld [tilespmem:$0xA60];
	v60 =	vmul.f32 v40, v40;
	v37 =	vmul.f32 v51, v51;
	v1 =	vadd.f32 v31, v30  }
0x60: {  	v16 =	vadd.f32 $0.0e+00, v35;
	v40 =	vmul.f32 v58, v58;
	v51 =	vld [tilespmem:$0xA80];
	v0 =	vadd.f32 v33, v0  }
0x61: {  	v35 =	vld [tilespmem:$0x2D0];
	v27 =	vmul.f32 v48, v45;
	v30 =	vmul.f32 v45, v45;
	v1 =	vadd.f32 v36, v1  }
0x62: {  	v18 =	vmul.f32 v61, v61;
	v33 =	vld [tilespmem:$0xA40];
	v8 =	vadd.f32 v39, v0;
	v0 =	vadd.f32 v38, v3  }
0x63: {  	v31 =	vld [tilespmem:$0x240];
	v41 =	vmul.f32 v63, v63;
	v1 =	vadd.f32 v11, v1;
	v3 =	vadd.f32 v44, v43  }
0x64: {  	v36 =	vld [tilespmem:$0x250];
	v45 =	vmul.f32 v25, v25;
	v39 =	vmul.f32 v63, v61;
	v46 =	vadd.f32 v15, v8  }
0x65: {  	v58 =	vmul.f32 v42, v23;
	v38 =	vld [tilespmem:$0xA50];
	v1 =	vadd.f32 v47, v1;
	v3 =	vadd.f32 v50, v3  }
0x66: {  	v43 =	vmul.f32 v28, v25;
	v44 =	vld [tilespmem:$0x270];
	v16 =	vadd.f32 v39, v16;
	v4 =	vadd.f32 v49, v46  }
0x67: {  	v63 =	vld [tilespmem:$0x2B0];
	v11 =	vmul.f32 v33, v33;
	v8 =	vadd.f32 v52, v1;
	v1 =	vadd.f32 v10, v7  }
0x68: {  	v50 =	vld [tilespmem:$0x280];
	v3 =	vadd.f32 v54, v3;
	v10 =	vmul.f32 v56, v56;
	v46 =	vmul.f32 v28, v28  }
0x69: {  	v25 =	vld [tilespmem:$0xB50];
	v48 =	vadd.f32 v43, v16;
	v49 =	vmul.f32 v33, v31;
	v54 =	vmul.f32 v36, v36  }
0x6a: {  	v47 =	vld [tilespmem:$0xA70];
	v52 =	vmul.f32 v38, v36;
	v4 =	vadd.f32 v53, v4;
	v8 =	vadd.f32 v9, v8  }
0x6b: {  	v28 =	vld [tilespmem:$0xAB0];
	v56 =	vmul.f32 v38, v38;
	v3 =	vadd.f32 v57, v3;
	v10 =	vadd.f32 v18, v10  }
0x6c: {  	v36 =	vmul.f32 v51, v51;
	v38 =	vld [tilespmem:$0xAD0];
	v9 =	vadd.f32 v49, v48;
	v4 =	vadd.f32 v55, v4  }
0x6d: {  	v53 =	vld [tilespmem:$0x290];
	v33 =	vmul.f32 v51, v50;
	v7 =	vadd.f32 v59, v8;
	v3 =	vadd.f32 v62, v3  }
0x6e: {  	v57 =	vld [tilespmem:$0x2A0];
	v10 =	vadd.f32 v45, v10;
	v8 =	vmul.f32 v31, v31;
	v9 =	vadd.f32 v52, v9  }
0x6f: {  	v55 =	vld [tilespmem:$0xA90];
	v59 =	vmul.f32 v23, v23;
	v62 =	vmul.f32 v42, v42;
	v4 =	vadd.f32 v60, v4  }
0x70: {  	v31 =	vld [tilespmem:$0x2C0];
	v15 =	vmul.f32 v28, v28;
	v29 =	vadd.f32 v24, v7;
	v3 =	vadd.f32 v27, v3  }
0x71: {  	v42 =	vld [tilespmem:$0xAE0];
	v7 =	vadd.f32 v41, v40;
	v8 =	vadd.f32 v8, v10;
	v27 =	vmul.f32 v47, v44  }
0x72: {  	v23 =	vld [tilespmem:$0x300];
	v9 =	vadd.f32 v58, v9;
	v58 =	vmul.f32 v38, v38;
	v39 =	vmul.f32 v53, v53  }
0x73: {  	v52 =	vld [tilespmem:$0xB10];
	v14 =	vmul.f32 v57, v57;
	v4 =	vadd.f32 v26, v4;
	v6 =	vadd.f32 v30, v29  }
0x74: {  	v60 =	vld [tilespmem:$0xAA0];
	v3 =	vadd.f32 v34, v3;
	v7 =	vadd.f32 v46, v7;
	v29 =	vmul.f32 v44, v44  }
0x75: {  	v24 =	vld [tilespmem:$0xAC0];
	v8 =	vadd.f32 v54, v8;
	v30 =	vmul.f32 v47, v47;
	v34 =	vmul.f32 v50, v50  }
0x76: {  	v40 =	vld [tilespmem:$0x2E0];
	v9 =	vadd.f32 v27, v9;
	v47 =	vmul.f32 v28, v63;
	v54 =	vmul.f32 v38, v35  }
0x77: {  	v44 =	vld [tilespmem:$0x2F0];
	v41 =	vmul.f32 v55, v55;
	v51 =	vmul.f32 v31, v31;
	v4 =	vadd.f32 v32, v4  }
0x78: {  	v46 =	vld [tilespmem:$0xAF0];
	v6 =	vadd.f32 v37, v6;
	v32 =	vmul.f32 v5, v17;
	v37 =	vmul.f32 v55, v53  }
0x79: {  	v50 =	vld [tilespmem:$0x310];
	v7 =	vadd.f32 v11, v7;
	v17 =	vmul.f32 v17, v17;
	v11 =	vmul.f32 v63, v63  }
0x7a: {  	v8 =	vadd.f32 v59, v8;
	v55 =	vld [tilespmem:$0x320];
	v5 =	vmul.f32 v5, v5;
	v43 =	vmul.f32 v60, v57  }
0x7b: {  	v9 =	vadd.f32 v33, v9;
	v59 =	vld [tilespmem:$0x330];
	v45 =	vmul.f32 v60, v60;
	v49 =	vmul.f32 v24, v31  }
0x7c: {  	v63 =	vld [tilespmem:$0x340];
	v53 =	vmul.f32 v24, v24;
	v60 =	vmul.f32 v42, v40;
	v13 =	vadd.f32 v13, v4  }
0x7d: {  	v57 =	vld [tilespmem:$0xB20];
	v16 =	vmul.f32 v40, v40;
	v61 =	vadd.f32 v56, v7;
	v7 =	vadd.f32 v29, v8  }
0x7e: {  	v31 =	vld [tilespmem:$0x350];
	v3 =	vadd.f32 v32, v3;
	v9 =	vadd.f32 v37, v9;
	v56 =	vmul.f32 v35, v35  }
0x7f: {  	v8 =	vld [tilespmem:$0xB00];
	v28 =	vmul.f32 v52, v50;
	v20 =	vmul.f32 v44, v44;
	v4 =	vadd.f32 v62, v61  }
0x80: {  	v29 =	vld [tilespmem:$0xB40];
	v7 =	vadd.f32 v34, v7;
	v9 =	vadd.f32 v43, v9;
	v62 =	vmul.f32 v42, v42  }
0x81: {  	v61 =	vld [tilespmem:$0xB30];
	v5 =	vadd.f32 v5, v13;
	v33 =	vmul.f32 v55, v55;
	v37 =	vmul.f32 v59, v59  }
0x82: {  	v42 =	vld [tilespmem:$0x380];
	v12 =	vmul.f32 v63, v63;
	v4 =	vadd.f32 v30, v4;
	v30 =	vmul.f32 v46, v44  }
0x83: {  	v43 =	vld [tilespmem:$0xB80];
	v7 =	vadd.f32 v39, v7;
	v32 =	vmul.f32 v57, v55;
	v18 =	vmul.f32 v57, v57  }
0x84: {  	v48 =	vadd.f32 v47, v9;
	v44 =	vmul.f32 v25, v31;
	v46 =	vmul.f32 v46, v46  }
0x85: {  	v26 =	vld [tilespmem:$0xB60];
	v47 =	vmul.f32 v25, v25;
	v40 =	vmul.f32 v29, v63;
	v4 =	vadd.f32 v36, v4  }
0x86: {  	v38 =	vld [tilespmem:$0x370];
	v13 =	vmul.f32 v29, v29;
	v7 =	vadd.f32 v14, v7;
	v14 =	vmul.f32 v50, v50  }
0x87: {  	v34 =	vld [tilespmem:$0x360];
	v35 =	vmul.f32 v61, v59;
	v39 =	vmul.f32 v61, v61;
	v4 =	vadd.f32 v41, v4  }
0x88: {  	v57 =	vld [tilespmem:$0xBB0];
	v59 =	vmul.f32 v43, v42;
	v61 =	vmul.f32 v8, v23;
	v7 =	vadd.f32 v11, v7  }
0x89: {  	v55 =	vld [tilespmem:$0x3B0];
	v23 =	vmul.f32 v23, v23;
	v11 =	vadd.f32 $0.0e+00, v28;
	v10 =	vadd.f32 v45, v4  }
0x8a: {  	v63 =	vld [tilespmem:$0xBC0];
	v8 =	vmul.f32 v8, v8;
	v4 =	vadd.f32 v17, v6;
	v6 =	vadd.f32 v49, v48  }
0x8b: {  	v41 =	vld [tilespmem:$0xB70];
	v28 =	vmul.f32 v43, v43;
	v7 =	vadd.f32 v51, v7;
	v11 =	vadd.f32 v32, v11  }
0x8c: {  	v29 =	vld [tilespmem:$0x3D0];
	v49 =	vmul.f32 v26, v34;
	v51 =	vmul.f32 v34, v34;
	v10 =	vadd.f32 v15, v10  }
0x8d: {  	v50 =	vld [tilespmem:$0x3A0];
	v17 =	vmul.f32 v57, v57;
	v6 =	vadd.f32 v54, v6;
	v7 =	vadd.f32 v56, v7  }
0x8e: {  	v45 =	vld [tilespmem:$0x390];
	v15 =	vmul.f32 v52, v52;
	v11 =	vadd.f32 v35, v11;
	v52 =	vmul.f32 v26, v26  }
0x8f: {  	v48 =	vld [tilespmem:$0xB90];
	v56 =	vmul.f32 v38, v38;
	v9 =	vadd.f32 v53, v10;
	v6 =	vadd.f32 v60, v6  }
0x90: {  	v35 =	vld [tilespmem:$0xBE0];
	v54 =	vmul.f32 v41, v38;
	v7 =	vadd.f32 v16, v7;
	v10 =	vadd.f32 v33, v14  }
0x91: {  	v38 =	vld [tilespmem:$0x3F0];
	v36 =	vadd.f32 v18, v15;
	v11 =	vadd.f32 v40, v11;
	v16 =	vmul.f32 v31, v31  }
0x92: {  	v53 =	vld [tilespmem:$0xBA0];
	v15 =	vmul.f32 v63, v63;
	v18 =	vmul.f32 v29, v29;
	v9 =	vadd.f32 v58, v9  }
0x93: {  	v60 =	vld [tilespmem:$0x3C0];
	v19 =	vmul.f32 v45, v45;
	v6 =	vadd.f32 v30, v6;
	v7 =	vadd.f32 v20, v7  }
0x94: {  	v31 =	vld [tilespmem:$0xBD0];
	v32 =	vmul.f32 v48, v48;
	v10 =	vadd.f32 v37, v10;
	v14 =	vadd.f32 v39, v36  }
0x95: {  	v33 =	vld [tilespmem:$0x3E0];
	v11 =	vadd.f32 v44, v11;
	v58 =	vmul.f32 v41, v41;
	v30 =	vmul.f32 v48, v45  }
0x96: {  	v40 =	vld [tilespmem:$0xBF0];
	v36 =	vmul.f32 v50, v50;
	v39 =	vmul.f32 v57, v55;
	v9 =	vadd.f32 v62, v9  }
0x97: {  	v41 =	vmul.f32 v55, v55;
	v44 =	vld [tilespmem:$0x410];
	v10 =	vadd.f32 v12, v10;
	v13 =	vadd.f32 v13, v14  }
0x98: {  	v45 =	vld [tilespmem:$0xC10];
	v11 =	vadd.f32 v49, v11;
	v62 =	vmul.f32 v42, v42;
	v34 =	vmul.f32 v53, v50  }
0x99: {  	v27 =	vld [tilespmem:$0x450];
	v6 =	vadd.f32 v61, v6;
	v37 =	vmul.f32 v53, v53;
	v42 =	vmul.f32 v63, v60  }
0x9a: {  	v7 =	vadd.f32 v23, v7;
	v49 =	vld [tilespmem:$0xC20];
	v43 =	vmul.f32 v60, v60;
	v48 =	vmul.f32 v31, v31  }
0x9b: {  	v50 =	vmul.f32 v35, v33;
	v53 =	vld [tilespmem:$0xC30];
	v10 =	vadd.f32 v16, v10;
	v13 =	vadd.f32 v47, v13  }
0x9c: {  	v57 =	vmul.f32 v40, v38;
	v63 =	vld [tilespmem:$0x460];
	v9 =	vadd.f32 v46, v9;
	v11 =	vadd.f32 v54, v11  }
0x9d: {  	v46 =	vmul.f32 v31, v29;
	v47 =	vld [tilespmem:$0x420];
	v55 =	vmul.f32 v45, v44;
	v10 =	vadd.f32 v51, v10  }
0x9e: {  	v61 =	vmul.f32 v44, v44;
	v13 =	vadd.f32 v52, v13;
	v11 =	vadd.f32 v59, v11;
	v51 =	vld [tilespmem:$0x430]  }
0x9f: {  	v52 =	vmul.f32 v33, v33;
	v59 =	vmul.f32 v38, v38;
	v10 =	vadd.f32 v56, v10;
	v56 =	vld [tilespmem:$0x440]  }
0xa0: {  	v38 =	vmul.f32 v40, v40;
	v12 =	vadd.f32 v58, v13;
	v11 =	vadd.f32 v30, v11;
	v58 =	vld [tilespmem:$0xC40]  }
0xa1: {  	v21 =	vmul.f32 v49, v49;
	v33 =	vmul.f32 v53, v53;
	v10 =	vadd.f32 v62, v10;
	v62 =	vld [tilespmem:$0xC50]  }
0xa2: {  	v60 =	vmul.f32 v49, v47;
	v12 =	vadd.f32 v28, v12;
	v11 =	vadd.f32 v34, v11;
	v28 =	vld [tilespmem:$0xC60]  }
0xa3: {  	v8 =	vadd.f32 v8, v9;
	v20 =	vmul.f32 v47, v47;
	v47 =	vmul.f32 v63, v63;
	v34 =	vld [tilespmem:$0x470]  }
0xa4: {  	v10 =	vadd.f32 v19, v10;
	v14 =	vadd.f32 v39, v11;
	v19 =	vmul.f32 v35, v35  }
0xa5: {  	v16 =	vld [tilespmem:$0x400];
	v12 =	vadd.f32 v32, v12;
	v32 =	vmul.f32 v53, v51;
	v35 =	vmul.f32 v58, v56  }
0xa6: {  	v11 =	vld [tilespmem:$0xC00];
	v10 =	vadd.f32 v36, v10;
	v14 =	vadd.f32 v42, v14;
	v42 =	vmul.f32 v27, v27  }
0xa7: {  	v12 =	vadd.f32 v37, v12;
	v39 =	vmul.f32 v62, v27;
	v44 =	vmul.f32 v62, v62  }
0xa8: {  	v40 =	vld [tilespmem:$0xC80];
	v49 =	vmul.f32 v28, v28;
	v22 =	vmul.f32 v34, v34;
	v10 =	vadd.f32 v41, v10  }
0xa9: {  	v37 =	vld [tilespmem:$0x480];
	v12 =	vadd.f32 v17, v12;
	v13 =	vadd.f32 v46, v14;
	v17 =	vmul.f32 v45, v45  }
0xaa: {  	v30 =	vld [tilespmem:$0xCD0];
	v14 =	vmul.f32 v56, v56;
	v45 =	vmul.f32 v28, v63;
	v10 =	vadd.f32 v43, v10  }
0xab: {  	v36 =	vld [tilespmem:$0xC70];
	v53 =	vmul.f32 v11, v16;
	v12 =	vadd.f32 v15, v12;
	v54 =	vadd.f32 v50, v13  }
0xac: {  	v46 =	vld [tilespmem:$0xC90];
	v16 =	vmul.f32 v16, v16;
	v13 =	vadd.f32 $0.0e+00, v55;
	v15 =	vadd.f32 v20, v61  }
0xad: {  	v62 =	vld [tilespmem:$0x4D0];
	v11 =	vmul.f32 v11, v11;
	v17 =	vadd.f32 v21, v17;
	v10 =	vadd.f32 v18, v10  }
0xae: {  	v43 =	vld [tilespmem:$0x490];
	v56 =	vmul.f32 v40, v37;
	v12 =	vadd.f32 v48, v12;
	v9 =	vadd.f32 v57, v54  }
0xaf: {  	v50 =	vld [tilespmem:$0xCA0];
	v13 =	vadd.f32 v60, v13;
	v18 =	vmul.f32 v51, v51;
	v17 =	vadd.f32 v33, v17  }
0xb0: {  	v25 =	vld [tilespmem:$0xCF0];
	v51 =	vmul.f32 v36, v34;
	v54 =	vmul.f32 v36, v36;
	v10 =	vadd.f32 v52, v10  }
0xb1: {  	v55 =	vld [tilespmem:$0xCB0];
	v31 =	vmul.f32 v46, v46;
	v12 =	vadd.f32 v19, v12;
	v13 =	vadd.f32 v32, v13  }
0xb2: {  	v48 =	vld [tilespmem:$0x4A0];
	v15 =	vadd.f32 v18, v15;
	v19 =	vmul.f32 v58, v58;
	v58 =	vmul.f32 v37, v37  }
0xb3: {  	v57 =	vld [tilespmem:$0x4C0];
	v9 =	vadd.f32 v53, v9;
	v61 =	vmul.f32 v46, v43;
	v63 =	vmul.f32 v43, v43  }
0xb4: {  	v33 =	vld [tilespmem:$0x4E0];
	v36 =	vmul.f32 v50, v50;
	v46 =	vmul.f32 v30, v62;
	v10 =	vadd.f32 v59, v10  }
0xb5: {  	v60 =	vld [tilespmem:$0xCC0];
	v13 =	vadd.f32 v35, v13;
	v14 =	vadd.f32 v14, v15;
	v59 =	vmul.f32 v40, v40  }
0xb6: {  	v52 =	vld [tilespmem:$0x4B0];
	v41 =	vadd.f32 v19, v17;
	v40 =	vmul.f32 v55, v55;
	v19 =	vmul.f32 v30, v30  }
0xb7: {  	v37 =	vld [tilespmem:$0x4F0];
	v12 =	vadd.f32 v38, v12;
	v32 =	vmul.f32 v50, v48;
	v34 =	vmul.f32 v48, v48  }
0xb8: {  	v35 =	vld [tilespmem:$0xCE0];
	v43 =	vmul.f32 v57, v57;
	v48 =	vmul.f32 v62, v62;
	v13 =	vadd.f32 v39, v13  }
0xb9: {  	v30 =	vld [tilespmem:$0x550];
	v53 =	vmul.f32 v33, v33;
	v14 =	vadd.f32 v42, v14;
	v15 =	vadd.f32 v44, v41  }
0xba: {  	v10 =	vadd.f32 v16, v10;
	v42 =	vmul.f32 v60, v57;
	v13 =	vadd.f32 v45, v13;
	v45 =	vld [tilespmem:$0x510]  }
0xbb: {  	v44 =	vmul.f32 v60, v60;
	v11 =	vadd.f32 v11, v12;
	v14 =	vadd.f32 v47, v14;
	v47 =	vld [tilespmem:$0xD10]  }
0xbc: {  	v38 =	vmul.f32 v55, v52;
	v39 =	vmul.f32 v52, v52;
	v15 =	vadd.f32 v49, v15;
	v49 =	vld [tilespmem:$0x520]  }
0xbd: {  	v50 =	vmul.f32 v35, v33;
	v33 =	vld [tilespmem:$0xD50];
	v13 =	vadd.f32 v51, v13;
	v14 =	vadd.f32 v22, v14  }
0xbe: {  	v57 =	vmul.f32 v25, v37;
	v60 =	vmul.f32 v37, v37;
	v15 =	vadd.f32 v54, v15;
	v51 =	vld [tilespmem:$0xD20]  }
0xbf: {  	v25 =	vmul.f32 v25, v25;
	v54 =	vld [tilespmem:$0x530];
	v13 =	vadd.f32 v56, v13;
	v14 =	vadd.f32 v58, v14  }
0xc0: {  	v17 =	vld [tilespmem:$0x500];
	v55 =	vmul.f32 v35, v35;
	v15 =	vadd.f32 v59, v15;
	v58 =	vmul.f32 v47, v45  }
0xc1: {  	v56 =	vld [tilespmem:$0xD30];
	v22 =	vmul.f32 v49, v49;
	v13 =	vadd.f32 v61, v13;
	v14 =	vadd.f32 v63, v14  }
0xc2: {  	v62 =	vld [tilespmem:$0xD40];
	v15 =	vadd.f32 v31, v15;
	v61 =	vmul.f32 v45, v45;
	v63 =	vmul.f32 v47, v47  }
0xc3: {  	v59 =	vld [tilespmem:$0x540];
	v45 =	vmul.f32 v30, v30;
	v47 =	vmul.f32 v33, v33;
	v24 =	vadd.f32 $0.0e+00, v58  }
0xc4: {  	v35 =	vld [tilespmem:$0x560];
	v29 =	vmul.f32 v51, v49;
	v18 =	vmul.f32 v54, v54;
	v13 =	vadd.f32 v32, v13  }
0xc5: {  	v31 =	vld [tilespmem:$0xDB0];
	v14 =	vadd.f32 v34, v14;
	v15 =	vadd.f32 v36, v15;
	v32 =	vmul.f32 v51, v51  }
0xc6: {  	v21 =	vadd.f32 v22, v61;
	v36 =	vld [tilespmem:$0xD60];
	v24 =	vadd.f32 v29, v24;
	v34 =	vmul.f32 v56, v54  }
0xc7: {  	v61 =	vld [tilespmem:$0x5C0];
	v20 =	vmul.f32 v56, v56;
	v13 =	vadd.f32 v38, v13;
	v41 =	vadd.f32 v39, v14  }
0xc8: {  	v15 =	vadd.f32 v40, v15;
	v38 =	vmul.f32 v62, v59;
	v39 =	vld [tilespmem:$0x570];
	v18 =	vadd.f32 v18, v21  }
0xc9: {  	v14 =	vld [tilespmem:$0xD00];
	v40 =	vmul.f32 v59, v59;
	v37 =	vadd.f32 v34, v24;
	v13 =	vadd.f32 v42, v13  }
0xca: {  	v51 =	vld [tilespmem:$0xD90];
	v16 =	vadd.f32 v43, v41;
	v15 =	vadd.f32 v44, v15;
	v42 =	vmul.f32 v62, v62  }
0xcb: {  	v34 =	vld [tilespmem:$0xEB0];
	v43 =	vmul.f32 v33, v30;
	v18 =	vadd.f32 v40, v18;
	v49 =	vmul.f32 v36, v35  }
0xcc: {  	v41 =	vld [tilespmem:$0xD70];
	v22 =	vmul.f32 v61, v61;
	v13 =	vadd.f32 v46, v13;
	v52 =	vadd.f32 v48, v16  }
0xcd: {  	v44 =	vld [tilespmem:$0x580];
	v15 =	vadd.f32 v19, v15;
	v16 =	vadd.f32 v32, v63;
	v56 =	vmul.f32 v39, v39  }
0xce: {  	v46 =	vld [tilespmem:$0xD80];
	v18 =	vadd.f32 v45, v18;
	v58 =	vmul.f32 v14, v17;
	v17 =	vmul.f32 v17, v17  }
0xcf: {  	v48 =	vld [tilespmem:$0x590];
	v14 =	vmul.f32 v14, v14;
	v13 =	vadd.f32 v50, v13;
	v12 =	vadd.f32 v53, v52  }
0xd0: {  	v32 =	vld [tilespmem:$0xDC0];
	v15 =	vadd.f32 v55, v15;
	v16 =	vadd.f32 v20, v16;
	v50 =	vmul.f32 v35, v35  }
0xd1: {  	v52 =	vmul.f32 v36, v36;
	v53 =	vld [tilespmem:$0x5A0];
	v54 =	vmul.f32 v41, v39;
	v13 =	vadd.f32 v57, v13  }
0xd2: {  	v55 =	vld [tilespmem:$0xDA0];
	v21 =	vmul.f32 v41, v41;
	v19 =	vadd.f32 v60, v12;
	v12 =	vadd.f32 v38, v37  }
0xd3: {  	v39 =	vld [tilespmem:$0xDD0];
	v16 =	vadd.f32 v42, v16;
	v60 =	vmul.f32 v44, v44;
	v38 =	vmul.f32 v51, v51  }
0xd4: {  	v41 =	vld [tilespmem:$0x5E0];
	v15 =	vadd.f32 v25, v15;
	v59 =	vmul.f32 v46, v44;
	v62 =	vmul.f32 v46, v46  }
0xd5: {  	v18 =	vadd.f32 v50, v18;
	v57 =	vld [tilespmem:$0x5B0];
	v63 =	vmul.f32 v51, v48;
	v36 =	vmul.f32 v48, v48  }
0xd6: {  	v37 =	vld [tilespmem:$0x5D0];
	v48 =	vmul.f32 v31, v31;
	v50 =	vmul.f32 v32, v61;
	v12 =	vadd.f32 v43, v12  }
0xd7: {  	v46 =	vld [tilespmem:$0x5F0];
	v16 =	vadd.f32 v47, v16;
	v18 =	vadd.f32 v56, v18;
	v40 =	vmul.f32 v55, v53  }
0xd8: {  	v51 =	vld [tilespmem:$0x610];
	v14 =	vadd.f32 v14, v15;
	v25 =	vmul.f32 v53, v53;
	v42 =	vmul.f32 v55, v55  }
0xd9: {  	v43 =	vld [tilespmem:$0xDE0];
	v12 =	vadd.f32 v49, v12;
	v16 =	vadd.f32 v52, v16;
	v52 =	vmul.f32 v32, v32  }
0xda: {  	v30 =	vld [tilespmem:$0xDF0];
	v35 =	vadd.f32 v60, v18;
	v56 =	vmul.f32 v39, v39;
	v45 =	vmul.f32 v31, v57  }
0xdb: {  	v55 =	vld [tilespmem:$0x620];
	v47 =	vmul.f32 v57, v57;
	v53 =	vmul.f32 v39, v37;
	v12 =	vadd.f32 v54, v12  }
0xdc: {  	v57 =	vld [tilespmem:$0xE20];
	v16 =	vadd.f32 v21, v16;
	v21 =	vmul.f32 v37, v37;
	v37 =	vmul.f32 v46, v46  }
0xdd: {  	v54 =	vld [tilespmem:$0xE10];
	v23 =	vmul.f32 v51, v51;
	v20 =	vadd.f32 v59, v12;
	v12 =	vadd.f32 v58, v13  }
0xde: {  	v33 =	vld [tilespmem:$0xE50];
	v16 =	vadd.f32 v62, v16;
	v58 =	vmul.f32 v43, v41;
	v59 =	vmul.f32 v41, v41  }
0xdf: {  	v60 =	vld [tilespmem:$0x630];
	v13 =	vadd.f32 v36, v35;
	v62 =	vmul.f32 v43, v43;
	v36 =	vmul.f32 v30, v46  }
0xe0: {  	v30 =	vmul.f32 v30, v30;
	v20 =	vadd.f32 v63, v20;
	v16 =	vadd.f32 v38, v16;
	v63 =	vld [tilespmem:$0xE30]  }
0xe1: {  	v44 =	vadd.f32 v25, v13;
	v13 =	vadd.f32 v17, v19;
	v38 =	vld [tilespmem:$0x640];
	v39 =	vmul.f32 v57, v55  }
0xe2: {  	v35 =	vmul.f32 v54, v51;
	v41 =	vmul.f32 v54, v54;
	v54 =	vld [tilespmem:$0x680];
	v18 =	vadd.f32 v40, v20  }
0xe3: {  	v24 =	vmul.f32 v57, v57;
	v16 =	vadd.f32 v42, v16;
	v20 =	vadd.f32 v47, v44;
	v40 =	vld [tilespmem:$0xE40]  }
0xe4: {  	v42 =	vld [tilespmem:$0x650];
	v44 =	vmul.f32 v60, v60;
	v26 =	vadd.f32 $0.0e+00, v35;
	v49 =	vadd.f32 v45, v18  }
0xe5: {  	v47 =	vld [tilespmem:$0xE60];
	v16 =	vadd.f32 v48, v16;
	v20 =	vadd.f32 v22, v20;
	v22 =	vmul.f32 v55, v55  }
0xe6: {  	v19 =	vld [tilespmem:$0x600];
	v26 =	vadd.f32 v39, v26;
	v43 =	vmul.f32 v63, v60;
	v17 =	vadd.f32 v50, v49  }
0xe7: {  	v57 =	vld [tilespmem:$0xE80];
	v18 =	vmul.f32 v63, v63;
	v16 =	vadd.f32 v52, v16;
	v20 =	vadd.f32 v21, v20  }
0xe8: {  	v45 =	vld [tilespmem:$0x660];
	v22 =	vadd.f32 v22, v23;
	v49 =	vmul.f32 v38, v38;
	v28 =	vmul.f32 v54, v54  }
0xe9: {  	v21 =	vld [tilespmem:$0xE00];
	v46 =	vadd.f32 v43, v26;
	v48 =	vmul.f32 v40, v38;
	v51 =	vmul.f32 v40, v40  }
0xea: {  	v50 =	vld [tilespmem:$0x670];
	v55 =	vmul.f32 v42, v42;
	v63 =	vmul.f32 v47, v47;
	v17 =	vadd.f32 v53, v17  }
0xeb: {  	v52 =	vld [tilespmem:$0xE70];
	v61 =	vadd.f32 v56, v16;
	v20 =	vadd.f32 v59, v20;
	v53 =	vmul.f32 v33, v42  }
0xec: {  	v60 =	vld [tilespmem:$0x690];
	v22 =	vadd.f32 v44, v22;
	v56 =	vmul.f32 v33, v33;
	v44 =	vmul.f32 v57, v54  }
0xed: {  	v40 =	vld [tilespmem:$0xEA0];
	v23 =	vadd.f32 v48, v46;
	v59 =	vmul.f32 v47, v45;
	v17 =	vadd.f32 v58, v17  }
0xee: {  	v43 =	vld [tilespmem:$0x6B0];
	v46 =	vmul.f32 v57, v57;
	v15 =	vadd.f32 v62, v61;
	v20 =	vadd.f32 v37, v20  }
0xef: {  	v47 =	vld [tilespmem:$0x6C0];
	v22 =	vadd.f32 v49, v22;
	v61 =	vmul.f32 v45, v45;
	v38 =	vmul.f32 v21, v19  }
0xf0: {  	v62 =	vld [tilespmem:$0xE90];
	v58 =	vadd.f32 v53, v23;
	v39 =	vmul.f32 v50, v50;
	v42 =	vmul.f32 v52, v52  }
0xf1: {  	v37 =	vld [tilespmem:$0x6A0];
	v19 =	vmul.f32 v19, v19;
	v21 =	vmul.f32 v21, v21;
	v16 =	vadd.f32 v36, v17  }
0xf2: {  	v49 =	vld [tilespmem:$0xEC0];
	v17 =	vadd.f32 v24, v41;
	v30 =	vadd.f32 v30, v15;
	v36 =	vmul.f32 v52, v50  }
0xf3: {  	v54 =	vld [tilespmem:$0xED0];
	v50 =	vmul.f32 v60, v60;
	v15 =	vadd.f32 v59, v58;
	v58 =	vmul.f32 v40, v40  }
0xf4: {  	v57 =	vld [tilespmem:$0x6E0];
	v59 =	vmul.f32 v34, v43;
	v17 =	vadd.f32 v18, v17;
	v18 =	vadd.f32 v55, v22  }
0xf5: {  	v52 =	vld [tilespmem:$0x6D0];
	v26 =	vmul.f32 v47, v47;
	v41 =	vadd.f32 v36, v15;
	v15 =	vadd.f32 v38, v16  }
0xf6: {  	v23 =	vld [tilespmem:$0xEF0];
	v48 =	vmul.f32 v62, v60;
	v53 =	vmul.f32 v40, v37;
	v17 =	vadd.f32 v51, v17  }
0xf7: {  	v60 =	vld [tilespmem:$0xEE0];
	v35 =	vmul.f32 v49, v47;
	v18 =	vadd.f32 v61, v18;
	v51 =	vmul.f32 v62, v62  }
0xf8: {  	v38 =	vld [tilespmem:$0x720];
	v61 =	vmul.f32 v43, v43;
	v62 =	vmul.f32 v34, v34;
	v17 =	vadd.f32 v56, v17  }
0xf9: {  	v36 =	vld [tilespmem:$0xF10];
	v43 =	vmul.f32 v54, v54;
	v22 =	vadd.f32 v44, v41;
	v18 =	vadd.f32 v39, v18  }
0xfa: {  	v40 =	vmul.f32 v54, v52;
	v41 =	vld [tilespmem:$0xF20];
	v56 =	vmul.f32 v37, v37;
	v17 =	vadd.f32 v63, v17  }
0xfb: {  	v37 =	vmul.f32 v49, v49;
	v22 =	vadd.f32 v48, v22;
	v18 =	vadd.f32 v28, v18;
	v63 =	vld [tilespmem:$0x710]  }
0xfc: {  	v44 =	vld [tilespmem:$0x730];
	v48 =	vmul.f32 v57, v57;
	v49 =	vmul.f32 v60, v60;
	v45 =	vadd.f32 v42, v17  }
0xfd: {  	v54 =	vld [tilespmem:$0x750];
	v28 =	vmul.f32 v38, v38;
	v22 =	vadd.f32 v53, v22;
	v17 =	vadd.f32 v50, v18  }
0xfe: {  	v53 =	vmul.f32 v36, v36;
	v42 =	vmul.f32 v52, v52;
	v50 =	vld [tilespmem:$0x740];
	v16 =	vadd.f32 v46, v45  }
0xff: {  	v52 =	vld [tilespmem:$0xF40];
	v31 =	vmul.f32 v41, v41;
	v22 =	vadd.f32 v59, v22;
	v17 =	vadd.f32 v56, v17  }
0x100: {  	v45 =	vmul.f32 v60, v57;
	v46 =	vld [tilespmem:$0xF30];
	v47 =	vmul.f32 v36, v63;
	v55 =	vadd.f32 v51, v16  }
0x101: {  	v57 =	vld [tilespmem:$0x760];
	v24 =	vmul.f32 v63, v63;
	v16 =	vadd.f32 v19, v20;
	v17 =	vadd.f32 v61, v17  }
0x102: {  	v56 =	vmul.f32 v44, v44;
	v60 =	vld [tilespmem:$0x770];
	v19 =	vadd.f32 v35, v22;
	v25 =	vadd.f32 $0.0e+00, v47  }
0x103: {  	v63 =	vld [tilespmem:$0xF70];
	v51 =	vmul.f32 v41, v38;
	v24 =	vadd.f32 v28, v24;
	v18 =	vadd.f32 v58, v55  }
0x104: {  	v20 =	vld [tilespmem:$0x6F0];
	v59 =	vmul.f32 v52, v50;
	v39 =	vadd.f32 v26, v17;
	v17 =	vadd.f32 v21, v30  }
0x105: {  	v35 =	vld [tilespmem:$0xF50];
	v19 =	vadd.f32 v40, v19;
	v30 =	vmul.f32 v50, v50;
	v25 =	vadd.f32 v51, v25  }
0x106: {  	v55 =	vmul.f32 v46, v44;
	v26 =	vmul.f32 v46, v46;
	v24 =	vadd.f32 v56, v24  }
0x107: {  	v41 =	vld [tilespmem:$0xF80];
	v47 =	vmul.f32 v60, v60;
	v18 =	vadd.f32 v62, v18;
	v22 =	vadd.f32 v42, v39  }
0x108: {  	v58 =	vld [tilespmem:$0xF60];
	v19 =	vadd.f32 v45, v19;
	v62 =	vmul.f32 v52, v52;
	v42 =	vmul.f32 v57, v57  }
0x109: {  	v27 =	vld [tilespmem:$0x700];
	v45 =	vmul.f32 v63, v60;
	v25 =	vadd.f32 v55, v25;
	v61 =	vmul.f32 v23, v20  }
0x10a: {  	v50 =	vld [tilespmem:$0xFA0];
	v24 =	vadd.f32 v30, v24;
	v36 =	vmul.f32 v35, v54;
	v38 =	vmul.f32 v35, v35  }
0x10b: {  	v46 =	vld [tilespmem:$0xF90];
	v20 =	vmul.f32 v20, v20;
	v18 =	vadd.f32 v37, v18;
	v21 =	vadd.f32 v48, v22  }
0x10c: {  	v39 =	vld [tilespmem:$0x780];
	v22 =	vadd.f32 v31, v53;
	v37 =	vmul.f32 v54, v54;
	v53 =	vmul.f32 v41, v41  }
0x10d: {  	v34 =	vld [tilespmem:$0xF00];
	v25 =	vadd.f32 v59, v25;
	v19 =	vadd.f32 v61, v19;
	v40 =	vmul.f32 v58, v57  }
0x10e: {  	v44 =	vmul.f32 v58, v58;
	v58 =	vmul.f32 v23, v23;
	v22 =	vadd.f32 v26, v22  }
0x10f: {  	(xrf2) =	vadd.scan.msk.f32 $0xffff, v0;
	v48 =	vld [tilespmem:$0x7A0];
	v33 =	vmul.f32 v50, v50;
	v18 =	vadd.f32 v43, v18;
	v24 =	vadd.f32 v37, v24  }
0x110: {  	(xrf2) =	vadd.scan.msk.f32 $0xffff, v1;
	v61 =	vmul.f32 v46, v46;
	v25 =	vadd.f32 v36, v25;
	v22 =	vadd.f32 v62, v22  }
0x111: {  	(xrf2) =	vadd.scan.msk.f32 $0xffff, v2;
	v43 =	vld [tilespmem:$0x790];
	v0 =	vadd.f32 v20, v21;
	v51 =	vmul.f32 v41, v39;
	v35 =	vmul.f32 v39, v39  }
0x112: {  	(xrf2) =	vadd.scan.msk.f32 $0xffff, v3;
	v32 =	vld [tilespmem:$0x7D0];
	v36 =	vmul.f32 v34, v27;
	v25 =	vadd.f32 v40, v25;
	v22 =	vadd.f32 v38, v22  }
0x113: {  	(xrf2) =	vadd.scan.msk.f32 $0xffff, v4;
	v54 =	vld [tilespmem:$0x7B0];
	v18 =	vadd.f32 v49, v18;
	v24 =	vadd.f32 v42, v24;
	v49 =	vmul.f32 v63, v63  }
0x114: {  	(xrf2) =	vadd.scan.msk.f32 $0xffff, v5;
	v57 =	vld [tilespmem:$0xFB0];
	v62 =	vmul.f32 v50, v48;
	v25 =	vadd.f32 v45, v25;
	v22 =	vadd.f32 v44, v22  }
0x115: {  	(xrf2) =	vadd.scan.msk.f32 $0xffff, v6;
	v60 =	vld [tilespmem:$0x7C0];
	v31 =	vmul.f32 v48, v48;
	v6 =	vadd.f32 v36, v19;
	v24 =	vadd.f32 v47, v24  }
0x116: {  	v63 =	vld [tilespmem:$0xFC0];
	v56 =	vmul.f32 v46, v43;
	v55 =	vadd.f32 v51, v25;
	v52 =	vadd.f32 v49, v22  }
0x117: {  	v2 =	vadd.f32 v58, v18;
	v59 =	vmul.f32 v43, v43;
	v24 =	vadd.f32 v35, v24  }
0x118: {  	v42 =	vld [tilespmem:$0xFE0];
	v50 =	vmul.f32 v32, v32;
	v1 =	vadd.f32 v56, v55;
	v20 =	vadd.f32 v53, v52  }
0x119: {  	v37 =	vmul.f32 v57, v54;
	v38 =	vmul.f32 v54, v54;
	v35 =	vld [tilespmem:$0xFD0];
	v29 =	vadd.f32 v59, v24  }
0x11a: {  	(xrf2) =	vadd.scan.msk.f32 $0xffff, v7;
	v40 =	vld [tilespmem:$0x7E0];
	v39 =	vmul.f32 v57, v57;
	v1 =	vadd.f32 v62, v1;
	v3 =	vadd.f32 v61, v20  }
0x11b: {  	(xrf2) =	vadd.scan.msk.f32 $0xffff, v8;
	v43 =	vmul.f32 v60, v60;
	v41 =	vmul.f32 v63, v60;
	v4 =	vadd.f32 v31, v29  }
0x11c: {  	(xrf2) =	vadd.scan.msk.f32 $0xffff, v9;
	v47 =	vld [tilespmem:$0xFF0];
	v45 =	vmul.f32 v63, v63;
	v1 =	vadd.f32 v37, v1;
	v3 =	vadd.f32 v33, v3  }
0x11d: {  	v9, _, _ =	vpop (xrf2);
	(xrf2) =	vadd.scan.msk.f32 $0xffff, v10;
	v44 =	vld [tilespmem:$0x7F0];
	v58 =	vmul.f32 v42, v42;
	v49 =	vmul.f32 v27, v27;
	v4 =	vadd.f32 v38, v4  }
0x11e: {  	v48, _, _ =	vpop (xrf2);
	(xrf2) =	vadd.scan.msk.f32 $0xffff, v11;
	v54 =	vld [tilespmem:$0x1000];
	v46 =	vmul.f32 v35, v32;
	v1 =	vadd.f32 v41, v1;
	v3 =	vadd.f32 v39, v3  }
0x11f: {  	v51 =	vld [tilespmem:$0x800];
	v55 =	vmul.f32 v42, v40;
	v56 =	vmul.f32 v40, v40;
	v52, _, _ =	vpop (xrf2);
	(xrf2) =	vadd.scan.msk.f32 $0xffff, v12;
	v4 =	vadd.f32 v43, v4  }
0x120: {  	v53 =	vmul.f32 v35, v35;
	v12, _, _ =	vpop (xrf2);
	(xrf2) =	vadd.scan.msk.f32 $0xffff, v13;
	v1 =	vadd.f32 v46, v1;
	v3 =	vadd.f32 v45, v3  }
0x121: {  	v18 =	vmul.f32 v47, v47;
	v0 =	vadd.f32 v49, v0;
	v57, _, _ =	vpop (xrf2);
	(xrf2) =	vadd.scan.msk.f32 $0xffff, v14;
	v4 =	vadd.f32 v50, v4  }
0x122: {  	v60 =	vmul.f32 v47, v44;
	v59, _, _ =	vpop (xrf2);
	(xrf2) =	vadd.scan.msk.f32 $0xffff, v15;
	v1 =	vadd.f32 v55, v1;
	v3 =	vadd.f32 v53, v3  }
0x123: {  	v62 =	vmul.f32 v34, v34;
	v7 =	vmul.f32 v44, v44;
	v61, _, _ =	vpop (xrf2);
	(xrf2) =	vadd.scan.msk.f32 $0xffff, v16;
	v4 =	vadd.f32 v56, v4  }
0x124: {  	v19 =	vmul.f32 v54, v51;
	v63, _, _ =	vpop (xrf2);
	(xrf2) =	vadd.scan.msk.f32 $0xffff, v17;
	v1 =	vadd.f32 v60, v1;
	v3 =	vadd.f32 v58, v3  }
0x125: {  	v25 =	vmul.f32 v51, v51;
	v2 =	vadd.f32 v62, v2;
	v22, _, _ =	vpop (xrf2);
	(xrf2) =	vadd.scan.msk.f32 $0xffff, v6;
	v4 =	vadd.f32 v7, v4  }
0x126: {  	v28 =	vmul.f32 v54, v54;
	v26, _, _ =	vpop (xrf2);
	(xrf2) =	vadd.scan.msk.f32 $0xffff, v0;
	v1 =	vadd.f32 v19, v1;
	v27 =	vadd.f32 v18, v3  }
0x127: {  	v29, _, _ =	vpop (xrf2);
	(xrf2) =	vadd.scan.msk.f32 $0xffff, v2;
	v30 =	vadd.f32 v25, v4  }
0x128: {  	v31, _, _ =	vpop (xrf2);
	(xrf2) =	vadd.scan.msk.f32 $0xffff, v1;
	v0 =	vadd.f32 v28, v27  }
0x129: {  	v33, _, _ =	vpop (xrf2);
	(xrf2) =	vadd.scan.msk.f32 $0xffff, v30  }
0x12a: {  	vm0 =	vmmov $0x1;
	vm1 =	vcmask $0x320;
	v36, _, _ =	vpop (xrf2);
	(xrf2) =	vadd.scan.msk.f32 $0xffff, v0  }
0x12b: {  	vm2 =	vcmask $0x720;
	vm3 =	vcmask $0xB20;
	vm4 =	vcmask $0xF20;
	v37, _, _ =	vpop (xrf2)  }
0x12c: {  	vm5 =	vcmask $0x1320;
	v32 =	vbroadcast v48, $0xF;
	v34 =	vbroadcast v52, $0xF;
	v38, _, _ =	vpop (xrf2)  }
0x12d: {  	vm6 =	vcmask $0x1720;
	v35 =	vbroadcast v57, $0xF;
	v11 =	vbroadcast v59, $0xF;
	v39, _, _ =	vpop (xrf2)  }
0x12e: {  	v8 =	vbroadcast v63, $0xF;
	v40 =	vbroadcast v22, $0xF;
	v2 =	vnsel vm0, $0x3F800000, v34;
	v41, _, _ =	vpop (xrf2)  }
0x12f: {  	v2 =	vsel vm1, v2, v11;
	v5 =	vbroadcast v29, $0xF;
	v1 =	vnsel vm0, $0x3F800000, v32;
	v42, _, _ =	vpop (xrf2)  }
0x130: {  	v4 =	vbroadcast v31, $0xF;
	v2 =	vsel vm2, v2, v40;
	v1 =	vsel vm1, v1, v35;
	v43, _, _ =	vpop (xrf2)  }
0x131: {  	v44 =	vbroadcast v36, $0xF;
	v1 =	vsel vm2, v1, v8;
	v0 =	vbroadcast v37, $0xF;
	v45, _, _ =	vpop (xrf2)  }
0x132: {  	v2 =	vsel vm3, v2, v4;
	v6 =	vbroadcast v39, $0xF;
	v1 =	vsel vm3, v1, v5;
	v46, _, _ =	vpop (xrf2)  }
0x133: {  	v47 =	vbroadcast v41, $0xF;
	v1 =	vsel vm4, v1, v44;
	v0 =	vsel vm4, v2, v0;
	v48, _, _ =	vpop (xrf2)  }
0x134: {  	v1 =	vsel vm5, v1, v6;
	v49 =	vbroadcast v43, $0xF;
	v50 =	vbroadcast v45, $0xF;
	v51, _, _ =	vpop (xrf2)  }
0x135: {  	v0 =	vsel vm5, v0, v47;
	v52 =	vbroadcast v48, $0xF;
	v5 =	vbroadcast v51, $0xF  }
0x136: {  	vm7 =	vcmask $0x1B20;
	v1 =	vsel vm6, v1, v49;
	v0 =	vsel vm6, v0, v50  }
0x137: {  	v1 =	vsel vm7, v1, v52;
	v0 =	vsel vm7, v0, v5  }
0x138: {  	v0 =	vmul.f32 v0, v1;
	_ =	sdelay $0x1  }
0x139: {  	v1 =	vshra.s32 v0, $0x1;
	v0 =	vmul.f32 $5.000000000e-01, v0  }
0x13a: {  	v1 =	vsub.s32 $0x5F3759DF, v1  }
0x13b: {  	v53 =	vmul.f32 v1, v0;
	_ =	sdelay $0x1  }
0x13c: {  	v2 =	vmul.f32 v1, v53;
	_ =	sdelay $0x1  }
0x13d: {  	v2 =	vsub.f32 $1.500000000e+00, v2;
	_ =	sdelay $0x1  }
0x13e: {  	v1 =	vmul.f32 v1, v2;
	_ =	sdelay $0x1  }
0x13f: {  	v2 =	vmul.f32 v1, v0;
	_ =	sdelay $0x1  }
0x140: {  	v2 =	vmul.f32 v2, v1;
	_ =	sdelay $0x1  }
0x141: {  	v2 =	vsub.f32 $1.500000000e+00, v2;
	_ =	sdelay $0x1  }
0x142: {  	v1 =	vmul.f32 v2, v1;
	_ =	sdelay $0x1  }
0x143: {  	v2 =	vmul.f32 v1, v0;
	_ =	sdelay $0x1  }
0x144: {  	v2 =	vmul.f32 v2, v1;
	_ =	sdelay $0x1  }
0x145: {  	v2 =	vsub.f32 $1.500000000e+00, v2;
	_ =	sdelay $0x1  }
0x146: {  	v54 =	vbroadcast v9, $0xF;
	v1 =	vmul.f32 v2, v1  }
0x147: {  	v55 =	vbroadcast v12, $0xF  }
0x148: {  	v56 =	vbroadcast v61, $0xF;
	v4 =	vnsel vm0, $0x0, v54;
	v0 =	vmul.f32 v1, v0  }
0x149: {  	v57 =	vbroadcast v26, $0xF;
	v2 =	vsel vm1, v4, v55  }
0x14a: {  	v3 =	vbroadcast v33, $0xF;
	v2 =	vsel vm2, v2, v56;
	v0 =	vmul.f32 v0, v1  }
0x14b: {  	v59 =	vlaneseq.u32;
	v58 =	vbroadcast v38, $0xF;
	v2 =	vsel vm3, v2, v57  }
0x14c: {  	v60 =	vbroadcast v42, $0xF;
	v2 =	vsel vm4, v2, v3;
	v0 =	vsub.f32 $1.500000000e+00, v0  }
0x14d: {  	s29 =	sshll.u32 s3, $0x3;
	v61 =	vmul.u32 $0xFFFFFFFF, v59;
	v62 =	vbroadcast v46, $0xF;
	v2 =	vsel vm5, v2, v58  }
0x14e: {  	s5 =	sand.u32 $0x18, s29;
	v2 =	vsel vm6, v2, v60;
	v0 =	vmul.f32 v0, v1  }
0x14f: {  	v63 =	vmov s5;
	v3 =	vadd.s32 $0x19, v61;
	v2 =	vsel vm7, v2, v62  }
0x150: {  	vm15 =	vmmov $0xff;
	vm14 =	vlt.u32 v63, v3;
	v0 =	vmul.f32 v0, v2  }
0x151: {  	vm1 =	vmand vm14, vm15  }
0x152: {  	v0 =	vnsel vm1, $0x0, v0  }
0x153: {  	(xrf2) =	vadd.scan.msk.f32 $0xffff, v0;
	_ =	sdelay $0x9  }
0x154: {  	v0, _, _ =	vpop (xrf2)  }
0x155: {  	v0 =	vbroadcast v0, $0xF;
	_ =	sdelay $0x1  }
0x156: {  	s30 =	sshll.u32 s3, $0x4;
	v0 =	vnsel vm0, $0x0, v0  }
0x157: {  	s31 =	simm.s32 $0x1010;
	s5 =	sadd.s32 s30, s2;
	[tilespmem:$0x1010] =	vst v0  }
0x158: {  	[spmem:s5] =	stream.linear.scatter [tilespmem:s31], [sflag:$0x2], $0x10, $0x38;
	[tilespmem:$0x1130] =	vst v63  }
0x159: {  	_ =	swait.ge [sflag:s24], $0x10  }
0x15a: {  	[sflag:s24] =	ssyncset.done $0x0  }
0x15b: {  	[sflag:s24] =	ssyncadd.s32 $0xFFFFFFF0  }
0x15c: {  	p0 =	sne.s32 s3, $0x0;
	[bflag:$0x0] =	sbarrier.arrive $0xFFFF  }
0x15d: {  	_ =	sfence.sel @p0 $0x180000  }
0x15e: {  	[bflag:$0x0] =	sbarrier.arrive @p0 $0xFFFF  }
0x15f: {  	_ =	strace @p0 $0x90000047  }
0x160: {  	s3 =	simm.s32 @!p0 $0x1020;
	[bflag:$0x2] =	sbarrier.arrive @p0 $0xFFFF  }
0x161: {  	[tilespmem:s3], [sflag:$0x2] =	stream.linear.gather @!p0 [spmem:s2], $0x100, $0x38;
	[tilespmem:$0x1130] =	vst v63  }
0x162: {  	s2 =	simm.s32 @!p0 $0x2  }
0x163: {  	_ =	swait.ge @!p0 [sflag:s2], $0x100  }
0x164: {  	[sflag:s2] =	ssyncset.done @!p0 $0x0  }
0x165: {  	[sflag:s2] =	ssyncadd.s32 @!p0 $0xFFFFFF00  }
0x166: {  	v0 =	vld @!p0 [tilespmem:$0x1020];
	_ =	sdelay $0x1  }
0x167: {  	v1 =	vld @!p0 [tilespmem:$0x1030];
	_ =	sdelay $0x1  }
0x168: {  	v2 =	vld @!p0 [tilespmem:$0x1040]  }
0x169: {  	v0 =	vadd.f32 @!p0 $0.0e+00, v0  }
0x16a: {  	v3 =	vld @!p0 [tilespmem:$0x1050]  }
0x16b: {  	v0 =	vadd.f32 @!p0 v1, v0  }
0x16c: {  	v1 =	vld @!p0 [tilespmem:$0x1060]  }
0x16d: {  	v0 =	vadd.f32 @!p0 v2, v0  }
0x16e: {  	v2 =	vld @!p0 [tilespmem:$0x1070]  }
0x16f: {  	v0 =	vadd.f32 @!p0 v3, v0  }
0x170: {  	v3 =	vld @!p0 [tilespmem:$0x1080]  }
0x171: {  	v0 =	vadd.f32 @!p0 v1, v0  }
0x172: {  	v1 =	vld @!p0 [tilespmem:$0x1090]  }
0x173: {  	v0 =	vadd.f32 @!p0 v2, v0  }
0x174: {  	v2 =	vld @!p0 [tilespmem:$0x10A0]  }
0x175: {  	v0 =	vadd.f32 @!p0 v3, v0  }
0x176: {  	v3 =	vld @!p0 [tilespmem:$0x10B0]  }
0x177: {  	v0 =	vadd.f32 @!p0 v1, v0  }
0x178: {  	v1 =	vld @!p0 [tilespmem:$0x10C0]  }
0x179: {  	v0 =	vadd.f32 @!p0 v2, v0  }
0x17a: {  	v2 =	vld @!p0 [tilespmem:$0x10D0]  }
0x17b: {  	v0 =	vadd.f32 @!p0 v3, v0  }
0x17c: {  	v3 =	vld @!p0 [tilespmem:$0x10E0]  }
0x17d: {  	v0 =	vadd.f32 @!p0 v1, v0  }
0x17e: {  	v1 =	vld @!p0 [tilespmem:$0x10F0]  }
0x17f: {  	v0 =	vadd.f32 @!p0 v2, v0  }
0x180: {  	v2 =	vld @!p0 [tilespmem:$0x1100]  }
0x181: {  	v0 =	vadd.f32 @!p0 v3, v0  }
0x182: {  	v3 =	vld @!p0 [tilespmem:$0x1110]  }
0x183: {  	v0 =	vadd.f32 @!p0 v1, v0;
	_ =	sdelay $0x1  }
0x184: {  	v0 =	vadd.f32 @!p0 v2, v0;
	_ =	sdelay $0x1  }
0x185: {  	v0 =	vadd.f32 @!p0 v3, v0;
	_ =	sdelay $0x1  }
0x186: {  	(xrf2) =	vadd.scan.msk.f32 @!p0 $0xffff, v0;
	_ =	sdelay $0x9  }
0x187: {  	v0, _, _ =	vpop @!p0 (xrf2)  }
0x188: {  	(v2sf) =	vpush @!p0 v0, $0xF;
	_ =	sdelay $0xe  }
0x189: {  	s3 =	spop @!p0 (v2sf)  }
0x18a: {  	s3 =	ssub.f32 @!p0 $0.0e+00, s3;
	_ =	sdelay $0x1  }
0x18b: {  	s3 =	smul.f32 @!p0 $9.999999770e-03, s3;
	_ =	sdelay $0x1  }
0x18c: {  	vm0 =	vcmask @!p0 $0x300;
	v0 =	vmov @!p0 s3  }
0x18d: {  	v0 =	vnsel @!p0 vm0, $0x0, v0  }
0x18e: {  	s4 =	simm.s32 @!p0 $0x1010;
	s3 =	simm.s32 @!p0 $0x0;
	[tilespmem:$0x1010] =	vst @!p0 v0  }
0x18f: {  	[hbm4b:s1+s3] =	stream.linear.scatter @!p0 [tilespmem:s4], [sflag:$0x2], $0x10, $0x38;
	[tilespmem:$0x1130] =	vst v63  }
0x190: {  	_ =	swait.ge @!p0 [sflag:s2], $0x10  }
0x191: {  	[sflag:s2] =	ssyncset.done @!p0 $0x0  }
0x192: {  	[sflag:s2] =	ssyncadd.s32 @!p0 $0xFFFFFFF0  }
0x193: {  	_ =	sfence.sel @!p0 $0x180000  }
0x194: {  	[bflag:$0x0] =	sbarrier.arrive @!p0 $0xFFFF  }
0x195: {  	_ =	strace @!p0 $0x90000047  }
0x196: {  	s0 =	sadd.s32 @!p0 $0x100000, s0;
	[bflag:$0x2] =	sbarrier.arrive @!p0 $0xFFFF  }
0x197: {  	[sflag:s0] =	ssyncadd.tile.s32 @!p0 $0x1;
	_ =	shalt  }
.Lfunc_end2:
_tile_overlayer_lowered:
.L_overlay_start_2:
0x198: {  	(tag) =	ssettag $0x2  }
0x199: {  	s0 =	rddreg [dreg:$0x0];
	s2 =	stileid.u32  }
0x19a: {  	s1 =	rddreg [dreg:$0x1];
	p0 =	sne.s32 s2, $0x0  }
0x19b: {  	s3 =	rddreg [dreg:$0x2];
	[bflag:$0x3] =	sbarrier.arrive $0xFFFF;
	s2 =	simm.s32 @!p0 $0x1C02  }
0x19c: {  	[timem:s3], [sflag:s2] =	dma.local @!p0 [hbm:s0], s1  }
0x19d: {  	s0 =	simm.s32 @!p0 $0x2  }
0x19e: {  	_ =	swait.ge @!p0 [sflag:s0], s1  }
0x19f: {  	s1 =	ssub.s32 @!p0 $0x0, s1;
	[sflag:s0] =	ssyncset.done @!p0 $0x0  }
0x1a0: {  	[sflag:s0] =	ssyncadd.s32 @!p0 s1  }
0x1a1: {  	[bflag:$0x3] =	sbarrier.arrive $0xFFFF  }
0x1a2: {  	_ =	shalt  }

</sc_bundles>
